<compile_context>
chip_gen: v7x
topology: tpu7x:2x2x1
jax: 0.10.2.dev20260603
libtpu: 0.0.44.dev20260713+nightly
codegen_flags: <defaults>
</compile_context>

<pallas_src>
import functools

import jax
import jax.numpy as jnp
from jax import lax
from jax.experimental import pallas as pl
from jax.experimental.pallas import tpu as pltpu
from jax.experimental.pallas import tpu_sc as plsc

N_USERS = 100000
N_ITEMS = 100000
N_FEATS = 128
BATCH = 16384

NUM_CORES = 2
NUM_SUBCORES = 16
NUM_WORKERS = NUM_CORES * NUM_SUBCORES
PER_WORKER = BATCH // NUM_WORKERS
CHUNK = 128
NUM_CHUNKS = PER_WORKER // CHUNK
GROUPS = CHUNK // 16
NBUF = 2
HALF = CHUNK // 2


def _body(user_hbm, item_hbm, neg_hbm, ibias_hbm, uemb_hbm, iemb_hbm,
          out_hbm,
          uidx_all, iidx_all, nidx_all, ibv_all, nibv_all,
          urows0, irows0, nrows0,
          urows1, irows1, nrows1,
          outv, pscr, sem0, sem1, semb):
  wid = lax.axis_index("s") * NUM_CORES + lax.axis_index("c")
  base = wid * PER_WORKER
  lane = lax.iota(jnp.int32, 16)
  row_idx = [lane + g * 16 for g in range(GROUPS)]

  idx_cps = [
      pltpu.async_copy(user_hbm.at[pl.ds(base, PER_WORKER)], uidx_all, sem0),
      pltpu.async_copy(item_hbm.at[pl.ds(base, PER_WORKER)], iidx_all, sem0),
      pltpu.async_copy(neg_hbm.at[pl.ds(base, PER_WORKER)], nidx_all, sem0),
  ]
  for cp in idx_cps:
    cp.wait()

  bias_cps = [
      pltpu.async_copy(ibias_hbm.at[iidx_all], ibv_all, semb),
      pltpu.async_copy(ibias_hbm.at[nidx_all], nibv_all, semb),
  ]

  bufs = [(urows0, irows0, nrows0, sem0),
          (urows1, irows1, nrows1, sem1)]

  def fire(c):
    urows, irows, nrows, sem = bufs[c % NBUF]
    csl = pl.ds(c * CHUNK, CHUNK)
    uidx, iidx, nidx = uidx_all.at[csl], iidx_all.at[csl], nidx_all.at[csl]
    return [
        pltpu.async_copy(uemb_hbm.at[uidx], urows, sem),
        pltpu.async_copy(iemb_hbm.at[iidx], irows, sem),
        pltpu.async_copy(iemb_hbm.at[nidx], nrows, sem),
    ]

  pending = {c: fire(c) for c in range(NBUF - 1)}
  for c in range(NUM_CHUNKS):
    if c + NBUF - 1 < NUM_CHUNKS:
      pending[c + NBUF - 1] = fire(c + NBUF - 1)
    for cp in pending.pop(c):
      cp.wait()
    if c == 0:
      for cp in bias_cps:
        cp.wait()
    urows, irows, nrows, _ = bufs[c % NBUF]

    @plsc.parallel_loop(0, CHUNK, unroll=2)
    def _row(r):
      ts = []
      for s in range(N_FEATS // 16):
        sl = pl.ds(s * 16, 16)
        ts.append(urows[r, sl] * (irows[r, sl] - nrows[r, sl]))
      t01, t23 = ts[0] + ts[1], ts[2] + ts[3]
      t45, t67 = ts[4] + ts[5], ts[6] + ts[7]
      pscr[r, pl.ds(0, 16)] = (t01 + t23) + (t45 + t67)

    for g in range(GROUPS):
      bsl = pl.ds(c * CHUNK + g * 16, 16)
      acc = ibv_all[bsl] - nibv_all[bsl]
      for l in range(16):
        col = jnp.full((16,), l, dtype=jnp.int32)
        acc = acc + plsc.load_gather(pscr, [row_idx[g], col])
      outv[pl.ds(c * CHUNK + g * 16, 16)] = acc
  pltpu.sync_copy(outv, out_hbm.at[pl.ds(base, PER_WORKER)])


@jax.jit
def _run(user, item, negative, i_bias_flat, u_embed_w, i_embed_w):
  mesh = plsc.VectorSubcoreMesh(core_axis_name="c", subcore_axis_name="s")
  kfn = functools.partial(
      pl.kernel,
      mesh=mesh,
      compiler_params=pltpu.CompilerParams(needs_layout_passes=False),
      out_type=jax.ShapeDtypeStruct((BATCH,), jnp.float32),
      scratch_types=[pltpu.VMEM((PER_WORKER,), jnp.int32)] * 3
      + [pltpu.VMEM((PER_WORKER,), jnp.float32)] * 2
      + [pltpu.VMEM((CHUNK, N_FEATS), jnp.float32)] * (3 * NBUF)
      + [
          pltpu.VMEM((PER_WORKER,), jnp.float32),
          pltpu.VMEM((CHUNK, 17), jnp.float32),
      ] + [pltpu.SemaphoreType.DMA] * 3,
  )(_body)
  return kfn(user, item, negative, i_bias_flat, u_embed_w, i_embed_w)


def kernel(user, item, negative, u_bias_w, i_bias_w, u_embed_w, i_embed_w):
  del u_bias_w
  return _run(user.astype(jnp.int32), item.astype(jnp.int32),
              negative.astype(jnp.int32), i_bias_w.reshape(-1),
              u_embed_w, i_embed_w)

# --- scband reference (transcript-rebuilt; emitter-appended) ---
"""Pipeline reference for scband-drink-net-74981539053797 (READ-ONLY COPY).

The authoritative reference and input builder live on the scoring server;
editing this copy changes nothing except your own understanding.
"""

import jax, jax.numpy as jnp
import numpy as np

N_USERS = 100000
N_ITEMS = 100000
N_FEATS = 128
BATCH = 16384

def setup_inputs(seed: int = 0) -> dict:
    key = jax.random.key(seed)
    k1, k2, k3, k4, k5, k6, k7 = jax.random.split(key, 7)
    user = jax.random.randint(k1, (BATCH,), 0, N_USERS, dtype=jnp.int64) if jax.config.jax_enable_x64 else jax.random.randint(k1, (BATCH,), 0, N_USERS, dtype=jnp.int32)
    item = jax.random.randint(k2, (BATCH,), 0, N_ITEMS, dtype=user.dtype)
    negative = jax.random.randint(k3, (BATCH,), 0, N_ITEMS, dtype=user.dtype)
    # learned parameters, scaled by 0.05 as in DrinkNet.__init__
    u_bias_w = jax.random.normal(k4, (N_USERS, 1), dtype=jnp.float32) * 0.05
    i_bias_w = jax.random.normal(k5, (N_ITEMS, 1), dtype=jnp.float32) * 0.05
    u_embed_w = jax.random.normal(k6, (N_USERS, N_FEATS), dtype=jnp.float32) * 0.05
    i_embed_w = jax.random.normal(k7, (N_ITEMS, N_FEATS), dtype=jnp.float32) * 0.05
    return {"user": user, "item": item, "negative": negative,
            "u_bias_w": u_bias_w, "i_bias_w": i_bias_w,
            "u_embed_w": u_embed_w, "i_embed_w": i_embed_w}

def reference(user, item, negative, u_bias_w, i_bias_w, u_embed_w, i_embed_w):
    # _user_rep
    ub = jnp.take(u_bias_w, user, axis=0).reshape(-1)
    uvec = jnp.take(u_embed_w, user, axis=0)
    # _item_rep for positive item (no ingredient/ingredientCount bags: n_ingredients=0)
    ib = jnp.take(i_bias_w, item, axis=0).reshape(-1)
    ivec = jnp.take(i_embed_w, item, axis=0)
    score = ib + ub + jnp.sum(uvec * ivec, axis=1)
    # _item_rep for negative item
    nib = jnp.take(i_bias_w, negative, axis=0).reshape(-1)
    nivec = jnp.take(i_embed_w, negative, axis=0)
    neg_score = nib + ub + jnp.sum(uvec * nivec, axis=1)
    score = score - neg_score
    return score

if __name__ == "__main__":
    import jax
    _d = setup_inputs()
    print(jax.jit(kernel)(*tuple(_d.values())))

</pallas_src>

<mosaic_0001>
#map = affine_map<(d0, d1) -> (0)>
#map1 = affine_map<(d0, d1) -> (0, 0)>
module attributes {stable_mosaic.version = 14 : i64} {
  func.func @_body(%arg0: i32, %arg1: i32, %arg2: memref<16384xi32, #tpu.memory_space<hbm>>, %arg3: memref<16384xi32, #tpu.memory_space<hbm>>, %arg4: memref<16384xi32, #tpu.memory_space<hbm>>, %arg5: memref<100000xf32, #tpu.memory_space<hbm>>, %arg6: memref<100000x128xf32, #tpu.memory_space<hbm>>, %arg7: memref<100000x128xf32, #tpu.memory_space<hbm>>, %arg8: memref<16384xf32, #tpu.memory_space<hbm>>, %arg9: memref<512xi32, #tpu.memory_space<vmem>>, %arg10: memref<512xi32, #tpu.memory_space<vmem>>, %arg11: memref<512xi32, #tpu.memory_space<vmem>>, %arg12: memref<512xf32, #tpu.memory_space<vmem>>, %arg13: memref<512xf32, #tpu.memory_space<vmem>>, %arg14: memref<128x128xf32, #tpu.memory_space<vmem>>, %arg15: memref<128x128xf32, #tpu.memory_space<vmem>>, %arg16: memref<128x128xf32, #tpu.memory_space<vmem>>, %arg17: memref<128x128xf32, #tpu.memory_space<vmem>>, %arg18: memref<128x128xf32, #tpu.memory_space<vmem>>, %arg19: memref<128x128xf32, #tpu.memory_space<vmem>>, %arg20: memref<512xf32, #tpu.memory_space<vmem>>, %arg21: memref<128x17xf32, #tpu.memory_space<vmem>>, %arg22: memref<!tpu.dma_semaphore, #tpu.memory_space<semaphore_mem>>, %arg23: memref<!tpu.dma_semaphore, #tpu.memory_space<semaphore_mem>>, %arg24: memref<!tpu.dma_semaphore, #tpu.memory_space<semaphore_mem>>) attributes {dimension_semantics = [#tpu.dimension_semantics<core_parallel>, #tpu.dimension_semantics<subcore_parallel>], iteration_bounds = array<i64: 2, 16>, scalar_prefetch = 0 : i64, scratch_operands = 16 : i64, tpu.core_type = #tpu.core_type<sc_vector_subcore>, window_params = [{transform_indices = #map}, {transform_indices = #map}, {transform_indices = #map}, {transform_indices = #map}, {transform_indices = #map1}, {transform_indices = #map1}, {transform_indices = #map}]} {
    %mul3A = arith.constant 2 : i32
    %mul3A_0 = arith.muli %arg1, %mul3A : i32
    %add3A = arith.addi %mul3A_0, %arg0 : i32
    %mul3A_1 = arith.constant 512 : i32
    %mul3A_2 = arith.muli %add3A, %mul3A_1 : i32
    %iota3A = tpu.iota {dimensions = array<i32: 0>} : vector<16xi32>
    %add3A_3 = arith.constant 0 : i32
    %add3A_4 = vector.broadcast %add3A_3 : i32 to vector<16xi32>
    %add3A_5 = arith.addi %iota3A, %add3A_4 : vector<16xi32>
    %add3A_6 = arith.constant 16 : i32
    %add3A_7 = vector.broadcast %add3A_6 : i32 to vector<16xi32>
    %add3A_8 = arith.addi %iota3A, %add3A_7 : vector<16xi32>
    %add3A_9 = arith.constant 32 : i32
    %add3A_10 = vector.broadcast %add3A_9 : i32 to vector<16xi32>
    %add3A_11 = arith.addi %iota3A, %add3A_10 : vector<16xi32>
    %add3A_12 = arith.constant 48 : i32
    %add3A_13 = vector.broadcast %add3A_12 : i32 to vector<16xi32>
    %add3A_14 = arith.addi %iota3A, %add3A_13 : vector<16xi32>
    %add3A_15 = arith.constant 64 : i32
    %add3A_16 = vector.broadcast %add3A_15 : i32 to vector<16xi32>
    %add3A_17 = arith.addi %iota3A, %add3A_16 : vector<16xi32>
    %add3A_18 = arith.constant 80 : i32
    %add3A_19 = vector.broadcast %add3A_18 : i32 to vector<16xi32>
    %add3A_20 = arith.addi %iota3A, %add3A_19 : vector<16xi32>
    %add3A_21 = arith.constant 96 : i32
    %add3A_22 = vector.broadcast %add3A_21 : i32 to vector<16xi32>
    %add3A_23 = arith.addi %iota3A, %add3A_22 : vector<16xi32>
    %add3A_24 = arith.constant 112 : i32
    %add3A_25 = vector.broadcast %add3A_24 : i32 to vector<16xi32>
    %add3A_26 = arith.addi %iota3A, %add3A_25 : vector<16xi32>
    %dma_start3A = tpu.memref_slice %arg2[%mul3A_2] : memref<16384xi32, #tpu.memory_space<hbm>> -> memref<512xi32, #tpu.memory_space<hbm>>
    %dma_start3A_27 = tpu.memref_slice %arg2[%mul3A_2] : memref<16384xi32, #tpu.memory_space<hbm>> -> memref<512xi32, #tpu.memory_space<hbm>>
    tpu.enqueue_dma source(%dma_start3A_27 : memref<512xi32, #tpu.memory_space<hbm>>) target(%arg9 : memref<512xi32, #tpu.memory_space<vmem>>) target_semaphore(%arg22 : memref<!tpu.dma_semaphore, #tpu.memory_space<semaphore_mem>>)
    %dma_start3A_28 = tpu.memref_slice %arg3[%mul3A_2] : memref<16384xi32, #tpu.memory_space<hbm>> -> memref<512xi32, #tpu.memory_space<hbm>>
    %dma_start3A_29 = tpu.memref_slice %arg3[%mul3A_2] : memref<16384xi32, #tpu.memory_space<hbm>> -> memref<512xi32, #tpu.memory_space<hbm>>
    tpu.enqueue_dma source(%dma_start3A_29 : memref<512xi32, #tpu.memory_space<hbm>>) target(%arg10 : memref<512xi32, #tpu.memory_space<vmem>>) target_semaphore(%arg22 : memref<!tpu.dma_semaphore, #tpu.memory_space<semaphore_mem>>)
    %dma_start3A_30 = tpu.memref_slice %arg4[%mul3A_2] : memref<16384xi32, #tpu.memory_space<hbm>> -> memref<512xi32, #tpu.memory_space<hbm>>
    %dma_start3A_31 = tpu.memref_slice %arg4[%mul3A_2] : memref<16384xi32, #tpu.memory_space<hbm>> -> memref<512xi32, #tpu.memory_space<hbm>>
    tpu.enqueue_dma source(%dma_start3A_31 : memref<512xi32, #tpu.memory_space<hbm>>) target(%arg11 : memref<512xi32, #tpu.memory_space<vmem>>) target_semaphore(%arg22 : memref<!tpu.dma_semaphore, #tpu.memory_space<semaphore_mem>>)
    %dma_wait3A = tpu.memref_slice %arg2[%mul3A_2] : memref<16384xi32, #tpu.memory_space<hbm>> -> memref<512xi32, #tpu.memory_space<hbm>>
    %dma_wait3A_32 = tpu.memref_slice %arg2[%mul3A_2] : memref<16384xi32, #tpu.memory_space<hbm>> -> memref<512xi32, #tpu.memory_space<hbm>>
    tpu.wait_dma2 semaphore(%arg22 : memref<!tpu.dma_semaphore, #tpu.memory_space<semaphore_mem>>) src(%dma_wait3A_32 : memref<512xi32, #tpu.memory_space<hbm>>) dst(%arg9 : memref<512xi32, #tpu.memory_space<vmem>>)
    %dma_wait3A_33 = tpu.memref_slice %arg3[%mul3A_2] : memref<16384xi32, #tpu.memory_space<hbm>> -> memref<512xi32, #tpu.memory_space<hbm>>
    %dma_wait3A_34 = tpu.memref_slice %arg3[%mul3A_2] : memref<16384xi32, #tpu.memory_space<hbm>> -> memref<512xi32, #tpu.memory_space<hbm>>
    tpu.wait_dma2 semaphore(%arg22 : memref<!tpu.dma_semaphore, #tpu.memory_space<semaphore_mem>>) src(%dma_wait3A_34 : memref<512xi32, #tpu.memory_space<hbm>>) dst(%arg10 : memref<512xi32, #tpu.memory_space<vmem>>)
    %dma_wait3A_35 = tpu.memref_slice %arg4[%mul3A_2] : memref<16384xi32, #tpu.memory_space<hbm>> -> memref<512xi32, #tpu.memory_space<hbm>>
    %dma_wait3A_36 = tpu.memref_slice %arg4[%mul3A_2] : memref<16384xi32, #tpu.memory_space<hbm>> -> memref<512xi32, #tpu.memory_space<hbm>>
    tpu.wait_dma2 semaphore(%arg22 : memref<!tpu.dma_semaphore, #tpu.memory_space<semaphore_mem>>) src(%dma_wait3A_36 : memref<512xi32, #tpu.memory_space<hbm>>) dst(%arg11 : memref<512xi32, #tpu.memory_space<vmem>>)
    %dma_start3A_37 = arith.constant 0 : i32
    %dma_start3A_38 = tpu.memref_slice %arg5[%dma_start3A_37] : memref<100000xf32, #tpu.memory_space<hbm>> -> memref<100000xf32, #tpu.memory_space<hbm>>
    tpu.enqueue_indirect_dma source(%dma_start3A_38 : memref<100000xf32, #tpu.memory_space<hbm>>) target(%arg12 : memref<512xf32, #tpu.memory_space<vmem>>) offsets(%arg10 : memref<512xi32, #tpu.memory_space<vmem>>) semaphore(%arg24 : memref<!tpu.dma_semaphore, #tpu.memory_space<semaphore_mem>>)
    %dma_start3A_39 = arith.constant 0 : i32
    %dma_start3A_40 = tpu.memref_slice %arg5[%dma_start3A_39] : memref<100000xf32, #tpu.memory_space<hbm>> -> memref<100000xf32, #tpu.memory_space<hbm>>
    tpu.enqueue_indirect_dma source(%dma_start3A_40 : memref<100000xf32, #tpu.memory_space<hbm>>) target(%arg13 : memref<512xf32, #tpu.memory_space<vmem>>) offsets(%arg11 : memref<512xi32, #tpu.memory_space<vmem>>) semaphore(%arg24 : memref<!tpu.dma_semaphore, #tpu.memory_space<semaphore_mem>>)
    %dma_start3A_41 = arith.constant 0 : i32
    %dma_start3A_42 = tpu.memref_slice %arg9[%dma_start3A_41] : memref<512xi32, #tpu.memory_space<vmem>> -> memref<128xi32, #tpu.memory_space<vmem>>
    %dma_start3A_43 = arith.constant 0 : i32
    %dma_start3A_44 = arith.constant 0 : i32
    %dma_start3A_45 = tpu.memref_slice %arg6[%dma_start3A_43, %dma_start3A_44] : memref<100000x128xf32, #tpu.memory_space<hbm>> -> memref<100000x128xf32, #tpu.memory_space<hbm>>
    tpu.enqueue_indirect_dma source(%dma_start3A_45 : memref<100000x128xf32, #tpu.memory_space<hbm>>) target(%arg14 : memref<128x128xf32, #tpu.memory_space<vmem>>) offsets(%dma_start3A_42 : memref<128xi32, #tpu.memory_space<vmem>>) semaphore(%arg22 : memref<!tpu.dma_semaphore, #tpu.memory_space<semaphore_mem>>)
    %dma_start3A_46 = arith.constant 0 : i32
    %dma_start3A_47 = tpu.memref_slice %arg10[%dma_start3A_46] : memref<512xi32, #tpu.memory_space<vmem>> -> memref<128xi32, #tpu.memory_space<vmem>>
    %dma_start3A_48 = arith.constant 0 : i32
    %dma_start3A_49 = arith.constant 0 : i32
    %dma_start3A_50 = tpu.memref_slice %arg7[%dma_start3A_48, %dma_start3A_49] : memref<100000x128xf32, #tpu.memory_space<hbm>> -> memref<100000x128xf32, #tpu.memory_space<hbm>>
    tpu.enqueue_indirect_dma source(%dma_start3A_50 : memref<100000x128xf32, #tpu.memory_space<hbm>>) target(%arg15 : memref<128x128xf32, #tpu.memory_space<vmem>>) offsets(%dma_start3A_47 : memref<128xi32, #tpu.memory_space<vmem>>) semaphore(%arg22 : memref<!tpu.dma_semaphore, #tpu.memory_space<semaphore_mem>>)
    %dma_start3A_51 = arith.constant 0 : i32
    %dma_start3A_52 = tpu.memref_slice %arg11[%dma_start3A_51] : memref<512xi32, #tpu.memory_space<vmem>> -> memref<128xi32, #tpu.memory_space<vmem>>
    %dma_start3A_53 = arith.constant 0 : i32
    %dma_start3A_54 = arith.constant 0 : i32
    %dma_start3A_55 = tpu.memref_slice %arg7[%dma_start3A_53, %dma_start3A_54] : memref<100000x128xf32, #tpu.memory_space<hbm>> -> memref<100000x128xf32, #tpu.memory_space<hbm>>
    tpu.enqueue_indirect_dma source(%dma_start3A_55 : memref<100000x128xf32, #tpu.memory_space<hbm>>) target(%arg16 : memref<128x128xf32, #tpu.memory_space<vmem>>) offsets(%dma_start3A_52 : memref<128xi32, #tpu.memory_space<vmem>>) semaphore(%arg22 : memref<!tpu.dma_semaphore, #tpu.memory_space<semaphore_mem>>)
    %dma_start3A_56 = arith.constant 128 : i32
    %dma_start3A_57 = tpu.memref_slice %arg9[%dma_start3A_56] : memref<512xi32, #tpu.memory_space<vmem>> -> memref<128xi32, #tpu.memory_space<vmem>>
    %dma_start3A_58 = arith.constant 0 : i32
    %dma_start3A_59 = arith.constant 0 : i32
    %dma_start3A_60 = tpu.memref_slice %arg6[%dma_start3A_58, %dma_start3A_59] : memref<100000x128xf32, #tpu.memory_space<hbm>> -> memref<100000x128xf32, #tpu.memory_space<hbm>>
    tpu.enqueue_indirect_dma source(%dma_start3A_60 : memref<100000x128xf32, #tpu.memory_space<hbm>>) target(%arg17 : memref<128x128xf32, #tpu.memory_space<vmem>>) offsets(%dma_start3A_57 : memref<128xi32, #tpu.memory_space<vmem>>) semaphore(%arg23 : memref<!tpu.dma_semaphore, #tpu.memory_space<semaphore_mem>>)
    %dma_start3A_61 = arith.constant 128 : i32
    %dma_start3A_62 = tpu.memref_slice %arg10[%dma_start3A_61] : memref<512xi32, #tpu.memory_space<vmem>> -> memref<128xi32, #tpu.memory_space<vmem>>
    %dma_start3A_63 = arith.constant 0 : i32
    %dma_start3A_64 = arith.constant 0 : i32
    %dma_start3A_65 = tpu.memref_slice %arg7[%dma_start3A_63, %dma_start3A_64] : memref<100000x128xf32, #tpu.memory_space<hbm>> -> memref<100000x128xf32, #tpu.memory_space<hbm>>
    tpu.enqueue_indirect_dma source(%dma_start3A_65 : memref<100000x128xf32, #tpu.memory_space<hbm>>) target(%arg18 : memref<128x128xf32, #tpu.memory_space<vmem>>) offsets(%dma_start3A_62 : memref<128xi32, #tpu.memory_space<vmem>>) semaphore(%arg23 : memref<!tpu.dma_semaphore, #tpu.memory_space<semaphore_mem>>)
    %dma_start3A_66 = arith.constant 128 : i32
    %dma_start3A_67 = tpu.memref_slice %arg11[%dma_start3A_66] : memref<512xi32, #tpu.memory_space<vmem>> -> memref<128xi32, #tpu.memory_space<vmem>>
    %dma_start3A_68 = arith.constant 0 : i32
    %dma_start3A_69 = arith.constant 0 : i32
    %dma_start3A_70 = tpu.memref_slice %arg7[%dma_start3A_68, %dma_start3A_69] : memref<100000x128xf32, #tpu.memory_space<hbm>> -> memref<100000x128xf32, #tpu.memory_space<hbm>>
    tpu.enqueue_indirect_dma source(%dma_start3A_70 : memref<100000x128xf32, #tpu.memory_space<hbm>>) target(%arg19 : memref<128x128xf32, #tpu.memory_space<vmem>>) offsets(%dma_start3A_67 : memref<128xi32, #tpu.memory_space<vmem>>) semaphore(%arg23 : memref<!tpu.dma_semaphore, #tpu.memory_space<semaphore_mem>>)
    %dma_wait3A_71 = arith.constant 0 : i32
    %dma_wait3A_72 = tpu.memref_slice %arg9[%dma_wait3A_71] : memref<512xi32, #tpu.memory_space<vmem>> -> memref<128xi32, #tpu.memory_space<vmem>>
    %dma_wait3A_73 = arith.constant 0 : i32
    %dma_wait3A_74 = arith.constant 0 : i32
    %dma_wait3A_75 = tpu.memref_slice %arg6[%dma_wait3A_73, %dma_wait3A_74] : memref<100000x128xf32, #tpu.memory_space<hbm>> -> memref<100000x128xf32, #tpu.memory_space<hbm>>
    tpu.wait_indirect_dma semaphore(%arg22 : memref<!tpu.dma_semaphore, #tpu.memory_space<semaphore_mem>>) src(%dma_wait3A_75 : memref<100000x128xf32, #tpu.memory_space<hbm>>) dst(%arg14 : memref<128x128xf32, #tpu.memory_space<vmem>>)
    %dma_wait3A_76 = arith.constant 0 : i32
    %dma_wait3A_77 = tpu.memref_slice %arg10[%dma_wait3A_76] : memref<512xi32, #tpu.memory_space<vmem>> -> memref<128xi32, #tpu.memory_space<vmem>>
    %dma_wait3A_78 = arith.constant 0 : i32
    %dma_wait3A_79 = arith.constant 0 : i32
    %dma_wait3A_80 = tpu.memref_slice %arg7[%dma_wait3A_78, %dma_wait3A_79] : memref<100000x128xf32, #tpu.memory_space<hbm>> -> memref<100000x128xf32, #tpu.memory_space<hbm>>
    tpu.wait_indirect_dma semaphore(%arg22 : memref<!tpu.dma_semaphore, #tpu.memory_space<semaphore_mem>>) src(%dma_wait3A_80 : memref<100000x128xf32, #tpu.memory_space<hbm>>) dst(%arg15 : memref<128x128xf32, #tpu.memory_space<vmem>>)
    %dma_wait3A_81 = arith.constant 0 : i32
    %dma_wait3A_82 = tpu.memref_slice %arg11[%dma_wait3A_81] : memref<512xi32, #tpu.memory_space<vmem>> -> memref<128xi32, #tpu.memory_space<vmem>>
    %dma_wait3A_83 = arith.constant 0 : i32
    %dma_wait3A_84 = arith.constant 0 : i32
    %dma_wait3A_85 = tpu.memref_slice %arg7[%dma_wait3A_83, %dma_wait3A_84] : memref<100000x128xf32, #tpu.memory_space<hbm>> -> memref<100000x128xf32, #tpu.memory_space<hbm>>
    tpu.wait_indirect_dma semaphore(%arg22 : memref<!tpu.dma_semaphore, #tpu.memory_space<semaphore_mem>>) src(%dma_wait3A_85 : memref<100000x128xf32, #tpu.memory_space<hbm>>) dst(%arg16 : memref<128x128xf32, #tpu.memory_space<vmem>>)
    %dma_wait3A_86 = arith.constant 0 : i32
    %dma_wait3A_87 = tpu.memref_slice %arg5[%dma_wait3A_86] : memref<100000xf32, #tpu.memory_space<hbm>> -> memref<100000xf32, #tpu.memory_space<hbm>>
    tpu.wait_indirect_dma semaphore(%arg24 : memref<!tpu.dma_semaphore, #tpu.memory_space<semaphore_mem>>) src(%dma_wait3A_87 : memref<100000xf32, #tpu.memory_space<hbm>>) dst(%arg12 : memref<512xf32, #tpu.memory_space<vmem>>)
    %dma_wait3A_88 = arith.constant 0 : i32
    %dma_wait3A_89 = tpu.memref_slice %arg5[%dma_wait3A_88] : memref<100000xf32, #tpu.memory_space<hbm>> -> memref<100000xf32, #tpu.memory_space<hbm>>
    tpu.wait_indirect_dma semaphore(%arg24 : memref<!tpu.dma_semaphore, #tpu.memory_space<semaphore_mem>>) src(%dma_wait3A_89 : memref<100000xf32, #tpu.memory_space<hbm>>) dst(%arg13 : memref<512xf32, #tpu.memory_space<vmem>>)
    %parallel_loop3A = arith.constant 0 : i32
    %parallel_loop3A_90 = arith.constant 128 : i32
    %parallel_loop3A_91 = arith.constant 1 : i32
    scf.for %parallel_loop3A_2443 = %parallel_loop3A to %parallel_loop3A_90 step %parallel_loop3A_91  : i32 {
      %parallel_loop3A_2444 = arith.index_cast %parallel_loop3A_2443 : i32 to index
      %parallel_loop3A_2445 = arith.constant 0 : index
      %parallel_loop3A_2446 = tpu.vector_load %arg14[%parallel_loop3A_2444, %parallel_loop3A_2445] {strides = array<i32>} : memref<128x128xf32, #tpu.memory_space<vmem>>, vector<16xf32>,
      %parallel_loop3A_2447 = arith.index_cast %parallel_loop3A_2443 : i32 to index
      %parallel_loop3A_2448 = arith.constant 0 : index
      %parallel_loop3A_2449 = tpu.vector_load %arg15[%parallel_loop3A_2447, %parallel_loop3A_2448] {strides = array<i32>} : memref<128x128xf32, #tpu.memory_space<vmem>>, vector<16xf32>,
      %parallel_loop3A_2450 = arith.index_cast %parallel_loop3A_2443 : i32 to index
      %parallel_loop3A_2451 = arith.constant 0 : index
      %parallel_loop3A_2452 = tpu.vector_load %arg16[%parallel_loop3A_2450, %parallel_loop3A_2451] {strides = array<i32>} : memref<128x128xf32, #tpu.memory_space<vmem>>, vector<16xf32>,
      %parallel_loop3A_2453 = arith.subf %parallel_loop3A_2449, %parallel_loop3A_2452 : vector<16xf32>
      %parallel_loop3A_2454 = arith.mulf %parallel_loop3A_2446, %parallel_loop3A_2453 : vector<16xf32>
      %parallel_loop3A_2455 = arith.index_cast %parallel_loop3A_2443 : i32 to index
      %parallel_loop3A_2456 = arith.constant 16 : index
      %parallel_loop3A_2457 = tpu.vector_load %arg14[%parallel_loop3A_2455, %parallel_loop3A_2456] {strides = array<i32>} : memref<128x128xf32, #tpu.memory_space<vmem>>, vector<16xf32>,
      %parallel_loop3A_2458 = arith.index_cast %parallel_loop3A_2443 : i32 to index
      %parallel_loop3A_2459 = arith.constant 16 : index
      %parallel_loop3A_2460 = tpu.vector_load %arg15[%parallel_loop3A_2458, %parallel_loop3A_2459] {strides = array<i32>} : memref<128x128xf32, #tpu.memory_space<vmem>>, vector<16xf32>,
      %parallel_loop3A_2461 = arith.index_cast %parallel_loop3A_2443 : i32 to index
      %parallel_loop3A_2462 = arith.constant 16 : index
      %parallel_loop3A_2463 = tpu.vector_load %arg16[%parallel_loop3A_2461, %parallel_loop3A_2462] {strides = array<i32>} : memref<128x128xf32, #tpu.memory_space<vmem>>, vector<16xf32>,
      %parallel_loop3A_2464 = arith.subf %parallel_loop3A_2460, %parallel_loop3A_2463 : vector<16xf32>
      %parallel_loop3A_2465 = arith.mulf %parallel_loop3A_2457, %parallel_loop3A_2464 : vector<16xf32>
      %parallel_loop3A_2466 = arith.index_cast %parallel_loop3A_2443 : i32 to index
      %parallel_loop3A_2467 = arith.constant 32 : index
      %parallel_loop3A_2468 = tpu.vector_load %arg14[%parallel_loop3A_2466, %parallel_loop3A_2467] {strides = array<i32>} : memref<128x128xf32, #tpu.memory_space<vmem>>, vector<16xf32>,
      %parallel_loop3A_2469 = arith.index_cast %parallel_loop3A_2443 : i32 to index
      %parallel_loop3A_2470 = arith.constant 32 : index
      %parallel_loop3A_2471 = tpu.vector_load %arg15[%parallel_loop3A_2469, %parallel_loop3A_2470] {strides = array<i32>} : memref<128x128xf32, #tpu.memory_space<vmem>>, vector<16xf32>,
      %parallel_loop3A_2472 = arith.index_cast %parallel_loop3A_2443 : i32 to index
      %parallel_loop3A_2473 = arith.constant 32 : index
      %parallel_loop3A_2474 = tpu.vector_load %arg16[%parallel_loop3A_2472, %parallel_loop3A_2473] {strides = array<i32>} : memref<128x128xf32, #tpu.memory_space<vmem>>, vector<16xf32>,
      %parallel_loop3A_2475 = arith.subf %parallel_loop3A_2471, %parallel_loop3A_2474 : vector<16xf32>
      %parallel_loop3A_2476 = arith.mulf %parallel_loop3A_2468, %parallel_loop3A_2475 : vector<16xf32>
      %parallel_loop3A_2477 = arith.index_cast %parallel_loop3A_2443 : i32 to index
      %parallel_loop3A_2478 = arith.constant 48 : index
      %parallel_loop3A_2479 = tpu.vector_load %arg14[%parallel_loop3A_2477, %parallel_loop3A_2478] {strides = array<i32>} : memref<128x128xf32, #tpu.memory_space<vmem>>, vector<16xf32>,
      %parallel_loop3A_2480 = arith.index_cast %parallel_loop3A_2443 : i32 to index
      %parallel_loop3A_2481 = arith.constant 48 : index
      %parallel_loop3A_2482 = tpu.vector_load %arg15[%parallel_loop3A_2480, %parallel_loop3A_2481] {strides = array<i32>} : memref<128x128xf32, #tpu.memory_space<vmem>>, vector<16xf32>,
      %parallel_loop3A_2483 = arith.index_cast %parallel_loop3A_2443 : i32 to index
      %parallel_loop3A_2484 = arith.constant 48 : index
      %parallel_loop3A_2485 = tpu.vector_load %arg16[%parallel_loop3A_2483, %parallel_loop3A_2484] {strides = array<i32>} : memref<128x128xf32, #tpu.memory_space<vmem>>, vector<16xf32>,
      %parallel_loop3A_2486 = arith.subf %parallel_loop3A_2482, %parallel_loop3A_2485 : vector<16xf32>
      %parallel_loop3A_2487 = arith.mulf %parallel_loop3A_2479, %parallel_loop3A_2486 : vector<16xf32>
      %parallel_loop3A_2488 = arith.index_cast %parallel_loop3A_2443 : i32 to index
      %parallel_loop3A_2489 = arith.constant 64 : index
      %parallel_loop3A_2490 = tpu.vector_load %arg14[%parallel_loop3A_2488, %parallel_loop3A_2489] {strides = array<i32>} : memref<128x128xf32, #tpu.memory_space<vmem>>, vector<16xf32>,
      %parallel_loop3A_2491 = arith.index_cast %parallel_loop3A_2443 : i32 to index
      %parallel_loop3A_2492 = arith.constant 64 : index
      %parallel_loop3A_2493 = tpu.vector_load %arg15[%parallel_loop3A_2491, %parallel_loop3A_2492] {strides = array<i32>} : memref<128x128xf32, #tpu.memory_space<vmem>>, vector<16xf32>,
      %parallel_loop3A_2494 = arith.index_cast %parallel_loop3A_2443 : i32 to index
      %parallel_loop3A_2495 = arith.constant 64 : index
      %parallel_loop3A_2496 = tpu.vector_load %arg16[%parallel_loop3A_2494, %parallel_loop3A_2495] {strides = array<i32>} : memref<128x128xf32, #tpu.memory_space<vmem>>, vector<16xf32>,
      %parallel_loop3A_2497 = arith.subf %parallel_loop3A_2493, %parallel_loop3A_2496 : vector<16xf32>
      %parallel_loop3A_2498 = arith.mulf %parallel_loop3A_2490, %parallel_loop3A_2497 : vector<16xf32>
      %parallel_loop3A_2499 = arith.index_cast %parallel_loop3A_2443 : i32 to index
      %parallel_loop3A_2500 = arith.constant 80 : index
      %parallel_loop3A_2501 = tpu.vector_load %arg14[%parallel_loop3A_2499, %parallel_loop3A_2500] {strides = array<i32>} : memref<128x128xf32, #tpu.memory_space<vmem>>, vector<16xf32>,
      %parallel_loop3A_2502 = arith.index_cast %parallel_loop3A_2443 : i32 to index
      %parallel_loop3A_2503 = arith.constant 80 : index
      %parallel_loop3A_2504 = tpu.vector_load %arg15[%parallel_loop3A_2502, %parallel_loop3A_2503] {strides = array<i32>} : memref<128x128xf32, #tpu.memory_space<vmem>>, vector<16xf32>,
      %parallel_loop3A_2505 = arith.index_cast %parallel_loop3A_2443 : i32 to index
      %parallel_loop3A_2506 = arith.constant 80 : index
      %parallel_loop3A_2507 = tpu.vector_load %arg16[%parallel_loop3A_2505, %parallel_loop3A_2506] {strides = array<i32>} : memref<128x128xf32, #tpu.memory_space<vmem>>, vector<16xf32>,
      %parallel_loop3A_2508 = arith.subf %parallel_loop3A_2504, %parallel_loop3A_2507 : vector<16xf32>
      %parallel_loop3A_2509 = arith.mulf %parallel_loop3A_2501, %parallel_loop3A_2508 : vector<16xf32>
      %parallel_loop3A_2510 = arith.index_cast %parallel_loop3A_2443 : i32 to index
      %parallel_loop3A_2511 = arith.constant 96 : index
      %parallel_loop3A_2512 = tpu.vector_load %arg14[%parallel_loop3A_2510, %parallel_loop3A_2511] {strides = array<i32>} : memref<128x128xf32, #tpu.memory_space<vmem>>, vector<16xf32>,
      %parallel_loop3A_2513 = arith.index_cast %parallel_loop3A_2443 : i32 to index
      %parallel_loop3A_2514 = arith.constant 96 : index
      %parallel_loop3A_2515 = tpu.vector_load %arg15[%parallel_loop3A_2513, %parallel_loop3A_2514] {strides = array<i32>} : memref<128x128xf32, #tpu.memory_space<vmem>>, vector<16xf32>,
      %parallel_loop3A_2516 = arith.index_cast %parallel_loop3A_2443 : i32 to index
      %parallel_loop3A_2517 = arith.constant 96 : index
      %parallel_loop3A_2518 = tpu.vector_load %arg16[%parallel_loop3A_2516, %parallel_loop3A_2517] {strides = array<i32>} : memref<128x128xf32, #tpu.memory_space<vmem>>, vector<16xf32>,
      %parallel_loop3A_2519 = arith.subf %parallel_loop3A_2515, %parallel_loop3A_2518 : vector<16xf32>
      %parallel_loop3A_2520 = arith.mulf %parallel_loop3A_2512, %parallel_loop3A_2519 : vector<16xf32>
      %parallel_loop3A_2521 = arith.index_cast %parallel_loop3A_2443 : i32 to index
      %parallel_loop3A_2522 = arith.constant 112 : index
      %parallel_loop3A_2523 = tpu.vector_load %arg14[%parallel_loop3A_2521, %parallel_loop3A_2522] {strides = array<i32>} : memref<128x128xf32, #tpu.memory_space<vmem>>, vector<16xf32>,
      %parallel_loop3A_2524 = arith.index_cast %parallel_loop3A_2443 : i32 to index
      %parallel_loop3A_2525 = arith.constant 112 : index
      %parallel_loop3A_2526 = tpu.vector_load %arg15[%parallel_loop3A_2524, %parallel_loop3A_2525] {strides = array<i32>} : memref<128x128xf32, #tpu.memory_space<vmem>>, vector<16xf32>,
      %parallel_loop3A_2527 = arith.index_cast %parallel_loop3A_2443 : i32 to index
      %parallel_loop3A_2528 = arith.constant 112 : index
      %parallel_loop3A_2529 = tpu.vector_load %arg16[%parallel_loop3A_2527, %parallel_loop3A_2528] {strides = array<i32>} : memref<128x128xf32, #tpu.memory_space<vmem>>, vector<16xf32>,
      %parallel_loop3A_2530 = arith.subf %parallel_loop3A_2526, %parallel_loop3A_2529 : vector<16xf32>
      %parallel_loop3A_2531 = arith.mulf %parallel_loop3A_2523, %parallel_loop3A_2530 : vector<16xf32>
      %parallel_loop3A_2532 = arith.addf %parallel_loop3A_2454, %parallel_loop3A_2465 : vector<16xf32>
      %parallel_loop3A_2533 = arith.addf %parallel_loop3A_2476, %parallel_loop3A_2487 : vector<16xf32>
      %parallel_loop3A_2534 = arith.addf %parallel_loop3A_2498, %parallel_loop3A_2509 : vector<16xf32>
      %parallel_loop3A_2535 = arith.addf %parallel_loop3A_2520, %parallel_loop3A_2531 : vector<16xf32>
      %parallel_loop3A_2536 = arith.addf %parallel_loop3A_2532, %parallel_loop3A_2533 : vector<16xf32>
      %parallel_loop3A_2537 = arith.addf %parallel_loop3A_2534, %parallel_loop3A_2535 : vector<16xf32>
      %parallel_loop3A_2538 = arith.addf %parallel_loop3A_2536, %parallel_loop3A_2537 : vector<16xf32>
      %parallel_loop3A_2539 = arith.index_cast %parallel_loop3A_2443 : i32 to index
      %parallel_loop3A_2540 = arith.constant 0 : index
      %parallel_loop3A_2541 = tpu.vector_load %arg21[%parallel_loop3A_2539, %parallel_loop3A_2540] {strides = array<i32>} : memref<128x17xf32, #tpu.memory_space<vmem>>, vector<16xf32>,
      tpu.vector_store %arg21[%parallel_loop3A_2539, %parallel_loop3A_2540], %parallel_loop3A_2538 {strides = array<i32>} : memref<128x17xf32, #tpu.memory_space<vmem>>, vector<16xf32>,
    } {sc.loop_unroll_factor = 2 : i64, sc.parallel_access}
    %get3A = arith.constant 0 : index
    %get3A_92 = tpu.vector_load %arg12[%get3A] {strides = array<i32>} : memref<512xf32, #tpu.memory_space<vmem>>, vector<16xf32>,
    %get3A_93 = arith.constant 0 : index
    %get3A_94 = tpu.vector_load %arg13[%get3A_93] {strides = array<i32>} : memref<512xf32, #tpu.memory_space<vmem>>, vector<16xf32>,
    %sub3A = arith.subf %get3A_92, %get3A_94 : vector<16xf32>
    %broadcast_in_dim3A = arith.constant 0 : i32
    %broadcast_in_dim3A_95 = vector.broadcast %broadcast_in_dim3A : i32 to vector<16xi32>
    %gather3A = tpu.vector_load_idx %arg21[%add3A_5, %broadcast_in_dim3A_95] : memref<128x17xf32, #tpu.memory_space<vmem>>[vector<16xi32>, vector<16xi32>], vector<16xf32>,
    %add3A_96 = arith.addf %sub3A, %gather3A : vector<16xf32>
    %broadcast_in_dim3A_97 = arith.constant 1 : i32
    %broadcast_in_dim3A_98 = vector.broadcast %broadcast_in_dim3A_97 : i32 to vector<16xi32>
    %gather3A_99 = tpu.vector_load_idx %arg21[%add3A_5, %broadcast_in_dim3A_98] : memref<128x17xf32, #tpu.memory_space<vmem>>[vector<16xi32>, vector<16xi32>], vector<16xf32>,
    %add3A_100 = arith.addf %add3A_96, %gather3A_99 : vector<16xf32>
    %broadcast_in_dim3A_101 = arith.constant 2 : i32
    %broadcast_in_dim3A_102 = vector.broadcast %broadcast_in_dim3A_101 : i32 to vector<16xi32>
    %gather3A_103 = tpu.vector_load_idx %arg21[%add3A_5, %broadcast_in_dim3A_102] : memref<128x17xf32, #tpu.memory_space<vmem>>[vector<16xi32>, vector<16xi32>], vector<16xf32>,
    %add3A_104 = arith.addf %add3A_100, %gather3A_103 : vector<16xf32>
    %broadcast_in_dim3A_105 = arith.constant 3 : i32
    %broadcast_in_dim3A_106 = vector.broadcast %broadcast_in_dim3A_105 : i32 to vector<16xi32>
    %gather3A_107 = tpu.vector_load_idx %arg21[%add3A_5, %broadcast_in_dim3A_106] : memref<128x17xf32, #tpu.memory_space<vmem>>[vector<16xi32>, vector<16xi32>], vector<16xf32>,
    %add3A_108 = arith.addf %add3A_104, %gather3A_107 : vector<16xf32>
    %broadcast_in_dim3A_109 = arith.constant 4 : i32
    %broadcast_in_dim3A_110 = vector.broadcast %broadcast_in_dim3A_109 : i32 to vector<16xi32>
    %gather3A_111 = tpu.vector_load_idx %arg21[%add3A_5, %broadcast_in_dim3A_110] : memref<128x17xf32, #tpu.memory_space<vmem>>[vector<16xi32>, vector<16xi32>], vector<16xf32>,
    %add3A_112 = arith.addf %add3A_108, %gather3A_111 : vector<16xf32>
    %broadcast_in_dim3A_113 = arith.constant 5 : i32
    %broadcast_in_dim3A_114 = vector.broadcast %broadcast_in_dim3A_113 : i32 to vector<16xi32>
    %gather3A_115 = tpu.vector_load_idx %arg21[%add3A_5, %broadcast_in_dim3A_114] : memref<128x17xf32, #tpu.memory_space<vmem>>[vector<16xi32>, vector<16xi32>], vector<16xf32>,
    %add3A_116 = arith.addf %add3A_112, %gather3A_115 : vector<16xf32>
    %broadcast_in_dim3A_117 = arith.constant 6 : i32
    %broadcast_in_dim3A_118 = vector.broadcast %broadcast_in_dim3A_117 : i32 to vector<16xi32>
    %gather3A_119 = tpu.vector_load_idx %arg21[%add3A_5, %broadcast_in_dim3A_118] : memref<128x17xf32, #tpu.memory_space<vmem>>[vector<16xi32>, vector<16xi32>], vector<16xf32>,
    %add3A_120 = arith.addf %add3A_116, %gather3A_119 : vector<16xf32>
    %broadcast_in_dim3A_121 = arith.constant 7 : i32
    %broadcast_in_dim3A_122 = vector.broadcast %broadcast_in_dim3A_121 : i32 to vector<16xi32>
    %gather3A_123 = tpu.vector_load_idx %arg21[%add3A_5, %broadcast_in_dim3A_122] : memref<128x17xf32, #tpu.memory_space<vmem>>[vector<16xi32>, vector<16xi32>], vector<16xf32>,
    %add3A_124 = arith.addf %add3A_120, %gather3A_123 : vector<16xf32>
    %broadcast_in_dim3A_125 = arith.constant 8 : i32
    %broadcast_in_dim3A_126 = vector.broadcast %broadcast_in_dim3A_125 : i32 to vector<16xi32>
    %gather3A_127 = tpu.vector_load_idx %arg21[%add3A_5, %broadcast_in_dim3A_126] : memref<128x17xf32, #tpu.memory_space<vmem>>[vector<16xi32>, vector<16xi32>], vector<16xf32>,
    %add3A_128 = arith.addf %add3A_124, %gather3A_127 : vector<16xf32>
    %broadcast_in_dim3A_129 = arith.constant 9 : i32
    %broadcast_in_dim3A_130 = vector.broadcast %broadcast_in_dim3A_129 : i32 to vector<16xi32>
    %gather3A_131 = tpu.vector_load_idx %arg21[%add3A_5, %broadcast_in_dim3A_130] : memref<128x17xf32, #tpu.memory_space<vmem>>[vector<16xi32>, vector<16xi32>], vector<16xf32>,
    %add3A_132 = arith.addf %add3A_128, %gather3A_131 : vector<16xf32>
    %broadcast_in_dim3A_133 = arith.constant 10 : i32
    %broadcast_in_dim3A_134 = vector.broadcast %broadcast_in_dim3A_133 : i32 to vector<16xi32>
    %gather3A_135 = tpu.vector_load_idx %arg21[%add3A_5, %broadcast_in_dim3A_134] : memref<128x17xf32, #tpu.memory_space<vmem>>[vector<16xi32>, vector<16xi32>], vector<16xf32>,
    %add3A_136 = arith.addf %add3A_132, %gather3A_135 : vector<16xf32>
    %broadcast_in_dim3A_137 = arith.constant 11 : i32
    %broadcast_in_dim3A_138 = vector.broadcast %broadcast_in_dim3A_137 : i32 to vector<16xi32>
    %gather3A_139 = tpu.vector_load_idx %arg21[%add3A_5, %broadcast_in_dim3A_138] : memref<128x17xf32, #tpu.memory_space<vmem>>[vector<16xi32>, vector<16xi32>], vector<16xf32>,
    %add3A_140 = arith.addf %add3A_136, %gather3A_139 : vector<16xf32>
    %broadcast_in_dim3A_141 = arith.constant 12 : i32
    %broadcast_in_dim3A_142 = vector.broadcast %broadcast_in_dim3A_141 : i32 to vector<16xi32>
    %gather3A_143 = tpu.vector_load_idx %arg21[%add3A_5, %broadcast_in_dim3A_142] : memref<128x17xf32, #tpu.memory_space<vmem>>[vector<16xi32>, vector<16xi32>], vector<16xf32>,
    %add3A_144 = arith.addf %add3A_140, %gather3A_143 : vector<16xf32>
    %broadcast_in_dim3A_145 = arith.constant 13 : i32
    %broadcast_in_dim3A_146 = vector.broadcast %broadcast_in_dim3A_145 : i32 to vector<16xi32>
    %gather3A_147 = tpu.vector_load_idx %arg21[%add3A_5, %broadcast_in_dim3A_146] : memref<128x17xf32, #tpu.memory_space<vmem>>[vector<16xi32>, vector<16xi32>], vector<16xf32>,
    %add3A_148 = arith.addf %add3A_144, %gather3A_147 : vector<16xf32>
    %broadcast_in_dim3A_149 = arith.constant 14 : i32
    %broadcast_in_dim3A_150 = vector.broadcast %broadcast_in_dim3A_149 : i32 to vector<16xi32>
    %gather3A_151 = tpu.vector_load_idx %arg21[%add3A_5, %broadcast_in_dim3A_150] : memref<128x17xf32, #tpu.memory_space<vmem>>[vector<16xi32>, vector<16xi32>], vector<16xf32>,
    %add3A_152 = arith.addf %add3A_148, %gather3A_151 : vector<16xf32>
    %broadcast_in_dim3A_153 = arith.constant 15 : i32
    %broadcast_in_dim3A_154 = vector.broadcast %broadcast_in_dim3A_153 : i32 to vector<16xi32>
    %gather3A_155 = tpu.vector_load_idx %arg21[%add3A_5, %broadcast_in_dim3A_154] : memref<128x17xf32, #tpu.memory_space<vmem>>[vector<16xi32>, vector<16xi32>], vector<16xf32>,
    %add3A_156 = arith.addf %add3A_152, %gather3A_155 : vector<16xf32>
    %swap3A = arith.constant 0 : index
    %swap3A_157 = tpu.vector_load %arg20[%swap3A] {strides = array<i32>} : memref<512xf32, #tpu.memory_space<vmem>>, vector<16xf32>,
    tpu.vector_store %arg20[%swap3A], %add3A_156 {strides = array<i32>} : memref<512xf32, #tpu.memory_space<vmem>>, vector<16xf32>,
    %get3A_158 = arith.constant 16 : index
    %get3A_159 = tpu.vector_load %arg12[%get3A_158] {strides = array<i32>} : memref<512xf32, #tpu.memory_space<vmem>>, vector<16xf32>,
    %get3A_160 = arith.constant 16 : index
    %get3A_161 = tpu.vector_load %arg13[%get3A_160] {strides = array<i32>} : memref<512xf32, #tpu.memory_space<vmem>>, vector<16xf32>,
    %sub3A_162 = arith.subf %get3A_159, %get3A_161 : vector<16xf32>
    %broadcast_in_dim3A_163 = arith.constant 0 : i32
    %broadcast_in_dim3A_164 = vector.broadcast %broadcast_in_dim3A_163 : i32 to vector<16xi32>
    %gather3A_165 = tpu.vector_load_idx %arg21[%add3A_8, %broadcast_in_dim3A_164] : memref<128x17xf32, #tpu.memory_space<vmem>>[vector<16xi32>, vector<16xi32>], vector<16xf32>,
    %add3A_166 = arith.addf %sub3A_162, %gather3A_165 : vector<16xf32>
    %broadcast_in_dim3A_167 = arith.constant 1 : i32
    %broadcast_in_dim3A_168 = vector.broadcast %broadcast_in_dim3A_167 : i32 to vector<16xi32>
    %gather3A_169 = tpu.vector_load_idx %arg21[%add3A_8, %broadcast_in_dim3A_168] : memref<128x17xf32, #tpu.memory_space<vmem>>[vector<16xi32>, vector<16xi32>], vector<16xf32>,
    %add3A_170 = arith.addf %add3A_166, %gather3A_169 : vector<16xf32>
    %broadcast_in_dim3A_171 = arith.constant 2 : i32
    %broadcast_in_dim3A_172 = vector.broadcast %broadcast_in_dim3A_171 : i32 to vector<16xi32>
    %gather3A_173 = tpu.vector_load_idx %arg21[%add3A_8, %broadcast_in_dim3A_172] : memref<128x17xf32, #tpu.memory_space<vmem>>[vector<16xi32>, vector<16xi32>], vector<16xf32>,
    %add3A_174 = arith.addf %add3A_170, %gather3A_173 : vector<16xf32>
    %broadcast_in_dim3A_175 = arith.constant 3 : i32
    %broadcast_in_dim3A_176 = vector.broadcast %broadcast_in_dim3A_175 : i32 to vector<16xi32>
    %gather3A_177 = tpu.vector_load_idx %arg21[%add3A_8, %broadcast_in_dim3A_176] : memref<128x17xf32, #tpu.memory_space<vmem>>[vector<16xi32>, vector<16xi32>], vector<16xf32>,
    %add3A_178 = arith.addf %add3A_174, %gather3A_177 : vector<16xf32>
    %broadcast_in_dim3A_179 = arith.constant 4 : i32
    %broadcast_in_dim3A_180 = vector.broadcast %broadcast_in_dim3A_179 : i32 to vector<16xi32>
    %gather3A_181 = tpu.vector_load_idx %arg21[%add3A_8, %broadcast_in_dim3A_180] : memref<128x17xf32, #tpu.memory_space<vmem>>[vector<16xi32>, vector<16xi32>], vector<16xf32>,
    %add3A_182 = arith.addf %add3A_178, %gather3A_181 : vector<16xf32>
    %broadcast_in_dim3A_183 = arith.constant 5 : i32
    %broadcast_in_dim3A_184 = vector.broadcast %broadcast_in_dim3A_183 : i32 to vector<16xi32>
    %gather3A_185 = tpu.vector_load_idx %arg21[%add3A_8, %broadcast_in_dim3A_184] : memref<128x17xf32, #tpu.memory_space<vmem>>[vector<16xi32>, vector<16xi32>], vector<16xf32>,
    %add3A_186 = arith.addf %add3A_182, %gather3A_185 : vector<16xf32>
    %broadcast_in_dim3A_187 = arith.constant 6 : i32
    %broadcast_in_dim3A_188 = vector.broadcast %broadcast_in_dim3A_187 : i32 to vector<16xi32>
    %gather3A_189 = tpu.vector_load_idx %arg21[%add3A_8, %broadcast_in_dim3A_188] : memref<128x17xf32, #tpu.memory_space<vmem>>[vector<16xi32>, vector<16xi32>], vector<16xf32>,
    %add3A_190 = arith.addf %add3A_186, %gather3A_189 : vector<16xf32>
    %broadcast_in_dim3A_191 = arith.constant 7 : i32
    %broadcast_in_dim3A_192 = vector.broadcast %broadcast_in_dim3A_191 : i32 to vector<16xi32>
    %gather3A_193 = tpu.vector_load_idx %arg21[%add3A_8, %broadcast_in_dim3A_192] : memref<128x17xf32, #tpu.memory_space<vmem>>[vector<16xi32>, vector<16xi32>], vector<16xf32>,
    %add3A_194 = arith.addf %add3A_190, %gather3A_193 : vector<16xf32>
    %broadcast_in_dim3A_195 = arith.constant 8 : i32
    %broadcast_in_dim3A_196 = vector.broadcast %broadcast_in_dim3A_195 : i32 to vector<16xi32>
    %gather3A_197 = tpu.vector_load_idx %arg21[%add3A_8, %broadcast_in_dim3A_196] : memref<128x17xf32, #tpu.memory_space<vmem>>[vector<16xi32>, vector<16xi32>], vector<16xf32>,
    %add3A_198 = arith.addf %add3A_194, %gather3A_197 : vector<16xf32>
    %broadcast_in_dim3A_199 = arith.constant 9 : i32
    %broadcast_in_dim3A_200 = vector.broadcast %broadcast_in_dim3A_199 : i32 to vector<16xi32>
    %gather3A_201 = tpu.vector_load_idx %arg21[%add3A_8, %broadcast_in_dim3A_200] : memref<128x17xf32, #tpu.memory_space<vmem>>[vector<16xi32>, vector<16xi32>], vector<16xf32>,
    %add3A_202 = arith.addf %add3A_198, %gather3A_201 : vector<16xf32>
    %broadcast_in_dim3A_203 = arith.constant 10 : i32
    %broadcast_in_dim3A_204 = vector.broadcast %broadcast_in_dim3A_203 : i32 to vector<16xi32>
    %gather3A_205 = tpu.vector_load_idx %arg21[%add3A_8, %broadcast_in_dim3A_204] : memref<128x17xf32, #tpu.memory_space<vmem>>[vector<16xi32>, vector<16xi32>], vector<16xf32>,
    %add3A_206 = arith.addf %add3A_202, %gather3A_205 : vector<16xf32>
    %broadcast_in_dim3A_207 = arith.constant 11 : i32
    %broadcast_in_dim3A_208 = vector.broadcast %broadcast_in_dim3A_207 : i32 to vector<16xi32>
    %gather3A_209 = tpu.vector_load_idx %arg21[%add3A_8, %broadcast_in_dim3A_208] : memref<128x17xf32, #tpu.memory_space<vmem>>[vector<16xi32>, vector<16xi32>], vector<16xf32>,
    %add3A_210 = arith.addf %add3A_206, %gather3A_209 : vector<16xf32>
    %broadcast_in_dim3A_211 = arith.constant 12 : i32
    %broadcast_in_dim3A_212 = vector.broadcast %broadcast_in_dim3A_211 : i32 to vector<16xi32>
    %gather3A_213 = tpu.vector_load_idx %arg21[%add3A_8, %broadcast_in_dim3A_212] : memref<128x17xf32, #tpu.memory_space<vmem>>[vector<16xi32>, vector<16xi32>], vector<16xf32>,
    %add3A_214 = arith.addf %add3A_210, %gather3A_213 : vector<16xf32>
    %broadcast_in_dim3A_215 = arith.constant 13 : i32
    %broadcast_in_dim3A_216 = vector.broadcast %broadcast_in_dim3A_215 : i32 to vector<16xi32>
    %gather3A_217 = tpu.vector_load_idx %arg21[%add3A_8, %broadcast_in_dim3A_216] : memref<128x17xf32, #tpu.memory_space<vmem>>[vector<16xi32>, vector<16xi32>], vector<16xf32>,
    %add3A_218 = arith.addf %add3A_214, %gather3A_217 : vector<16xf32>
    %broadcast_in_dim3A_219 = arith.constant 14 : i32
    %broadcast_in_dim3A_220 = vector.broadcast %broadcast_in_dim3A_219 : i32 to vector<16xi32>
    %gather3A_221 = tpu.vector_load_idx %arg21[%add3A_8, %broadcast_in_dim3A_220] : memref<128x17xf32, #tpu.memory_space<vmem>>[vector<16xi32>, vector<16xi32>], vector<16xf32>,
    %add3A_222 = arith.addf %add3A_218, %gather3A_221 : vector<16xf32>
    %broadcast_in_dim3A_223 = arith.constant 15 : i32
    %broadcast_in_dim3A_224 = vector.broadcast %broadcast_in_dim3A_223 : i32 to vector<16xi32>
    %gather3A_225 = tpu.vector_load_idx %arg21[%add3A_8, %broadcast_in_dim3A_224] : memref<128x17xf32, #tpu.memory_space<vmem>>[vector<16xi32>, vector<16xi32>], vector<16xf32>,
    %add3A_226 = arith.addf %add3A_222, %gather3A_225 : vector<16xf32>
    %swap3A_227 = arith.constant 16 : index
    %swap3A_228 = tpu.vector_load %arg20[%swap3A_227] {strides = array<i32>} : memref<512xf32, #tpu.memory_space<vmem>>, vector<16xf32>,
    tpu.vector_store %arg20[%swap3A_227], %add3A_226 {strides = array<i32>} : memref<512xf32, #tpu.memory_space<vmem>>, vector<16xf32>,
    %get3A_229 = arith.constant 32 : index
    %get3A_230 = tpu.vector_load %arg12[%get3A_229] {strides = array<i32>} : memref<512xf32, #tpu.memory_space<vmem>>, vector<16xf32>,
    %get3A_231 = arith.constant 32 : index
    %get3A_232 = tpu.vector_load %arg13[%get3A_231] {strides = array<i32>} : memref<512xf32, #tpu.memory_space<vmem>>, vector<16xf32>,
    %sub3A_233 = arith.subf %get3A_230, %get3A_232 : vector<16xf32>
    %broadcast_in_dim3A_234 = arith.constant 0 : i32
    %broadcast_in_dim3A_235 = vector.broadcast %broadcast_in_dim3A_234 : i32 to vector<16xi32>
    %gather3A_236 = tpu.vector_load_idx %arg21[%add3A_11, %broadcast_in_dim3A_235] : memref<128x17xf32, #tpu.memory_space<vmem>>[vector<16xi32>, vector<16xi32>], vector<16xf32>,
    %add3A_237 = arith.addf %sub3A_233, %gather3A_236 : vector<16xf32>
    %broadcast_in_dim3A_238 = arith.constant 1 : i32
    %broadcast_in_dim3A_239 = vector.broadcast %broadcast_in_dim3A_238 : i32 to vector<16xi32>
    %gather3A_240 = tpu.vector_load_idx %arg21[%add3A_11, %broadcast_in_dim3A_239] : memref<128x17xf32, #tpu.memory_space<vmem>>[vector<16xi32>, vector<16xi32>], vector<16xf32>,
    %add3A_241 = arith.addf %add3A_237, %gather3A_240 : vector<16xf32>
    %broadcast_in_dim3A_242 = arith.constant 2 : i32
    %broadcast_in_dim3A_243 = vector.broadcast %broadcast_in_dim3A_242 : i32 to vector<16xi32>
    %gather3A_244 = tpu.vector_load_idx %arg21[%add3A_11, %broadcast_in_dim3A_243] : memref<128x17xf32, #tpu.memory_space<vmem>>[vector<16xi32>, vector<16xi32>], vector<16xf32>,
    %add3A_245 = arith.addf %add3A_241, %gather3A_244 : vector<16xf32>
    %broadcast_in_dim3A_246 = arith.constant 3 : i32
    %broadcast_in_dim3A_247 = vector.broadcast %broadcast_in_dim3A_246 : i32 to vector<16xi32>
    %gather3A_248 = tpu.vector_load_idx %arg21[%add3A_11, %broadcast_in_dim3A_247] : memref<128x17xf32, #tpu.memory_space<vmem>>[vector<16xi32>, vector<16xi32>], vector<16xf32>,
    %add3A_249 = arith.addf %add3A_245, %gather3A_248 : vector<16xf32>
    %broadcast_in_dim3A_250 = arith.constant 4 : i32
    %broadcast_in_dim3A_251 = vector.broadcast %broadcast_in_dim3A_250 : i32 to vector<16xi32>
    %gather3A_252 = tpu.vector_load_idx %arg21[%add3A_11, %broadcast_in_dim3A_251] : memref<128x17xf32, #tpu.memory_space<vmem>>[vector<16xi32>, vector<16xi32>], vector<16xf32>,
    %add3A_253 = arith.addf %add3A_249, %gather3A_252 : vector<16xf32>
    %broadcast_in_dim3A_254 = arith.constant 5 : i32
    %broadcast_in_dim3A_255 = vector.broadcast %broadcast_in_dim3A_254 : i32 to vector<16xi32>
    %gather3A_256 = tpu.vector_load_idx %arg21[%add3A_11, %broadcast_in_dim3A_255] : memref<128x17xf32, #tpu.memory_space<vmem>>[vector<16xi32>, vector<16xi32>], vector<16xf32>,
    %add3A_257 = arith.addf %add3A_253, %gather3A_256 : vector<16xf32>
    %broadcast_in_dim3A_258 = arith.constant 6 : i32
    %broadcast_in_dim3A_259 = vector.broadcast %broadcast_in_dim3A_258 : i32 to vector<16xi32>
    %gather3A_260 = tpu.vector_load_idx %arg21[%add3A_11, %broadcast_in_dim3A_259] : memref<128x17xf32, #tpu.memory_space<vmem>>[vector<16xi32>, vector<16xi32>], vector<16xf32>,
    %add3A_261 = arith.addf %add3A_257, %gather3A_260 : vector<16xf32>
    %broadcast_in_dim3A_262 = arith.constant 7 : i32
    %broadcast_in_dim3A_263 = vector.broadcast %broadcast_in_dim3A_262 : i32 to vector<16xi32>
    %gather3A_264 = tpu.vector_load_idx %arg21[%add3A_11, %broadcast_in_dim3A_263] : memref<128x17xf32, #tpu.memory_space<vmem>>[vector<16xi32>, vector<16xi32>], vector<16xf32>,
    %add3A_265 = arith.addf %add3A_261, %gather3A_264 : vector<16xf32>
    %broadcast_in_dim3A_266 = arith.constant 8 : i32
    %broadcast_in_dim3A_267 = vector.broadcast %broadcast_in_dim3A_266 : i32 to vector<16xi32>
    %gather3A_268 = tpu.vector_load_idx %arg21[%add3A_11, %broadcast_in_dim3A_267] : memref<128x17xf32, #tpu.memory_space<vmem>>[vector<16xi32>, vector<16xi32>], vector<16xf32>,
    %add3A_269 = arith.addf %add3A_265, %gather3A_268 : vector<16xf32>
    %broadcast_in_dim3A_270 = arith.constant 9 : i32
    %broadcast_in_dim3A_271 = vector.broadcast %broadcast_in_dim3A_270 : i32 to vector<16xi32>
    %gather3A_272 = tpu.vector_load_idx %arg21[%add3A_11, %broadcast_in_dim3A_271] : memref<128x17xf32, #tpu.memory_space<vmem>>[vector<16xi32>, vector<16xi32>], vector<16xf32>,
    %add3A_273 = arith.addf %add3A_269, %gather3A_272 : vector<16xf32>
    %broadcast_in_dim3A_274 = arith.constant 10 : i32
    %broadcast_in_dim3A_275 = vector.broadcast %broadcast_in_dim3A_274 : i32 to vector<16xi32>
    %gather3A_276 = tpu.vector_load_idx %arg21[%add3A_11, %broadcast_in_dim3A_275] : memref<128x17xf32, #tpu.memory_space<vmem>>[vector<16xi32>, vector<16xi32>], vector<16xf32>,
    %add3A_277 = arith.addf %add3A_273, %gather3A_276 : vector<16xf32>
    %broadcast_in_dim3A_278 = arith.constant 11 : i32
    %broadcast_in_dim3A_279 = vector.broadcast %broadcast_in_dim3A_278 : i32 to vector<16xi32>
    %gather3A_280 = tpu.vector_load_idx %arg21[%add3A_11, %broadcast_in_dim3A_279] : memref<128x17xf32, #tpu.memory_space<vmem>>[vector<16xi32>, vector<16xi32>], vector<16xf32>,
    %add3A_281 = arith.addf %add3A_277, %gather3A_280 : vector<16xf32>
    %broadcast_in_dim3A_282 = arith.constant 12 : i32
    %broadcast_in_dim3A_283 = vector.broadcast %broadcast_in_dim3A_282 : i32 to vector<16xi32>
    %gather3A_284 = tpu.vector_load_idx %arg21[%add3A_11, %broadcast_in_dim3A_283] : memref<128x17xf32, #tpu.memory_space<vmem>>[vector<16xi32>, vector<16xi32>], vector<16xf32>,
    %add3A_285 = arith.addf %add3A_281, %gather3A_284 : vector<16xf32>
    %broadcast_in_dim3A_286 = arith.constant 13 : i32
    %broadcast_in_dim3A_287 = vector.broadcast %broadcast_in_dim3A_286 : i32 to vector<16xi32>
    %gather3A_288 = tpu.vector_load_idx %arg21[%add3A_11, %broadcast_in_dim3A_287] : memref<128x17xf32, #tpu.memory_space<vmem>>[vector<16xi32>, vector<16xi32>], vector<16xf32>,
    %add3A_289 = arith.addf %add3A_285, %gather3A_288 : vector<16xf32>
    %broadcast_in_dim3A_290 = arith.constant 14 : i32
    %broadcast_in_dim3A_291 = vector.broadcast %broadcast_in_dim3A_290 : i32 to vector<16xi32>
    %gather3A_292 = tpu.vector_load_idx %arg21[%add3A_11, %broadcast_in_dim3A_291] : memref<128x17xf32, #tpu.memory_space<vmem>>[vector<16xi32>, vector<16xi32>], vector<16xf32>,
    %add3A_293 = arith.addf %add3A_289, %gather3A_292 : vector<16xf32>
    %broadcast_in_dim3A_294 = arith.constant 15 : i32
    %broadcast_in_dim3A_295 = vector.broadcast %broadcast_in_dim3A_294 : i32 to vector<16xi32>
    %gather3A_296 = tpu.vector_load_idx %arg21[%add3A_11, %broadcast_in_dim3A_295] : memref<128x17xf32, #tpu.memory_space<vmem>>[vector<16xi32>, vector<16xi32>], vector<16xf32>,
    %add3A_297 = arith.addf %add3A_293, %gather3A_296 : vector<16xf32>
    %swap3A_298 = arith.constant 32 : index
    %swap3A_299 = tpu.vector_load %arg20[%swap3A_298] {strides = array<i32>} : memref<512xf32, #tpu.memory_space<vmem>>, vector<16xf32>,
    tpu.vector_store %arg20[%swap3A_298], %add3A_297 {strides = array<i32>} : memref<512xf32, #tpu.memory_space<vmem>>, vector<16xf32>,
    %get3A_300 = arith.constant 48 : index
    %get3A_301 = tpu.vector_load %arg12[%get3A_300] {strides = array<i32>} : memref<512xf32, #tpu.memory_space<vmem>>, vector<16xf32>,
    %get3A_302 = arith.constant 48 : index
    %get3A_303 = tpu.vector_load %arg13[%get3A_302] {strides = array<i32>} : memref<512xf32, #tpu.memory_space<vmem>>, vector<16xf32>,
    %sub3A_304 = arith.subf %get3A_301, %get3A_303 : vector<16xf32>
    %broadcast_in_dim3A_305 = arith.constant 0 : i32
    %broadcast_in_dim3A_306 = vector.broadcast %broadcast_in_dim3A_305 : i32 to vector<16xi32>
    %gather3A_307 = tpu.vector_load_idx %arg21[%add3A_14, %broadcast_in_dim3A_306] : memref<128x17xf32, #tpu.memory_space<vmem>>[vector<16xi32>, vector<16xi32>], vector<16xf32>,
    %add3A_308 = arith.addf %sub3A_304, %gather3A_307 : vector<16xf32>
    %broadcast_in_dim3A_309 = arith.constant 1 : i32
    %broadcast_in_dim3A_310 = vector.broadcast %broadcast_in_dim3A_309 : i32 to vector<16xi32>
    %gather3A_311 = tpu.vector_load_idx %arg21[%add3A_14, %broadcast_in_dim3A_310] : memref<128x17xf32, #tpu.memory_space<vmem>>[vector<16xi32>, vector<16xi32>], vector<16xf32>,
    %add3A_312 = arith.addf %add3A_308, %gather3A_311 : vector<16xf32>
    %broadcast_in_dim3A_313 = arith.constant 2 : i32
    %broadcast_in_dim3A_314 = vector.broadcast %broadcast_in_dim3A_313 : i32 to vector<16xi32>
    %gather3A_315 = tpu.vector_load_idx %arg21[%add3A_14, %broadcast_in_dim3A_314] : memref<128x17xf32, #tpu.memory_space<vmem>>[vector<16xi32>, vector<16xi32>], vector<16xf32>,
    %add3A_316 = arith.addf %add3A_312, %gather3A_315 : vector<16xf32>
    %broadcast_in_dim3A_317 = arith.constant 3 : i32
    %broadcast_in_dim3A_318 = vector.broadcast %broadcast_in_dim3A_317 : i32 to vector<16xi32>
    %gather3A_319 = tpu.vector_load_idx %arg21[%add3A_14, %broadcast_in_dim3A_318] : memref<128x17xf32, #tpu.memory_space<vmem>>[vector<16xi32>, vector<16xi32>], vector<16xf32>,
    %add3A_320 = arith.addf %add3A_316, %gather3A_319 : vector<16xf32>
    %broadcast_in_dim3A_321 = arith.constant 4 : i32
    %broadcast_in_dim3A_322 = vector.broadcast %broadcast_in_dim3A_321 : i32 to vector<16xi32>
    %gather3A_323 = tpu.vector_load_idx %arg21[%add3A_14, %broadcast_in_dim3A_322] : memref<128x17xf32, #tpu.memory_space<vmem>>[vector<16xi32>, vector<16xi32>], vector<16xf32>,
    %add3A_324 = arith.addf %add3A_320, %gather3A_323 : vector<16xf32>
    %broadcast_in_dim3A_325 = arith.constant 5 : i32
    %broadcast_in_dim3A_326 = vector.broadcast %broadcast_in_dim3A_325 : i32 to vector<16xi32>
    %gather3A_327 = tpu.vector_load_idx %arg21[%add3A_14, %broadcast_in_dim3A_326] : memref<128x17xf32, #tpu.memory_space<vmem>>[vector<16xi32>, vector<16xi32>], vector<16xf32>,
    %add3A_328 = arith.addf %add3A_324, %gather3A_327 : vector<16xf32>
    %broadcast_in_dim3A_329 = arith.constant 6 : i32
    %broadcast_in_dim3A_330 = vector.broadcast %broadcast_in_dim3A_329 : i32 to vector<16xi32>
    %gather3A_331 = tpu.vector_load_idx %arg21[%add3A_14, %broadcast_in_dim3A_330] : memref<128x17xf32, #tpu.memory_space<vmem>>[vector<16xi32>, vector<16xi32>], vector<16xf32>,
    %add3A_332 = arith.addf %add3A_328, %gather3A_331 : vector<16xf32>
    %broadcast_in_dim3A_333 = arith.constant 7 : i32
    %broadcast_in_dim3A_334 = vector.broadcast %broadcast_in_dim3A_333 : i32 to vector<16xi32>
    %gather3A_335 = tpu.vector_load_idx %arg21[%add3A_14, %broadcast_in_dim3A_334] : memref<128x17xf32, #tpu.memory_space<vmem>>[vector<16xi32>, vector<16xi32>], vector<16xf32>,
    %add3A_336 = arith.addf %add3A_332, %gather3A_335 : vector<16xf32>
    %broadcast_in_dim3A_337 = arith.constant 8 : i32
    %broadcast_in_dim3A_338 = vector.broadcast %broadcast_in_dim3A_337 : i32 to vector<16xi32>
    %gather3A_339 = tpu.vector_load_idx %arg21[%add3A_14, %broadcast_in_dim3A_338] : memref<128x17xf32, #tpu.memory_space<vmem>>[vector<16xi32>, vector<16xi32>], vector<16xf32>,
    %add3A_340 = arith.addf %add3A_336, %gather3A_339 : vector<16xf32>
    %broadcast_in_dim3A_341 = arith.constant 9 : i32
    %broadcast_in_dim3A_342 = vector.broadcast %broadcast_in_dim3A_341 : i32 to vector<16xi32>
    %gather3A_343 = tpu.vector_load_idx %arg21[%add3A_14, %broadcast_in_dim3A_342] : memref<128x17xf32, #tpu.memory_space<vmem>>[vector<16xi32>, vector<16xi32>], vector<16xf32>,
    %add3A_344 = arith.addf %add3A_340, %gather3A_343 : vector<16xf32>
    %broadcast_in_dim3A_345 = arith.constant 10 : i32
    %broadcast_in_dim3A_346 = vector.broadcast %broadcast_in_dim3A_345 : i32 to vector<16xi32>
    %gather3A_347 = tpu.vector_load_idx %arg21[%add3A_14, %broadcast_in_dim3A_346] : memref<128x17xf32, #tpu.memory_space<vmem>>[vector<16xi32>, vector<16xi32>], vector<16xf32>,
    %add3A_348 = arith.addf %add3A_344, %gather3A_347 : vector<16xf32>
    %broadcast_in_dim3A_349 = arith.constant 11 : i32
    %broadcast_in_dim3A_350 = vector.broadcast %broadcast_in_dim3A_349 : i32 to vector<16xi32>
    %gather3A_351 = tpu.vector_load_idx %arg21[%add3A_14, %broadcast_in_dim3A_350] : memref<128x17xf32, #tpu.memory_space<vmem>>[vector<16xi32>, vector<16xi32>], vector<16xf32>,
    %add3A_352 = arith.addf %add3A_348, %gather3A_351 : vector<16xf32>
    %broadcast_in_dim3A_353 = arith.constant 12 : i32
    %broadcast_in_dim3A_354 = vector.broadcast %broadcast_in_dim3A_353 : i32 to vector<16xi32>
    %gather3A_355 = tpu.vector_load_idx %arg21[%add3A_14, %broadcast_in_dim3A_354] : memref<128x17xf32, #tpu.memory_space<vmem>>[vector<16xi32>, vector<16xi32>], vector<16xf32>,
    %add3A_356 = arith.addf %add3A_352, %gather3A_355 : vector<16xf32>
    %broadcast_in_dim3A_357 = arith.constant 13 : i32
    %broadcast_in_dim3A_358 = vector.broadcast %broadcast_in_dim3A_357 : i32 to vector<16xi32>
    %gather3A_359 = tpu.vector_load_idx %arg21[%add3A_14, %broadcast_in_dim3A_358] : memref<128x17xf32, #tpu.memory_space<vmem>>[vector<16xi32>, vector<16xi32>], vector<16xf32>,
    %add3A_360 = arith.addf %add3A_356, %gather3A_359 : vector<16xf32>
    %broadcast_in_dim3A_361 = arith.constant 14 : i32
    %broadcast_in_dim3A_362 = vector.broadcast %broadcast_in_dim3A_361 : i32 to vector<16xi32>
    %gather3A_363 = tpu.vector_load_idx %arg21[%add3A_14, %broadcast_in_dim3A_362] : memref<128x17xf32, #tpu.memory_space<vmem>>[vector<16xi32>, vector<16xi32>], vector<16xf32>,
    %add3A_364 = arith.addf %add3A_360, %gather3A_363 : vector<16xf32>
    %broadcast_in_dim3A_365 = arith.constant 15 : i32
    %broadcast_in_dim3A_366 = vector.broadcast %broadcast_in_dim3A_365 : i32 to vector<16xi32>
    %gather3A_367 = tpu.vector_load_idx %arg21[%add3A_14, %broadcast_in_dim3A_366] : memref<128x17xf32, #tpu.memory_space<vmem>>[vector<16xi32>, vector<16xi32>], vector<16xf32>,
    %add3A_368 = arith.addf %add3A_364, %gather3A_367 : vector<16xf32>
    %swap3A_369 = arith.constant 48 : index
    %swap3A_370 = tpu.vector_load %arg20[%swap3A_369] {strides = array<i32>} : memref<512xf32, #tpu.memory_space<vmem>>, vector<16xf32>,
    tpu.vector_store %arg20[%swap3A_369], %add3A_368 {strides = array<i32>} : memref<512xf32, #tpu.memory_space<vmem>>, vector<16xf32>,
    %get3A_371 = arith.constant 64 : index
    %get3A_372 = tpu.vector_load %arg12[%get3A_371] {strides = array<i32>} : memref<512xf32, #tpu.memory_space<vmem>>, vector<16xf32>,
    %get3A_373 = arith.constant 64 : index
    %get3A_374 = tpu.vector_load %arg13[%get3A_373] {strides = array<i32>} : memref<512xf32, #tpu.memory_space<vmem>>, vector<16xf32>,
    %sub3A_375 = arith.subf %get3A_372, %get3A_374 : vector<16xf32>
    %broadcast_in_dim3A_376 = arith.constant 0 : i32
    %broadcast_in_dim3A_377 = vector.broadcast %broadcast_in_dim3A_376 : i32 to vector<16xi32>
    %gather3A_378 = tpu.vector_load_idx %arg21[%add3A_17, %broadcast_in_dim3A_377] : memref<128x17xf32, #tpu.memory_space<vmem>>[vector<16xi32>, vector<16xi32>], vector<16xf32>,
    %add3A_379 = arith.addf %sub3A_375, %gather3A_378 : vector<16xf32>
    %broadcast_in_dim3A_380 = arith.constant 1 : i32
    %broadcast_in_dim3A_381 = vector.broadcast %broadcast_in_dim3A_380 : i32 to vector<16xi32>
    %gather3A_382 = tpu.vector_load_idx %arg21[%add3A_17, %broadcast_in_dim3A_381] : memref<128x17xf32, #tpu.memory_space<vmem>>[vector<16xi32>, vector<16xi32>], vector<16xf32>,
    %add3A_383 = arith.addf %add3A_379, %gather3A_382 : vector<16xf32>
    %broadcast_in_dim3A_384 = arith.constant 2 : i32
    %broadcast_in_dim3A_385 = vector.broadcast %broadcast_in_dim3A_384 : i32 to vector<16xi32>
    %gather3A_386 = tpu.vector_load_idx %arg21[%add3A_17, %broadcast_in_dim3A_385] : memref<128x17xf32, #tpu.memory_space<vmem>>[vector<16xi32>, vector<16xi32>], vector<16xf32>,
    %add3A_387 = arith.addf %add3A_383, %gather3A_386 : vector<16xf32>
    %broadcast_in_dim3A_388 = arith.constant 3 : i32
    %broadcast_in_dim3A_389 = vector.broadcast %broadcast_in_dim3A_388 : i32 to vector<16xi32>
    %gather3A_390 = tpu.vector_load_idx %arg21[%add3A_17, %broadcast_in_dim3A_389] : memref<128x17xf32, #tpu.memory_space<vmem>>[vector<16xi32>, vector<16xi32>], vector<16xf32>,
    %add3A_391 = arith.addf %add3A_387, %gather3A_390 : vector<16xf32>
    %broadcast_in_dim3A_392 = arith.constant 4 : i32
    %broadcast_in_dim3A_393 = vector.broadcast %broadcast_in_dim3A_392 : i32 to vector<16xi32>
    %gather3A_394 = tpu.vector_load_idx %arg21[%add3A_17, %broadcast_in_dim3A_393] : memref<128x17xf32, #tpu.memory_space<vmem>>[vector<16xi32>, vector<16xi32>], vector<16xf32>,
    %add3A_395 = arith.addf %add3A_391, %gather3A_394 : vector<16xf32>
    %broadcast_in_dim3A_396 = arith.constant 5 : i32
    %broadcast_in_dim3A_397 = vector.broadcast %broadcast_in_dim3A_396 : i32 to vector<16xi32>
    %gather3A_398 = tpu.vector_load_idx %arg21[%add3A_17, %broadcast_in_dim3A_397] : memref<128x17xf32, #tpu.memory_space<vmem>>[vector<16xi32>, vector<16xi32>], vector<16xf32>,
    %add3A_399 = arith.addf %add3A_395, %gather3A_398 : vector<16xf32>
    %broadcast_in_dim3A_400 = arith.constant 6 : i32
    %broadcast_in_dim3A_401 = vector.broadcast %broadcast_in_dim3A_400 : i32 to vector<16xi32>
    %gather3A_402 = tpu.vector_load_idx %arg21[%add3A_17, %broadcast_in_dim3A_401] : memref<128x17xf32, #tpu.memory_space<vmem>>[vector<16xi32>, vector<16xi32>], vector<16xf32>,
    %add3A_403 = arith.addf %add3A_399, %gather3A_402 : vector<16xf32>
    %broadcast_in_dim3A_404 = arith.constant 7 : i32
    %broadcast_in_dim3A_405 = vector.broadcast %broadcast_in_dim3A_404 : i32 to vector<16xi32>
    %gather3A_406 = tpu.vector_load_idx %arg21[%add3A_17, %broadcast_in_dim3A_405] : memref<128x17xf32, #tpu.memory_space<vmem>>[vector<16xi32>, vector<16xi32>], vector<16xf32>,
    %add3A_407 = arith.addf %add3A_403, %gather3A_406 : vector<16xf32>
    %broadcast_in_dim3A_408 = arith.constant 8 : i32
    %broadcast_in_dim3A_409 = vector.broadcast %broadcast_in_dim3A_408 : i32 to vector<16xi32>
    %gather3A_410 = tpu.vector_load_idx %arg21[%add3A_17, %broadcast_in_dim3A_409] : memref<128x17xf32, #tpu.memory_space<vmem>>[vector<16xi32>, vector<16xi32>], vector<16xf32>,
    %add3A_411 = arith.addf %add3A_407, %gather3A_410 : vector<16xf32>
    %broadcast_in_dim3A_412 = arith.constant 9 : i32
    %broadcast_in_dim3A_413 = vector.broadcast %broadcast_in_dim3A_412 : i32 to vector<16xi32>
    %gather3A_414 = tpu.vector_load_idx %arg21[%add3A_17, %broadcast_in_dim3A_413] : memref<128x17xf32, #tpu.memory_space<vmem>>[vector<16xi32>, vector<16xi32>], vector<16xf32>,
    %add3A_415 = arith.addf %add3A_411, %gather3A_414 : vector<16xf32>
    %broadcast_in_dim3A_416 = arith.constant 10 : i32
    %broadcast_in_dim3A_417 = vector.broadcast %broadcast_in_dim3A_416 : i32 to vector<16xi32>
    %gather3A_418 = tpu.vector_load_idx %arg21[%add3A_17, %broadcast_in_dim3A_417] : memref<128x17xf32, #tpu.memory_space<vmem>>[vector<16xi32>, vector<16xi32>], vector<16xf32>,
    %add3A_419 = arith.addf %add3A_415, %gather3A_418 : vector<16xf32>
    %broadcast_in_dim3A_420 = arith.constant 11 : i32
    %broadcast_in_dim3A_421 = vector.broadcast %broadcast_in_dim3A_420 : i32 to vector<16xi32>
    %gather3A_422 = tpu.vector_load_idx %arg21[%add3A_17, %broadcast_in_dim3A_421] : memref<128x17xf32, #tpu.memory_space<vmem>>[vector<16xi32>, vector<16xi32>], vector<16xf32>,
    %add3A_423 = arith.addf %add3A_419, %gather3A_422 : vector<16xf32>
    %broadcast_in_dim3A_424 = arith.constant 12 : i32
    %broadcast_in_dim3A_425 = vector.broadcast %broadcast_in_dim3A_424 : i32 to vector<16xi32>
    %gather3A_426 = tpu.vector_load_idx %arg21[%add3A_17, %broadcast_in_dim3A_425] : memref<128x17xf32, #tpu.memory_space<vmem>>[vector<16xi32>, vector<16xi32>], vector<16xf32>,
    %add3A_427 = arith.addf %add3A_423, %gather3A_426 : vector<16xf32>
    %broadcast_in_dim3A_428 = arith.constant 13 : i32
    %broadcast_in_dim3A_429 = vector.broadcast %broadcast_in_dim3A_428 : i32 to vector<16xi32>
    %gather3A_430 = tpu.vector_load_idx %arg21[%add3A_17, %broadcast_in_dim3A_429] : memref<128x17xf32, #tpu.memory_space<vmem>>[vector<16xi32>, vector<16xi32>], vector<16xf32>,
    %add3A_431 = arith.addf %add3A_427, %gather3A_430 : vector<16xf32>
    %broadcast_in_dim3A_432 = arith.constant 14 : i32
    %broadcast_in_dim3A_433 = vector.broadcast %broadcast_in_dim3A_432 : i32 to vector<16xi32>
    %gather3A_434 = tpu.vector_load_idx %arg21[%add3A_17, %broadcast_in_dim3A_433] : memref<128x17xf32, #tpu.memory_space<vmem>>[vector<16xi32>, vector<16xi32>], vector<16xf32>,
    %add3A_435 = arith.addf %add3A_431, %gather3A_434 : vector<16xf32>
    %broadcast_in_dim3A_436 = arith.constant 15 : i32
    %broadcast_in_dim3A_437 = vector.broadcast %broadcast_in_dim3A_436 : i32 to vector<16xi32>
    %gather3A_438 = tpu.vector_load_idx %arg21[%add3A_17, %broadcast_in_dim3A_437] : memref<128x17xf32, #tpu.memory_space<vmem>>[vector<16xi32>, vector<16xi32>], vector<16xf32>,
    %add3A_439 = arith.addf %add3A_435, %gather3A_438 : vector<16xf32>
    %swap3A_440 = arith.constant 64 : index
    %swap3A_441 = tpu.vector_load %arg20[%swap3A_440] {strides = array<i32>} : memref<512xf32, #tpu.memory_space<vmem>>, vector<16xf32>,
    tpu.vector_store %arg20[%swap3A_440], %add3A_439 {strides = array<i32>} : memref<512xf32, #tpu.memory_space<vmem>>, vector<16xf32>,
    %get3A_442 = arith.constant 80 : index
    %get3A_443 = tpu.vector_load %arg12[%get3A_442] {strides = array<i32>} : memref<512xf32, #tpu.memory_space<vmem>>, vector<16xf32>,
    %get3A_444 = arith.constant 80 : index
    %get3A_445 = tpu.vector_load %arg13[%get3A_444] {strides = array<i32>} : memref<512xf32, #tpu.memory_space<vmem>>, vector<16xf32>,
    %sub3A_446 = arith.subf %get3A_443, %get3A_445 : vector<16xf32>
    %broadcast_in_dim3A_447 = arith.constant 0 : i32
    %broadcast_in_dim3A_448 = vector.broadcast %broadcast_in_dim3A_447 : i32 to vector<16xi32>
    %gather3A_449 = tpu.vector_load_idx %arg21[%add3A_20, %broadcast_in_dim3A_448] : memref<128x17xf32, #tpu.memory_space<vmem>>[vector<16xi32>, vector<16xi32>], vector<16xf32>,
    %add3A_450 = arith.addf %sub3A_446, %gather3A_449 : vector<16xf32>
    %broadcast_in_dim3A_451 = arith.constant 1 : i32
    %broadcast_in_dim3A_452 = vector.broadcast %broadcast_in_dim3A_451 : i32 to vector<16xi32>
    %gather3A_453 = tpu.vector_load_idx %arg21[%add3A_20, %broadcast_in_dim3A_452] : memref<128x17xf32, #tpu.memory_space<vmem>>[vector<16xi32>, vector<16xi32>], vector<16xf32>,
    %add3A_454 = arith.addf %add3A_450, %gather3A_453 : vector<16xf32>
    %broadcast_in_dim3A_455 = arith.constant 2 : i32
    %broadcast_in_dim3A_456 = vector.broadcast %broadcast_in_dim3A_455 : i32 to vector<16xi32>
    %gather3A_457 = tpu.vector_load_idx %arg21[%add3A_20, %broadcast_in_dim3A_456] : memref<128x17xf32, #tpu.memory_space<vmem>>[vector<16xi32>, vector<16xi32>], vector<16xf32>,
    %add3A_458 = arith.addf %add3A_454, %gather3A_457 : vector<16xf32>
    %broadcast_in_dim3A_459 = arith.constant 3 : i32
    %broadcast_in_dim3A_460 = vector.broadcast %broadcast_in_dim3A_459 : i32 to vector<16xi32>
    %gather3A_461 = tpu.vector_load_idx %arg21[%add3A_20, %broadcast_in_dim3A_460] : memref<128x17xf32, #tpu.memory_space<vmem>>[vector<16xi32>, vector<16xi32>], vector<16xf32>,
    %add3A_462 = arith.addf %add3A_458, %gather3A_461 : vector<16xf32>
    %broadcast_in_dim3A_463 = arith.constant 4 : i32
    %broadcast_in_dim3A_464 = vector.broadcast %broadcast_in_dim3A_463 : i32 to vector<16xi32>
    %gather3A_465 = tpu.vector_load_idx %arg21[%add3A_20, %broadcast_in_dim3A_464] : memref<128x17xf32, #tpu.memory_space<vmem>>[vector<16xi32>, vector<16xi32>], vector<16xf32>,
    %add3A_466 = arith.addf %add3A_462, %gather3A_465 : vector<16xf32>
    %broadcast_in_dim3A_467 = arith.constant 5 : i32
    %broadcast_in_dim3A_468 = vector.broadcast %broadcast_in_dim3A_467 : i32 to vector<16xi32>
    %gather3A_469 = tpu.vector_load_idx %arg21[%add3A_20, %broadcast_in_dim3A_468] : memref<128x17xf32, #tpu.memory_space<vmem>>[vector<16xi32>, vector<16xi32>], vector<16xf32>,
    %add3A_470 = arith.addf %add3A_466, %gather3A_469 : vector<16xf32>
    %broadcast_in_dim3A_471 = arith.constant 6 : i32
    %broadcast_in_dim3A_472 = vector.broadcast %broadcast_in_dim3A_471 : i32 to vector<16xi32>
    %gather3A_473 = tpu.vector_load_idx %arg21[%add3A_20, %broadcast_in_dim3A_472] : memref<128x17xf32, #tpu.memory_space<vmem>>[vector<16xi32>, vector<16xi32>], vector<16xf32>,
    %add3A_474 = arith.addf %add3A_470, %gather3A_473 : vector<16xf32>
    %broadcast_in_dim3A_475 = arith.constant 7 : i32
    %broadcast_in_dim3A_476 = vector.broadcast %broadcast_in_dim3A_475 : i32 to vector<16xi32>
    %gather3A_477 = tpu.vector_load_idx %arg21[%add3A_20, %broadcast_in_dim3A_476] : memref<128x17xf32, #tpu.memory_space<vmem>>[vector<16xi32>, vector<16xi32>], vector<16xf32>,
    %add3A_478 = arith.addf %add3A_474, %gather3A_477 : vector<16xf32>
    %broadcast_in_dim3A_479 = arith.constant 8 : i32
    %broadcast_in_dim3A_480 = vector.broadcast %broadcast_in_dim3A_479 : i32 to vector<16xi32>
    %gather3A_481 = tpu.vector_load_idx %arg21[%add3A_20, %broadcast_in_dim3A_480] : memref<128x17xf32, #tpu.memory_space<vmem>>[vector<16xi32>, vector<16xi32>], vector<16xf32>,
    %add3A_482 = arith.addf %add3A_478, %gather3A_481 : vector<16xf32>
    %broadcast_in_dim3A_483 = arith.constant 9 : i32
    %broadcast_in_dim3A_484 = vector.broadcast %broadcast_in_dim3A_483 : i32 to vector<16xi32>
    %gather3A_485 = tpu.vector_load_idx %arg21[%add3A_20, %broadcast_in_dim3A_484] : memref<128x17xf32, #tpu.memory_space<vmem>>[vector<16xi32>, vector<16xi32>], vector<16xf32>,
    %add3A_486 = arith.addf %add3A_482, %gather3A_485 : vector<16xf32>
    %broadcast_in_dim3A_487 = arith.constant 10 : i32
    %broadcast_in_dim3A_488 = vector.broadcast %broadcast_in_dim3A_487 : i32 to vector<16xi32>
    %gather3A_489 = tpu.vector_load_idx %arg21[%add3A_20, %broadcast_in_dim3A_488] : memref<128x17xf32, #tpu.memory_space<vmem>>[vector<16xi32>, vector<16xi32>], vector<16xf32>,
    %add3A_490 = arith.addf %add3A_486, %gather3A_489 : vector<16xf32>
    %broadcast_in_dim3A_491 = arith.constant 11 : i32
    %broadcast_in_dim3A_492 = vector.broadcast %broadcast_in_dim3A_491 : i32 to vector<16xi32>
    %gather3A_493 = tpu.vector_load_idx %arg21[%add3A_20, %broadcast_in_dim3A_492] : memref<128x17xf32, #tpu.memory_space<vmem>>[vector<16xi32>, vector<16xi32>], vector<16xf32>,
    %add3A_494 = arith.addf %add3A_490, %gather3A_493 : vector<16xf32>
    %broadcast_in_dim3A_495 = arith.constant 12 : i32
    %broadcast_in_dim3A_496 = vector.broadcast %broadcast_in_dim3A_495 : i32 to vector<16xi32>
    %gather3A_497 = tpu.vector_load_idx %arg21[%add3A_20, %broadcast_in_dim3A_496] : memref<128x17xf32, #tpu.memory_space<vmem>>[vector<16xi32>, vector<16xi32>], vector<16xf32>,
    %add3A_498 = arith.addf %add3A_494, %gather3A_497 : vector<16xf32>
    %broadcast_in_dim3A_499 = arith.constant 13 : i32
    %broadcast_in_dim3A_500 = vector.broadcast %broadcast_in_dim3A_499 : i32 to vector<16xi32>
    %gather3A_501 = tpu.vector_load_idx %arg21[%add3A_20, %broadcast_in_dim3A_500] : memref<128x17xf32, #tpu.memory_space<vmem>>[vector<16xi32>, vector<16xi32>], vector<16xf32>,
    %add3A_502 = arith.addf %add3A_498, %gather3A_501 : vector<16xf32>
    %broadcast_in_dim3A_503 = arith.constant 14 : i32
    %broadcast_in_dim3A_504 = vector.broadcast %broadcast_in_dim3A_503 : i32 to vector<16xi32>
    %gather3A_505 = tpu.vector_load_idx %arg21[%add3A_20, %broadcast_in_dim3A_504] : memref<128x17xf32, #tpu.memory_space<vmem>>[vector<16xi32>, vector<16xi32>], vector<16xf32>,
    %add3A_506 = arith.addf %add3A_502, %gather3A_505 : vector<16xf32>
    %broadcast_in_dim3A_507 = arith.constant 15 : i32
    %broadcast_in_dim3A_508 = vector.broadcast %broadcast_in_dim3A_507 : i32 to vector<16xi32>
    %gather3A_509 = tpu.vector_load_idx %arg21[%add3A_20, %broadcast_in_dim3A_508] : memref<128x17xf32, #tpu.memory_space<vmem>>[vector<16xi32>, vector<16xi32>], vector<16xf32>,
    %add3A_510 = arith.addf %add3A_506, %gather3A_509 : vector<16xf32>
    %swap3A_511 = arith.constant 80 : index
    %swap3A_512 = tpu.vector_load %arg20[%swap3A_511] {strides = array<i32>} : memref<512xf32, #tpu.memory_space<vmem>>, vector<16xf32>,
    tpu.vector_store %arg20[%swap3A_511], %add3A_510 {strides = array<i32>} : memref<512xf32, #tpu.memory_space<vmem>>, vector<16xf32>,
    %get3A_513 = arith.constant 96 : index
    %get3A_514 = tpu.vector_load %arg12[%get3A_513] {strides = array<i32>} : memref<512xf32, #tpu.memory_space<vmem>>, vector<16xf32>,
    %get3A_515 = arith.constant 96 : index
    %get3A_516 = tpu.vector_load %arg13[%get3A_515] {strides = array<i32>} : memref<512xf32, #tpu.memory_space<vmem>>, vector<16xf32>,
    %sub3A_517 = arith.subf %get3A_514, %get3A_516 : vector<16xf32>
    %broadcast_in_dim3A_518 = arith.constant 0 : i32
    %broadcast_in_dim3A_519 = vector.broadcast %broadcast_in_dim3A_518 : i32 to vector<16xi32>
    %gather3A_520 = tpu.vector_load_idx %arg21[%add3A_23, %broadcast_in_dim3A_519] : memref<128x17xf32, #tpu.memory_space<vmem>>[vector<16xi32>, vector<16xi32>], vector<16xf32>,
    %add3A_521 = arith.addf %sub3A_517, %gather3A_520 : vector<16xf32>
    %broadcast_in_dim3A_522 = arith.constant 1 : i32
    %broadcast_in_dim3A_523 = vector.broadcast %broadcast_in_dim3A_522 : i32 to vector<16xi32>
    %gather3A_524 = tpu.vector_load_idx %arg21[%add3A_23, %broadcast_in_dim3A_523] : memref<128x17xf32, #tpu.memory_space<vmem>>[vector<16xi32>, vector<16xi32>], vector<16xf32>,
    %add3A_525 = arith.addf %add3A_521, %gather3A_524 : vector<16xf32>
    %broadcast_in_dim3A_526 = arith.constant 2 : i32
    %broadcast_in_dim3A_527 = vector.broadcast %broadcast_in_dim3A_526 : i32 to vector<16xi32>
    %gather3A_528 = tpu.vector_load_idx %arg21[%add3A_23, %broadcast_in_dim3A_527] : memref<128x17xf32, #tpu.memory_space<vmem>>[vector<16xi32>, vector<16xi32>], vector<16xf32>,
    %add3A_529 = arith.addf %add3A_525, %gather3A_528 : vector<16xf32>
    %broadcast_in_dim3A_530 = arith.constant 3 : i32
    %broadcast_in_dim3A_531 = vector.broadcast %broadcast_in_dim3A_530 : i32 to vector<16xi32>
    %gather3A_532 = tpu.vector_load_idx %arg21[%add3A_23, %broadcast_in_dim3A_531] : memref<128x17xf32, #tpu.memory_space<vmem>>[vector<16xi32>, vector<16xi32>], vector<16xf32>,
    %add3A_533 = arith.addf %add3A_529, %gather3A_532 : vector<16xf32>
    %broadcast_in_dim3A_534 = arith.constant 4 : i32
    %broadcast_in_dim3A_535 = vector.broadcast %broadcast_in_dim3A_534 : i32 to vector<16xi32>
    %gather3A_536 = tpu.vector_load_idx %arg21[%add3A_23, %broadcast_in_dim3A_535] : memref<128x17xf32, #tpu.memory_space<vmem>>[vector<16xi32>, vector<16xi32>], vector<16xf32>,
    %add3A_537 = arith.addf %add3A_533, %gather3A_536 : vector<16xf32>
    %broadcast_in_dim3A_538 = arith.constant 5 : i32
    %broadcast_in_dim3A_539 = vector.broadcast %broadcast_in_dim3A_538 : i32 to vector<16xi32>
    %gather3A_540 = tpu.vector_load_idx %arg21[%add3A_23, %broadcast_in_dim3A_539] : memref<128x17xf32, #tpu.memory_space<vmem>>[vector<16xi32>, vector<16xi32>], vector<16xf32>,
    %add3A_541 = arith.addf %add3A_537, %gather3A_540 : vector<16xf32>
    %broadcast_in_dim3A_542 = arith.constant 6 : i32
    %broadcast_in_dim3A_543 = vector.broadcast %broadcast_in_dim3A_542 : i32 to vector<16xi32>
    %gather3A_544 = tpu.vector_load_idx %arg21[%add3A_23, %broadcast_in_dim3A_543] : memref<128x17xf32, #tpu.memory_space<vmem>>[vector<16xi32>, vector<16xi32>], vector<16xf32>,
    %add3A_545 = arith.addf %add3A_541, %gather3A_544 : vector<16xf32>
    %broadcast_in_dim3A_546 = arith.constant 7 : i32
    %broadcast_in_dim3A_547 = vector.broadcast %broadcast_in_dim3A_546 : i32 to vector<16xi32>
    %gather3A_548 = tpu.vector_load_idx %arg21[%add3A_23, %broadcast_in_dim3A_547] : memref<128x17xf32, #tpu.memory_space<vmem>>[vector<16xi32>, vector<16xi32>], vector<16xf32>,
    %add3A_549 = arith.addf %add3A_545, %gather3A_548 : vector<16xf32>
    %broadcast_in_dim3A_550 = arith.constant 8 : i32
    %broadcast_in_dim3A_551 = vector.broadcast %broadcast_in_dim3A_550 : i32 to vector<16xi32>
    %gather3A_552 = tpu.vector_load_idx %arg21[%add3A_23, %broadcast_in_dim3A_551] : memref<128x17xf32, #tpu.memory_space<vmem>>[vector<16xi32>, vector<16xi32>], vector<16xf32>,
    %add3A_553 = arith.addf %add3A_549, %gather3A_552 : vector<16xf32>
    %broadcast_in_dim3A_554 = arith.constant 9 : i32
    %broadcast_in_dim3A_555 = vector.broadcast %broadcast_in_dim3A_554 : i32 to vector<16xi32>
    %gather3A_556 = tpu.vector_load_idx %arg21[%add3A_23, %broadcast_in_dim3A_555] : memref<128x17xf32, #tpu.memory_space<vmem>>[vector<16xi32>, vector<16xi32>], vector<16xf32>,
    %add3A_557 = arith.addf %add3A_553, %gather3A_556 : vector<16xf32>
    %broadcast_in_dim3A_558 = arith.constant 10 : i32
    %broadcast_in_dim3A_559 = vector.broadcast %broadcast_in_dim3A_558 : i32 to vector<16xi32>
    %gather3A_560 = tpu.vector_load_idx %arg21[%add3A_23, %broadcast_in_dim3A_559] : memref<128x17xf32, #tpu.memory_space<vmem>>[vector<16xi32>, vector<16xi32>], vector<16xf32>,
    %add3A_561 = arith.addf %add3A_557, %gather3A_560 : vector<16xf32>
    %broadcast_in_dim3A_562 = arith.constant 11 : i32
    %broadcast_in_dim3A_563 = vector.broadcast %broadcast_in_dim3A_562 : i32 to vector<16xi32>
    %gather3A_564 = tpu.vector_load_idx %arg21[%add3A_23, %broadcast_in_dim3A_563] : memref<128x17xf32, #tpu.memory_space<vmem>>[vector<16xi32>, vector<16xi32>], vector<16xf32>,
    %add3A_565 = arith.addf %add3A_561, %gather3A_564 : vector<16xf32>
    %broadcast_in_dim3A_566 = arith.constant 12 : i32
    %broadcast_in_dim3A_567 = vector.broadcast %broadcast_in_dim3A_566 : i32 to vector<16xi32>
    %gather3A_568 = tpu.vector_load_idx %arg21[%add3A_23, %broadcast_in_dim3A_567] : memref<128x17xf32, #tpu.memory_space<vmem>>[vector<16xi32>, vector<16xi32>], vector<16xf32>,
    %add3A_569 = arith.addf %add3A_565, %gather3A_568 : vector<16xf32>
    %broadcast_in_dim3A_570 = arith.constant 13 : i32
    %broadcast_in_dim3A_571 = vector.broadcast %broadcast_in_dim3A_570 : i32 to vector<16xi32>
    %gather3A_572 = tpu.vector_load_idx %arg21[%add3A_23, %broadcast_in_dim3A_571] : memref<128x17xf32, #tpu.memory_space<vmem>>[vector<16xi32>, vector<16xi32>], vector<16xf32>,
    %add3A_573 = arith.addf %add3A_569, %gather3A_572 : vector<16xf32>
    %broadcast_in_dim3A_574 = arith.constant 14 : i32
    %broadcast_in_dim3A_575 = vector.broadcast %broadcast_in_dim3A_574 : i32 to vector<16xi32>
    %gather3A_576 = tpu.vector_load_idx %arg21[%add3A_23, %broadcast_in_dim3A_575] : memref<128x17xf32, #tpu.memory_space<vmem>>[vector<16xi32>, vector<16xi32>], vector<16xf32>,
    %add3A_577 = arith.addf %add3A_573, %gather3A_576 : vector<16xf32>
    %broadcast_in_dim3A_578 = arith.constant 15 : i32
    %broadcast_in_dim3A_579 = vector.broadcast %broadcast_in_dim3A_578 : i32 to vector<16xi32>
    %gather3A_580 = tpu.vector_load_idx %arg21[%add3A_23, %broadcast_in_dim3A_579] : memref<128x17xf32, #tpu.memory_space<vmem>>[vector<16xi32>, vector<16xi32>], vector<16xf32>,
    %add3A_581 = arith.addf %add3A_577, %gather3A_580 : vector<16xf32>
    %swap3A_582 = arith.constant 96 : index
    %swap3A_583 = tpu.vector_load %arg20[%swap3A_582] {strides = array<i32>} : memref<512xf32, #tpu.memory_space<vmem>>, vector<16xf32>,
    tpu.vector_store %arg20[%swap3A_582], %add3A_581 {strides = array<i32>} : memref<512xf32, #tpu.memory_space<vmem>>, vector<16xf32>,
    %get3A_584 = arith.constant 112 : index
    %get3A_585 = tpu.vector_load %arg12[%get3A_584] {strides = array<i32>} : memref<512xf32, #tpu.memory_space<vmem>>, vector<16xf32>,
    %get3A_586 = arith.constant 112 : index
    %get3A_587 = tpu.vector_load %arg13[%get3A_586] {strides = array<i32>} : memref<512xf32, #tpu.memory_space<vmem>>, vector<16xf32>,
    %sub3A_588 = arith.subf %get3A_585, %get3A_587 : vector<16xf32>
    %broadcast_in_dim3A_589 = arith.constant 0 : i32
    %broadcast_in_dim3A_590 = vector.broadcast %broadcast_in_dim3A_589 : i32 to vector<16xi32>
    %gather3A_591 = tpu.vector_load_idx %arg21[%add3A_26, %broadcast_in_dim3A_590] : memref<128x17xf32, #tpu.memory_space<vmem>>[vector<16xi32>, vector<16xi32>], vector<16xf32>,
    %add3A_592 = arith.addf %sub3A_588, %gather3A_591 : vector<16xf32>
    %broadcast_in_dim3A_593 = arith.constant 1 : i32
    %broadcast_in_dim3A_594 = vector.broadcast %broadcast_in_dim3A_593 : i32 to vector<16xi32>
    %gather3A_595 = tpu.vector_load_idx %arg21[%add3A_26, %broadcast_in_dim3A_594] : memref<128x17xf32, #tpu.memory_space<vmem>>[vector<16xi32>, vector<16xi32>], vector<16xf32>,
    %add3A_596 = arith.addf %add3A_592, %gather3A_595 : vector<16xf32>
    %broadcast_in_dim3A_597 = arith.constant 2 : i32
    %broadcast_in_dim3A_598 = vector.broadcast %broadcast_in_dim3A_597 : i32 to vector<16xi32>
    %gather3A_599 = tpu.vector_load_idx %arg21[%add3A_26, %broadcast_in_dim3A_598] : memref<128x17xf32, #tpu.memory_space<vmem>>[vector<16xi32>, vector<16xi32>], vector<16xf32>,
    %add3A_600 = arith.addf %add3A_596, %gather3A_599 : vector<16xf32>
    %broadcast_in_dim3A_601 = arith.constant 3 : i32
    %broadcast_in_dim3A_602 = vector.broadcast %broadcast_in_dim3A_601 : i32 to vector<16xi32>
    %gather3A_603 = tpu.vector_load_idx %arg21[%add3A_26, %broadcast_in_dim3A_602] : memref<128x17xf32, #tpu.memory_space<vmem>>[vector<16xi32>, vector<16xi32>], vector<16xf32>,
    %add3A_604 = arith.addf %add3A_600, %gather3A_603 : vector<16xf32>
    %broadcast_in_dim3A_605 = arith.constant 4 : i32
    %broadcast_in_dim3A_606 = vector.broadcast %broadcast_in_dim3A_605 : i32 to vector<16xi32>
    %gather3A_607 = tpu.vector_load_idx %arg21[%add3A_26, %broadcast_in_dim3A_606] : memref<128x17xf32, #tpu.memory_space<vmem>>[vector<16xi32>, vector<16xi32>], vector<16xf32>,
    %add3A_608 = arith.addf %add3A_604, %gather3A_607 : vector<16xf32>
    %broadcast_in_dim3A_609 = arith.constant 5 : i32
    %broadcast_in_dim3A_610 = vector.broadcast %broadcast_in_dim3A_609 : i32 to vector<16xi32>
    %gather3A_611 = tpu.vector_load_idx %arg21[%add3A_26, %broadcast_in_dim3A_610] : memref<128x17xf32, #tpu.memory_space<vmem>>[vector<16xi32>, vector<16xi32>], vector<16xf32>,
    %add3A_612 = arith.addf %add3A_608, %gather3A_611 : vector<16xf32>
    %broadcast_in_dim3A_613 = arith.constant 6 : i32
    %broadcast_in_dim3A_614 = vector.broadcast %broadcast_in_dim3A_613 : i32 to vector<16xi32>
    %gather3A_615 = tpu.vector_load_idx %arg21[%add3A_26, %broadcast_in_dim3A_614] : memref<128x17xf32, #tpu.memory_space<vmem>>[vector<16xi32>, vector<16xi32>], vector<16xf32>,
    %add3A_616 = arith.addf %add3A_612, %gather3A_615 : vector<16xf32>
    %broadcast_in_dim3A_617 = arith.constant 7 : i32
    %broadcast_in_dim3A_618 = vector.broadcast %broadcast_in_dim3A_617 : i32 to vector<16xi32>
    %gather3A_619 = tpu.vector_load_idx %arg21[%add3A_26, %broadcast_in_dim3A_618] : memref<128x17xf32, #tpu.memory_space<vmem>>[vector<16xi32>, vector<16xi32>], vector<16xf32>,
    %add3A_620 = arith.addf %add3A_616, %gather3A_619 : vector<16xf32>
    %broadcast_in_dim3A_621 = arith.constant 8 : i32
    %broadcast_in_dim3A_622 = vector.broadcast %broadcast_in_dim3A_621 : i32 to vector<16xi32>
    %gather3A_623 = tpu.vector_load_idx %arg21[%add3A_26, %broadcast_in_dim3A_622] : memref<128x17xf32, #tpu.memory_space<vmem>>[vector<16xi32>, vector<16xi32>], vector<16xf32>,
    %add3A_624 = arith.addf %add3A_620, %gather3A_623 : vector<16xf32>
    %broadcast_in_dim3A_625 = arith.constant 9 : i32
    %broadcast_in_dim3A_626 = vector.broadcast %broadcast_in_dim3A_625 : i32 to vector<16xi32>
    %gather3A_627 = tpu.vector_load_idx %arg21[%add3A_26, %broadcast_in_dim3A_626] : memref<128x17xf32, #tpu.memory_space<vmem>>[vector<16xi32>, vector<16xi32>], vector<16xf32>,
    %add3A_628 = arith.addf %add3A_624, %gather3A_627 : vector<16xf32>
    %broadcast_in_dim3A_629 = arith.constant 10 : i32
    %broadcast_in_dim3A_630 = vector.broadcast %broadcast_in_dim3A_629 : i32 to vector<16xi32>
    %gather3A_631 = tpu.vector_load_idx %arg21[%add3A_26, %broadcast_in_dim3A_630] : memref<128x17xf32, #tpu.memory_space<vmem>>[vector<16xi32>, vector<16xi32>], vector<16xf32>,
    %add3A_632 = arith.addf %add3A_628, %gather3A_631 : vector<16xf32>
    %broadcast_in_dim3A_633 = arith.constant 11 : i32
    %broadcast_in_dim3A_634 = vector.broadcast %broadcast_in_dim3A_633 : i32 to vector<16xi32>
    %gather3A_635 = tpu.vector_load_idx %arg21[%add3A_26, %broadcast_in_dim3A_634] : memref<128x17xf32, #tpu.memory_space<vmem>>[vector<16xi32>, vector<16xi32>], vector<16xf32>,
    %add3A_636 = arith.addf %add3A_632, %gather3A_635 : vector<16xf32>
    %broadcast_in_dim3A_637 = arith.constant 12 : i32
    %broadcast_in_dim3A_638 = vector.broadcast %broadcast_in_dim3A_637 : i32 to vector<16xi32>
    %gather3A_639 = tpu.vector_load_idx %arg21[%add3A_26, %broadcast_in_dim3A_638] : memref<128x17xf32, #tpu.memory_space<vmem>>[vector<16xi32>, vector<16xi32>], vector<16xf32>,
    %add3A_640 = arith.addf %add3A_636, %gather3A_639 : vector<16xf32>
    %broadcast_in_dim3A_641 = arith.constant 13 : i32
    %broadcast_in_dim3A_642 = vector.broadcast %broadcast_in_dim3A_641 : i32 to vector<16xi32>
    %gather3A_643 = tpu.vector_load_idx %arg21[%add3A_26, %broadcast_in_dim3A_642] : memref<128x17xf32, #tpu.memory_space<vmem>>[vector<16xi32>, vector<16xi32>], vector<16xf32>,
    %add3A_644 = arith.addf %add3A_640, %gather3A_643 : vector<16xf32>
    %broadcast_in_dim3A_645 = arith.constant 14 : i32
    %broadcast_in_dim3A_646 = vector.broadcast %broadcast_in_dim3A_645 : i32 to vector<16xi32>
    %gather3A_647 = tpu.vector_load_idx %arg21[%add3A_26, %broadcast_in_dim3A_646] : memref<128x17xf32, #tpu.memory_space<vmem>>[vector<16xi32>, vector<16xi32>], vector<16xf32>,
    %add3A_648 = arith.addf %add3A_644, %gather3A_647 : vector<16xf32>
    %broadcast_in_dim3A_649 = arith.constant 15 : i32
    %broadcast_in_dim3A_650 = vector.broadcast %broadcast_in_dim3A_649 : i32 to vector<16xi32>
    %gather3A_651 = tpu.vector_load_idx %arg21[%add3A_26, %broadcast_in_dim3A_650] : memref<128x17xf32, #tpu.memory_space<vmem>>[vector<16xi32>, vector<16xi32>], vector<16xf32>,
    %add3A_652 = arith.addf %add3A_648, %gather3A_651 : vector<16xf32>
    %swap3A_653 = arith.constant 112 : index
    %swap3A_654 = tpu.vector_load %arg20[%swap3A_653] {strides = array<i32>} : memref<512xf32, #tpu.memory_space<vmem>>, vector<16xf32>,
    tpu.vector_store %arg20[%swap3A_653], %add3A_652 {strides = array<i32>} : memref<512xf32, #tpu.memory_space<vmem>>, vector<16xf32>,
    %dma_start3A_655 = arith.constant 256 : i32
    %dma_start3A_656 = tpu.memref_slice %arg9[%dma_start3A_655] : memref<512xi32, #tpu.memory_space<vmem>> -> memref<128xi32, #tpu.memory_space<vmem>>
    %dma_start3A_657 = arith.constant 0 : i32
    %dma_start3A_658 = arith.constant 0 : i32
    %dma_start3A_659 = tpu.memref_slice %arg6[%dma_start3A_657, %dma_start3A_658] : memref<100000x128xf32, #tpu.memory_space<hbm>> -> memref<100000x128xf32, #tpu.memory_space<hbm>>
    tpu.enqueue_indirect_dma source(%dma_start3A_659 : memref<100000x128xf32, #tpu.memory_space<hbm>>) target(%arg14 : memref<128x128xf32, #tpu.memory_space<vmem>>) offsets(%dma_start3A_656 : memref<128xi32, #tpu.memory_space<vmem>>) semaphore(%arg22 : memref<!tpu.dma_semaphore, #tpu.memory_space<semaphore_mem>>)
    %dma_start3A_660 = arith.constant 256 : i32
    %dma_start3A_661 = tpu.memref_slice %arg10[%dma_start3A_660] : memref<512xi32, #tpu.memory_space<vmem>> -> memref<128xi32, #tpu.memory_space<vmem>>
    %dma_start3A_662 = arith.constant 0 : i32
    %dma_start3A_663 = arith.constant 0 : i32
    %dma_start3A_664 = tpu.memref_slice %arg7[%dma_start3A_662, %dma_start3A_663] : memref<100000x128xf32, #tpu.memory_space<hbm>> -> memref<100000x128xf32, #tpu.memory_space<hbm>>
    tpu.enqueue_indirect_dma source(%dma_start3A_664 : memref<100000x128xf32, #tpu.memory_space<hbm>>) target(%arg15 : memref<128x128xf32, #tpu.memory_space<vmem>>) offsets(%dma_start3A_661 : memref<128xi32, #tpu.memory_space<vmem>>) semaphore(%arg22 : memref<!tpu.dma_semaphore, #tpu.memory_space<semaphore_mem>>)
    %dma_start3A_665 = arith.constant 256 : i32
    %dma_start3A_666 = tpu.memref_slice %arg11[%dma_start3A_665] : memref<512xi32, #tpu.memory_space<vmem>> -> memref<128xi32, #tpu.memory_space<vmem>>
    %dma_start3A_667 = arith.constant 0 : i32
    %dma_start3A_668 = arith.constant 0 : i32
    %dma_start3A_669 = tpu.memref_slice %arg7[%dma_start3A_667, %dma_start3A_668] : memref<100000x128xf32, #tpu.memory_space<hbm>> -> memref<100000x128xf32, #tpu.memory_space<hbm>>
    tpu.enqueue_indirect_dma source(%dma_start3A_669 : memref<100000x128xf32, #tpu.memory_space<hbm>>) target(%arg16 : memref<128x128xf32, #tpu.memory_space<vmem>>) offsets(%dma_start3A_666 : memref<128xi32, #tpu.memory_space<vmem>>) semaphore(%arg22 : memref<!tpu.dma_semaphore, #tpu.memory_space<semaphore_mem>>)
    %dma_wait3A_670 = arith.constant 128 : i32
    %dma_wait3A_671 = tpu.memref_slice %arg9[%dma_wait3A_670] : memref<512xi32, #tpu.memory_space<vmem>> -> memref<128xi32, #tpu.memory_space<vmem>>
    %dma_wait3A_672 = arith.constant 0 : i32
    %dma_wait3A_673 = arith.constant 0 : i32
    %dma_wait3A_674 = tpu.memref_slice %arg6[%dma_wait3A_672, %dma_wait3A_673] : memref<100000x128xf32, #tpu.memory_space<hbm>> -> memref<100000x128xf32, #tpu.memory_space<hbm>>
    tpu.wait_indirect_dma semaphore(%arg23 : memref<!tpu.dma_semaphore, #tpu.memory_space<semaphore_mem>>) src(%dma_wait3A_674 : memref<100000x128xf32, #tpu.memory_space<hbm>>) dst(%arg17 : memref<128x128xf32, #tpu.memory_space<vmem>>)
    %dma_wait3A_675 = arith.constant 128 : i32
    %dma_wait3A_676 = tpu.memref_slice %arg10[%dma_wait3A_675] : memref<512xi32, #tpu.memory_space<vmem>> -> memref<128xi32, #tpu.memory_space<vmem>>
    %dma_wait3A_677 = arith.constant 0 : i32
    %dma_wait3A_678 = arith.constant 0 : i32
    %dma_wait3A_679 = tpu.memref_slice %arg7[%dma_wait3A_677, %dma_wait3A_678] : memref<100000x128xf32, #tpu.memory_space<hbm>> -> memref<100000x128xf32, #tpu.memory_space<hbm>>
    tpu.wait_indirect_dma semaphore(%arg23 : memref<!tpu.dma_semaphore, #tpu.memory_space<semaphore_mem>>) src(%dma_wait3A_679 : memref<100000x128xf32, #tpu.memory_space<hbm>>) dst(%arg18 : memref<128x128xf32, #tpu.memory_space<vmem>>)
    %dma_wait3A_680 = arith.constant 128 : i32
    %dma_wait3A_681 = tpu.memref_slice %arg11[%dma_wait3A_680] : memref<512xi32, #tpu.memory_space<vmem>> -> memref<128xi32, #tpu.memory_space<vmem>>
    %dma_wait3A_682 = arith.constant 0 : i32
    %dma_wait3A_683 = arith.constant 0 : i32
    %dma_wait3A_684 = tpu.memref_slice %arg7[%dma_wait3A_682, %dma_wait3A_683] : memref<100000x128xf32, #tpu.memory_space<hbm>> -> memref<100000x128xf32, #tpu.memory_space<hbm>>
    tpu.wait_indirect_dma semaphore(%arg23 : memref<!tpu.dma_semaphore, #tpu.memory_space<semaphore_mem>>) src(%dma_wait3A_684 : memref<100000x128xf32, #tpu.memory_space<hbm>>) dst(%arg19 : memref<128x128xf32, #tpu.memory_space<vmem>>)
    %parallel_loop3A_685 = arith.constant 0 : i32
    %parallel_loop3A_686 = arith.constant 128 : i32
    %parallel_loop3A_687 = arith.constant 1 : i32
    scf.for %parallel_loop3A_2443 = %parallel_loop3A_685 to %parallel_loop3A_686 step %parallel_loop3A_687  : i32 {
      %parallel_loop3A_2444 = arith.index_cast %parallel_loop3A_2443 : i32 to index
      %parallel_loop3A_2445 = arith.constant 0 : index
      %parallel_loop3A_2446 = tpu.vector_load %arg17[%parallel_loop3A_2444, %parallel_loop3A_2445] {strides = array<i32>} : memref<128x128xf32, #tpu.memory_space<vmem>>, vector<16xf32>,
      %parallel_loop3A_2447 = arith.index_cast %parallel_loop3A_2443 : i32 to index
      %parallel_loop3A_2448 = arith.constant 0 : index
      %parallel_loop3A_2449 = tpu.vector_load %arg18[%parallel_loop3A_2447, %parallel_loop3A_2448] {strides = array<i32>} : memref<128x128xf32, #tpu.memory_space<vmem>>, vector<16xf32>,
      %parallel_loop3A_2450 = arith.index_cast %parallel_loop3A_2443 : i32 to index
      %parallel_loop3A_2451 = arith.constant 0 : index
      %parallel_loop3A_2452 = tpu.vector_load %arg19[%parallel_loop3A_2450, %parallel_loop3A_2451] {strides = array<i32>} : memref<128x128xf32, #tpu.memory_space<vmem>>, vector<16xf32>,
      %parallel_loop3A_2453 = arith.subf %parallel_loop3A_2449, %parallel_loop3A_2452 : vector<16xf32>
      %parallel_loop3A_2454 = arith.mulf %parallel_loop3A_2446, %parallel_loop3A_2453 : vector<16xf32>
      %parallel_loop3A_2455 = arith.index_cast %parallel_loop3A_2443 : i32 to index
      %parallel_loop3A_2456 = arith.constant 16 : index
      %parallel_loop3A_2457 = tpu.vector_load %arg17[%parallel_loop3A_2455, %parallel_loop3A_2456] {strides = array<i32>} : memref<128x128xf32, #tpu.memory_space<vmem>>, vector<16xf32>,
      %parallel_loop3A_2458 = arith.index_cast %parallel_loop3A_2443 : i32 to index
      %parallel_loop3A_2459 = arith.constant 16 : index
      %parallel_loop3A_2460 = tpu.vector_load %arg18[%parallel_loop3A_2458, %parallel_loop3A_2459] {strides = array<i32>} : memref<128x128xf32, #tpu.memory_space<vmem>>, vector<16xf32>,
      %parallel_loop3A_2461 = arith.index_cast %parallel_loop3A_2443 : i32 to index
      %parallel_loop3A_2462 = arith.constant 16 : index
      %parallel_loop3A_2463 = tpu.vector_load %arg19[%parallel_loop3A_2461, %parallel_loop3A_2462] {strides = array<i32>} : memref<128x128xf32, #tpu.memory_space<vmem>>, vector<16xf32>,
      %parallel_loop3A_2464 = arith.subf %parallel_loop3A_2460, %parallel_loop3A_2463 : vector<16xf32>
      %parallel_loop3A_2465 = arith.mulf %parallel_loop3A_2457, %parallel_loop3A_2464 : vector<16xf32>
      %parallel_loop3A_2466 = arith.index_cast %parallel_loop3A_2443 : i32 to index
      %parallel_loop3A_2467 = arith.constant 32 : index
      %parallel_loop3A_2468 = tpu.vector_load %arg17[%parallel_loop3A_2466, %parallel_loop3A_2467] {strides = array<i32>} : memref<128x128xf32, #tpu.memory_space<vmem>>, vector<16xf32>,
      %parallel_loop3A_2469 = arith.index_cast %parallel_loop3A_2443 : i32 to index
      %parallel_loop3A_2470 = arith.constant 32 : index
      %parallel_loop3A_2471 = tpu.vector_load %arg18[%parallel_loop3A_2469, %parallel_loop3A_2470] {strides = array<i32>} : memref<128x128xf32, #tpu.memory_space<vmem>>, vector<16xf32>,
      %parallel_loop3A_2472 = arith.index_cast %parallel_loop3A_2443 : i32 to index
      %parallel_loop3A_2473 = arith.constant 32 : index
      %parallel_loop3A_2474 = tpu.vector_load %arg19[%parallel_loop3A_2472, %parallel_loop3A_2473] {strides = array<i32>} : memref<128x128xf32, #tpu.memory_space<vmem>>, vector<16xf32>,
      %parallel_loop3A_2475 = arith.subf %parallel_loop3A_2471, %parallel_loop3A_2474 : vector<16xf32>
      %parallel_loop3A_2476 = arith.mulf %parallel_loop3A_2468, %parallel_loop3A_2475 : vector<16xf32>
      %parallel_loop3A_2477 = arith.index_cast %parallel_loop3A_2443 : i32 to index
      %parallel_loop3A_2478 = arith.constant 48 : index
      %parallel_loop3A_2479 = tpu.vector_load %arg17[%parallel_loop3A_2477, %parallel_loop3A_2478] {strides = array<i32>} : memref<128x128xf32, #tpu.memory_space<vmem>>, vector<16xf32>,
      %parallel_loop3A_2480 = arith.index_cast %parallel_loop3A_2443 : i32 to index
      %parallel_loop3A_2481 = arith.constant 48 : index
      %parallel_loop3A_2482 = tpu.vector_load %arg18[%parallel_loop3A_2480, %parallel_loop3A_2481] {strides = array<i32>} : memref<128x128xf32, #tpu.memory_space<vmem>>, vector<16xf32>,
      %parallel_loop3A_2483 = arith.index_cast %parallel_loop3A_2443 : i32 to index
      %parallel_loop3A_2484 = arith.constant 48 : index
      %parallel_loop3A_2485 = tpu.vector_load %arg19[%parallel_loop3A_2483, %parallel_loop3A_2484] {strides = array<i32>} : memref<128x128xf32, #tpu.memory_space<vmem>>, vector<16xf32>,
      %parallel_loop3A_2486 = arith.subf %parallel_loop3A_2482, %parallel_loop3A_2485 : vector<16xf32>
      %parallel_loop3A_2487 = arith.mulf %parallel_loop3A_2479, %parallel_loop3A_2486 : vector<16xf32>
      %parallel_loop3A_2488 = arith.index_cast %parallel_loop3A_2443 : i32 to index
      %parallel_loop3A_2489 = arith.constant 64 : index
      %parallel_loop3A_2490 = tpu.vector_load %arg17[%parallel_loop3A_2488, %parallel_loop3A_2489] {strides = array<i32>} : memref<128x128xf32, #tpu.memory_space<vmem>>, vector<16xf32>,
      %parallel_loop3A_2491 = arith.index_cast %parallel_loop3A_2443 : i32 to index
      %parallel_loop3A_2492 = arith.constant 64 : index
      %parallel_loop3A_2493 = tpu.vector_load %arg18[%parallel_loop3A_2491, %parallel_loop3A_2492] {strides = array<i32>} : memref<128x128xf32, #tpu.memory_space<vmem>>, vector<16xf32>,
      %parallel_loop3A_2494 = arith.index_cast %parallel_loop3A_2443 : i32 to index
      %parallel_loop3A_2495 = arith.constant 64 : index
      %parallel_loop3A_2496 = tpu.vector_load %arg19[%parallel_loop3A_2494, %parallel_loop3A_2495] {strides = array<i32>} : memref<128x128xf32, #tpu.memory_space<vmem>>, vector<16xf32>,
      %parallel_loop3A_2497 = arith.subf %parallel_loop3A_2493, %parallel_loop3A_2496 : vector<16xf32>
      %parallel_loop3A_2498 = arith.mulf %parallel_loop3A_2490, %parallel_loop3A_2497 : vector<16xf32>
      %parallel_loop3A_2499 = arith.index_cast %parallel_loop3A_2443 : i32 to index
      %parallel_loop3A_2500 = arith.constant 80 : index
      %parallel_loop3A_2501 = tpu.vector_load %arg17[%parallel_loop3A_2499, %parallel_loop3A_2500] {strides = array<i32>} : memref<128x128xf32, #tpu.memory_space<vmem>>, vector<16xf32>,
      %parallel_loop3A_2502 = arith.index_cast %parallel_loop3A_2443 : i32 to index
      %parallel_loop3A_2503 = arith.constant 80 : index
      %parallel_loop3A_2504 = tpu.vector_load %arg18[%parallel_loop3A_2502, %parallel_loop3A_2503] {strides = array<i32>} : memref<128x128xf32, #tpu.memory_space<vmem>>, vector<16xf32>,
      %parallel_loop3A_2505 = arith.index_cast %parallel_loop3A_2443 : i32 to index
      %parallel_loop3A_2506 = arith.constant 80 : index
      %parallel_loop3A_2507 = tpu.vector_load %arg19[%parallel_loop3A_2505, %parallel_loop3A_2506] {strides = array<i32>} : memref<128x128xf32, #tpu.memory_space<vmem>>, vector<16xf32>,
      %parallel_loop3A_2508 = arith.subf %parallel_loop3A_2504, %parallel_loop3A_2507 : vector<16xf32>
      %parallel_loop3A_2509 = arith.mulf %parallel_loop3A_2501, %parallel_loop3A_2508 : vector<16xf32>
      %parallel_loop3A_2510 = arith.index_cast %parallel_loop3A_2443 : i32 to index
      %parallel_loop3A_2511 = arith.constant 96 : index
      %parallel_loop3A_2512 = tpu.vector_load %arg17[%parallel_loop3A_2510, %parallel_loop3A_2511] {strides = array<i32>} : memref<128x128xf32, #tpu.memory_space<vmem>>, vector<16xf32>,
      %parallel_loop3A_2513 = arith.index_cast %parallel_loop3A_2443 : i32 to index
      %parallel_loop3A_2514 = arith.constant 96 : index
      %parallel_loop3A_2515 = tpu.vector_load %arg18[%parallel_loop3A_2513, %parallel_loop3A_2514] {strides = array<i32>} : memref<128x128xf32, #tpu.memory_space<vmem>>, vector<16xf32>,
      %parallel_loop3A_2516 = arith.index_cast %parallel_loop3A_2443 : i32 to index
      %parallel_loop3A_2517 = arith.constant 96 : index
      %parallel_loop3A_2518 = tpu.vector_load %arg19[%parallel_loop3A_2516, %parallel_loop3A_2517] {strides = array<i32>} : memref<128x128xf32, #tpu.memory_space<vmem>>, vector<16xf32>,
      %parallel_loop3A_2519 = arith.subf %parallel_loop3A_2515, %parallel_loop3A_2518 : vector<16xf32>
      %parallel_loop3A_2520 = arith.mulf %parallel_loop3A_2512, %parallel_loop3A_2519 : vector<16xf32>
      %parallel_loop3A_2521 = arith.index_cast %parallel_loop3A_2443 : i32 to index
      %parallel_loop3A_2522 = arith.constant 112 : index
      %parallel_loop3A_2523 = tpu.vector_load %arg17[%parallel_loop3A_2521, %parallel_loop3A_2522] {strides = array<i32>} : memref<128x128xf32, #tpu.memory_space<vmem>>, vector<16xf32>,
      %parallel_loop3A_2524 = arith.index_cast %parallel_loop3A_2443 : i32 to index
      %parallel_loop3A_2525 = arith.constant 112 : index
      %parallel_loop3A_2526 = tpu.vector_load %arg18[%parallel_loop3A_2524, %parallel_loop3A_2525] {strides = array<i32>} : memref<128x128xf32, #tpu.memory_space<vmem>>, vector<16xf32>,
      %parallel_loop3A_2527 = arith.index_cast %parallel_loop3A_2443 : i32 to index
      %parallel_loop3A_2528 = arith.constant 112 : index
      %parallel_loop3A_2529 = tpu.vector_load %arg19[%parallel_loop3A_2527, %parallel_loop3A_2528] {strides = array<i32>} : memref<128x128xf32, #tpu.memory_space<vmem>>, vector<16xf32>,
      %parallel_loop3A_2530 = arith.subf %parallel_loop3A_2526, %parallel_loop3A_2529 : vector<16xf32>
      %parallel_loop3A_2531 = arith.mulf %parallel_loop3A_2523, %parallel_loop3A_2530 : vector<16xf32>
      %parallel_loop3A_2532 = arith.addf %parallel_loop3A_2454, %parallel_loop3A_2465 : vector<16xf32>
      %parallel_loop3A_2533 = arith.addf %parallel_loop3A_2476, %parallel_loop3A_2487 : vector<16xf32>
      %parallel_loop3A_2534 = arith.addf %parallel_loop3A_2498, %parallel_loop3A_2509 : vector<16xf32>
      %parallel_loop3A_2535 = arith.addf %parallel_loop3A_2520, %parallel_loop3A_2531 : vector<16xf32>
      %parallel_loop3A_2536 = arith.addf %parallel_loop3A_2532, %parallel_loop3A_2533 : vector<16xf32>
      %parallel_loop3A_2537 = arith.addf %parallel_loop3A_2534, %parallel_loop3A_2535 : vector<16xf32>
      %parallel_loop3A_2538 = arith.addf %parallel_loop3A_2536, %parallel_loop3A_2537 : vector<16xf32>
      %parallel_loop3A_2539 = arith.index_cast %parallel_loop3A_2443 : i32 to index
      %parallel_loop3A_2540 = arith.constant 0 : index
      %parallel_loop3A_2541 = tpu.vector_load %arg21[%parallel_loop3A_2539, %parallel_loop3A_2540] {strides = array<i32>} : memref<128x17xf32, #tpu.memory_space<vmem>>, vector<16xf32>,
      tpu.vector_store %arg21[%parallel_loop3A_2539, %parallel_loop3A_2540], %parallel_loop3A_2538 {strides = array<i32>} : memref<128x17xf32, #tpu.memory_space<vmem>>, vector<16xf32>,
    } {sc.loop_unroll_factor = 2 : i64, sc.parallel_access}
    %get3A_688 = arith.constant 128 : index
    %get3A_689 = tpu.vector_load %arg12[%get3A_688] {strides = array<i32>} : memref<512xf32, #tpu.memory_space<vmem>>, vector<16xf32>,
    %get3A_690 = arith.constant 128 : index
    %get3A_691 = tpu.vector_load %arg13[%get3A_690] {strides = array<i32>} : memref<512xf32, #tpu.memory_space<vmem>>, vector<16xf32>,
    %sub3A_692 = arith.subf %get3A_689, %get3A_691 : vector<16xf32>
    %broadcast_in_dim3A_693 = arith.constant 0 : i32
    %broadcast_in_dim3A_694 = vector.broadcast %broadcast_in_dim3A_693 : i32 to vector<16xi32>
    %gather3A_695 = tpu.vector_load_idx %arg21[%add3A_5, %broadcast_in_dim3A_694] : memref<128x17xf32, #tpu.memory_space<vmem>>[vector<16xi32>, vector<16xi32>], vector<16xf32>,
    %add3A_696 = arith.addf %sub3A_692, %gather3A_695 : vector<16xf32>
    %broadcast_in_dim3A_697 = arith.constant 1 : i32
    %broadcast_in_dim3A_698 = vector.broadcast %broadcast_in_dim3A_697 : i32 to vector<16xi32>
    %gather3A_699 = tpu.vector_load_idx %arg21[%add3A_5, %broadcast_in_dim3A_698] : memref<128x17xf32, #tpu.memory_space<vmem>>[vector<16xi32>, vector<16xi32>], vector<16xf32>,
    %add3A_700 = arith.addf %add3A_696, %gather3A_699 : vector<16xf32>
    %broadcast_in_dim3A_701 = arith.constant 2 : i32
    %broadcast_in_dim3A_702 = vector.broadcast %broadcast_in_dim3A_701 : i32 to vector<16xi32>
    %gather3A_703 = tpu.vector_load_idx %arg21[%add3A_5, %broadcast_in_dim3A_702] : memref<128x17xf32, #tpu.memory_space<vmem>>[vector<16xi32>, vector<16xi32>], vector<16xf32>,
    %add3A_704 = arith.addf %add3A_700, %gather3A_703 : vector<16xf32>
    %broadcast_in_dim3A_705 = arith.constant 3 : i32
    %broadcast_in_dim3A_706 = vector.broadcast %broadcast_in_dim3A_705 : i32 to vector<16xi32>
    %gather3A_707 = tpu.vector_load_idx %arg21[%add3A_5, %broadcast_in_dim3A_706] : memref<128x17xf32, #tpu.memory_space<vmem>>[vector<16xi32>, vector<16xi32>], vector<16xf32>,
    %add3A_708 = arith.addf %add3A_704, %gather3A_707 : vector<16xf32>
    %broadcast_in_dim3A_709 = arith.constant 4 : i32
    %broadcast_in_dim3A_710 = vector.broadcast %broadcast_in_dim3A_709 : i32 to vector<16xi32>
    %gather3A_711 = tpu.vector_load_idx %arg21[%add3A_5, %broadcast_in_dim3A_710] : memref<128x17xf32, #tpu.memory_space<vmem>>[vector<16xi32>, vector<16xi32>], vector<16xf32>,
    %add3A_712 = arith.addf %add3A_708, %gather3A_711 : vector<16xf32>
    %broadcast_in_dim3A_713 = arith.constant 5 : i32
    %broadcast_in_dim3A_714 = vector.broadcast %broadcast_in_dim3A_713 : i32 to vector<16xi32>
    %gather3A_715 = tpu.vector_load_idx %arg21[%add3A_5, %broadcast_in_dim3A_714] : memref<128x17xf32, #tpu.memory_space<vmem>>[vector<16xi32>, vector<16xi32>], vector<16xf32>,
    %add3A_716 = arith.addf %add3A_712, %gather3A_715 : vector<16xf32>
    %broadcast_in_dim3A_717 = arith.constant 6 : i32
    %broadcast_in_dim3A_718 = vector.broadcast %broadcast_in_dim3A_717 : i32 to vector<16xi32>
    %gather3A_719 = tpu.vector_load_idx %arg21[%add3A_5, %broadcast_in_dim3A_718] : memref<128x17xf32, #tpu.memory_space<vmem>>[vector<16xi32>, vector<16xi32>], vector<16xf32>,
    %add3A_720 = arith.addf %add3A_716, %gather3A_719 : vector<16xf32>
    %broadcast_in_dim3A_721 = arith.constant 7 : i32
    %broadcast_in_dim3A_722 = vector.broadcast %broadcast_in_dim3A_721 : i32 to vector<16xi32>
    %gather3A_723 = tpu.vector_load_idx %arg21[%add3A_5, %broadcast_in_dim3A_722] : memref<128x17xf32, #tpu.memory_space<vmem>>[vector<16xi32>, vector<16xi32>], vector<16xf32>,
    %add3A_724 = arith.addf %add3A_720, %gather3A_723 : vector<16xf32>
    %broadcast_in_dim3A_725 = arith.constant 8 : i32
    %broadcast_in_dim3A_726 = vector.broadcast %broadcast_in_dim3A_725 : i32 to vector<16xi32>
    %gather3A_727 = tpu.vector_load_idx %arg21[%add3A_5, %broadcast_in_dim3A_726] : memref<128x17xf32, #tpu.memory_space<vmem>>[vector<16xi32>, vector<16xi32>], vector<16xf32>,
    %add3A_728 = arith.addf %add3A_724, %gather3A_727 : vector<16xf32>
    %broadcast_in_dim3A_729 = arith.constant 9 : i32
    %broadcast_in_dim3A_730 = vector.broadcast %broadcast_in_dim3A_729 : i32 to vector<16xi32>
    %gather3A_731 = tpu.vector_load_idx %arg21[%add3A_5, %broadcast_in_dim3A_730] : memref<128x17xf32, #tpu.memory_space<vmem>>[vector<16xi32>, vector<16xi32>], vector<16xf32>,
    %add3A_732 = arith.addf %add3A_728, %gather3A_731 : vector<16xf32>
    %broadcast_in_dim3A_733 = arith.constant 10 : i32
    %broadcast_in_dim3A_734 = vector.broadcast %broadcast_in_dim3A_733 : i32 to vector<16xi32>
    %gather3A_735 = tpu.vector_load_idx %arg21[%add3A_5, %broadcast_in_dim3A_734] : memref<128x17xf32, #tpu.memory_space<vmem>>[vector<16xi32>, vector<16xi32>], vector<16xf32>,
    %add3A_736 = arith.addf %add3A_732, %gather3A_735 : vector<16xf32>
    %broadcast_in_dim3A_737 = arith.constant 11 : i32
    %broadcast_in_dim3A_738 = vector.broadcast %broadcast_in_dim3A_737 : i32 to vector<16xi32>
    %gather3A_739 = tpu.vector_load_idx %arg21[%add3A_5, %broadcast_in_dim3A_738] : memref<128x17xf32, #tpu.memory_space<vmem>>[vector<16xi32>, vector<16xi32>], vector<16xf32>,
    %add3A_740 = arith.addf %add3A_736, %gather3A_739 : vector<16xf32>
    %broadcast_in_dim3A_741 = arith.constant 12 : i32
    %broadcast_in_dim3A_742 = vector.broadcast %broadcast_in_dim3A_741 : i32 to vector<16xi32>
    %gather3A_743 = tpu.vector_load_idx %arg21[%add3A_5, %broadcast_in_dim3A_742] : memref<128x17xf32, #tpu.memory_space<vmem>>[vector<16xi32>, vector<16xi32>], vector<16xf32>,
    %add3A_744 = arith.addf %add3A_740, %gather3A_743 : vector<16xf32>
    %broadcast_in_dim3A_745 = arith.constant 13 : i32
    %broadcast_in_dim3A_746 = vector.broadcast %broadcast_in_dim3A_745 : i32 to vector<16xi32>
    %gather3A_747 = tpu.vector_load_idx %arg21[%add3A_5, %broadcast_in_dim3A_746] : memref<128x17xf32, #tpu.memory_space<vmem>>[vector<16xi32>, vector<16xi32>], vector<16xf32>,
    %add3A_748 = arith.addf %add3A_744, %gather3A_747 : vector<16xf32>
    %broadcast_in_dim3A_749 = arith.constant 14 : i32
    %broadcast_in_dim3A_750 = vector.broadcast %broadcast_in_dim3A_749 : i32 to vector<16xi32>
    %gather3A_751 = tpu.vector_load_idx %arg21[%add3A_5, %broadcast_in_dim3A_750] : memref<128x17xf32, #tpu.memory_space<vmem>>[vector<16xi32>, vector<16xi32>], vector<16xf32>,
    %add3A_752 = arith.addf %add3A_748, %gather3A_751 : vector<16xf32>
    %broadcast_in_dim3A_753 = arith.constant 15 : i32
    %broadcast_in_dim3A_754 = vector.broadcast %broadcast_in_dim3A_753 : i32 to vector<16xi32>
    %gather3A_755 = tpu.vector_load_idx %arg21[%add3A_5, %broadcast_in_dim3A_754] : memref<128x17xf32, #tpu.memory_space<vmem>>[vector<16xi32>, vector<16xi32>], vector<16xf32>,
    %add3A_756 = arith.addf %add3A_752, %gather3A_755 : vector<16xf32>
    %swap3A_757 = arith.constant 128 : index
    %swap3A_758 = tpu.vector_load %arg20[%swap3A_757] {strides = array<i32>} : memref<512xf32, #tpu.memory_space<vmem>>, vector<16xf32>,
    tpu.vector_store %arg20[%swap3A_757], %add3A_756 {strides = array<i32>} : memref<512xf32, #tpu.memory_space<vmem>>, vector<16xf32>,
    %get3A_759 = arith.constant 144 : index
    %get3A_760 = tpu.vector_load %arg12[%get3A_759] {strides = array<i32>} : memref<512xf32, #tpu.memory_space<vmem>>, vector<16xf32>,
    %get3A_761 = arith.constant 144 : index
    %get3A_762 = tpu.vector_load %arg13[%get3A_761] {strides = array<i32>} : memref<512xf32, #tpu.memory_space<vmem>>, vector<16xf32>,
    %sub3A_763 = arith.subf %get3A_760, %get3A_762 : vector<16xf32>
    %broadcast_in_dim3A_764 = arith.constant 0 : i32
    %broadcast_in_dim3A_765 = vector.broadcast %broadcast_in_dim3A_764 : i32 to vector<16xi32>
    %gather3A_766 = tpu.vector_load_idx %arg21[%add3A_8, %broadcast_in_dim3A_765] : memref<128x17xf32, #tpu.memory_space<vmem>>[vector<16xi32>, vector<16xi32>], vector<16xf32>,
    %add3A_767 = arith.addf %sub3A_763, %gather3A_766 : vector<16xf32>
    %broadcast_in_dim3A_768 = arith.constant 1 : i32
    %broadcast_in_dim3A_769 = vector.broadcast %broadcast_in_dim3A_768 : i32 to vector<16xi32>
    %gather3A_770 = tpu.vector_load_idx %arg21[%add3A_8, %broadcast_in_dim3A_769] : memref<128x17xf32, #tpu.memory_space<vmem>>[vector<16xi32>, vector<16xi32>], vector<16xf32>,
    %add3A_771 = arith.addf %add3A_767, %gather3A_770 : vector<16xf32>
    %broadcast_in_dim3A_772 = arith.constant 2 : i32
    %broadcast_in_dim3A_773 = vector.broadcast %broadcast_in_dim3A_772 : i32 to vector<16xi32>
    %gather3A_774 = tpu.vector_load_idx %arg21[%add3A_8, %broadcast_in_dim3A_773] : memref<128x17xf32, #tpu.memory_space<vmem>>[vector<16xi32>, vector<16xi32>], vector<16xf32>,
    %add3A_775 = arith.addf %add3A_771, %gather3A_774 : vector<16xf32>
    %broadcast_in_dim3A_776 = arith.constant 3 : i32
    %broadcast_in_dim3A_777 = vector.broadcast %broadcast_in_dim3A_776 : i32 to vector<16xi32>
    %gather3A_778 = tpu.vector_load_idx %arg21[%add3A_8, %broadcast_in_dim3A_777] : memref<128x17xf32, #tpu.memory_space<vmem>>[vector<16xi32>, vector<16xi32>], vector<16xf32>,
    %add3A_779 = arith.addf %add3A_775, %gather3A_778 : vector<16xf32>
    %broadcast_in_dim3A_780 = arith.constant 4 : i32
    %broadcast_in_dim3A_781 = vector.broadcast %broadcast_in_dim3A_780 : i32 to vector<16xi32>
    %gather3A_782 = tpu.vector_load_idx %arg21[%add3A_8, %broadcast_in_dim3A_781] : memref<128x17xf32, #tpu.memory_space<vmem>>[vector<16xi32>, vector<16xi32>], vector<16xf32>,
    %add3A_783 = arith.addf %add3A_779, %gather3A_782 : vector<16xf32>
    %broadcast_in_dim3A_784 = arith.constant 5 : i32
    %broadcast_in_dim3A_785 = vector.broadcast %broadcast_in_dim3A_784 : i32 to vector<16xi32>
    %gather3A_786 = tpu.vector_load_idx %arg21[%add3A_8, %broadcast_in_dim3A_785] : memref<128x17xf32, #tpu.memory_space<vmem>>[vector<16xi32>, vector<16xi32>], vector<16xf32>,
    %add3A_787 = arith.addf %add3A_783, %gather3A_786 : vector<16xf32>
    %broadcast_in_dim3A_788 = arith.constant 6 : i32
    %broadcast_in_dim3A_789 = vector.broadcast %broadcast_in_dim3A_788 : i32 to vector<16xi32>
    %gather3A_790 = tpu.vector_load_idx %arg21[%add3A_8, %broadcast_in_dim3A_789] : memref<128x17xf32, #tpu.memory_space<vmem>>[vector<16xi32>, vector<16xi32>], vector<16xf32>,
    %add3A_791 = arith.addf %add3A_787, %gather3A_790 : vector<16xf32>
    %broadcast_in_dim3A_792 = arith.constant 7 : i32
    %broadcast_in_dim3A_793 = vector.broadcast %broadcast_in_dim3A_792 : i32 to vector<16xi32>
    %gather3A_794 = tpu.vector_load_idx %arg21[%add3A_8, %broadcast_in_dim3A_793] : memref<128x17xf32, #tpu.memory_space<vmem>>[vector<16xi32>, vector<16xi32>], vector<16xf32>,
    %add3A_795 = arith.addf %add3A_791, %gather3A_794 : vector<16xf32>
    %broadcast_in_dim3A_796 = arith.constant 8 : i32
    %broadcast_in_dim3A_797 = vector.broadcast %broadcast_in_dim3A_796 : i32 to vector<16xi32>
    %gather3A_798 = tpu.vector_load_idx %arg21[%add3A_8, %broadcast_in_dim3A_797] : memref<128x17xf32, #tpu.memory_space<vmem>>[vector<16xi32>, vector<16xi32>], vector<16xf32>,
    %add3A_799 = arith.addf %add3A_795, %gather3A_798 : vector<16xf32>
    %broadcast_in_dim3A_800 = arith.constant 9 : i32
    %broadcast_in_dim3A_801 = vector.broadcast %broadcast_in_dim3A_800 : i32 to vector<16xi32>
    %gather3A_802 = tpu.vector_load_idx %arg21[%add3A_8, %broadcast_in_dim3A_801] : memref<128x17xf32, #tpu.memory_space<vmem>>[vector<16xi32>, vector<16xi32>], vector<16xf32>,
    %add3A_803 = arith.addf %add3A_799, %gather3A_802 : vector<16xf32>
    %broadcast_in_dim3A_804 = arith.constant 10 : i32
    %broadcast_in_dim3A_805 = vector.broadcast %broadcast_in_dim3A_804 : i32 to vector<16xi32>
    %gather3A_806 = tpu.vector_load_idx %arg21[%add3A_8, %broadcast_in_dim3A_805] : memref<128x17xf32, #tpu.memory_space<vmem>>[vector<16xi32>, vector<16xi32>], vector<16xf32>,
    %add3A_807 = arith.addf %add3A_803, %gather3A_806 : vector<16xf32>
    %broadcast_in_dim3A_808 = arith.constant 11 : i32
    %broadcast_in_dim3A_809 = vector.broadcast %broadcast_in_dim3A_808 : i32 to vector<16xi32>
    %gather3A_810 = tpu.vector_load_idx %arg21[%add3A_8, %broadcast_in_dim3A_809] : memref<128x17xf32, #tpu.memory_space<vmem>>[vector<16xi32>, vector<16xi32>], vector<16xf32>,
    %add3A_811 = arith.addf %add3A_807, %gather3A_810 : vector<16xf32>
    %broadcast_in_dim3A_812 = arith.constant 12 : i32
    %broadcast_in_dim3A_813 = vector.broadcast %broadcast_in_dim3A_812 : i32 to vector<16xi32>
    %gather3A_814 = tpu.vector_load_idx %arg21[%add3A_8, %broadcast_in_dim3A_813] : memref<128x17xf32, #tpu.memory_space<vmem>>[vector<16xi32>, vector<16xi32>], vector<16xf32>,
    %add3A_815 = arith.addf %add3A_811, %gather3A_814 : vector<16xf32>
    %broadcast_in_dim3A_816 = arith.constant 13 : i32
    %broadcast_in_dim3A_817 = vector.broadcast %broadcast_in_dim3A_816 : i32 to vector<16xi32>
    %gather3A_818 = tpu.vector_load_idx %arg21[%add3A_8, %broadcast_in_dim3A_817] : memref<128x17xf32, #tpu.memory_space<vmem>>[vector<16xi32>, vector<16xi32>], vector<16xf32>,
    %add3A_819 = arith.addf %add3A_815, %gather3A_818 : vector<16xf32>
    %broadcast_in_dim3A_820 = arith.constant 14 : i32
    %broadcast_in_dim3A_821 = vector.broadcast %broadcast_in_dim3A_820 : i32 to vector<16xi32>
    %gather3A_822 = tpu.vector_load_idx %arg21[%add3A_8, %broadcast_in_dim3A_821] : memref<128x17xf32, #tpu.memory_space<vmem>>[vector<16xi32>, vector<16xi32>], vector<16xf32>,
    %add3A_823 = arith.addf %add3A_819, %gather3A_822 : vector<16xf32>
    %broadcast_in_dim3A_824 = arith.constant 15 : i32
    %broadcast_in_dim3A_825 = vector.broadcast %broadcast_in_dim3A_824 : i32 to vector<16xi32>
    %gather3A_826 = tpu.vector_load_idx %arg21[%add3A_8, %broadcast_in_dim3A_825] : memref<128x17xf32, #tpu.memory_space<vmem>>[vector<16xi32>, vector<16xi32>], vector<16xf32>,
    %add3A_827 = arith.addf %add3A_823, %gather3A_826 : vector<16xf32>
    %swap3A_828 = arith.constant 144 : index
    %swap3A_829 = tpu.vector_load %arg20[%swap3A_828] {strides = array<i32>} : memref<512xf32, #tpu.memory_space<vmem>>, vector<16xf32>,
    tpu.vector_store %arg20[%swap3A_828], %add3A_827 {strides = array<i32>} : memref<512xf32, #tpu.memory_space<vmem>>, vector<16xf32>,
    %get3A_830 = arith.constant 160 : index
    %get3A_831 = tpu.vector_load %arg12[%get3A_830] {strides = array<i32>} : memref<512xf32, #tpu.memory_space<vmem>>, vector<16xf32>,
    %get3A_832 = arith.constant 160 : index
    %get3A_833 = tpu.vector_load %arg13[%get3A_832] {strides = array<i32>} : memref<512xf32, #tpu.memory_space<vmem>>, vector<16xf32>,
    %sub3A_834 = arith.subf %get3A_831, %get3A_833 : vector<16xf32>
    %broadcast_in_dim3A_835 = arith.constant 0 : i32
    %broadcast_in_dim3A_836 = vector.broadcast %broadcast_in_dim3A_835 : i32 to vector<16xi32>
    %gather3A_837 = tpu.vector_load_idx %arg21[%add3A_11, %broadcast_in_dim3A_836] : memref<128x17xf32, #tpu.memory_space<vmem>>[vector<16xi32>, vector<16xi32>], vector<16xf32>,
    %add3A_838 = arith.addf %sub3A_834, %gather3A_837 : vector<16xf32>
    %broadcast_in_dim3A_839 = arith.constant 1 : i32
    %broadcast_in_dim3A_840 = vector.broadcast %broadcast_in_dim3A_839 : i32 to vector<16xi32>
    %gather3A_841 = tpu.vector_load_idx %arg21[%add3A_11, %broadcast_in_dim3A_840] : memref<128x17xf32, #tpu.memory_space<vmem>>[vector<16xi32>, vector<16xi32>], vector<16xf32>,
    %add3A_842 = arith.addf %add3A_838, %gather3A_841 : vector<16xf32>
    %broadcast_in_dim3A_843 = arith.constant 2 : i32
    %broadcast_in_dim3A_844 = vector.broadcast %broadcast_in_dim3A_843 : i32 to vector<16xi32>
    %gather3A_845 = tpu.vector_load_idx %arg21[%add3A_11, %broadcast_in_dim3A_844] : memref<128x17xf32, #tpu.memory_space<vmem>>[vector<16xi32>, vector<16xi32>], vector<16xf32>,
    %add3A_846 = arith.addf %add3A_842, %gather3A_845 : vector<16xf32>
    %broadcast_in_dim3A_847 = arith.constant 3 : i32
    %broadcast_in_dim3A_848 = vector.broadcast %broadcast_in_dim3A_847 : i32 to vector<16xi32>
    %gather3A_849 = tpu.vector_load_idx %arg21[%add3A_11, %broadcast_in_dim3A_848] : memref<128x17xf32, #tpu.memory_space<vmem>>[vector<16xi32>, vector<16xi32>], vector<16xf32>,
    %add3A_850 = arith.addf %add3A_846, %gather3A_849 : vector<16xf32>
    %broadcast_in_dim3A_851 = arith.constant 4 : i32
    %broadcast_in_dim3A_852 = vector.broadcast %broadcast_in_dim3A_851 : i32 to vector<16xi32>
    %gather3A_853 = tpu.vector_load_idx %arg21[%add3A_11, %broadcast_in_dim3A_852] : memref<128x17xf32, #tpu.memory_space<vmem>>[vector<16xi32>, vector<16xi32>], vector<16xf32>,
    %add3A_854 = arith.addf %add3A_850, %gather3A_853 : vector<16xf32>
    %broadcast_in_dim3A_855 = arith.constant 5 : i32
    %broadcast_in_dim3A_856 = vector.broadcast %broadcast_in_dim3A_855 : i32 to vector<16xi32>
    %gather3A_857 = tpu.vector_load_idx %arg21[%add3A_11, %broadcast_in_dim3A_856] : memref<128x17xf32, #tpu.memory_space<vmem>>[vector<16xi32>, vector<16xi32>], vector<16xf32>,
    %add3A_858 = arith.addf %add3A_854, %gather3A_857 : vector<16xf32>
    %broadcast_in_dim3A_859 = arith.constant 6 : i32
    %broadcast_in_dim3A_860 = vector.broadcast %broadcast_in_dim3A_859 : i32 to vector<16xi32>
    %gather3A_861 = tpu.vector_load_idx %arg21[%add3A_11, %broadcast_in_dim3A_860] : memref<128x17xf32, #tpu.memory_space<vmem>>[vector<16xi32>, vector<16xi32>], vector<16xf32>,
    %add3A_862 = arith.addf %add3A_858, %gather3A_861 : vector<16xf32>
    %broadcast_in_dim3A_863 = arith.constant 7 : i32
    %broadcast_in_dim3A_864 = vector.broadcast %broadcast_in_dim3A_863 : i32 to vector<16xi32>
    %gather3A_865 = tpu.vector_load_idx %arg21[%add3A_11, %broadcast_in_dim3A_864] : memref<128x17xf32, #tpu.memory_space<vmem>>[vector<16xi32>, vector<16xi32>], vector<16xf32>,
    %add3A_866 = arith.addf %add3A_862, %gather3A_865 : vector<16xf32>
    %broadcast_in_dim3A_867 = arith.constant 8 : i32
    %broadcast_in_dim3A_868 = vector.broadcast %broadcast_in_dim3A_867 : i32 to vector<16xi32>
    %gather3A_869 = tpu.vector_load_idx %arg21[%add3A_11, %broadcast_in_dim3A_868] : memref<128x17xf32, #tpu.memory_space<vmem>>[vector<16xi32>, vector<16xi32>], vector<16xf32>,
    %add3A_870 = arith.addf %add3A_866, %gather3A_869 : vector<16xf32>
    %broadcast_in_dim3A_871 = arith.constant 9 : i32
    %broadcast_in_dim3A_872 = vector.broadcast %broadcast_in_dim3A_871 : i32 to vector<16xi32>
    %gather3A_873 = tpu.vector_load_idx %arg21[%add3A_11, %broadcast_in_dim3A_872] : memref<128x17xf32, #tpu.memory_space<vmem>>[vector<16xi32>, vector<16xi32>], vector<16xf32>,
    %add3A_874 = arith.addf %add3A_870, %gather3A_873 : vector<16xf32>
    %broadcast_in_dim3A_875 = arith.constant 10 : i32
    %broadcast_in_dim3A_876 = vector.broadcast %broadcast_in_dim3A_875 : i32 to vector<16xi32>
    %gather3A_877 = tpu.vector_load_idx %arg21[%add3A_11, %broadcast_in_dim3A_876] : memref<128x17xf32, #tpu.memory_space<vmem>>[vector<16xi32>, vector<16xi32>], vector<16xf32>,
    %add3A_878 = arith.addf %add3A_874, %gather3A_877 : vector<16xf32>
    %broadcast_in_dim3A_879 = arith.constant 11 : i32
    %broadcast_in_dim3A_880 = vector.broadcast %broadcast_in_dim3A_879 : i32 to vector<16xi32>
    %gather3A_881 = tpu.vector_load_idx %arg21[%add3A_11, %broadcast_in_dim3A_880] : memref<128x17xf32, #tpu.memory_space<vmem>>[vector<16xi32>, vector<16xi32>], vector<16xf32>,
    %add3A_882 = arith.addf %add3A_878, %gather3A_881 : vector<16xf32>
    %broadcast_in_dim3A_883 = arith.constant 12 : i32
    %broadcast_in_dim3A_884 = vector.broadcast %broadcast_in_dim3A_883 : i32 to vector<16xi32>
    %gather3A_885 = tpu.vector_load_idx %arg21[%add3A_11, %broadcast_in_dim3A_884] : memref<128x17xf32, #tpu.memory_space<vmem>>[vector<16xi32>, vector<16xi32>], vector<16xf32>,
    %add3A_886 = arith.addf %add3A_882, %gather3A_885 : vector<16xf32>
    %broadcast_in_dim3A_887 = arith.constant 13 : i32
    %broadcast_in_dim3A_888 = vector.broadcast %broadcast_in_dim3A_887 : i32 to vector<16xi32>
    %gather3A_889 = tpu.vector_load_idx %arg21[%add3A_11, %broadcast_in_dim3A_888] : memref<128x17xf32, #tpu.memory_space<vmem>>[vector<16xi32>, vector<16xi32>], vector<16xf32>,
    %add3A_890 = arith.addf %add3A_886, %gather3A_889 : vector<16xf32>
    %broadcast_in_dim3A_891 = arith.constant 14 : i32
    %broadcast_in_dim3A_892 = vector.broadcast %broadcast_in_dim3A_891 : i32 to vector<16xi32>
    %gather3A_893 = tpu.vector_load_idx %arg21[%add3A_11, %broadcast_in_dim3A_892] : memref<128x17xf32, #tpu.memory_space<vmem>>[vector<16xi32>, vector<16xi32>], vector<16xf32>,
    %add3A_894 = arith.addf %add3A_890, %gather3A_893 : vector<16xf32>
    %broadcast_in_dim3A_895 = arith.constant 15 : i32
    %broadcast_in_dim3A_896 = vector.broadcast %broadcast_in_dim3A_895 : i32 to vector<16xi32>
    %gather3A_897 = tpu.vector_load_idx %arg21[%add3A_11, %broadcast_in_dim3A_896] : memref<128x17xf32, #tpu.memory_space<vmem>>[vector<16xi32>, vector<16xi32>], vector<16xf32>,
    %add3A_898 = arith.addf %add3A_894, %gather3A_897 : vector<16xf32>
    %swap3A_899 = arith.constant 160 : index
    %swap3A_900 = tpu.vector_load %arg20[%swap3A_899] {strides = array<i32>} : memref<512xf32, #tpu.memory_space<vmem>>, vector<16xf32>,
    tpu.vector_store %arg20[%swap3A_899], %add3A_898 {strides = array<i32>} : memref<512xf32, #tpu.memory_space<vmem>>, vector<16xf32>,
    %get3A_901 = arith.constant 176 : index
    %get3A_902 = tpu.vector_load %arg12[%get3A_901] {strides = array<i32>} : memref<512xf32, #tpu.memory_space<vmem>>, vector<16xf32>,
    %get3A_903 = arith.constant 176 : index
    %get3A_904 = tpu.vector_load %arg13[%get3A_903] {strides = array<i32>} : memref<512xf32, #tpu.memory_space<vmem>>, vector<16xf32>,
    %sub3A_905 = arith.subf %get3A_902, %get3A_904 : vector<16xf32>
    %broadcast_in_dim3A_906 = arith.constant 0 : i32
    %broadcast_in_dim3A_907 = vector.broadcast %broadcast_in_dim3A_906 : i32 to vector<16xi32>
    %gather3A_908 = tpu.vector_load_idx %arg21[%add3A_14, %broadcast_in_dim3A_907] : memref<128x17xf32, #tpu.memory_space<vmem>>[vector<16xi32>, vector<16xi32>], vector<16xf32>,
    %add3A_909 = arith.addf %sub3A_905, %gather3A_908 : vector<16xf32>
    %broadcast_in_dim3A_910 = arith.constant 1 : i32
    %broadcast_in_dim3A_911 = vector.broadcast %broadcast_in_dim3A_910 : i32 to vector<16xi32>
    %gather3A_912 = tpu.vector_load_idx %arg21[%add3A_14, %broadcast_in_dim3A_911] : memref<128x17xf32, #tpu.memory_space<vmem>>[vector<16xi32>, vector<16xi32>], vector<16xf32>,
    %add3A_913 = arith.addf %add3A_909, %gather3A_912 : vector<16xf32>
    %broadcast_in_dim3A_914 = arith.constant 2 : i32
    %broadcast_in_dim3A_915 = vector.broadcast %broadcast_in_dim3A_914 : i32 to vector<16xi32>
    %gather3A_916 = tpu.vector_load_idx %arg21[%add3A_14, %broadcast_in_dim3A_915] : memref<128x17xf32, #tpu.memory_space<vmem>>[vector<16xi32>, vector<16xi32>], vector<16xf32>,
    %add3A_917 = arith.addf %add3A_913, %gather3A_916 : vector<16xf32>
    %broadcast_in_dim3A_918 = arith.constant 3 : i32
    %broadcast_in_dim3A_919 = vector.broadcast %broadcast_in_dim3A_918 : i32 to vector<16xi32>
    %gather3A_920 = tpu.vector_load_idx %arg21[%add3A_14, %broadcast_in_dim3A_919] : memref<128x17xf32, #tpu.memory_space<vmem>>[vector<16xi32>, vector<16xi32>], vector<16xf32>,
    %add3A_921 = arith.addf %add3A_917, %gather3A_920 : vector<16xf32>
    %broadcast_in_dim3A_922 = arith.constant 4 : i32
    %broadcast_in_dim3A_923 = vector.broadcast %broadcast_in_dim3A_922 : i32 to vector<16xi32>
    %gather3A_924 = tpu.vector_load_idx %arg21[%add3A_14, %broadcast_in_dim3A_923] : memref<128x17xf32, #tpu.memory_space<vmem>>[vector<16xi32>, vector<16xi32>], vector<16xf32>,
    %add3A_925 = arith.addf %add3A_921, %gather3A_924 : vector<16xf32>
    %broadcast_in_dim3A_926 = arith.constant 5 : i32
    %broadcast_in_dim3A_927 = vector.broadcast %broadcast_in_dim3A_926 : i32 to vector<16xi32>
    %gather3A_928 = tpu.vector_load_idx %arg21[%add3A_14, %broadcast_in_dim3A_927] : memref<128x17xf32, #tpu.memory_space<vmem>>[vector<16xi32>, vector<16xi32>], vector<16xf32>,
    %add3A_929 = arith.addf %add3A_925, %gather3A_928 : vector<16xf32>
    %broadcast_in_dim3A_930 = arith.constant 6 : i32
    %broadcast_in_dim3A_931 = vector.broadcast %broadcast_in_dim3A_930 : i32 to vector<16xi32>
    %gather3A_932 = tpu.vector_load_idx %arg21[%add3A_14, %broadcast_in_dim3A_931] : memref<128x17xf32, #tpu.memory_space<vmem>>[vector<16xi32>, vector<16xi32>], vector<16xf32>,
    %add3A_933 = arith.addf %add3A_929, %gather3A_932 : vector<16xf32>
    %broadcast_in_dim3A_934 = arith.constant 7 : i32
    %broadcast_in_dim3A_935 = vector.broadcast %broadcast_in_dim3A_934 : i32 to vector<16xi32>
    %gather3A_936 = tpu.vector_load_idx %arg21[%add3A_14, %broadcast_in_dim3A_935] : memref<128x17xf32, #tpu.memory_space<vmem>>[vector<16xi32>, vector<16xi32>], vector<16xf32>,
    %add3A_937 = arith.addf %add3A_933, %gather3A_936 : vector<16xf32>
    %broadcast_in_dim3A_938 = arith.constant 8 : i32
    %broadcast_in_dim3A_939 = vector.broadcast %broadcast_in_dim3A_938 : i32 to vector<16xi32>
    %gather3A_940 = tpu.vector_load_idx %arg21[%add3A_14, %broadcast_in_dim3A_939] : memref<128x17xf32, #tpu.memory_space<vmem>>[vector<16xi32>, vector<16xi32>], vector<16xf32>,
    %add3A_941 = arith.addf %add3A_937, %gather3A_940 : vector<16xf32>
    %broadcast_in_dim3A_942 = arith.constant 9 : i32
    %broadcast_in_dim3A_943 = vector.broadcast %broadcast_in_dim3A_942 : i32 to vector<16xi32>
    %gather3A_944 = tpu.vector_load_idx %arg21[%add3A_14, %broadcast_in_dim3A_943] : memref<128x17xf32, #tpu.memory_space<vmem>>[vector<16xi32>, vector<16xi32>], vector<16xf32>,
    %add3A_945 = arith.addf %add3A_941, %gather3A_944 : vector<16xf32>
    %broadcast_in_dim3A_946 = arith.constant 10 : i32
    %broadcast_in_dim3A_947 = vector.broadcast %broadcast_in_dim3A_946 : i32 to vector<16xi32>
    %gather3A_948 = tpu.vector_load_idx %arg21[%add3A_14, %broadcast_in_dim3A_947] : memref<128x17xf32, #tpu.memory_space<vmem>>[vector<16xi32>, vector<16xi32>], vector<16xf32>,
    %add3A_949 = arith.addf %add3A_945, %gather3A_948 : vector<16xf32>
    %broadcast_in_dim3A_950 = arith.constant 11 : i32
    %broadcast_in_dim3A_951 = vector.broadcast %broadcast_in_dim3A_950 : i32 to vector<16xi32>
    %gather3A_952 = tpu.vector_load_idx %arg21[%add3A_14, %broadcast_in_dim3A_951] : memref<128x17xf32, #tpu.memory_space<vmem>>[vector<16xi32>, vector<16xi32>], vector<16xf32>,
    %add3A_953 = arith.addf %add3A_949, %gather3A_952 : vector<16xf32>
    %broadcast_in_dim3A_954 = arith.constant 12 : i32
    %broadcast_in_dim3A_955 = vector.broadcast %broadcast_in_dim3A_954 : i32 to vector<16xi32>
    %gather3A_956 = tpu.vector_load_idx %arg21[%add3A_14, %broadcast_in_dim3A_955] : memref<128x17xf32, #tpu.memory_space<vmem>>[vector<16xi32>, vector<16xi32>], vector<16xf32>,
    %add3A_957 = arith.addf %add3A_953, %gather3A_956 : vector<16xf32>
    %broadcast_in_dim3A_958 = arith.constant 13 : i32
    %broadcast_in_dim3A_959 = vector.broadcast %broadcast_in_dim3A_958 : i32 to vector<16xi32>
    %gather3A_960 = tpu.vector_load_idx %arg21[%add3A_14, %broadcast_in_dim3A_959] : memref<128x17xf32, #tpu.memory_space<vmem>>[vector<16xi32>, vector<16xi32>], vector<16xf32>,
    %add3A_961 = arith.addf %add3A_957, %gather3A_960 : vector<16xf32>
    %broadcast_in_dim3A_962 = arith.constant 14 : i32
    %broadcast_in_dim3A_963 = vector.broadcast %broadcast_in_dim3A_962 : i32 to vector<16xi32>
    %gather3A_964 = tpu.vector_load_idx %arg21[%add3A_14, %broadcast_in_dim3A_963] : memref<128x17xf32, #tpu.memory_space<vmem>>[vector<16xi32>, vector<16xi32>], vector<16xf32>,
    %add3A_965 = arith.addf %add3A_961, %gather3A_964 : vector<16xf32>
    %broadcast_in_dim3A_966 = arith.constant 15 : i32
    %broadcast_in_dim3A_967 = vector.broadcast %broadcast_in_dim3A_966 : i32 to vector<16xi32>
    %gather3A_968 = tpu.vector_load_idx %arg21[%add3A_14, %broadcast_in_dim3A_967] : memref<128x17xf32, #tpu.memory_space<vmem>>[vector<16xi32>, vector<16xi32>], vector<16xf32>,
    %add3A_969 = arith.addf %add3A_965, %gather3A_968 : vector<16xf32>
    %swap3A_970 = arith.constant 176 : index
    %swap3A_971 = tpu.vector_load %arg20[%swap3A_970] {strides = array<i32>} : memref<512xf32, #tpu.memory_space<vmem>>, vector<16xf32>,
    tpu.vector_store %arg20[%swap3A_970], %add3A_969 {strides = array<i32>} : memref<512xf32, #tpu.memory_space<vmem>>, vector<16xf32>,
    %get3A_972 = arith.constant 192 : index
    %get3A_973 = tpu.vector_load %arg12[%get3A_972] {strides = array<i32>} : memref<512xf32, #tpu.memory_space<vmem>>, vector<16xf32>,
    %get3A_974 = arith.constant 192 : index
    %get3A_975 = tpu.vector_load %arg13[%get3A_974] {strides = array<i32>} : memref<512xf32, #tpu.memory_space<vmem>>, vector<16xf32>,
    %sub3A_976 = arith.subf %get3A_973, %get3A_975 : vector<16xf32>
    %broadcast_in_dim3A_977 = arith.constant 0 : i32
    %broadcast_in_dim3A_978 = vector.broadcast %broadcast_in_dim3A_977 : i32 to vector<16xi32>
    %gather3A_979 = tpu.vector_load_idx %arg21[%add3A_17, %broadcast_in_dim3A_978] : memref<128x17xf32, #tpu.memory_space<vmem>>[vector<16xi32>, vector<16xi32>], vector<16xf32>,
    %add3A_980 = arith.addf %sub3A_976, %gather3A_979 : vector<16xf32>
    %broadcast_in_dim3A_981 = arith.constant 1 : i32
    %broadcast_in_dim3A_982 = vector.broadcast %broadcast_in_dim3A_981 : i32 to vector<16xi32>
    %gather3A_983 = tpu.vector_load_idx %arg21[%add3A_17, %broadcast_in_dim3A_982] : memref<128x17xf32, #tpu.memory_space<vmem>>[vector<16xi32>, vector<16xi32>], vector<16xf32>,
    %add3A_984 = arith.addf %add3A_980, %gather3A_983 : vector<16xf32>
    %broadcast_in_dim3A_985 = arith.constant 2 : i32
    %broadcast_in_dim3A_986 = vector.broadcast %broadcast_in_dim3A_985 : i32 to vector<16xi32>
    %gather3A_987 = tpu.vector_load_idx %arg21[%add3A_17, %broadcast_in_dim3A_986] : memref<128x17xf32, #tpu.memory_space<vmem>>[vector<16xi32>, vector<16xi32>], vector<16xf32>,
    %add3A_988 = arith.addf %add3A_984, %gather3A_987 : vector<16xf32>
    %broadcast_in_dim3A_989 = arith.constant 3 : i32
    %broadcast_in_dim3A_990 = vector.broadcast %broadcast_in_dim3A_989 : i32 to vector<16xi32>
    %gather3A_991 = tpu.vector_load_idx %arg21[%add3A_17, %broadcast_in_dim3A_990] : memref<128x17xf32, #tpu.memory_space<vmem>>[vector<16xi32>, vector<16xi32>], vector<16xf32>,
    %add3A_992 = arith.addf %add3A_988, %gather3A_991 : vector<16xf32>
    %broadcast_in_dim3A_993 = arith.constant 4 : i32
    %broadcast_in_dim3A_994 = vector.broadcast %broadcast_in_dim3A_993 : i32 to vector<16xi32>
    %gather3A_995 = tpu.vector_load_idx %arg21[%add3A_17, %broadcast_in_dim3A_994] : memref<128x17xf32, #tpu.memory_space<vmem>>[vector<16xi32>, vector<16xi32>], vector<16xf32>,
    %add3A_996 = arith.addf %add3A_992, %gather3A_995 : vector<16xf32>
    %broadcast_in_dim3A_997 = arith.constant 5 : i32
    %broadcast_in_dim3A_998 = vector.broadcast %broadcast_in_dim3A_997 : i32 to vector<16xi32>
    %gather3A_999 = tpu.vector_load_idx %arg21[%add3A_17, %broadcast_in_dim3A_998] : memref<128x17xf32, #tpu.memory_space<vmem>>[vector<16xi32>, vector<16xi32>], vector<16xf32>,
    %add3A_1000 = arith.addf %add3A_996, %gather3A_999 : vector<16xf32>
    %broadcast_in_dim3A_1001 = arith.constant 6 : i32
    %broadcast_in_dim3A_1002 = vector.broadcast %broadcast_in_dim3A_1001 : i32 to vector<16xi32>
    %gather3A_1003 = tpu.vector_load_idx %arg21[%add3A_17, %broadcast_in_dim3A_1002] : memref<128x17xf32, #tpu.memory_space<vmem>>[vector<16xi32>, vector<16xi32>], vector<16xf32>,
    %add3A_1004 = arith.addf %add3A_1000, %gather3A_1003 : vector<16xf32>
    %broadcast_in_dim3A_1005 = arith.constant 7 : i32
    %broadcast_in_dim3A_1006 = vector.broadcast %broadcast_in_dim3A_1005 : i32 to vector<16xi32>
    %gather3A_1007 = tpu.vector_load_idx %arg21[%add3A_17, %broadcast_in_dim3A_1006] : memref<128x17xf32, #tpu.memory_space<vmem>>[vector<16xi32>, vector<16xi32>], vector<16xf32>,
    %add3A_1008 = arith.addf %add3A_1004, %gather3A_1007 : vector<16xf32>
    %broadcast_in_dim3A_1009 = arith.constant 8 : i32
    %broadcast_in_dim3A_1010 = vector.broadcast %broadcast_in_dim3A_1009 : i32 to vector<16xi32>
    %gather3A_1011 = tpu.vector_load_idx %arg21[%add3A_17, %broadcast_in_dim3A_1010] : memref<128x17xf32, #tpu.memory_space<vmem>>[vector<16xi32>, vector<16xi32>], vector<16xf32>,
    %add3A_1012 = arith.addf %add3A_1008, %gather3A_1011 : vector<16xf32>
    %broadcast_in_dim3A_1013 = arith.constant 9 : i32
    %broadcast_in_dim3A_1014 = vector.broadcast %broadcast_in_dim3A_1013 : i32 to vector<16xi32>
    %gather3A_1015 = tpu.vector_load_idx %arg21[%add3A_17, %broadcast_in_dim3A_1014] : memref<128x17xf32, #tpu.memory_space<vmem>>[vector<16xi32>, vector<16xi32>], vector<16xf32>,
    %add3A_1016 = arith.addf %add3A_1012, %gather3A_1015 : vector<16xf32>
    %broadcast_in_dim3A_1017 = arith.constant 10 : i32
    %broadcast_in_dim3A_1018 = vector.broadcast %broadcast_in_dim3A_1017 : i32 to vector<16xi32>
    %gather3A_1019 = tpu.vector_load_idx %arg21[%add3A_17, %broadcast_in_dim3A_1018] : memref<128x17xf32, #tpu.memory_space<vmem>>[vector<16xi32>, vector<16xi32>], vector<16xf32>,
    %add3A_1020 = arith.addf %add3A_1016, %gather3A_1019 : vector<16xf32>
    %broadcast_in_dim3A_1021 = arith.constant 11 : i32
    %broadcast_in_dim3A_1022 = vector.broadcast %broadcast_in_dim3A_1021 : i32 to vector<16xi32>
    %gather3A_1023 = tpu.vector_load_idx %arg21[%add3A_17, %broadcast_in_dim3A_1022] : memref<128x17xf32, #tpu.memory_space<vmem>>[vector<16xi32>, vector<16xi32>], vector<16xf32>,
    %add3A_1024 = arith.addf %add3A_1020, %gather3A_1023 : vector<16xf32>
    %broadcast_in_dim3A_1025 = arith.constant 12 : i32
    %broadcast_in_dim3A_1026 = vector.broadcast %broadcast_in_dim3A_1025 : i32 to vector<16xi32>
    %gather3A_1027 = tpu.vector_load_idx %arg21[%add3A_17, %broadcast_in_dim3A_1026] : memref<128x17xf32, #tpu.memory_space<vmem>>[vector<16xi32>, vector<16xi32>], vector<16xf32>,
    %add3A_1028 = arith.addf %add3A_1024, %gather3A_1027 : vector<16xf32>
    %broadcast_in_dim3A_1029 = arith.constant 13 : i32
    %broadcast_in_dim3A_1030 = vector.broadcast %broadcast_in_dim3A_1029 : i32 to vector<16xi32>
    %gather3A_1031 = tpu.vector_load_idx %arg21[%add3A_17, %broadcast_in_dim3A_1030] : memref<128x17xf32, #tpu.memory_space<vmem>>[vector<16xi32>, vector<16xi32>], vector<16xf32>,
    %add3A_1032 = arith.addf %add3A_1028, %gather3A_1031 : vector<16xf32>
    %broadcast_in_dim3A_1033 = arith.constant 14 : i32
    %broadcast_in_dim3A_1034 = vector.broadcast %broadcast_in_dim3A_1033 : i32 to vector<16xi32>
    %gather3A_1035 = tpu.vector_load_idx %arg21[%add3A_17, %broadcast_in_dim3A_1034] : memref<128x17xf32, #tpu.memory_space<vmem>>[vector<16xi32>, vector<16xi32>], vector<16xf32>,
    %add3A_1036 = arith.addf %add3A_1032, %gather3A_1035 : vector<16xf32>
    %broadcast_in_dim3A_1037 = arith.constant 15 : i32
    %broadcast_in_dim3A_1038 = vector.broadcast %broadcast_in_dim3A_1037 : i32 to vector<16xi32>
    %gather3A_1039 = tpu.vector_load_idx %arg21[%add3A_17, %broadcast_in_dim3A_1038] : memref<128x17xf32, #tpu.memory_space<vmem>>[vector<16xi32>, vector<16xi32>], vector<16xf32>,
    %add3A_1040 = arith.addf %add3A_1036, %gather3A_1039 : vector<16xf32>
    %swap3A_1041 = arith.constant 192 : index
    %swap3A_1042 = tpu.vector_load %arg20[%swap3A_1041] {strides = array<i32>} : memref<512xf32, #tpu.memory_space<vmem>>, vector<16xf32>,
    tpu.vector_store %arg20[%swap3A_1041], %add3A_1040 {strides = array<i32>} : memref<512xf32, #tpu.memory_space<vmem>>, vector<16xf32>,
    %get3A_1043 = arith.constant 208 : index
    %get3A_1044 = tpu.vector_load %arg12[%get3A_1043] {strides = array<i32>} : memref<512xf32, #tpu.memory_space<vmem>>, vector<16xf32>,
    %get3A_1045 = arith.constant 208 : index
    %get3A_1046 = tpu.vector_load %arg13[%get3A_1045] {strides = array<i32>} : memref<512xf32, #tpu.memory_space<vmem>>, vector<16xf32>,
    %sub3A_1047 = arith.subf %get3A_1044, %get3A_1046 : vector<16xf32>
    %broadcast_in_dim3A_1048 = arith.constant 0 : i32
    %broadcast_in_dim3A_1049 = vector.broadcast %broadcast_in_dim3A_1048 : i32 to vector<16xi32>
    %gather3A_1050 = tpu.vector_load_idx %arg21[%add3A_20, %broadcast_in_dim3A_1049] : memref<128x17xf32, #tpu.memory_space<vmem>>[vector<16xi32>, vector<16xi32>], vector<16xf32>,
    %add3A_1051 = arith.addf %sub3A_1047, %gather3A_1050 : vector<16xf32>
    %broadcast_in_dim3A_1052 = arith.constant 1 : i32
    %broadcast_in_dim3A_1053 = vector.broadcast %broadcast_in_dim3A_1052 : i32 to vector<16xi32>
    %gather3A_1054 = tpu.vector_load_idx %arg21[%add3A_20, %broadcast_in_dim3A_1053] : memref<128x17xf32, #tpu.memory_space<vmem>>[vector<16xi32>, vector<16xi32>], vector<16xf32>,
    %add3A_1055 = arith.addf %add3A_1051, %gather3A_1054 : vector<16xf32>
    %broadcast_in_dim3A_1056 = arith.constant 2 : i32
    %broadcast_in_dim3A_1057 = vector.broadcast %broadcast_in_dim3A_1056 : i32 to vector<16xi32>
    %gather3A_1058 = tpu.vector_load_idx %arg21[%add3A_20, %broadcast_in_dim3A_1057] : memref<128x17xf32, #tpu.memory_space<vmem>>[vector<16xi32>, vector<16xi32>], vector<16xf32>,
    %add3A_1059 = arith.addf %add3A_1055, %gather3A_1058 : vector<16xf32>
    %broadcast_in_dim3A_1060 = arith.constant 3 : i32
    %broadcast_in_dim3A_1061 = vector.broadcast %broadcast_in_dim3A_1060 : i32 to vector<16xi32>
    %gather3A_1062 = tpu.vector_load_idx %arg21[%add3A_20, %broadcast_in_dim3A_1061] : memref<128x17xf32, #tpu.memory_space<vmem>>[vector<16xi32>, vector<16xi32>], vector<16xf32>,
    %add3A_1063 = arith.addf %add3A_1059, %gather3A_1062 : vector<16xf32>
    %broadcast_in_dim3A_1064 = arith.constant 4 : i32
    %broadcast_in_dim3A_1065 = vector.broadcast %broadcast_in_dim3A_1064 : i32 to vector<16xi32>
    %gather3A_1066 = tpu.vector_load_idx %arg21[%add3A_20, %broadcast_in_dim3A_1065] : memref<128x17xf32, #tpu.memory_space<vmem>>[vector<16xi32>, vector<16xi32>], vector<16xf32>,
    %add3A_1067 = arith.addf %add3A_1063, %gather3A_1066 : vector<16xf32>
    %broadcast_in_dim3A_1068 = arith.constant 5 : i32
    %broadcast_in_dim3A_1069 = vector.broadcast %broadcast_in_dim3A_1068 : i32 to vector<16xi32>
    %gather3A_1070 = tpu.vector_load_idx %arg21[%add3A_20, %broadcast_in_dim3A_1069] : memref<128x17xf32, #tpu.memory_space<vmem>>[vector<16xi32>, vector<16xi32>], vector<16xf32>,
    %add3A_1071 = arith.addf %add3A_1067, %gather3A_1070 : vector<16xf32>
    %broadcast_in_dim3A_1072 = arith.constant 6 : i32
    %broadcast_in_dim3A_1073 = vector.broadcast %broadcast_in_dim3A_1072 : i32 to vector<16xi32>
    %gather3A_1074 = tpu.vector_load_idx %arg21[%add3A_20, %broadcast_in_dim3A_1073] : memref<128x17xf32, #tpu.memory_space<vmem>>[vector<16xi32>, vector<16xi32>], vector<16xf32>,
    %add3A_1075 = arith.addf %add3A_1071, %gather3A_1074 : vector<16xf32>
    %broadcast_in_dim3A_1076 = arith.constant 7 : i32
    %broadcast_in_dim3A_1077 = vector.broadcast %broadcast_in_dim3A_1076 : i32 to vector<16xi32>
    %gather3A_1078 = tpu.vector_load_idx %arg21[%add3A_20, %broadcast_in_dim3A_1077] : memref<128x17xf32, #tpu.memory_space<vmem>>[vector<16xi32>, vector<16xi32>], vector<16xf32>,
    %add3A_1079 = arith.addf %add3A_1075, %gather3A_1078 : vector<16xf32>
    %broadcast_in_dim3A_1080 = arith.constant 8 : i32
    %broadcast_in_dim3A_1081 = vector.broadcast %broadcast_in_dim3A_1080 : i32 to vector<16xi32>
    %gather3A_1082 = tpu.vector_load_idx %arg21[%add3A_20, %broadcast_in_dim3A_1081] : memref<128x17xf32, #tpu.memory_space<vmem>>[vector<16xi32>, vector<16xi32>], vector<16xf32>,
    %add3A_1083 = arith.addf %add3A_1079, %gather3A_1082 : vector<16xf32>
    %broadcast_in_dim3A_1084 = arith.constant 9 : i32
    %broadcast_in_dim3A_1085 = vector.broadcast %broadcast_in_dim3A_1084 : i32 to vector<16xi32>
    %gather3A_1086 = tpu.vector_load_idx %arg21[%add3A_20, %broadcast_in_dim3A_1085] : memref<128x17xf32, #tpu.memory_space<vmem>>[vector<16xi32>, vector<16xi32>], vector<16xf32>,
    %add3A_1087 = arith.addf %add3A_1083, %gather3A_1086 : vector<16xf32>
    %broadcast_in_dim3A_1088 = arith.constant 10 : i32
    %broadcast_in_dim3A_1089 = vector.broadcast %broadcast_in_dim3A_1088 : i32 to vector<16xi32>
    %gather3A_1090 = tpu.vector_load_idx %arg21[%add3A_20, %broadcast_in_dim3A_1089] : memref<128x17xf32, #tpu.memory_space<vmem>>[vector<16xi32>, vector<16xi32>], vector<16xf32>,
    %add3A_1091 = arith.addf %add3A_1087, %gather3A_1090 : vector<16xf32>
    %broadcast_in_dim3A_1092 = arith.constant 11 : i32
    %broadcast_in_dim3A_1093 = vector.broadcast %broadcast_in_dim3A_1092 : i32 to vector<16xi32>
    %gather3A_1094 = tpu.vector_load_idx %arg21[%add3A_20, %broadcast_in_dim3A_1093] : memref<128x17xf32, #tpu.memory_space<vmem>>[vector<16xi32>, vector<16xi32>], vector<16xf32>,
    %add3A_1095 = arith.addf %add3A_1091, %gather3A_1094 : vector<16xf32>
    %broadcast_in_dim3A_1096 = arith.constant 12 : i32
    %broadcast_in_dim3A_1097 = vector.broadcast %broadcast_in_dim3A_1096 : i32 to vector<16xi32>
    %gather3A_1098 = tpu.vector_load_idx %arg21[%add3A_20, %broadcast_in_dim3A_1097] : memref<128x17xf32, #tpu.memory_space<vmem>>[vector<16xi32>, vector<16xi32>], vector<16xf32>,
    %add3A_1099 = arith.addf %add3A_1095, %gather3A_1098 : vector<16xf32>
    %broadcast_in_dim3A_1100 = arith.constant 13 : i32
    %broadcast_in_dim3A_1101 = vector.broadcast %broadcast_in_dim3A_1100 : i32 to vector<16xi32>
    %gather3A_1102 = tpu.vector_load_idx %arg21[%add3A_20, %broadcast_in_dim3A_1101] : memref<128x17xf32, #tpu.memory_space<vmem>>[vector<16xi32>, vector<16xi32>], vector<16xf32>,
    %add3A_1103 = arith.addf %add3A_1099, %gather3A_1102 : vector<16xf32>
    %broadcast_in_dim3A_1104 = arith.constant 14 : i32
    %broadcast_in_dim3A_1105 = vector.broadcast %broadcast_in_dim3A_1104 : i32 to vector<16xi32>
    %gather3A_1106 = tpu.vector_load_idx %arg21[%add3A_20, %broadcast_in_dim3A_1105] : memref<128x17xf32, #tpu.memory_space<vmem>>[vector<16xi32>, vector<16xi32>], vector<16xf32>,
    %add3A_1107 = arith.addf %add3A_1103, %gather3A_1106 : vector<16xf32>
    %broadcast_in_dim3A_1108 = arith.constant 15 : i32
    %broadcast_in_dim3A_1109 = vector.broadcast %broadcast_in_dim3A_1108 : i32 to vector<16xi32>
    %gather3A_1110 = tpu.vector_load_idx %arg21[%add3A_20, %broadcast_in_dim3A_1109] : memref<128x17xf32, #tpu.memory_space<vmem>>[vector<16xi32>, vector<16xi32>], vector<16xf32>,
    %add3A_1111 = arith.addf %add3A_1107, %gather3A_1110 : vector<16xf32>
    %swap3A_1112 = arith.constant 208 : index
    %swap3A_1113 = tpu.vector_load %arg20[%swap3A_1112] {strides = array<i32>} : memref<512xf32, #tpu.memory_space<vmem>>, vector<16xf32>,
    tpu.vector_store %arg20[%swap3A_1112], %add3A_1111 {strides = array<i32>} : memref<512xf32, #tpu.memory_space<vmem>>, vector<16xf32>,
    %get3A_1114 = arith.constant 224 : index
    %get3A_1115 = tpu.vector_load %arg12[%get3A_1114] {strides = array<i32>} : memref<512xf32, #tpu.memory_space<vmem>>, vector<16xf32>,
    %get3A_1116 = arith.constant 224 : index
    %get3A_1117 = tpu.vector_load %arg13[%get3A_1116] {strides = array<i32>} : memref<512xf32, #tpu.memory_space<vmem>>, vector<16xf32>,
    %sub3A_1118 = arith.subf %get3A_1115, %get3A_1117 : vector<16xf32>
    %broadcast_in_dim3A_1119 = arith.constant 0 : i32
    %broadcast_in_dim3A_1120 = vector.broadcast %broadcast_in_dim3A_1119 : i32 to vector<16xi32>
    %gather3A_1121 = tpu.vector_load_idx %arg21[%add3A_23, %broadcast_in_dim3A_1120] : memref<128x17xf32, #tpu.memory_space<vmem>>[vector<16xi32>, vector<16xi32>], vector<16xf32>,
    %add3A_1122 = arith.addf %sub3A_1118, %gather3A_1121 : vector<16xf32>
    %broadcast_in_dim3A_1123 = arith.constant 1 : i32
    %broadcast_in_dim3A_1124 = vector.broadcast %broadcast_in_dim3A_1123 : i32 to vector<16xi32>
    %gather3A_1125 = tpu.vector_load_idx %arg21[%add3A_23, %broadcast_in_dim3A_1124] : memref<128x17xf32, #tpu.memory_space<vmem>>[vector<16xi32>, vector<16xi32>], vector<16xf32>,
    %add3A_1126 = arith.addf %add3A_1122, %gather3A_1125 : vector<16xf32>
    %broadcast_in_dim3A_1127 = arith.constant 2 : i32
    %broadcast_in_dim3A_1128 = vector.broadcast %broadcast_in_dim3A_1127 : i32 to vector<16xi32>
    %gather3A_1129 = tpu.vector_load_idx %arg21[%add3A_23, %broadcast_in_dim3A_1128] : memref<128x17xf32, #tpu.memory_space<vmem>>[vector<16xi32>, vector<16xi32>], vector<16xf32>,
    %add3A_1130 = arith.addf %add3A_1126, %gather3A_1129 : vector<16xf32>
    %broadcast_in_dim3A_1131 = arith.constant 3 : i32
    %broadcast_in_dim3A_1132 = vector.broadcast %broadcast_in_dim3A_1131 : i32 to vector<16xi32>
    %gather3A_1133 = tpu.vector_load_idx %arg21[%add3A_23, %broadcast_in_dim3A_1132] : memref<128x17xf32, #tpu.memory_space<vmem>>[vector<16xi32>, vector<16xi32>], vector<16xf32>,
    %add3A_1134 = arith.addf %add3A_1130, %gather3A_1133 : vector<16xf32>
    %broadcast_in_dim3A_1135 = arith.constant 4 : i32
    %broadcast_in_dim3A_1136 = vector.broadcast %broadcast_in_dim3A_1135 : i32 to vector<16xi32>
    %gather3A_1137 = tpu.vector_load_idx %arg21[%add3A_23, %broadcast_in_dim3A_1136] : memref<128x17xf32, #tpu.memory_space<vmem>>[vector<16xi32>, vector<16xi32>], vector<16xf32>,
    %add3A_1138 = arith.addf %add3A_1134, %gather3A_1137 : vector<16xf32>
    %broadcast_in_dim3A_1139 = arith.constant 5 : i32
    %broadcast_in_dim3A_1140 = vector.broadcast %broadcast_in_dim3A_1139 : i32 to vector<16xi32>
    %gather3A_1141 = tpu.vector_load_idx %arg21[%add3A_23, %broadcast_in_dim3A_1140] : memref<128x17xf32, #tpu.memory_space<vmem>>[vector<16xi32>, vector<16xi32>], vector<16xf32>,
    %add3A_1142 = arith.addf %add3A_1138, %gather3A_1141 : vector<16xf32>
    %broadcast_in_dim3A_1143 = arith.constant 6 : i32
    %broadcast_in_dim3A_1144 = vector.broadcast %broadcast_in_dim3A_1143 : i32 to vector<16xi32>
    %gather3A_1145 = tpu.vector_load_idx %arg21[%add3A_23, %broadcast_in_dim3A_1144] : memref<128x17xf32, #tpu.memory_space<vmem>>[vector<16xi32>, vector<16xi32>], vector<16xf32>,
    %add3A_1146 = arith.addf %add3A_1142, %gather3A_1145 : vector<16xf32>
    %broadcast_in_dim3A_1147 = arith.constant 7 : i32
    %broadcast_in_dim3A_1148 = vector.broadcast %broadcast_in_dim3A_1147 : i32 to vector<16xi32>
    %gather3A_1149 = tpu.vector_load_idx %arg21[%add3A_23, %broadcast_in_dim3A_1148] : memref<128x17xf32, #tpu.memory_space<vmem>>[vector<16xi32>, vector<16xi32>], vector<16xf32>,
    %add3A_1150 = arith.addf %add3A_1146, %gather3A_1149 : vector<16xf32>
    %broadcast_in_dim3A_1151 = arith.constant 8 : i32
    %broadcast_in_dim3A_1152 = vector.broadcast %broadcast_in_dim3A_1151 : i32 to vector<16xi32>
    %gather3A_1153 = tpu.vector_load_idx %arg21[%add3A_23, %broadcast_in_dim3A_1152] : memref<128x17xf32, #tpu.memory_space<vmem>>[vector<16xi32>, vector<16xi32>], vector<16xf32>,
    %add3A_1154 = arith.addf %add3A_1150, %gather3A_1153 : vector<16xf32>
    %broadcast_in_dim3A_1155 = arith.constant 9 : i32
    %broadcast_in_dim3A_1156 = vector.broadcast %broadcast_in_dim3A_1155 : i32 to vector<16xi32>
    %gather3A_1157 = tpu.vector_load_idx %arg21[%add3A_23, %broadcast_in_dim3A_1156] : memref<128x17xf32, #tpu.memory_space<vmem>>[vector<16xi32>, vector<16xi32>], vector<16xf32>,
    %add3A_1158 = arith.addf %add3A_1154, %gather3A_1157 : vector<16xf32>
    %broadcast_in_dim3A_1159 = arith.constant 10 : i32
    %broadcast_in_dim3A_1160 = vector.broadcast %broadcast_in_dim3A_1159 : i32 to vector<16xi32>
    %gather3A_1161 = tpu.vector_load_idx %arg21[%add3A_23, %broadcast_in_dim3A_1160] : memref<128x17xf32, #tpu.memory_space<vmem>>[vector<16xi32>, vector<16xi32>], vector<16xf32>,
    %add3A_1162 = arith.addf %add3A_1158, %gather3A_1161 : vector<16xf32>
    %broadcast_in_dim3A_1163 = arith.constant 11 : i32
    %broadcast_in_dim3A_1164 = vector.broadcast %broadcast_in_dim3A_1163 : i32 to vector<16xi32>
    %gather3A_1165 = tpu.vector_load_idx %arg21[%add3A_23, %broadcast_in_dim3A_1164] : memref<128x17xf32, #tpu.memory_space<vmem>>[vector<16xi32>, vector<16xi32>], vector<16xf32>,
    %add3A_1166 = arith.addf %add3A_1162, %gather3A_1165 : vector<16xf32>
    %broadcast_in_dim3A_1167 = arith.constant 12 : i32
    %broadcast_in_dim3A_1168 = vector.broadcast %broadcast_in_dim3A_1167 : i32 to vector<16xi32>
    %gather3A_1169 = tpu.vector_load_idx %arg21[%add3A_23, %broadcast_in_dim3A_1168] : memref<128x17xf32, #tpu.memory_space<vmem>>[vector<16xi32>, vector<16xi32>], vector<16xf32>,
    %add3A_1170 = arith.addf %add3A_1166, %gather3A_1169 : vector<16xf32>
    %broadcast_in_dim3A_1171 = arith.constant 13 : i32
    %broadcast_in_dim3A_1172 = vector.broadcast %broadcast_in_dim3A_1171 : i32 to vector<16xi32>
    %gather3A_1173 = tpu.vector_load_idx %arg21[%add3A_23, %broadcast_in_dim3A_1172] : memref<128x17xf32, #tpu.memory_space<vmem>>[vector<16xi32>, vector<16xi32>], vector<16xf32>,
    %add3A_1174 = arith.addf %add3A_1170, %gather3A_1173 : vector<16xf32>
    %broadcast_in_dim3A_1175 = arith.constant 14 : i32
    %broadcast_in_dim3A_1176 = vector.broadcast %broadcast_in_dim3A_1175 : i32 to vector<16xi32>
    %gather3A_1177 = tpu.vector_load_idx %arg21[%add3A_23, %broadcast_in_dim3A_1176] : memref<128x17xf32, #tpu.memory_space<vmem>>[vector<16xi32>, vector<16xi32>], vector<16xf32>,
    %add3A_1178 = arith.addf %add3A_1174, %gather3A_1177 : vector<16xf32>
    %broadcast_in_dim3A_1179 = arith.constant 15 : i32
    %broadcast_in_dim3A_1180 = vector.broadcast %broadcast_in_dim3A_1179 : i32 to vector<16xi32>
    %gather3A_1181 = tpu.vector_load_idx %arg21[%add3A_23, %broadcast_in_dim3A_1180] : memref<128x17xf32, #tpu.memory_space<vmem>>[vector<16xi32>, vector<16xi32>], vector<16xf32>,
    %add3A_1182 = arith.addf %add3A_1178, %gather3A_1181 : vector<16xf32>
    %swap3A_1183 = arith.constant 224 : index
    %swap3A_1184 = tpu.vector_load %arg20[%swap3A_1183] {strides = array<i32>} : memref<512xf32, #tpu.memory_space<vmem>>, vector<16xf32>,
    tpu.vector_store %arg20[%swap3A_1183], %add3A_1182 {strides = array<i32>} : memref<512xf32, #tpu.memory_space<vmem>>, vector<16xf32>,
    %get3A_1185 = arith.constant 240 : index
    %get3A_1186 = tpu.vector_load %arg12[%get3A_1185] {strides = array<i32>} : memref<512xf32, #tpu.memory_space<vmem>>, vector<16xf32>,
    %get3A_1187 = arith.constant 240 : index
    %get3A_1188 = tpu.vector_load %arg13[%get3A_1187] {strides = array<i32>} : memref<512xf32, #tpu.memory_space<vmem>>, vector<16xf32>,
    %sub3A_1189 = arith.subf %get3A_1186, %get3A_1188 : vector<16xf32>
    %broadcast_in_dim3A_1190 = arith.constant 0 : i32
    %broadcast_in_dim3A_1191 = vector.broadcast %broadcast_in_dim3A_1190 : i32 to vector<16xi32>
    %gather3A_1192 = tpu.vector_load_idx %arg21[%add3A_26, %broadcast_in_dim3A_1191] : memref<128x17xf32, #tpu.memory_space<vmem>>[vector<16xi32>, vector<16xi32>], vector<16xf32>,
    %add3A_1193 = arith.addf %sub3A_1189, %gather3A_1192 : vector<16xf32>
    %broadcast_in_dim3A_1194 = arith.constant 1 : i32
    %broadcast_in_dim3A_1195 = vector.broadcast %broadcast_in_dim3A_1194 : i32 to vector<16xi32>
    %gather3A_1196 = tpu.vector_load_idx %arg21[%add3A_26, %broadcast_in_dim3A_1195] : memref<128x17xf32, #tpu.memory_space<vmem>>[vector<16xi32>, vector<16xi32>], vector<16xf32>,
    %add3A_1197 = arith.addf %add3A_1193, %gather3A_1196 : vector<16xf32>
    %broadcast_in_dim3A_1198 = arith.constant 2 : i32
    %broadcast_in_dim3A_1199 = vector.broadcast %broadcast_in_dim3A_1198 : i32 to vector<16xi32>
    %gather3A_1200 = tpu.vector_load_idx %arg21[%add3A_26, %broadcast_in_dim3A_1199] : memref<128x17xf32, #tpu.memory_space<vmem>>[vector<16xi32>, vector<16xi32>], vector<16xf32>,
    %add3A_1201 = arith.addf %add3A_1197, %gather3A_1200 : vector<16xf32>
    %broadcast_in_dim3A_1202 = arith.constant 3 : i32
    %broadcast_in_dim3A_1203 = vector.broadcast %broadcast_in_dim3A_1202 : i32 to vector<16xi32>
    %gather3A_1204 = tpu.vector_load_idx %arg21[%add3A_26, %broadcast_in_dim3A_1203] : memref<128x17xf32, #tpu.memory_space<vmem>>[vector<16xi32>, vector<16xi32>], vector<16xf32>,
    %add3A_1205 = arith.addf %add3A_1201, %gather3A_1204 : vector<16xf32>
    %broadcast_in_dim3A_1206 = arith.constant 4 : i32
    %broadcast_in_dim3A_1207 = vector.broadcast %broadcast_in_dim3A_1206 : i32 to vector<16xi32>
    %gather3A_1208 = tpu.vector_load_idx %arg21[%add3A_26, %broadcast_in_dim3A_1207] : memref<128x17xf32, #tpu.memory_space<vmem>>[vector<16xi32>, vector<16xi32>], vector<16xf32>,
    %add3A_1209 = arith.addf %add3A_1205, %gather3A_1208 : vector<16xf32>
    %broadcast_in_dim3A_1210 = arith.constant 5 : i32
    %broadcast_in_dim3A_1211 = vector.broadcast %broadcast_in_dim3A_1210 : i32 to vector<16xi32>
    %gather3A_1212 = tpu.vector_load_idx %arg21[%add3A_26, %broadcast_in_dim3A_1211] : memref<128x17xf32, #tpu.memory_space<vmem>>[vector<16xi32>, vector<16xi32>], vector<16xf32>,
    %add3A_1213 = arith.addf %add3A_1209, %gather3A_1212 : vector<16xf32>
    %broadcast_in_dim3A_1214 = arith.constant 6 : i32
    %broadcast_in_dim3A_1215 = vector.broadcast %broadcast_in_dim3A_1214 : i32 to vector<16xi32>
    %gather3A_1216 = tpu.vector_load_idx %arg21[%add3A_26, %broadcast_in_dim3A_1215] : memref<128x17xf32, #tpu.memory_space<vmem>>[vector<16xi32>, vector<16xi32>], vector<16xf32>,
    %add3A_1217 = arith.addf %add3A_1213, %gather3A_1216 : vector<16xf32>
    %broadcast_in_dim3A_1218 = arith.constant 7 : i32
    %broadcast_in_dim3A_1219 = vector.broadcast %broadcast_in_dim3A_1218 : i32 to vector<16xi32>
    %gather3A_1220 = tpu.vector_load_idx %arg21[%add3A_26, %broadcast_in_dim3A_1219] : memref<128x17xf32, #tpu.memory_space<vmem>>[vector<16xi32>, vector<16xi32>], vector<16xf32>,
    %add3A_1221 = arith.addf %add3A_1217, %gather3A_1220 : vector<16xf32>
    %broadcast_in_dim3A_1222 = arith.constant 8 : i32
    %broadcast_in_dim3A_1223 = vector.broadcast %broadcast_in_dim3A_1222 : i32 to vector<16xi32>
    %gather3A_1224 = tpu.vector_load_idx %arg21[%add3A_26, %broadcast_in_dim3A_1223] : memref<128x17xf32, #tpu.memory_space<vmem>>[vector<16xi32>, vector<16xi32>], vector<16xf32>,
    %add3A_1225 = arith.addf %add3A_1221, %gather3A_1224 : vector<16xf32>
    %broadcast_in_dim3A_1226 = arith.constant 9 : i32
    %broadcast_in_dim3A_1227 = vector.broadcast %broadcast_in_dim3A_1226 : i32 to vector<16xi32>
    %gather3A_1228 = tpu.vector_load_idx %arg21[%add3A_26, %broadcast_in_dim3A_1227] : memref<128x17xf32, #tpu.memory_space<vmem>>[vector<16xi32>, vector<16xi32>], vector<16xf32>,
    %add3A_1229 = arith.addf %add3A_1225, %gather3A_1228 : vector<16xf32>
    %broadcast_in_dim3A_1230 = arith.constant 10 : i32
    %broadcast_in_dim3A_1231 = vector.broadcast %broadcast_in_dim3A_1230 : i32 to vector<16xi32>
    %gather3A_1232 = tpu.vector_load_idx %arg21[%add3A_26, %broadcast_in_dim3A_1231] : memref<128x17xf32, #tpu.memory_space<vmem>>[vector<16xi32>, vector<16xi32>], vector<16xf32>,
    %add3A_1233 = arith.addf %add3A_1229, %gather3A_1232 : vector<16xf32>
    %broadcast_in_dim3A_1234 = arith.constant 11 : i32
    %broadcast_in_dim3A_1235 = vector.broadcast %broadcast_in_dim3A_1234 : i32 to vector<16xi32>
    %gather3A_1236 = tpu.vector_load_idx %arg21[%add3A_26, %broadcast_in_dim3A_1235] : memref<128x17xf32, #tpu.memory_space<vmem>>[vector<16xi32>, vector<16xi32>], vector<16xf32>,
    %add3A_1237 = arith.addf %add3A_1233, %gather3A_1236 : vector<16xf32>
    %broadcast_in_dim3A_1238 = arith.constant 12 : i32
    %broadcast_in_dim3A_1239 = vector.broadcast %broadcast_in_dim3A_1238 : i32 to vector<16xi32>
    %gather3A_1240 = tpu.vector_load_idx %arg21[%add3A_26, %broadcast_in_dim3A_1239] : memref<128x17xf32, #tpu.memory_space<vmem>>[vector<16xi32>, vector<16xi32>], vector<16xf32>,
    %add3A_1241 = arith.addf %add3A_1237, %gather3A_1240 : vector<16xf32>
    %broadcast_in_dim3A_1242 = arith.constant 13 : i32
    %broadcast_in_dim3A_1243 = vector.broadcast %broadcast_in_dim3A_1242 : i32 to vector<16xi32>
    %gather3A_1244 = tpu.vector_load_idx %arg21[%add3A_26, %broadcast_in_dim3A_1243] : memref<128x17xf32, #tpu.memory_space<vmem>>[vector<16xi32>, vector<16xi32>], vector<16xf32>,
    %add3A_1245 = arith.addf %add3A_1241, %gather3A_1244 : vector<16xf32>
    %broadcast_in_dim3A_1246 = arith.constant 14 : i32
    %broadcast_in_dim3A_1247 = vector.broadcast %broadcast_in_dim3A_1246 : i32 to vector<16xi32>
    %gather3A_1248 = tpu.vector_load_idx %arg21[%add3A_26, %broadcast_in_dim3A_1247] : memref<128x17xf32, #tpu.memory_space<vmem>>[vector<16xi32>, vector<16xi32>], vector<16xf32>,
    %add3A_1249 = arith.addf %add3A_1245, %gather3A_1248 : vector<16xf32>
    %broadcast_in_dim3A_1250 = arith.constant 15 : i32
    %broadcast_in_dim3A_1251 = vector.broadcast %broadcast_in_dim3A_1250 : i32 to vector<16xi32>
    %gather3A_1252 = tpu.vector_load_idx %arg21[%add3A_26, %broadcast_in_dim3A_1251] : memref<128x17xf32, #tpu.memory_space<vmem>>[vector<16xi32>, vector<16xi32>], vector<16xf32>,
    %add3A_1253 = arith.addf %add3A_1249, %gather3A_1252 : vector<16xf32>
    %swap3A_1254 = arith.constant 240 : index
    %swap3A_1255 = tpu.vector_load %arg20[%swap3A_1254] {strides = array<i32>} : memref<512xf32, #tpu.memory_space<vmem>>, vector<16xf32>,
    tpu.vector_store %arg20[%swap3A_1254], %add3A_1253 {strides = array<i32>} : memref<512xf32, #tpu.memory_space<vmem>>, vector<16xf32>,
    %dma_start3A_1256 = arith.constant 384 : i32
    %dma_start3A_1257 = tpu.memref_slice %arg9[%dma_start3A_1256] : memref<512xi32, #tpu.memory_space<vmem>> -> memref<128xi32, #tpu.memory_space<vmem>>
    %dma_start3A_1258 = arith.constant 0 : i32
    %dma_start3A_1259 = arith.constant 0 : i32
    %dma_start3A_1260 = tpu.memref_slice %arg6[%dma_start3A_1258, %dma_start3A_1259] : memref<100000x128xf32, #tpu.memory_space<hbm>> -> memref<100000x128xf32, #tpu.memory_space<hbm>>
    tpu.enqueue_indirect_dma source(%dma_start3A_1260 : memref<100000x128xf32, #tpu.memory_space<hbm>>) target(%arg17 : memref<128x128xf32, #tpu.memory_space<vmem>>) offsets(%dma_start3A_1257 : memref<128xi32, #tpu.memory_space<vmem>>) semaphore(%arg23 : memref<!tpu.dma_semaphore, #tpu.memory_space<semaphore_mem>>)
    %dma_start3A_1261 = arith.constant 384 : i32
    %dma_start3A_1262 = tpu.memref_slice %arg10[%dma_start3A_1261] : memref<512xi32, #tpu.memory_space<vmem>> -> memref<128xi32, #tpu.memory_space<vmem>>
    %dma_start3A_1263 = arith.constant 0 : i32
    %dma_start3A_1264 = arith.constant 0 : i32
    %dma_start3A_1265 = tpu.memref_slice %arg7[%dma_start3A_1263, %dma_start3A_1264] : memref<100000x128xf32, #tpu.memory_space<hbm>> -> memref<100000x128xf32, #tpu.memory_space<hbm>>
    tpu.enqueue_indirect_dma source(%dma_start3A_1265 : memref<100000x128xf32, #tpu.memory_space<hbm>>) target(%arg18 : memref<128x128xf32, #tpu.memory_space<vmem>>) offsets(%dma_start3A_1262 : memref<128xi32, #tpu.memory_space<vmem>>) semaphore(%arg23 : memref<!tpu.dma_semaphore, #tpu.memory_space<semaphore_mem>>)
    %dma_start3A_1266 = arith.constant 384 : i32
    %dma_start3A_1267 = tpu.memref_slice %arg11[%dma_start3A_1266] : memref<512xi32, #tpu.memory_space<vmem>> -> memref<128xi32, #tpu.memory_space<vmem>>
    %dma_start3A_1268 = arith.constant 0 : i32
    %dma_start3A_1269 = arith.constant 0 : i32
    %dma_start3A_1270 = tpu.memref_slice %arg7[%dma_start3A_1268, %dma_start3A_1269] : memref<100000x128xf32, #tpu.memory_space<hbm>> -> memref<100000x128xf32, #tpu.memory_space<hbm>>
    tpu.enqueue_indirect_dma source(%dma_start3A_1270 : memref<100000x128xf32, #tpu.memory_space<hbm>>) target(%arg19 : memref<128x128xf32, #tpu.memory_space<vmem>>) offsets(%dma_start3A_1267 : memref<128xi32, #tpu.memory_space<vmem>>) semaphore(%arg23 : memref<!tpu.dma_semaphore, #tpu.memory_space<semaphore_mem>>)
    %dma_wait3A_1271 = arith.constant 256 : i32
    %dma_wait3A_1272 = tpu.memref_slice %arg9[%dma_wait3A_1271] : memref<512xi32, #tpu.memory_space<vmem>> -> memref<128xi32, #tpu.memory_space<vmem>>
    %dma_wait3A_1273 = arith.constant 0 : i32
    %dma_wait3A_1274 = arith.constant 0 : i32
    %dma_wait3A_1275 = tpu.memref_slice %arg6[%dma_wait3A_1273, %dma_wait3A_1274] : memref<100000x128xf32, #tpu.memory_space<hbm>> -> memref<100000x128xf32, #tpu.memory_space<hbm>>
    tpu.wait_indirect_dma semaphore(%arg22 : memref<!tpu.dma_semaphore, #tpu.memory_space<semaphore_mem>>) src(%dma_wait3A_1275 : memref<100000x128xf32, #tpu.memory_space<hbm>>) dst(%arg14 : memref<128x128xf32, #tpu.memory_space<vmem>>)
    %dma_wait3A_1276 = arith.constant 256 : i32
    %dma_wait3A_1277 = tpu.memref_slice %arg10[%dma_wait3A_1276] : memref<512xi32, #tpu.memory_space<vmem>> -> memref<128xi32, #tpu.memory_space<vmem>>
    %dma_wait3A_1278 = arith.constant 0 : i32
    %dma_wait3A_1279 = arith.constant 0 : i32
    %dma_wait3A_1280 = tpu.memref_slice %arg7[%dma_wait3A_1278, %dma_wait3A_1279] : memref<100000x128xf32, #tpu.memory_space<hbm>> -> memref<100000x128xf32, #tpu.memory_space<hbm>>
    tpu.wait_indirect_dma semaphore(%arg22 : memref<!tpu.dma_semaphore, #tpu.memory_space<semaphore_mem>>) src(%dma_wait3A_1280 : memref<100000x128xf32, #tpu.memory_space<hbm>>) dst(%arg15 : memref<128x128xf32, #tpu.memory_space<vmem>>)
    %dma_wait3A_1281 = arith.constant 256 : i32
    %dma_wait3A_1282 = tpu.memref_slice %arg11[%dma_wait3A_1281] : memref<512xi32, #tpu.memory_space<vmem>> -> memref<128xi32, #tpu.memory_space<vmem>>
    %dma_wait3A_1283 = arith.constant 0 : i32
    %dma_wait3A_1284 = arith.constant 0 : i32
    %dma_wait3A_1285 = tpu.memref_slice %arg7[%dma_wait3A_1283, %dma_wait3A_1284] : memref<100000x128xf32, #tpu.memory_space<hbm>> -> memref<100000x128xf32, #tpu.memory_space<hbm>>
    tpu.wait_indirect_dma semaphore(%arg22 : memref<!tpu.dma_semaphore, #tpu.memory_space<semaphore_mem>>) src(%dma_wait3A_1285 : memref<100000x128xf32, #tpu.memory_space<hbm>>) dst(%arg16 : memref<128x128xf32, #tpu.memory_space<vmem>>)
    %parallel_loop3A_1286 = arith.constant 0 : i32
    %parallel_loop3A_1287 = arith.constant 128 : i32
    %parallel_loop3A_1288 = arith.constant 1 : i32
    scf.for %parallel_loop3A_2443 = %parallel_loop3A_1286 to %parallel_loop3A_1287 step %parallel_loop3A_1288  : i32 {
      %parallel_loop3A_2444 = arith.index_cast %parallel_loop3A_2443 : i32 to index
      %parallel_loop3A_2445 = arith.constant 0 : index
      %parallel_loop3A_2446 = tpu.vector_load %arg14[%parallel_loop3A_2444, %parallel_loop3A_2445] {strides = array<i32>} : memref<128x128xf32, #tpu.memory_space<vmem>>, vector<16xf32>,
      %parallel_loop3A_2447 = arith.index_cast %parallel_loop3A_2443 : i32 to index
      %parallel_loop3A_2448 = arith.constant 0 : index
      %parallel_loop3A_2449 = tpu.vector_load %arg15[%parallel_loop3A_2447, %parallel_loop3A_2448] {strides = array<i32>} : memref<128x128xf32, #tpu.memory_space<vmem>>, vector<16xf32>,
      %parallel_loop3A_2450 = arith.index_cast %parallel_loop3A_2443 : i32 to index
      %parallel_loop3A_2451 = arith.constant 0 : index
      %parallel_loop3A_2452 = tpu.vector_load %arg16[%parallel_loop3A_2450, %parallel_loop3A_2451] {strides = array<i32>} : memref<128x128xf32, #tpu.memory_space<vmem>>, vector<16xf32>,
      %parallel_loop3A_2453 = arith.subf %parallel_loop3A_2449, %parallel_loop3A_2452 : vector<16xf32>
      %parallel_loop3A_2454 = arith.mulf %parallel_loop3A_2446, %parallel_loop3A_2453 : vector<16xf32>
      %parallel_loop3A_2455 = arith.index_cast %parallel_loop3A_2443 : i32 to index
      %parallel_loop3A_2456 = arith.constant 16 : index
      %parallel_loop3A_2457 = tpu.vector_load %arg14[%parallel_loop3A_2455, %parallel_loop3A_2456] {strides = array<i32>} : memref<128x128xf32, #tpu.memory_space<vmem>>, vector<16xf32>,
      %parallel_loop3A_2458 = arith.index_cast %parallel_loop3A_2443 : i32 to index
      %parallel_loop3A_2459 = arith.constant 16 : index
      %parallel_loop3A_2460 = tpu.vector_load %arg15[%parallel_loop3A_2458, %parallel_loop3A_2459] {strides = array<i32>} : memref<128x128xf32, #tpu.memory_space<vmem>>, vector<16xf32>,
      %parallel_loop3A_2461 = arith.index_cast %parallel_loop3A_2443 : i32 to index
      %parallel_loop3A_2462 = arith.constant 16 : index
      %parallel_loop3A_2463 = tpu.vector_load %arg16[%parallel_loop3A_2461, %parallel_loop3A_2462] {strides = array<i32>} : memref<128x128xf32, #tpu.memory_space<vmem>>, vector<16xf32>,
      %parallel_loop3A_2464 = arith.subf %parallel_loop3A_2460, %parallel_loop3A_2463 : vector<16xf32>
      %parallel_loop3A_2465 = arith.mulf %parallel_loop3A_2457, %parallel_loop3A_2464 : vector<16xf32>
      %parallel_loop3A_2466 = arith.index_cast %parallel_loop3A_2443 : i32 to index
      %parallel_loop3A_2467 = arith.constant 32 : index
      %parallel_loop3A_2468 = tpu.vector_load %arg14[%parallel_loop3A_2466, %parallel_loop3A_2467] {strides = array<i32>} : memref<128x128xf32, #tpu.memory_space<vmem>>, vector<16xf32>,
      %parallel_loop3A_2469 = arith.index_cast %parallel_loop3A_2443 : i32 to index
      %parallel_loop3A_2470 = arith.constant 32 : index
      %parallel_loop3A_2471 = tpu.vector_load %arg15[%parallel_loop3A_2469, %parallel_loop3A_2470] {strides = array<i32>} : memref<128x128xf32, #tpu.memory_space<vmem>>, vector<16xf32>,
      %parallel_loop3A_2472 = arith.index_cast %parallel_loop3A_2443 : i32 to index
      %parallel_loop3A_2473 = arith.constant 32 : index
      %parallel_loop3A_2474 = tpu.vector_load %arg16[%parallel_loop3A_2472, %parallel_loop3A_2473] {strides = array<i32>} : memref<128x128xf32, #tpu.memory_space<vmem>>, vector<16xf32>,
      %parallel_loop3A_2475 = arith.subf %parallel_loop3A_2471, %parallel_loop3A_2474 : vector<16xf32>
      %parallel_loop3A_2476 = arith.mulf %parallel_loop3A_2468, %parallel_loop3A_2475 : vector<16xf32>
      %parallel_loop3A_2477 = arith.index_cast %parallel_loop3A_2443 : i32 to index
      %parallel_loop3A_2478 = arith.constant 48 : index
      %parallel_loop3A_2479 = tpu.vector_load %arg14[%parallel_loop3A_2477, %parallel_loop3A_2478] {strides = array<i32>} : memref<128x128xf32, #tpu.memory_space<vmem>>, vector<16xf32>,
      %parallel_loop3A_2480 = arith.index_cast %parallel_loop3A_2443 : i32 to index
      %parallel_loop3A_2481 = arith.constant 48 : index
      %parallel_loop3A_2482 = tpu.vector_load %arg15[%parallel_loop3A_2480, %parallel_loop3A_2481] {strides = array<i32>} : memref<128x128xf32, #tpu.memory_space<vmem>>, vector<16xf32>,
      %parallel_loop3A_2483 = arith.index_cast %parallel_loop3A_2443 : i32 to index
      %parallel_loop3A_2484 = arith.constant 48 : index
      %parallel_loop3A_2485 = tpu.vector_load %arg16[%parallel_loop3A_2483, %parallel_loop3A_2484] {strides = array<i32>} : memref<128x128xf32, #tpu.memory_space<vmem>>, vector<16xf32>,
      %parallel_loop3A_2486 = arith.subf %parallel_loop3A_2482, %parallel_loop3A_2485 : vector<16xf32>
      %parallel_loop3A_2487 = arith.mulf %parallel_loop3A_2479, %parallel_loop3A_2486 : vector<16xf32>
      %parallel_loop3A_2488 = arith.index_cast %parallel_loop3A_2443 : i32 to index
      %parallel_loop3A_2489 = arith.constant 64 : index
      %parallel_loop3A_2490 = tpu.vector_load %arg14[%parallel_loop3A_2488, %parallel_loop3A_2489] {strides = array<i32>} : memref<128x128xf32, #tpu.memory_space<vmem>>, vector<16xf32>,
      %parallel_loop3A_2491 = arith.index_cast %parallel_loop3A_2443 : i32 to index
      %parallel_loop3A_2492 = arith.constant 64 : index
      %parallel_loop3A_2493 = tpu.vector_load %arg15[%parallel_loop3A_2491, %parallel_loop3A_2492] {strides = array<i32>} : memref<128x128xf32, #tpu.memory_space<vmem>>, vector<16xf32>,
      %parallel_loop3A_2494 = arith.index_cast %parallel_loop3A_2443 : i32 to index
      %parallel_loop3A_2495 = arith.constant 64 : index
      %parallel_loop3A_2496 = tpu.vector_load %arg16[%parallel_loop3A_2494, %parallel_loop3A_2495] {strides = array<i32>} : memref<128x128xf32, #tpu.memory_space<vmem>>, vector<16xf32>,
      %parallel_loop3A_2497 = arith.subf %parallel_loop3A_2493, %parallel_loop3A_2496 : vector<16xf32>
      %parallel_loop3A_2498 = arith.mulf %parallel_loop3A_2490, %parallel_loop3A_2497 : vector<16xf32>
      %parallel_loop3A_2499 = arith.index_cast %parallel_loop3A_2443 : i32 to index
      %parallel_loop3A_2500 = arith.constant 80 : index
      %parallel_loop3A_2501 = tpu.vector_load %arg14[%parallel_loop3A_2499, %parallel_loop3A_2500] {strides = array<i32>} : memref<128x128xf32, #tpu.memory_space<vmem>>, vector<16xf32>,
      %parallel_loop3A_2502 = arith.index_cast %parallel_loop3A_2443 : i32 to index
      %parallel_loop3A_2503 = arith.constant 80 : index
      %parallel_loop3A_2504 = tpu.vector_load %arg15[%parallel_loop3A_2502, %parallel_loop3A_2503] {strides = array<i32>} : memref<128x128xf32, #tpu.memory_space<vmem>>, vector<16xf32>,
      %parallel_loop3A_2505 = arith.index_cast %parallel_loop3A_2443 : i32 to index
      %parallel_loop3A_2506 = arith.constant 80 : index
      %parallel_loop3A_2507 = tpu.vector_load %arg16[%parallel_loop3A_2505, %parallel_loop3A_2506] {strides = array<i32>} : memref<128x128xf32, #tpu.memory_space<vmem>>, vector<16xf32>,
      %parallel_loop3A_2508 = arith.subf %parallel_loop3A_2504, %parallel_loop3A_2507 : vector<16xf32>
      %parallel_loop3A_2509 = arith.mulf %parallel_loop3A_2501, %parallel_loop3A_2508 : vector<16xf32>
      %parallel_loop3A_2510 = arith.index_cast %parallel_loop3A_2443 : i32 to index
      %parallel_loop3A_2511 = arith.constant 96 : index
      %parallel_loop3A_2512 = tpu.vector_load %arg14[%parallel_loop3A_2510, %parallel_loop3A_2511] {strides = array<i32>} : memref<128x128xf32, #tpu.memory_space<vmem>>, vector<16xf32>,
      %parallel_loop3A_2513 = arith.index_cast %parallel_loop3A_2443 : i32 to index
      %parallel_loop3A_2514 = arith.constant 96 : index
      %parallel_loop3A_2515 = tpu.vector_load %arg15[%parallel_loop3A_2513, %parallel_loop3A_2514] {strides = array<i32>} : memref<128x128xf32, #tpu.memory_space<vmem>>, vector<16xf32>,
      %parallel_loop3A_2516 = arith.index_cast %parallel_loop3A_2443 : i32 to index
      %parallel_loop3A_2517 = arith.constant 96 : index
      %parallel_loop3A_2518 = tpu.vector_load %arg16[%parallel_loop3A_2516, %parallel_loop3A_2517] {strides = array<i32>} : memref<128x128xf32, #tpu.memory_space<vmem>>, vector<16xf32>,
      %parallel_loop3A_2519 = arith.subf %parallel_loop3A_2515, %parallel_loop3A_2518 : vector<16xf32>
      %parallel_loop3A_2520 = arith.mulf %parallel_loop3A_2512, %parallel_loop3A_2519 : vector<16xf32>
      %parallel_loop3A_2521 = arith.index_cast %parallel_loop3A_2443 : i32 to index
      %parallel_loop3A_2522 = arith.constant 112 : index
      %parallel_loop3A_2523 = tpu.vector_load %arg14[%parallel_loop3A_2521, %parallel_loop3A_2522] {strides = array<i32>} : memref<128x128xf32, #tpu.memory_space<vmem>>, vector<16xf32>,
      %parallel_loop3A_2524 = arith.index_cast %parallel_loop3A_2443 : i32 to index
      %parallel_loop3A_2525 = arith.constant 112 : index
      %parallel_loop3A_2526 = tpu.vector_load %arg15[%parallel_loop3A_2524, %parallel_loop3A_2525] {strides = array<i32>} : memref<128x128xf32, #tpu.memory_space<vmem>>, vector<16xf32>,
      %parallel_loop3A_2527 = arith.index_cast %parallel_loop3A_2443 : i32 to index
      %parallel_loop3A_2528 = arith.constant 112 : index
      %parallel_loop3A_2529 = tpu.vector_load %arg16[%parallel_loop3A_2527, %parallel_loop3A_2528] {strides = array<i32>} : memref<128x128xf32, #tpu.memory_space<vmem>>, vector<16xf32>,
      %parallel_loop3A_2530 = arith.subf %parallel_loop3A_2526, %parallel_loop3A_2529 : vector<16xf32>
      %parallel_loop3A_2531 = arith.mulf %parallel_loop3A_2523, %parallel_loop3A_2530 : vector<16xf32>
      %parallel_loop3A_2532 = arith.addf %parallel_loop3A_2454, %parallel_loop3A_2465 : vector<16xf32>
      %parallel_loop3A_2533 = arith.addf %parallel_loop3A_2476, %parallel_loop3A_2487 : vector<16xf32>
      %parallel_loop3A_2534 = arith.addf %parallel_loop3A_2498, %parallel_loop3A_2509 : vector<16xf32>
      %parallel_loop3A_2535 = arith.addf %parallel_loop3A_2520, %parallel_loop3A_2531 : vector<16xf32>
      %parallel_loop3A_2536 = arith.addf %parallel_loop3A_2532, %parallel_loop3A_2533 : vector<16xf32>
      %parallel_loop3A_2537 = arith.addf %parallel_loop3A_2534, %parallel_loop3A_2535 : vector<16xf32>
      %parallel_loop3A_2538 = arith.addf %parallel_loop3A_2536, %parallel_loop3A_2537 : vector<16xf32>
      %parallel_loop3A_2539 = arith.index_cast %parallel_loop3A_2443 : i32 to index
      %parallel_loop3A_2540 = arith.constant 0 : index
      %parallel_loop3A_2541 = tpu.vector_load %arg21[%parallel_loop3A_2539, %parallel_loop3A_2540] {strides = array<i32>} : memref<128x17xf32, #tpu.memory_space<vmem>>, vector<16xf32>,
      tpu.vector_store %arg21[%parallel_loop3A_2539, %parallel_loop3A_2540], %parallel_loop3A_2538 {strides = array<i32>} : memref<128x17xf32, #tpu.memory_space<vmem>>, vector<16xf32>,
    } {sc.loop_unroll_factor = 2 : i64, sc.parallel_access}
    %get3A_1289 = arith.constant 256 : index
    %get3A_1290 = tpu.vector_load %arg12[%get3A_1289] {strides = array<i32>} : memref<512xf32, #tpu.memory_space<vmem>>, vector<16xf32>,
    %get3A_1291 = arith.constant 256 : index
    %get3A_1292 = tpu.vector_load %arg13[%get3A_1291] {strides = array<i32>} : memref<512xf32, #tpu.memory_space<vmem>>, vector<16xf32>,
    %sub3A_1293 = arith.subf %get3A_1290, %get3A_1292 : vector<16xf32>
    %broadcast_in_dim3A_1294 = arith.constant 0 : i32
    %broadcast_in_dim3A_1295 = vector.broadcast %broadcast_in_dim3A_1294 : i32 to vector<16xi32>
    %gather3A_1296 = tpu.vector_load_idx %arg21[%add3A_5, %broadcast_in_dim3A_1295] : memref<128x17xf32, #tpu.memory_space<vmem>>[vector<16xi32>, vector<16xi32>], vector<16xf32>,
    %add3A_1297 = arith.addf %sub3A_1293, %gather3A_1296 : vector<16xf32>
    %broadcast_in_dim3A_1298 = arith.constant 1 : i32
    %broadcast_in_dim3A_1299 = vector.broadcast %broadcast_in_dim3A_1298 : i32 to vector<16xi32>
    %gather3A_1300 = tpu.vector_load_idx %arg21[%add3A_5, %broadcast_in_dim3A_1299] : memref<128x17xf32, #tpu.memory_space<vmem>>[vector<16xi32>, vector<16xi32>], vector<16xf32>,
    %add3A_1301 = arith.addf %add3A_1297, %gather3A_1300 : vector<16xf32>
    %broadcast_in_dim3A_1302 = arith.constant 2 : i32
    %broadcast_in_dim3A_1303 = vector.broadcast %broadcast_in_dim3A_1302 : i32 to vector<16xi32>
    %gather3A_1304 = tpu.vector_load_idx %arg21[%add3A_5, %broadcast_in_dim3A_1303] : memref<128x17xf32, #tpu.memory_space<vmem>>[vector<16xi32>, vector<16xi32>], vector<16xf32>,
    %add3A_1305 = arith.addf %add3A_1301, %gather3A_1304 : vector<16xf32>
    %broadcast_in_dim3A_1306 = arith.constant 3 : i32
    %broadcast_in_dim3A_1307 = vector.broadcast %broadcast_in_dim3A_1306 : i32 to vector<16xi32>
    %gather3A_1308 = tpu.vector_load_idx %arg21[%add3A_5, %broadcast_in_dim3A_1307] : memref<128x17xf32, #tpu.memory_space<vmem>>[vector<16xi32>, vector<16xi32>], vector<16xf32>,
    %add3A_1309 = arith.addf %add3A_1305, %gather3A_1308 : vector<16xf32>
    %broadcast_in_dim3A_1310 = arith.constant 4 : i32
    %broadcast_in_dim3A_1311 = vector.broadcast %broadcast_in_dim3A_1310 : i32 to vector<16xi32>
    %gather3A_1312 = tpu.vector_load_idx %arg21[%add3A_5, %broadcast_in_dim3A_1311] : memref<128x17xf32, #tpu.memory_space<vmem>>[vector<16xi32>, vector<16xi32>], vector<16xf32>,
    %add3A_1313 = arith.addf %add3A_1309, %gather3A_1312 : vector<16xf32>
    %broadcast_in_dim3A_1314 = arith.constant 5 : i32
    %broadcast_in_dim3A_1315 = vector.broadcast %broadcast_in_dim3A_1314 : i32 to vector<16xi32>
    %gather3A_1316 = tpu.vector_load_idx %arg21[%add3A_5, %broadcast_in_dim3A_1315] : memref<128x17xf32, #tpu.memory_space<vmem>>[vector<16xi32>, vector<16xi32>], vector<16xf32>,
    %add3A_1317 = arith.addf %add3A_1313, %gather3A_1316 : vector<16xf32>
    %broadcast_in_dim3A_1318 = arith.constant 6 : i32
    %broadcast_in_dim3A_1319 = vector.broadcast %broadcast_in_dim3A_1318 : i32 to vector<16xi32>
    %gather3A_1320 = tpu.vector_load_idx %arg21[%add3A_5, %broadcast_in_dim3A_1319] : memref<128x17xf32, #tpu.memory_space<vmem>>[vector<16xi32>, vector<16xi32>], vector<16xf32>,
    %add3A_1321 = arith.addf %add3A_1317, %gather3A_1320 : vector<16xf32>
    %broadcast_in_dim3A_1322 = arith.constant 7 : i32
    %broadcast_in_dim3A_1323 = vector.broadcast %broadcast_in_dim3A_1322 : i32 to vector<16xi32>
    %gather3A_1324 = tpu.vector_load_idx %arg21[%add3A_5, %broadcast_in_dim3A_1323] : memref<128x17xf32, #tpu.memory_space<vmem>>[vector<16xi32>, vector<16xi32>], vector<16xf32>,
    %add3A_1325 = arith.addf %add3A_1321, %gather3A_1324 : vector<16xf32>
    %broadcast_in_dim3A_1326 = arith.constant 8 : i32
    %broadcast_in_dim3A_1327 = vector.broadcast %broadcast_in_dim3A_1326 : i32 to vector<16xi32>
    %gather3A_1328 = tpu.vector_load_idx %arg21[%add3A_5, %broadcast_in_dim3A_1327] : memref<128x17xf32, #tpu.memory_space<vmem>>[vector<16xi32>, vector<16xi32>], vector<16xf32>,
    %add3A_1329 = arith.addf %add3A_1325, %gather3A_1328 : vector<16xf32>
    %broadcast_in_dim3A_1330 = arith.constant 9 : i32
    %broadcast_in_dim3A_1331 = vector.broadcast %broadcast_in_dim3A_1330 : i32 to vector<16xi32>
    %gather3A_1332 = tpu.vector_load_idx %arg21[%add3A_5, %broadcast_in_dim3A_1331] : memref<128x17xf32, #tpu.memory_space<vmem>>[vector<16xi32>, vector<16xi32>], vector<16xf32>,
    %add3A_1333 = arith.addf %add3A_1329, %gather3A_1332 : vector<16xf32>
    %broadcast_in_dim3A_1334 = arith.constant 10 : i32
    %broadcast_in_dim3A_1335 = vector.broadcast %broadcast_in_dim3A_1334 : i32 to vector<16xi32>
    %gather3A_1336 = tpu.vector_load_idx %arg21[%add3A_5, %broadcast_in_dim3A_1335] : memref<128x17xf32, #tpu.memory_space<vmem>>[vector<16xi32>, vector<16xi32>], vector<16xf32>,
    %add3A_1337 = arith.addf %add3A_1333, %gather3A_1336 : vector<16xf32>
    %broadcast_in_dim3A_1338 = arith.constant 11 : i32
    %broadcast_in_dim3A_1339 = vector.broadcast %broadcast_in_dim3A_1338 : i32 to vector<16xi32>
    %gather3A_1340 = tpu.vector_load_idx %arg21[%add3A_5, %broadcast_in_dim3A_1339] : memref<128x17xf32, #tpu.memory_space<vmem>>[vector<16xi32>, vector<16xi32>], vector<16xf32>,
    %add3A_1341 = arith.addf %add3A_1337, %gather3A_1340 : vector<16xf32>
    %broadcast_in_dim3A_1342 = arith.constant 12 : i32
    %broadcast_in_dim3A_1343 = vector.broadcast %broadcast_in_dim3A_1342 : i32 to vector<16xi32>
    %gather3A_1344 = tpu.vector_load_idx %arg21[%add3A_5, %broadcast_in_dim3A_1343] : memref<128x17xf32, #tpu.memory_space<vmem>>[vector<16xi32>, vector<16xi32>], vector<16xf32>,
    %add3A_1345 = arith.addf %add3A_1341, %gather3A_1344 : vector<16xf32>
    %broadcast_in_dim3A_1346 = arith.constant 13 : i32
    %broadcast_in_dim3A_1347 = vector.broadcast %broadcast_in_dim3A_1346 : i32 to vector<16xi32>
    %gather3A_1348 = tpu.vector_load_idx %arg21[%add3A_5, %broadcast_in_dim3A_1347] : memref<128x17xf32, #tpu.memory_space<vmem>>[vector<16xi32>, vector<16xi32>], vector<16xf32>,
    %add3A_1349 = arith.addf %add3A_1345, %gather3A_1348 : vector<16xf32>
    %broadcast_in_dim3A_1350 = arith.constant 14 : i32
    %broadcast_in_dim3A_1351 = vector.broadcast %broadcast_in_dim3A_1350 : i32 to vector<16xi32>
    %gather3A_1352 = tpu.vector_load_idx %arg21[%add3A_5, %broadcast_in_dim3A_1351] : memref<128x17xf32, #tpu.memory_space<vmem>>[vector<16xi32>, vector<16xi32>], vector<16xf32>,
    %add3A_1353 = arith.addf %add3A_1349, %gather3A_1352 : vector<16xf32>
    %broadcast_in_dim3A_1354 = arith.constant 15 : i32
    %broadcast_in_dim3A_1355 = vector.broadcast %broadcast_in_dim3A_1354 : i32 to vector<16xi32>
    %gather3A_1356 = tpu.vector_load_idx %arg21[%add3A_5, %broadcast_in_dim3A_1355] : memref<128x17xf32, #tpu.memory_space<vmem>>[vector<16xi32>, vector<16xi32>], vector<16xf32>,
    %add3A_1357 = arith.addf %add3A_1353, %gather3A_1356 : vector<16xf32>
    %swap3A_1358 = arith.constant 256 : index
    %swap3A_1359 = tpu.vector_load %arg20[%swap3A_1358] {strides = array<i32>} : memref<512xf32, #tpu.memory_space<vmem>>, vector<16xf32>,
    tpu.vector_store %arg20[%swap3A_1358], %add3A_1357 {strides = array<i32>} : memref<512xf32, #tpu.memory_space<vmem>>, vector<16xf32>,
    %get3A_1360 = arith.constant 272 : index
    %get3A_1361 = tpu.vector_load %arg12[%get3A_1360] {strides = array<i32>} : memref<512xf32, #tpu.memory_space<vmem>>, vector<16xf32>,
    %get3A_1362 = arith.constant 272 : index
    %get3A_1363 = tpu.vector_load %arg13[%get3A_1362] {strides = array<i32>} : memref<512xf32, #tpu.memory_space<vmem>>, vector<16xf32>,
    %sub3A_1364 = arith.subf %get3A_1361, %get3A_1363 : vector<16xf32>
    %broadcast_in_dim3A_1365 = arith.constant 0 : i32
    %broadcast_in_dim3A_1366 = vector.broadcast %broadcast_in_dim3A_1365 : i32 to vector<16xi32>
    %gather3A_1367 = tpu.vector_load_idx %arg21[%add3A_8, %broadcast_in_dim3A_1366] : memref<128x17xf32, #tpu.memory_space<vmem>>[vector<16xi32>, vector<16xi32>], vector<16xf32>,
    %add3A_1368 = arith.addf %sub3A_1364, %gather3A_1367 : vector<16xf32>
    %broadcast_in_dim3A_1369 = arith.constant 1 : i32
    %broadcast_in_dim3A_1370 = vector.broadcast %broadcast_in_dim3A_1369 : i32 to vector<16xi32>
    %gather3A_1371 = tpu.vector_load_idx %arg21[%add3A_8, %broadcast_in_dim3A_1370] : memref<128x17xf32, #tpu.memory_space<vmem>>[vector<16xi32>, vector<16xi32>], vector<16xf32>,
    %add3A_1372 = arith.addf %add3A_1368, %gather3A_1371 : vector<16xf32>
    %broadcast_in_dim3A_1373 = arith.constant 2 : i32
    %broadcast_in_dim3A_1374 = vector.broadcast %broadcast_in_dim3A_1373 : i32 to vector<16xi32>
    %gather3A_1375 = tpu.vector_load_idx %arg21[%add3A_8, %broadcast_in_dim3A_1374] : memref<128x17xf32, #tpu.memory_space<vmem>>[vector<16xi32>, vector<16xi32>], vector<16xf32>,
    %add3A_1376 = arith.addf %add3A_1372, %gather3A_1375 : vector<16xf32>
    %broadcast_in_dim3A_1377 = arith.constant 3 : i32
    %broadcast_in_dim3A_1378 = vector.broadcast %broadcast_in_dim3A_1377 : i32 to vector<16xi32>
    %gather3A_1379 = tpu.vector_load_idx %arg21[%add3A_8, %broadcast_in_dim3A_1378] : memref<128x17xf32, #tpu.memory_space<vmem>>[vector<16xi32>, vector<16xi32>], vector<16xf32>,
    %add3A_1380 = arith.addf %add3A_1376, %gather3A_1379 : vector<16xf32>
    %broadcast_in_dim3A_1381 = arith.constant 4 : i32
    %broadcast_in_dim3A_1382 = vector.broadcast %broadcast_in_dim3A_1381 : i32 to vector<16xi32>
    %gather3A_1383 = tpu.vector_load_idx %arg21[%add3A_8, %broadcast_in_dim3A_1382] : memref<128x17xf32, #tpu.memory_space<vmem>>[vector<16xi32>, vector<16xi32>], vector<16xf32>,
    %add3A_1384 = arith.addf %add3A_1380, %gather3A_1383 : vector<16xf32>
    %broadcast_in_dim3A_1385 = arith.constant 5 : i32
    %broadcast_in_dim3A_1386 = vector.broadcast %broadcast_in_dim3A_1385 : i32 to vector<16xi32>
    %gather3A_1387 = tpu.vector_load_idx %arg21[%add3A_8, %broadcast_in_dim3A_1386] : memref<128x17xf32, #tpu.memory_space<vmem>>[vector<16xi32>, vector<16xi32>], vector<16xf32>,
    %add3A_1388 = arith.addf %add3A_1384, %gather3A_1387 : vector<16xf32>
    %broadcast_in_dim3A_1389 = arith.constant 6 : i32
    %broadcast_in_dim3A_1390 = vector.broadcast %broadcast_in_dim3A_1389 : i32 to vector<16xi32>
    %gather3A_1391 = tpu.vector_load_idx %arg21[%add3A_8, %broadcast_in_dim3A_1390] : memref<128x17xf32, #tpu.memory_space<vmem>>[vector<16xi32>, vector<16xi32>], vector<16xf32>,
    %add3A_1392 = arith.addf %add3A_1388, %gather3A_1391 : vector<16xf32>
    %broadcast_in_dim3A_1393 = arith.constant 7 : i32
    %broadcast_in_dim3A_1394 = vector.broadcast %broadcast_in_dim3A_1393 : i32 to vector<16xi32>
    %gather3A_1395 = tpu.vector_load_idx %arg21[%add3A_8, %broadcast_in_dim3A_1394] : memref<128x17xf32, #tpu.memory_space<vmem>>[vector<16xi32>, vector<16xi32>], vector<16xf32>,
    %add3A_1396 = arith.addf %add3A_1392, %gather3A_1395 : vector<16xf32>
    %broadcast_in_dim3A_1397 = arith.constant 8 : i32
    %broadcast_in_dim3A_1398 = vector.broadcast %broadcast_in_dim3A_1397 : i32 to vector<16xi32>
    %gather3A_1399 = tpu.vector_load_idx %arg21[%add3A_8, %broadcast_in_dim3A_1398] : memref<128x17xf32, #tpu.memory_space<vmem>>[vector<16xi32>, vector<16xi32>], vector<16xf32>,
    %add3A_1400 = arith.addf %add3A_1396, %gather3A_1399 : vector<16xf32>
    %broadcast_in_dim3A_1401 = arith.constant 9 : i32
    %broadcast_in_dim3A_1402 = vector.broadcast %broadcast_in_dim3A_1401 : i32 to vector<16xi32>
    %gather3A_1403 = tpu.vector_load_idx %arg21[%add3A_8, %broadcast_in_dim3A_1402] : memref<128x17xf32, #tpu.memory_space<vmem>>[vector<16xi32>, vector<16xi32>], vector<16xf32>,
    %add3A_1404 = arith.addf %add3A_1400, %gather3A_1403 : vector<16xf32>
    %broadcast_in_dim3A_1405 = arith.constant 10 : i32
    %broadcast_in_dim3A_1406 = vector.broadcast %broadcast_in_dim3A_1405 : i32 to vector<16xi32>
    %gather3A_1407 = tpu.vector_load_idx %arg21[%add3A_8, %broadcast_in_dim3A_1406] : memref<128x17xf32, #tpu.memory_space<vmem>>[vector<16xi32>, vector<16xi32>], vector<16xf32>,
    %add3A_1408 = arith.addf %add3A_1404, %gather3A_1407 : vector<16xf32>
    %broadcast_in_dim3A_1409 = arith.constant 11 : i32
    %broadcast_in_dim3A_1410 = vector.broadcast %broadcast_in_dim3A_1409 : i32 to vector<16xi32>
    %gather3A_1411 = tpu.vector_load_idx %arg21[%add3A_8, %broadcast_in_dim3A_1410] : memref<128x17xf32, #tpu.memory_space<vmem>>[vector<16xi32>, vector<16xi32>], vector<16xf32>,
    %add3A_1412 = arith.addf %add3A_1408, %gather3A_1411 : vector<16xf32>
    %broadcast_in_dim3A_1413 = arith.constant 12 : i32
    %broadcast_in_dim3A_1414 = vector.broadcast %broadcast_in_dim3A_1413 : i32 to vector<16xi32>
    %gather3A_1415 = tpu.vector_load_idx %arg21[%add3A_8, %broadcast_in_dim3A_1414] : memref<128x17xf32, #tpu.memory_space<vmem>>[vector<16xi32>, vector<16xi32>], vector<16xf32>,
    %add3A_1416 = arith.addf %add3A_1412, %gather3A_1415 : vector<16xf32>
    %broadcast_in_dim3A_1417 = arith.constant 13 : i32
    %broadcast_in_dim3A_1418 = vector.broadcast %broadcast_in_dim3A_1417 : i32 to vector<16xi32>
    %gather3A_1419 = tpu.vector_load_idx %arg21[%add3A_8, %broadcast_in_dim3A_1418] : memref<128x17xf32, #tpu.memory_space<vmem>>[vector<16xi32>, vector<16xi32>], vector<16xf32>,
    %add3A_1420 = arith.addf %add3A_1416, %gather3A_1419 : vector<16xf32>
    %broadcast_in_dim3A_1421 = arith.constant 14 : i32
    %broadcast_in_dim3A_1422 = vector.broadcast %broadcast_in_dim3A_1421 : i32 to vector<16xi32>
    %gather3A_1423 = tpu.vector_load_idx %arg21[%add3A_8, %broadcast_in_dim3A_1422] : memref<128x17xf32, #tpu.memory_space<vmem>>[vector<16xi32>, vector<16xi32>], vector<16xf32>,
    %add3A_1424 = arith.addf %add3A_1420, %gather3A_1423 : vector<16xf32>
    %broadcast_in_dim3A_1425 = arith.constant 15 : i32
    %broadcast_in_dim3A_1426 = vector.broadcast %broadcast_in_dim3A_1425 : i32 to vector<16xi32>
    %gather3A_1427 = tpu.vector_load_idx %arg21[%add3A_8, %broadcast_in_dim3A_1426] : memref<128x17xf32, #tpu.memory_space<vmem>>[vector<16xi32>, vector<16xi32>], vector<16xf32>,
    %add3A_1428 = arith.addf %add3A_1424, %gather3A_1427 : vector<16xf32>
    %swap3A_1429 = arith.constant 272 : index
    %swap3A_1430 = tpu.vector_load %arg20[%swap3A_1429] {strides = array<i32>} : memref<512xf32, #tpu.memory_space<vmem>>, vector<16xf32>,
    tpu.vector_store %arg20[%swap3A_1429], %add3A_1428 {strides = array<i32>} : memref<512xf32, #tpu.memory_space<vmem>>, vector<16xf32>,
    %get3A_1431 = arith.constant 288 : index
    %get3A_1432 = tpu.vector_load %arg12[%get3A_1431] {strides = array<i32>} : memref<512xf32, #tpu.memory_space<vmem>>, vector<16xf32>,
    %get3A_1433 = arith.constant 288 : index
    %get3A_1434 = tpu.vector_load %arg13[%get3A_1433] {strides = array<i32>} : memref<512xf32, #tpu.memory_space<vmem>>, vector<16xf32>,
    %sub3A_1435 = arith.subf %get3A_1432, %get3A_1434 : vector<16xf32>
    %broadcast_in_dim3A_1436 = arith.constant 0 : i32
    %broadcast_in_dim3A_1437 = vector.broadcast %broadcast_in_dim3A_1436 : i32 to vector<16xi32>
    %gather3A_1438 = tpu.vector_load_idx %arg21[%add3A_11, %broadcast_in_dim3A_1437] : memref<128x17xf32, #tpu.memory_space<vmem>>[vector<16xi32>, vector<16xi32>], vector<16xf32>,
    %add3A_1439 = arith.addf %sub3A_1435, %gather3A_1438 : vector<16xf32>
    %broadcast_in_dim3A_1440 = arith.constant 1 : i32
    %broadcast_in_dim3A_1441 = vector.broadcast %broadcast_in_dim3A_1440 : i32 to vector<16xi32>
    %gather3A_1442 = tpu.vector_load_idx %arg21[%add3A_11, %broadcast_in_dim3A_1441] : memref<128x17xf32, #tpu.memory_space<vmem>>[vector<16xi32>, vector<16xi32>], vector<16xf32>,
    %add3A_1443 = arith.addf %add3A_1439, %gather3A_1442 : vector<16xf32>
    %broadcast_in_dim3A_1444 = arith.constant 2 : i32
    %broadcast_in_dim3A_1445 = vector.broadcast %broadcast_in_dim3A_1444 : i32 to vector<16xi32>
    %gather3A_1446 = tpu.vector_load_idx %arg21[%add3A_11, %broadcast_in_dim3A_1445] : memref<128x17xf32, #tpu.memory_space<vmem>>[vector<16xi32>, vector<16xi32>], vector<16xf32>,
    %add3A_1447 = arith.addf %add3A_1443, %gather3A_1446 : vector<16xf32>
    %broadcast_in_dim3A_1448 = arith.constant 3 : i32
    %broadcast_in_dim3A_1449 = vector.broadcast %broadcast_in_dim3A_1448 : i32 to vector<16xi32>
    %gather3A_1450 = tpu.vector_load_idx %arg21[%add3A_11, %broadcast_in_dim3A_1449] : memref<128x17xf32, #tpu.memory_space<vmem>>[vector<16xi32>, vector<16xi32>], vector<16xf32>,
    %add3A_1451 = arith.addf %add3A_1447, %gather3A_1450 : vector<16xf32>
    %broadcast_in_dim3A_1452 = arith.constant 4 : i32
    %broadcast_in_dim3A_1453 = vector.broadcast %broadcast_in_dim3A_1452 : i32 to vector<16xi32>
    %gather3A_1454 = tpu.vector_load_idx %arg21[%add3A_11, %broadcast_in_dim3A_1453] : memref<128x17xf32, #tpu.memory_space<vmem>>[vector<16xi32>, vector<16xi32>], vector<16xf32>,
    %add3A_1455 = arith.addf %add3A_1451, %gather3A_1454 : vector<16xf32>
    %broadcast_in_dim3A_1456 = arith.constant 5 : i32
    %broadcast_in_dim3A_1457 = vector.broadcast %broadcast_in_dim3A_1456 : i32 to vector<16xi32>
    %gather3A_1458 = tpu.vector_load_idx %arg21[%add3A_11, %broadcast_in_dim3A_1457] : memref<128x17xf32, #tpu.memory_space<vmem>>[vector<16xi32>, vector<16xi32>], vector<16xf32>,
    %add3A_1459 = arith.addf %add3A_1455, %gather3A_1458 : vector<16xf32>
    %broadcast_in_dim3A_1460 = arith.constant 6 : i32
    %broadcast_in_dim3A_1461 = vector.broadcast %broadcast_in_dim3A_1460 : i32 to vector<16xi32>
    %gather3A_1462 = tpu.vector_load_idx %arg21[%add3A_11, %broadcast_in_dim3A_1461] : memref<128x17xf32, #tpu.memory_space<vmem>>[vector<16xi32>, vector<16xi32>], vector<16xf32>,
    %add3A_1463 = arith.addf %add3A_1459, %gather3A_1462 : vector<16xf32>
    %broadcast_in_dim3A_1464 = arith.constant 7 : i32
    %broadcast_in_dim3A_1465 = vector.broadcast %broadcast_in_dim3A_1464 : i32 to vector<16xi32>
    %gather3A_1466 = tpu.vector_load_idx %arg21[%add3A_11, %broadcast_in_dim3A_1465] : memref<128x17xf32, #tpu.memory_space<vmem>>[vector<16xi32>, vector<16xi32>], vector<16xf32>,
    %add3A_1467 = arith.addf %add3A_1463, %gather3A_1466 : vector<16xf32>
    %broadcast_in_dim3A_1468 = arith.constant 8 : i32
    %broadcast_in_dim3A_1469 = vector.broadcast %broadcast_in_dim3A_1468 : i32 to vector<16xi32>
    %gather3A_1470 = tpu.vector_load_idx %arg21[%add3A_11, %broadcast_in_dim3A_1469] : memref<128x17xf32, #tpu.memory_space<vmem>>[vector<16xi32>, vector<16xi32>], vector<16xf32>,
    %add3A_1471 = arith.addf %add3A_1467, %gather3A_1470 : vector<16xf32>
    %broadcast_in_dim3A_1472 = arith.constant 9 : i32
    %broadcast_in_dim3A_1473 = vector.broadcast %broadcast_in_dim3A_1472 : i32 to vector<16xi32>
    %gather3A_1474 = tpu.vector_load_idx %arg21[%add3A_11, %broadcast_in_dim3A_1473] : memref<128x17xf32, #tpu.memory_space<vmem>>[vector<16xi32>, vector<16xi32>], vector<16xf32>,
    %add3A_1475 = arith.addf %add3A_1471, %gather3A_1474 : vector<16xf32>
    %broadcast_in_dim3A_1476 = arith.constant 10 : i32
    %broadcast_in_dim3A_1477 = vector.broadcast %broadcast_in_dim3A_1476 : i32 to vector<16xi32>
    %gather3A_1478 = tpu.vector_load_idx %arg21[%add3A_11, %broadcast_in_dim3A_1477] : memref<128x17xf32, #tpu.memory_space<vmem>>[vector<16xi32>, vector<16xi32>], vector<16xf32>,
    %add3A_1479 = arith.addf %add3A_1475, %gather3A_1478 : vector<16xf32>
    %broadcast_in_dim3A_1480 = arith.constant 11 : i32
    %broadcast_in_dim3A_1481 = vector.broadcast %broadcast_in_dim3A_1480 : i32 to vector<16xi32>
    %gather3A_1482 = tpu.vector_load_idx %arg21[%add3A_11, %broadcast_in_dim3A_1481] : memref<128x17xf32, #tpu.memory_space<vmem>>[vector<16xi32>, vector<16xi32>], vector<16xf32>,
    %add3A_1483 = arith.addf %add3A_1479, %gather3A_1482 : vector<16xf32>
    %broadcast_in_dim3A_1484 = arith.constant 12 : i32
    %broadcast_in_dim3A_1485 = vector.broadcast %broadcast_in_dim3A_1484 : i32 to vector<16xi32>
    %gather3A_1486 = tpu.vector_load_idx %arg21[%add3A_11, %broadcast_in_dim3A_1485] : memref<128x17xf32, #tpu.memory_space<vmem>>[vector<16xi32>, vector<16xi32>], vector<16xf32>,
    %add3A_1487 = arith.addf %add3A_1483, %gather3A_1486 : vector<16xf32>
    %broadcast_in_dim3A_1488 = arith.constant 13 : i32
    %broadcast_in_dim3A_1489 = vector.broadcast %broadcast_in_dim3A_1488 : i32 to vector<16xi32>
    %gather3A_1490 = tpu.vector_load_idx %arg21[%add3A_11, %broadcast_in_dim3A_1489] : memref<128x17xf32, #tpu.memory_space<vmem>>[vector<16xi32>, vector<16xi32>], vector<16xf32>,
    %add3A_1491 = arith.addf %add3A_1487, %gather3A_1490 : vector<16xf32>
    %broadcast_in_dim3A_1492 = arith.constant 14 : i32
    %broadcast_in_dim3A_1493 = vector.broadcast %broadcast_in_dim3A_1492 : i32 to vector<16xi32>
    %gather3A_1494 = tpu.vector_load_idx %arg21[%add3A_11, %broadcast_in_dim3A_1493] : memref<128x17xf32, #tpu.memory_space<vmem>>[vector<16xi32>, vector<16xi32>], vector<16xf32>,
    %add3A_1495 = arith.addf %add3A_1491, %gather3A_1494 : vector<16xf32>
    %broadcast_in_dim3A_1496 = arith.constant 15 : i32
    %broadcast_in_dim3A_1497 = vector.broadcast %broadcast_in_dim3A_1496 : i32 to vector<16xi32>
    %gather3A_1498 = tpu.vector_load_idx %arg21[%add3A_11, %broadcast_in_dim3A_1497] : memref<128x17xf32, #tpu.memory_space<vmem>>[vector<16xi32>, vector<16xi32>], vector<16xf32>,
    %add3A_1499 = arith.addf %add3A_1495, %gather3A_1498 : vector<16xf32>
    %swap3A_1500 = arith.constant 288 : index
    %swap3A_1501 = tpu.vector_load %arg20[%swap3A_1500] {strides = array<i32>} : memref<512xf32, #tpu.memory_space<vmem>>, vector<16xf32>,
    tpu.vector_store %arg20[%swap3A_1500], %add3A_1499 {strides = array<i32>} : memref<512xf32, #tpu.memory_space<vmem>>, vector<16xf32>,
    %get3A_1502 = arith.constant 304 : index
    %get3A_1503 = tpu.vector_load %arg12[%get3A_1502] {strides = array<i32>} : memref<512xf32, #tpu.memory_space<vmem>>, vector<16xf32>,
    %get3A_1504 = arith.constant 304 : index
    %get3A_1505 = tpu.vector_load %arg13[%get3A_1504] {strides = array<i32>} : memref<512xf32, #tpu.memory_space<vmem>>, vector<16xf32>,
    %sub3A_1506 = arith.subf %get3A_1503, %get3A_1505 : vector<16xf32>
    %broadcast_in_dim3A_1507 = arith.constant 0 : i32
    %broadcast_in_dim3A_1508 = vector.broadcast %broadcast_in_dim3A_1507 : i32 to vector<16xi32>
    %gather3A_1509 = tpu.vector_load_idx %arg21[%add3A_14, %broadcast_in_dim3A_1508] : memref<128x17xf32, #tpu.memory_space<vmem>>[vector<16xi32>, vector<16xi32>], vector<16xf32>,
    %add3A_1510 = arith.addf %sub3A_1506, %gather3A_1509 : vector<16xf32>
    %broadcast_in_dim3A_1511 = arith.constant 1 : i32
    %broadcast_in_dim3A_1512 = vector.broadcast %broadcast_in_dim3A_1511 : i32 to vector<16xi32>
    %gather3A_1513 = tpu.vector_load_idx %arg21[%add3A_14, %broadcast_in_dim3A_1512] : memref<128x17xf32, #tpu.memory_space<vmem>>[vector<16xi32>, vector<16xi32>], vector<16xf32>,
    %add3A_1514 = arith.addf %add3A_1510, %gather3A_1513 : vector<16xf32>
    %broadcast_in_dim3A_1515 = arith.constant 2 : i32
    %broadcast_in_dim3A_1516 = vector.broadcast %broadcast_in_dim3A_1515 : i32 to vector<16xi32>
    %gather3A_1517 = tpu.vector_load_idx %arg21[%add3A_14, %broadcast_in_dim3A_1516] : memref<128x17xf32, #tpu.memory_space<vmem>>[vector<16xi32>, vector<16xi32>], vector<16xf32>,
    %add3A_1518 = arith.addf %add3A_1514, %gather3A_1517 : vector<16xf32>
    %broadcast_in_dim3A_1519 = arith.constant 3 : i32
    %broadcast_in_dim3A_1520 = vector.broadcast %broadcast_in_dim3A_1519 : i32 to vector<16xi32>
    %gather3A_1521 = tpu.vector_load_idx %arg21[%add3A_14, %broadcast_in_dim3A_1520] : memref<128x17xf32, #tpu.memory_space<vmem>>[vector<16xi32>, vector<16xi32>], vector<16xf32>,
    %add3A_1522 = arith.addf %add3A_1518, %gather3A_1521 : vector<16xf32>
    %broadcast_in_dim3A_1523 = arith.constant 4 : i32
    %broadcast_in_dim3A_1524 = vector.broadcast %broadcast_in_dim3A_1523 : i32 to vector<16xi32>
    %gather3A_1525 = tpu.vector_load_idx %arg21[%add3A_14, %broadcast_in_dim3A_1524] : memref<128x17xf32, #tpu.memory_space<vmem>>[vector<16xi32>, vector<16xi32>], vector<16xf32>,
    %add3A_1526 = arith.addf %add3A_1522, %gather3A_1525 : vector<16xf32>
    %broadcast_in_dim3A_1527 = arith.constant 5 : i32
    %broadcast_in_dim3A_1528 = vector.broadcast %broadcast_in_dim3A_1527 : i32 to vector<16xi32>
    %gather3A_1529 = tpu.vector_load_idx %arg21[%add3A_14, %broadcast_in_dim3A_1528] : memref<128x17xf32, #tpu.memory_space<vmem>>[vector<16xi32>, vector<16xi32>], vector<16xf32>,
    %add3A_1530 = arith.addf %add3A_1526, %gather3A_1529 : vector<16xf32>
    %broadcast_in_dim3A_1531 = arith.constant 6 : i32
    %broadcast_in_dim3A_1532 = vector.broadcast %broadcast_in_dim3A_1531 : i32 to vector<16xi32>
    %gather3A_1533 = tpu.vector_load_idx %arg21[%add3A_14, %broadcast_in_dim3A_1532] : memref<128x17xf32, #tpu.memory_space<vmem>>[vector<16xi32>, vector<16xi32>], vector<16xf32>,
    %add3A_1534 = arith.addf %add3A_1530, %gather3A_1533 : vector<16xf32>
    %broadcast_in_dim3A_1535 = arith.constant 7 : i32
    %broadcast_in_dim3A_1536 = vector.broadcast %broadcast_in_dim3A_1535 : i32 to vector<16xi32>
    %gather3A_1537 = tpu.vector_load_idx %arg21[%add3A_14, %broadcast_in_dim3A_1536] : memref<128x17xf32, #tpu.memory_space<vmem>>[vector<16xi32>, vector<16xi32>], vector<16xf32>,
    %add3A_1538 = arith.addf %add3A_1534, %gather3A_1537 : vector<16xf32>
    %broadcast_in_dim3A_1539 = arith.constant 8 : i32
    %broadcast_in_dim3A_1540 = vector.broadcast %broadcast_in_dim3A_1539 : i32 to vector<16xi32>
    %gather3A_1541 = tpu.vector_load_idx %arg21[%add3A_14, %broadcast_in_dim3A_1540] : memref<128x17xf32, #tpu.memory_space<vmem>>[vector<16xi32>, vector<16xi32>], vector<16xf32>,
    %add3A_1542 = arith.addf %add3A_1538, %gather3A_1541 : vector<16xf32>
    %broadcast_in_dim3A_1543 = arith.constant 9 : i32
    %broadcast_in_dim3A_1544 = vector.broadcast %broadcast_in_dim3A_1543 : i32 to vector<16xi32>
    %gather3A_1545 = tpu.vector_load_idx %arg21[%add3A_14, %broadcast_in_dim3A_1544] : memref<128x17xf32, #tpu.memory_space<vmem>>[vector<16xi32>, vector<16xi32>], vector<16xf32>,
    %add3A_1546 = arith.addf %add3A_1542, %gather3A_1545 : vector<16xf32>
    %broadcast_in_dim3A_1547 = arith.constant 10 : i32
    %broadcast_in_dim3A_1548 = vector.broadcast %broadcast_in_dim3A_1547 : i32 to vector<16xi32>
    %gather3A_1549 = tpu.vector_load_idx %arg21[%add3A_14, %broadcast_in_dim3A_1548] : memref<128x17xf32, #tpu.memory_space<vmem>>[vector<16xi32>, vector<16xi32>], vector<16xf32>,
    %add3A_1550 = arith.addf %add3A_1546, %gather3A_1549 : vector<16xf32>
    %broadcast_in_dim3A_1551 = arith.constant 11 : i32
    %broadcast_in_dim3A_1552 = vector.broadcast %broadcast_in_dim3A_1551 : i32 to vector<16xi32>
    %gather3A_1553 = tpu.vector_load_idx %arg21[%add3A_14, %broadcast_in_dim3A_1552] : memref<128x17xf32, #tpu.memory_space<vmem>>[vector<16xi32>, vector<16xi32>], vector<16xf32>,
    %add3A_1554 = arith.addf %add3A_1550, %gather3A_1553 : vector<16xf32>
    %broadcast_in_dim3A_1555 = arith.constant 12 : i32
    %broadcast_in_dim3A_1556 = vector.broadcast %broadcast_in_dim3A_1555 : i32 to vector<16xi32>
    %gather3A_1557 = tpu.vector_load_idx %arg21[%add3A_14, %broadcast_in_dim3A_1556] : memref<128x17xf32, #tpu.memory_space<vmem>>[vector<16xi32>, vector<16xi32>], vector<16xf32>,
    %add3A_1558 = arith.addf %add3A_1554, %gather3A_1557 : vector<16xf32>
    %broadcast_in_dim3A_1559 = arith.constant 13 : i32
    %broadcast_in_dim3A_1560 = vector.broadcast %broadcast_in_dim3A_1559 : i32 to vector<16xi32>
    %gather3A_1561 = tpu.vector_load_idx %arg21[%add3A_14, %broadcast_in_dim3A_1560] : memref<128x17xf32, #tpu.memory_space<vmem>>[vector<16xi32>, vector<16xi32>], vector<16xf32>,
    %add3A_1562 = arith.addf %add3A_1558, %gather3A_1561 : vector<16xf32>
    %broadcast_in_dim3A_1563 = arith.constant 14 : i32
    %broadcast_in_dim3A_1564 = vector.broadcast %broadcast_in_dim3A_1563 : i32 to vector<16xi32>
    %gather3A_1565 = tpu.vector_load_idx %arg21[%add3A_14, %broadcast_in_dim3A_1564] : memref<128x17xf32, #tpu.memory_space<vmem>>[vector<16xi32>, vector<16xi32>], vector<16xf32>,
    %add3A_1566 = arith.addf %add3A_1562, %gather3A_1565 : vector<16xf32>
    %broadcast_in_dim3A_1567 = arith.constant 15 : i32
    %broadcast_in_dim3A_1568 = vector.broadcast %broadcast_in_dim3A_1567 : i32 to vector<16xi32>
    %gather3A_1569 = tpu.vector_load_idx %arg21[%add3A_14, %broadcast_in_dim3A_1568] : memref<128x17xf32, #tpu.memory_space<vmem>>[vector<16xi32>, vector<16xi32>], vector<16xf32>,
    %add3A_1570 = arith.addf %add3A_1566, %gather3A_1569 : vector<16xf32>
    %swap3A_1571 = arith.constant 304 : index
    %swap3A_1572 = tpu.vector_load %arg20[%swap3A_1571] {strides = array<i32>} : memref<512xf32, #tpu.memory_space<vmem>>, vector<16xf32>,
    tpu.vector_store %arg20[%swap3A_1571], %add3A_1570 {strides = array<i32>} : memref<512xf32, #tpu.memory_space<vmem>>, vector<16xf32>,
    %get3A_1573 = arith.constant 320 : index
    %get3A_1574 = tpu.vector_load %arg12[%get3A_1573] {strides = array<i32>} : memref<512xf32, #tpu.memory_space<vmem>>, vector<16xf32>,
    %get3A_1575 = arith.constant 320 : index
    %get3A_1576 = tpu.vector_load %arg13[%get3A_1575] {strides = array<i32>} : memref<512xf32, #tpu.memory_space<vmem>>, vector<16xf32>,
    %sub3A_1577 = arith.subf %get3A_1574, %get3A_1576 : vector<16xf32>
    %broadcast_in_dim3A_1578 = arith.constant 0 : i32
    %broadcast_in_dim3A_1579 = vector.broadcast %broadcast_in_dim3A_1578 : i32 to vector<16xi32>
    %gather3A_1580 = tpu.vector_load_idx %arg21[%add3A_17, %broadcast_in_dim3A_1579] : memref<128x17xf32, #tpu.memory_space<vmem>>[vector<16xi32>, vector<16xi32>], vector<16xf32>,
    %add3A_1581 = arith.addf %sub3A_1577, %gather3A_1580 : vector<16xf32>
    %broadcast_in_dim3A_1582 = arith.constant 1 : i32
    %broadcast_in_dim3A_1583 = vector.broadcast %broadcast_in_dim3A_1582 : i32 to vector<16xi32>
    %gather3A_1584 = tpu.vector_load_idx %arg21[%add3A_17, %broadcast_in_dim3A_1583] : memref<128x17xf32, #tpu.memory_space<vmem>>[vector<16xi32>, vector<16xi32>], vector<16xf32>,
    %add3A_1585 = arith.addf %add3A_1581, %gather3A_1584 : vector<16xf32>
    %broadcast_in_dim3A_1586 = arith.constant 2 : i32
    %broadcast_in_dim3A_1587 = vector.broadcast %broadcast_in_dim3A_1586 : i32 to vector<16xi32>
    %gather3A_1588 = tpu.vector_load_idx %arg21[%add3A_17, %broadcast_in_dim3A_1587] : memref<128x17xf32, #tpu.memory_space<vmem>>[vector<16xi32>, vector<16xi32>], vector<16xf32>,
    %add3A_1589 = arith.addf %add3A_1585, %gather3A_1588 : vector<16xf32>
    %broadcast_in_dim3A_1590 = arith.constant 3 : i32
    %broadcast_in_dim3A_1591 = vector.broadcast %broadcast_in_dim3A_1590 : i32 to vector<16xi32>
    %gather3A_1592 = tpu.vector_load_idx %arg21[%add3A_17, %broadcast_in_dim3A_1591] : memref<128x17xf32, #tpu.memory_space<vmem>>[vector<16xi32>, vector<16xi32>], vector<16xf32>,
    %add3A_1593 = arith.addf %add3A_1589, %gather3A_1592 : vector<16xf32>
    %broadcast_in_dim3A_1594 = arith.constant 4 : i32
    %broadcast_in_dim3A_1595 = vector.broadcast %broadcast_in_dim3A_1594 : i32 to vector<16xi32>
    %gather3A_1596 = tpu.vector_load_idx %arg21[%add3A_17, %broadcast_in_dim3A_1595] : memref<128x17xf32, #tpu.memory_space<vmem>>[vector<16xi32>, vector<16xi32>], vector<16xf32>,
    %add3A_1597 = arith.addf %add3A_1593, %gather3A_1596 : vector<16xf32>
    %broadcast_in_dim3A_1598 = arith.constant 5 : i32
    %broadcast_in_dim3A_1599 = vector.broadcast %broadcast_in_dim3A_1598 : i32 to vector<16xi32>
    %gather3A_1600 = tpu.vector_load_idx %arg21[%add3A_17, %broadcast_in_dim3A_1599] : memref<128x17xf32, #tpu.memory_space<vmem>>[vector<16xi32>, vector<16xi32>], vector<16xf32>,
    %add3A_1601 = arith.addf %add3A_1597, %gather3A_1600 : vector<16xf32>
    %broadcast_in_dim3A_1602 = arith.constant 6 : i32
    %broadcast_in_dim3A_1603 = vector.broadcast %broadcast_in_dim3A_1602 : i32 to vector<16xi32>
    %gather3A_1604 = tpu.vector_load_idx %arg21[%add3A_17, %broadcast_in_dim3A_1603] : memref<128x17xf32, #tpu.memory_space<vmem>>[vector<16xi32>, vector<16xi32>], vector<16xf32>,
    %add3A_1605 = arith.addf %add3A_1601, %gather3A_1604 : vector<16xf32>
    %broadcast_in_dim3A_1606 = arith.constant 7 : i32
    %broadcast_in_dim3A_1607 = vector.broadcast %broadcast_in_dim3A_1606 : i32 to vector<16xi32>
    %gather3A_1608 = tpu.vector_load_idx %arg21[%add3A_17, %broadcast_in_dim3A_1607] : memref<128x17xf32, #tpu.memory_space<vmem>>[vector<16xi32>, vector<16xi32>], vector<16xf32>,
    %add3A_1609 = arith.addf %add3A_1605, %gather3A_1608 : vector<16xf32>
    %broadcast_in_dim3A_1610 = arith.constant 8 : i32
    %broadcast_in_dim3A_1611 = vector.broadcast %broadcast_in_dim3A_1610 : i32 to vector<16xi32>
    %gather3A_1612 = tpu.vector_load_idx %arg21[%add3A_17, %broadcast_in_dim3A_1611] : memref<128x17xf32, #tpu.memory_space<vmem>>[vector<16xi32>, vector<16xi32>], vector<16xf32>,
    %add3A_1613 = arith.addf %add3A_1609, %gather3A_1612 : vector<16xf32>
    %broadcast_in_dim3A_1614 = arith.constant 9 : i32
    %broadcast_in_dim3A_1615 = vector.broadcast %broadcast_in_dim3A_1614 : i32 to vector<16xi32>
    %gather3A_1616 = tpu.vector_load_idx %arg21[%add3A_17, %broadcast_in_dim3A_1615] : memref<128x17xf32, #tpu.memory_space<vmem>>[vector<16xi32>, vector<16xi32>], vector<16xf32>,
    %add3A_1617 = arith.addf %add3A_1613, %gather3A_1616 : vector<16xf32>
    %broadcast_in_dim3A_1618 = arith.constant 10 : i32
    %broadcast_in_dim3A_1619 = vector.broadcast %broadcast_in_dim3A_1618 : i32 to vector<16xi32>
    %gather3A_1620 = tpu.vector_load_idx %arg21[%add3A_17, %broadcast_in_dim3A_1619] : memref<128x17xf32, #tpu.memory_space<vmem>>[vector<16xi32>, vector<16xi32>], vector<16xf32>,
    %add3A_1621 = arith.addf %add3A_1617, %gather3A_1620 : vector<16xf32>
    %broadcast_in_dim3A_1622 = arith.constant 11 : i32
    %broadcast_in_dim3A_1623 = vector.broadcast %broadcast_in_dim3A_1622 : i32 to vector<16xi32>
    %gather3A_1624 = tpu.vector_load_idx %arg21[%add3A_17, %broadcast_in_dim3A_1623] : memref<128x17xf32, #tpu.memory_space<vmem>>[vector<16xi32>, vector<16xi32>], vector<16xf32>,
    %add3A_1625 = arith.addf %add3A_1621, %gather3A_1624 : vector<16xf32>
    %broadcast_in_dim3A_1626 = arith.constant 12 : i32
    %broadcast_in_dim3A_1627 = vector.broadcast %broadcast_in_dim3A_1626 : i32 to vector<16xi32>
    %gather3A_1628 = tpu.vector_load_idx %arg21[%add3A_17, %broadcast_in_dim3A_1627] : memref<128x17xf32, #tpu.memory_space<vmem>>[vector<16xi32>, vector<16xi32>], vector<16xf32>,
    %add3A_1629 = arith.addf %add3A_1625, %gather3A_1628 : vector<16xf32>
    %broadcast_in_dim3A_1630 = arith.constant 13 : i32
    %broadcast_in_dim3A_1631 = vector.broadcast %broadcast_in_dim3A_1630 : i32 to vector<16xi32>
    %gather3A_1632 = tpu.vector_load_idx %arg21[%add3A_17, %broadcast_in_dim3A_1631] : memref<128x17xf32, #tpu.memory_space<vmem>>[vector<16xi32>, vector<16xi32>], vector<16xf32>,
    %add3A_1633 = arith.addf %add3A_1629, %gather3A_1632 : vector<16xf32>
    %broadcast_in_dim3A_1634 = arith.constant 14 : i32
    %broadcast_in_dim3A_1635 = vector.broadcast %broadcast_in_dim3A_1634 : i32 to vector<16xi32>
    %gather3A_1636 = tpu.vector_load_idx %arg21[%add3A_17, %broadcast_in_dim3A_1635] : memref<128x17xf32, #tpu.memory_space<vmem>>[vector<16xi32>, vector<16xi32>], vector<16xf32>,
    %add3A_1637 = arith.addf %add3A_1633, %gather3A_1636 : vector<16xf32>
    %broadcast_in_dim3A_1638 = arith.constant 15 : i32
    %broadcast_in_dim3A_1639 = vector.broadcast %broadcast_in_dim3A_1638 : i32 to vector<16xi32>
    %gather3A_1640 = tpu.vector_load_idx %arg21[%add3A_17, %broadcast_in_dim3A_1639] : memref<128x17xf32, #tpu.memory_space<vmem>>[vector<16xi32>, vector<16xi32>], vector<16xf32>,
    %add3A_1641 = arith.addf %add3A_1637, %gather3A_1640 : vector<16xf32>
    %swap3A_1642 = arith.constant 320 : index
    %swap3A_1643 = tpu.vector_load %arg20[%swap3A_1642] {strides = array<i32>} : memref<512xf32, #tpu.memory_space<vmem>>, vector<16xf32>,
    tpu.vector_store %arg20[%swap3A_1642], %add3A_1641 {strides = array<i32>} : memref<512xf32, #tpu.memory_space<vmem>>, vector<16xf32>,
    %get3A_1644 = arith.constant 336 : index
    %get3A_1645 = tpu.vector_load %arg12[%get3A_1644] {strides = array<i32>} : memref<512xf32, #tpu.memory_space<vmem>>, vector<16xf32>,
    %get3A_1646 = arith.constant 336 : index
    %get3A_1647 = tpu.vector_load %arg13[%get3A_1646] {strides = array<i32>} : memref<512xf32, #tpu.memory_space<vmem>>, vector<16xf32>,
    %sub3A_1648 = arith.subf %get3A_1645, %get3A_1647 : vector<16xf32>
    %broadcast_in_dim3A_1649 = arith.constant 0 : i32
    %broadcast_in_dim3A_1650 = vector.broadcast %broadcast_in_dim3A_1649 : i32 to vector<16xi32>
    %gather3A_1651 = tpu.vector_load_idx %arg21[%add3A_20, %broadcast_in_dim3A_1650] : memref<128x17xf32, #tpu.memory_space<vmem>>[vector<16xi32>, vector<16xi32>], vector<16xf32>,
    %add3A_1652 = arith.addf %sub3A_1648, %gather3A_1651 : vector<16xf32>
    %broadcast_in_dim3A_1653 = arith.constant 1 : i32
    %broadcast_in_dim3A_1654 = vector.broadcast %broadcast_in_dim3A_1653 : i32 to vector<16xi32>
    %gather3A_1655 = tpu.vector_load_idx %arg21[%add3A_20, %broadcast_in_dim3A_1654] : memref<128x17xf32, #tpu.memory_space<vmem>>[vector<16xi32>, vector<16xi32>], vector<16xf32>,
    %add3A_1656 = arith.addf %add3A_1652, %gather3A_1655 : vector<16xf32>
    %broadcast_in_dim3A_1657 = arith.constant 2 : i32
    %broadcast_in_dim3A_1658 = vector.broadcast %broadcast_in_dim3A_1657 : i32 to vector<16xi32>
    %gather3A_1659 = tpu.vector_load_idx %arg21[%add3A_20, %broadcast_in_dim3A_1658] : memref<128x17xf32, #tpu.memory_space<vmem>>[vector<16xi32>, vector<16xi32>], vector<16xf32>,
    %add3A_1660 = arith.addf %add3A_1656, %gather3A_1659 : vector<16xf32>
    %broadcast_in_dim3A_1661 = arith.constant 3 : i32
    %broadcast_in_dim3A_1662 = vector.broadcast %broadcast_in_dim3A_1661 : i32 to vector<16xi32>
    %gather3A_1663 = tpu.vector_load_idx %arg21[%add3A_20, %broadcast_in_dim3A_1662] : memref<128x17xf32, #tpu.memory_space<vmem>>[vector<16xi32>, vector<16xi32>], vector<16xf32>,
    %add3A_1664 = arith.addf %add3A_1660, %gather3A_1663 : vector<16xf32>
    %broadcast_in_dim3A_1665 = arith.constant 4 : i32
    %broadcast_in_dim3A_1666 = vector.broadcast %broadcast_in_dim3A_1665 : i32 to vector<16xi32>
    %gather3A_1667 = tpu.vector_load_idx %arg21[%add3A_20, %broadcast_in_dim3A_1666] : memref<128x17xf32, #tpu.memory_space<vmem>>[vector<16xi32>, vector<16xi32>], vector<16xf32>,
    %add3A_1668 = arith.addf %add3A_1664, %gather3A_1667 : vector<16xf32>
    %broadcast_in_dim3A_1669 = arith.constant 5 : i32
    %broadcast_in_dim3A_1670 = vector.broadcast %broadcast_in_dim3A_1669 : i32 to vector<16xi32>
    %gather3A_1671 = tpu.vector_load_idx %arg21[%add3A_20, %broadcast_in_dim3A_1670] : memref<128x17xf32, #tpu.memory_space<vmem>>[vector<16xi32>, vector<16xi32>], vector<16xf32>,
    %add3A_1672 = arith.addf %add3A_1668, %gather3A_1671 : vector<16xf32>
    %broadcast_in_dim3A_1673 = arith.constant 6 : i32
    %broadcast_in_dim3A_1674 = vector.broadcast %broadcast_in_dim3A_1673 : i32 to vector<16xi32>
    %gather3A_1675 = tpu.vector_load_idx %arg21[%add3A_20, %broadcast_in_dim3A_1674] : memref<128x17xf32, #tpu.memory_space<vmem>>[vector<16xi32>, vector<16xi32>], vector<16xf32>,
    %add3A_1676 = arith.addf %add3A_1672, %gather3A_1675 : vector<16xf32>
    %broadcast_in_dim3A_1677 = arith.constant 7 : i32
    %broadcast_in_dim3A_1678 = vector.broadcast %broadcast_in_dim3A_1677 : i32 to vector<16xi32>
    %gather3A_1679 = tpu.vector_load_idx %arg21[%add3A_20, %broadcast_in_dim3A_1678] : memref<128x17xf32, #tpu.memory_space<vmem>>[vector<16xi32>, vector<16xi32>], vector<16xf32>,
    %add3A_1680 = arith.addf %add3A_1676, %gather3A_1679 : vector<16xf32>
    %broadcast_in_dim3A_1681 = arith.constant 8 : i32
    %broadcast_in_dim3A_1682 = vector.broadcast %broadcast_in_dim3A_1681 : i32 to vector<16xi32>
    %gather3A_1683 = tpu.vector_load_idx %arg21[%add3A_20, %broadcast_in_dim3A_1682] : memref<128x17xf32, #tpu.memory_space<vmem>>[vector<16xi32>, vector<16xi32>], vector<16xf32>,
    %add3A_1684 = arith.addf %add3A_1680, %gather3A_1683 : vector<16xf32>
    %broadcast_in_dim3A_1685 = arith.constant 9 : i32
    %broadcast_in_dim3A_1686 = vector.broadcast %broadcast_in_dim3A_1685 : i32 to vector<16xi32>
    %gather3A_1687 = tpu.vector_load_idx %arg21[%add3A_20, %broadcast_in_dim3A_1686] : memref<128x17xf32, #tpu.memory_space<vmem>>[vector<16xi32>, vector<16xi32>], vector<16xf32>,
    %add3A_1688 = arith.addf %add3A_1684, %gather3A_1687 : vector<16xf32>
    %broadcast_in_dim3A_1689 = arith.constant 10 : i32
    %broadcast_in_dim3A_1690 = vector.broadcast %broadcast_in_dim3A_1689 : i32 to vector<16xi32>
    %gather3A_1691 = tpu.vector_load_idx %arg21[%add3A_20, %broadcast_in_dim3A_1690] : memref<128x17xf32, #tpu.memory_space<vmem>>[vector<16xi32>, vector<16xi32>], vector<16xf32>,
    %add3A_1692 = arith.addf %add3A_1688, %gather3A_1691 : vector<16xf32>
    %broadcast_in_dim3A_1693 = arith.constant 11 : i32
    %broadcast_in_dim3A_1694 = vector.broadcast %broadcast_in_dim3A_1693 : i32 to vector<16xi32>
    %gather3A_1695 = tpu.vector_load_idx %arg21[%add3A_20, %broadcast_in_dim3A_1694] : memref<128x17xf32, #tpu.memory_space<vmem>>[vector<16xi32>, vector<16xi32>], vector<16xf32>,
    %add3A_1696 = arith.addf %add3A_1692, %gather3A_1695 : vector<16xf32>
    %broadcast_in_dim3A_1697 = arith.constant 12 : i32
    %broadcast_in_dim3A_1698 = vector.broadcast %broadcast_in_dim3A_1697 : i32 to vector<16xi32>
    %gather3A_1699 = tpu.vector_load_idx %arg21[%add3A_20, %broadcast_in_dim3A_1698] : memref<128x17xf32, #tpu.memory_space<vmem>>[vector<16xi32>, vector<16xi32>], vector<16xf32>,
    %add3A_1700 = arith.addf %add3A_1696, %gather3A_1699 : vector<16xf32>
    %broadcast_in_dim3A_1701 = arith.constant 13 : i32
    %broadcast_in_dim3A_1702 = vector.broadcast %broadcast_in_dim3A_1701 : i32 to vector<16xi32>
    %gather3A_1703 = tpu.vector_load_idx %arg21[%add3A_20, %broadcast_in_dim3A_1702] : memref<128x17xf32, #tpu.memory_space<vmem>>[vector<16xi32>, vector<16xi32>], vector<16xf32>,
    %add3A_1704 = arith.addf %add3A_1700, %gather3A_1703 : vector<16xf32>
    %broadcast_in_dim3A_1705 = arith.constant 14 : i32
    %broadcast_in_dim3A_1706 = vector.broadcast %broadcast_in_dim3A_1705 : i32 to vector<16xi32>
    %gather3A_1707 = tpu.vector_load_idx %arg21[%add3A_20, %broadcast_in_dim3A_1706] : memref<128x17xf32, #tpu.memory_space<vmem>>[vector<16xi32>, vector<16xi32>], vector<16xf32>,
    %add3A_1708 = arith.addf %add3A_1704, %gather3A_1707 : vector<16xf32>
    %broadcast_in_dim3A_1709 = arith.constant 15 : i32
    %broadcast_in_dim3A_1710 = vector.broadcast %broadcast_in_dim3A_1709 : i32 to vector<16xi32>
    %gather3A_1711 = tpu.vector_load_idx %arg21[%add3A_20, %broadcast_in_dim3A_1710] : memref<128x17xf32, #tpu.memory_space<vmem>>[vector<16xi32>, vector<16xi32>], vector<16xf32>,
    %add3A_1712 = arith.addf %add3A_1708, %gather3A_1711 : vector<16xf32>
    %swap3A_1713 = arith.constant 336 : index
    %swap3A_1714 = tpu.vector_load %arg20[%swap3A_1713] {strides = array<i32>} : memref<512xf32, #tpu.memory_space<vmem>>, vector<16xf32>,
    tpu.vector_store %arg20[%swap3A_1713], %add3A_1712 {strides = array<i32>} : memref<512xf32, #tpu.memory_space<vmem>>, vector<16xf32>,
    %get3A_1715 = arith.constant 352 : index
    %get3A_1716 = tpu.vector_load %arg12[%get3A_1715] {strides = array<i32>} : memref<512xf32, #tpu.memory_space<vmem>>, vector<16xf32>,
    %get3A_1717 = arith.constant 352 : index
    %get3A_1718 = tpu.vector_load %arg13[%get3A_1717] {strides = array<i32>} : memref<512xf32, #tpu.memory_space<vmem>>, vector<16xf32>,
    %sub3A_1719 = arith.subf %get3A_1716, %get3A_1718 : vector<16xf32>
    %broadcast_in_dim3A_1720 = arith.constant 0 : i32
    %broadcast_in_dim3A_1721 = vector.broadcast %broadcast_in_dim3A_1720 : i32 to vector<16xi32>
    %gather3A_1722 = tpu.vector_load_idx %arg21[%add3A_23, %broadcast_in_dim3A_1721] : memref<128x17xf32, #tpu.memory_space<vmem>>[vector<16xi32>, vector<16xi32>], vector<16xf32>,
    %add3A_1723 = arith.addf %sub3A_1719, %gather3A_1722 : vector<16xf32>
    %broadcast_in_dim3A_1724 = arith.constant 1 : i32
    %broadcast_in_dim3A_1725 = vector.broadcast %broadcast_in_dim3A_1724 : i32 to vector<16xi32>
    %gather3A_1726 = tpu.vector_load_idx %arg21[%add3A_23, %broadcast_in_dim3A_1725] : memref<128x17xf32, #tpu.memory_space<vmem>>[vector<16xi32>, vector<16xi32>], vector<16xf32>,
    %add3A_1727 = arith.addf %add3A_1723, %gather3A_1726 : vector<16xf32>
    %broadcast_in_dim3A_1728 = arith.constant 2 : i32
    %broadcast_in_dim3A_1729 = vector.broadcast %broadcast_in_dim3A_1728 : i32 to vector<16xi32>
    %gather3A_1730 = tpu.vector_load_idx %arg21[%add3A_23, %broadcast_in_dim3A_1729] : memref<128x17xf32, #tpu.memory_space<vmem>>[vector<16xi32>, vector<16xi32>], vector<16xf32>,
    %add3A_1731 = arith.addf %add3A_1727, %gather3A_1730 : vector<16xf32>
    %broadcast_in_dim3A_1732 = arith.constant 3 : i32
    %broadcast_in_dim3A_1733 = vector.broadcast %broadcast_in_dim3A_1732 : i32 to vector<16xi32>
    %gather3A_1734 = tpu.vector_load_idx %arg21[%add3A_23, %broadcast_in_dim3A_1733] : memref<128x17xf32, #tpu.memory_space<vmem>>[vector<16xi32>, vector<16xi32>], vector<16xf32>,
    %add3A_1735 = arith.addf %add3A_1731, %gather3A_1734 : vector<16xf32>
    %broadcast_in_dim3A_1736 = arith.constant 4 : i32
    %broadcast_in_dim3A_1737 = vector.broadcast %broadcast_in_dim3A_1736 : i32 to vector<16xi32>
    %gather3A_1738 = tpu.vector_load_idx %arg21[%add3A_23, %broadcast_in_dim3A_1737] : memref<128x17xf32, #tpu.memory_space<vmem>>[vector<16xi32>, vector<16xi32>], vector<16xf32>,
    %add3A_1739 = arith.addf %add3A_1735, %gather3A_1738 : vector<16xf32>
    %broadcast_in_dim3A_1740 = arith.constant 5 : i32
    %broadcast_in_dim3A_1741 = vector.broadcast %broadcast_in_dim3A_1740 : i32 to vector<16xi32>
    %gather3A_1742 = tpu.vector_load_idx %arg21[%add3A_23, %broadcast_in_dim3A_1741] : memref<128x17xf32, #tpu.memory_space<vmem>>[vector<16xi32>, vector<16xi32>], vector<16xf32>,
    %add3A_1743 = arith.addf %add3A_1739, %gather3A_1742 : vector<16xf32>
    %broadcast_in_dim3A_1744 = arith.constant 6 : i32
    %broadcast_in_dim3A_1745 = vector.broadcast %broadcast_in_dim3A_1744 : i32 to vector<16xi32>
    %gather3A_1746 = tpu.vector_load_idx %arg21[%add3A_23, %broadcast_in_dim3A_1745] : memref<128x17xf32, #tpu.memory_space<vmem>>[vector<16xi32>, vector<16xi32>], vector<16xf32>,
    %add3A_1747 = arith.addf %add3A_1743, %gather3A_1746 : vector<16xf32>
    %broadcast_in_dim3A_1748 = arith.constant 7 : i32
    %broadcast_in_dim3A_1749 = vector.broadcast %broadcast_in_dim3A_1748 : i32 to vector<16xi32>
    %gather3A_1750 = tpu.vector_load_idx %arg21[%add3A_23, %broadcast_in_dim3A_1749] : memref<128x17xf32, #tpu.memory_space<vmem>>[vector<16xi32>, vector<16xi32>], vector<16xf32>,
    %add3A_1751 = arith.addf %add3A_1747, %gather3A_1750 : vector<16xf32>
    %broadcast_in_dim3A_1752 = arith.constant 8 : i32
    %broadcast_in_dim3A_1753 = vector.broadcast %broadcast_in_dim3A_1752 : i32 to vector<16xi32>
    %gather3A_1754 = tpu.vector_load_idx %arg21[%add3A_23, %broadcast_in_dim3A_1753] : memref<128x17xf32, #tpu.memory_space<vmem>>[vector<16xi32>, vector<16xi32>], vector<16xf32>,
    %add3A_1755 = arith.addf %add3A_1751, %gather3A_1754 : vector<16xf32>
    %broadcast_in_dim3A_1756 = arith.constant 9 : i32
    %broadcast_in_dim3A_1757 = vector.broadcast %broadcast_in_dim3A_1756 : i32 to vector<16xi32>
    %gather3A_1758 = tpu.vector_load_idx %arg21[%add3A_23, %broadcast_in_dim3A_1757] : memref<128x17xf32, #tpu.memory_space<vmem>>[vector<16xi32>, vector<16xi32>], vector<16xf32>,
    %add3A_1759 = arith.addf %add3A_1755, %gather3A_1758 : vector<16xf32>
    %broadcast_in_dim3A_1760 = arith.constant 10 : i32
    %broadcast_in_dim3A_1761 = vector.broadcast %broadcast_in_dim3A_1760 : i32 to vector<16xi32>
    %gather3A_1762 = tpu.vector_load_idx %arg21[%add3A_23, %broadcast_in_dim3A_1761] : memref<128x17xf32, #tpu.memory_space<vmem>>[vector<16xi32>, vector<16xi32>], vector<16xf32>,
    %add3A_1763 = arith.addf %add3A_1759, %gather3A_1762 : vector<16xf32>
    %broadcast_in_dim3A_1764 = arith.constant 11 : i32
    %broadcast_in_dim3A_1765 = vector.broadcast %broadcast_in_dim3A_1764 : i32 to vector<16xi32>
    %gather3A_1766 = tpu.vector_load_idx %arg21[%add3A_23, %broadcast_in_dim3A_1765] : memref<128x17xf32, #tpu.memory_space<vmem>>[vector<16xi32>, vector<16xi32>], vector<16xf32>,
    %add3A_1767 = arith.addf %add3A_1763, %gather3A_1766 : vector<16xf32>
    %broadcast_in_dim3A_1768 = arith.constant 12 : i32
    %broadcast_in_dim3A_1769 = vector.broadcast %broadcast_in_dim3A_1768 : i32 to vector<16xi32>
    %gather3A_1770 = tpu.vector_load_idx %arg21[%add3A_23, %broadcast_in_dim3A_1769] : memref<128x17xf32, #tpu.memory_space<vmem>>[vector<16xi32>, vector<16xi32>], vector<16xf32>,
    %add3A_1771 = arith.addf %add3A_1767, %gather3A_1770 : vector<16xf32>
    %broadcast_in_dim3A_1772 = arith.constant 13 : i32
    %broadcast_in_dim3A_1773 = vector.broadcast %broadcast_in_dim3A_1772 : i32 to vector<16xi32>
    %gather3A_1774 = tpu.vector_load_idx %arg21[%add3A_23, %broadcast_in_dim3A_1773] : memref<128x17xf32, #tpu.memory_space<vmem>>[vector<16xi32>, vector<16xi32>], vector<16xf32>,
    %add3A_1775 = arith.addf %add3A_1771, %gather3A_1774 : vector<16xf32>
    %broadcast_in_dim3A_1776 = arith.constant 14 : i32
    %broadcast_in_dim3A_1777 = vector.broadcast %broadcast_in_dim3A_1776 : i32 to vector<16xi32>
    %gather3A_1778 = tpu.vector_load_idx %arg21[%add3A_23, %broadcast_in_dim3A_1777] : memref<128x17xf32, #tpu.memory_space<vmem>>[vector<16xi32>, vector<16xi32>], vector<16xf32>,
    %add3A_1779 = arith.addf %add3A_1775, %gather3A_1778 : vector<16xf32>
    %broadcast_in_dim3A_1780 = arith.constant 15 : i32
    %broadcast_in_dim3A_1781 = vector.broadcast %broadcast_in_dim3A_1780 : i32 to vector<16xi32>
    %gather3A_1782 = tpu.vector_load_idx %arg21[%add3A_23, %broadcast_in_dim3A_1781] : memref<128x17xf32, #tpu.memory_space<vmem>>[vector<16xi32>, vector<16xi32>], vector<16xf32>,
    %add3A_1783 = arith.addf %add3A_1779, %gather3A_1782 : vector<16xf32>
    %swap3A_1784 = arith.constant 352 : index
    %swap3A_1785 = tpu.vector_load %arg20[%swap3A_1784] {strides = array<i32>} : memref<512xf32, #tpu.memory_space<vmem>>, vector<16xf32>,
    tpu.vector_store %arg20[%swap3A_1784], %add3A_1783 {strides = array<i32>} : memref<512xf32, #tpu.memory_space<vmem>>, vector<16xf32>,
    %get3A_1786 = arith.constant 368 : index
    %get3A_1787 = tpu.vector_load %arg12[%get3A_1786] {strides = array<i32>} : memref<512xf32, #tpu.memory_space<vmem>>, vector<16xf32>,
    %get3A_1788 = arith.constant 368 : index
    %get3A_1789 = tpu.vector_load %arg13[%get3A_1788] {strides = array<i32>} : memref<512xf32, #tpu.memory_space<vmem>>, vector<16xf32>,
    %sub3A_1790 = arith.subf %get3A_1787, %get3A_1789 : vector<16xf32>
    %broadcast_in_dim3A_1791 = arith.constant 0 : i32
    %broadcast_in_dim3A_1792 = vector.broadcast %broadcast_in_dim3A_1791 : i32 to vector<16xi32>
    %gather3A_1793 = tpu.vector_load_idx %arg21[%add3A_26, %broadcast_in_dim3A_1792] : memref<128x17xf32, #tpu.memory_space<vmem>>[vector<16xi32>, vector<16xi32>], vector<16xf32>,
    %add3A_1794 = arith.addf %sub3A_1790, %gather3A_1793 : vector<16xf32>
    %broadcast_in_dim3A_1795 = arith.constant 1 : i32
    %broadcast_in_dim3A_1796 = vector.broadcast %broadcast_in_dim3A_1795 : i32 to vector<16xi32>
    %gather3A_1797 = tpu.vector_load_idx %arg21[%add3A_26, %broadcast_in_dim3A_1796] : memref<128x17xf32, #tpu.memory_space<vmem>>[vector<16xi32>, vector<16xi32>], vector<16xf32>,
    %add3A_1798 = arith.addf %add3A_1794, %gather3A_1797 : vector<16xf32>
    %broadcast_in_dim3A_1799 = arith.constant 2 : i32
    %broadcast_in_dim3A_1800 = vector.broadcast %broadcast_in_dim3A_1799 : i32 to vector<16xi32>
    %gather3A_1801 = tpu.vector_load_idx %arg21[%add3A_26, %broadcast_in_dim3A_1800] : memref<128x17xf32, #tpu.memory_space<vmem>>[vector<16xi32>, vector<16xi32>], vector<16xf32>,
    %add3A_1802 = arith.addf %add3A_1798, %gather3A_1801 : vector<16xf32>
    %broadcast_in_dim3A_1803 = arith.constant 3 : i32
    %broadcast_in_dim3A_1804 = vector.broadcast %broadcast_in_dim3A_1803 : i32 to vector<16xi32>
    %gather3A_1805 = tpu.vector_load_idx %arg21[%add3A_26, %broadcast_in_dim3A_1804] : memref<128x17xf32, #tpu.memory_space<vmem>>[vector<16xi32>, vector<16xi32>], vector<16xf32>,
    %add3A_1806 = arith.addf %add3A_1802, %gather3A_1805 : vector<16xf32>
    %broadcast_in_dim3A_1807 = arith.constant 4 : i32
    %broadcast_in_dim3A_1808 = vector.broadcast %broadcast_in_dim3A_1807 : i32 to vector<16xi32>
    %gather3A_1809 = tpu.vector_load_idx %arg21[%add3A_26, %broadcast_in_dim3A_1808] : memref<128x17xf32, #tpu.memory_space<vmem>>[vector<16xi32>, vector<16xi32>], vector<16xf32>,
    %add3A_1810 = arith.addf %add3A_1806, %gather3A_1809 : vector<16xf32>
    %broadcast_in_dim3A_1811 = arith.constant 5 : i32
    %broadcast_in_dim3A_1812 = vector.broadcast %broadcast_in_dim3A_1811 : i32 to vector<16xi32>
    %gather3A_1813 = tpu.vector_load_idx %arg21[%add3A_26, %broadcast_in_dim3A_1812] : memref<128x17xf32, #tpu.memory_space<vmem>>[vector<16xi32>, vector<16xi32>], vector<16xf32>,
    %add3A_1814 = arith.addf %add3A_1810, %gather3A_1813 : vector<16xf32>
    %broadcast_in_dim3A_1815 = arith.constant 6 : i32
    %broadcast_in_dim3A_1816 = vector.broadcast %broadcast_in_dim3A_1815 : i32 to vector<16xi32>
    %gather3A_1817 = tpu.vector_load_idx %arg21[%add3A_26, %broadcast_in_dim3A_1816] : memref<128x17xf32, #tpu.memory_space<vmem>>[vector<16xi32>, vector<16xi32>], vector<16xf32>,
    %add3A_1818 = arith.addf %add3A_1814, %gather3A_1817 : vector<16xf32>
    %broadcast_in_dim3A_1819 = arith.constant 7 : i32
    %broadcast_in_dim3A_1820 = vector.broadcast %broadcast_in_dim3A_1819 : i32 to vector<16xi32>
    %gather3A_1821 = tpu.vector_load_idx %arg21[%add3A_26, %broadcast_in_dim3A_1820] : memref<128x17xf32, #tpu.memory_space<vmem>>[vector<16xi32>, vector<16xi32>], vector<16xf32>,
    %add3A_1822 = arith.addf %add3A_1818, %gather3A_1821 : vector<16xf32>
    %broadcast_in_dim3A_1823 = arith.constant 8 : i32
    %broadcast_in_dim3A_1824 = vector.broadcast %broadcast_in_dim3A_1823 : i32 to vector<16xi32>
    %gather3A_1825 = tpu.vector_load_idx %arg21[%add3A_26, %broadcast_in_dim3A_1824] : memref<128x17xf32, #tpu.memory_space<vmem>>[vector<16xi32>, vector<16xi32>], vector<16xf32>,
    %add3A_1826 = arith.addf %add3A_1822, %gather3A_1825 : vector<16xf32>
    %broadcast_in_dim3A_1827 = arith.constant 9 : i32
    %broadcast_in_dim3A_1828 = vector.broadcast %broadcast_in_dim3A_1827 : i32 to vector<16xi32>
    %gather3A_1829 = tpu.vector_load_idx %arg21[%add3A_26, %broadcast_in_dim3A_1828] : memref<128x17xf32, #tpu.memory_space<vmem>>[vector<16xi32>, vector<16xi32>], vector<16xf32>,
    %add3A_1830 = arith.addf %add3A_1826, %gather3A_1829 : vector<16xf32>
    %broadcast_in_dim3A_1831 = arith.constant 10 : i32
    %broadcast_in_dim3A_1832 = vector.broadcast %broadcast_in_dim3A_1831 : i32 to vector<16xi32>
    %gather3A_1833 = tpu.vector_load_idx %arg21[%add3A_26, %broadcast_in_dim3A_1832] : memref<128x17xf32, #tpu.memory_space<vmem>>[vector<16xi32>, vector<16xi32>], vector<16xf32>,
    %add3A_1834 = arith.addf %add3A_1830, %gather3A_1833 : vector<16xf32>
    %broadcast_in_dim3A_1835 = arith.constant 11 : i32
    %broadcast_in_dim3A_1836 = vector.broadcast %broadcast_in_dim3A_1835 : i32 to vector<16xi32>
    %gather3A_1837 = tpu.vector_load_idx %arg21[%add3A_26, %broadcast_in_dim3A_1836] : memref<128x17xf32, #tpu.memory_space<vmem>>[vector<16xi32>, vector<16xi32>], vector<16xf32>,
    %add3A_1838 = arith.addf %add3A_1834, %gather3A_1837 : vector<16xf32>
    %broadcast_in_dim3A_1839 = arith.constant 12 : i32
    %broadcast_in_dim3A_1840 = vector.broadcast %broadcast_in_dim3A_1839 : i32 to vector<16xi32>
    %gather3A_1841 = tpu.vector_load_idx %arg21[%add3A_26, %broadcast_in_dim3A_1840] : memref<128x17xf32, #tpu.memory_space<vmem>>[vector<16xi32>, vector<16xi32>], vector<16xf32>,
    %add3A_1842 = arith.addf %add3A_1838, %gather3A_1841 : vector<16xf32>
    %broadcast_in_dim3A_1843 = arith.constant 13 : i32
    %broadcast_in_dim3A_1844 = vector.broadcast %broadcast_in_dim3A_1843 : i32 to vector<16xi32>
    %gather3A_1845 = tpu.vector_load_idx %arg21[%add3A_26, %broadcast_in_dim3A_1844] : memref<128x17xf32, #tpu.memory_space<vmem>>[vector<16xi32>, vector<16xi32>], vector<16xf32>,
    %add3A_1846 = arith.addf %add3A_1842, %gather3A_1845 : vector<16xf32>
    %broadcast_in_dim3A_1847 = arith.constant 14 : i32
    %broadcast_in_dim3A_1848 = vector.broadcast %broadcast_in_dim3A_1847 : i32 to vector<16xi32>
    %gather3A_1849 = tpu.vector_load_idx %arg21[%add3A_26, %broadcast_in_dim3A_1848] : memref<128x17xf32, #tpu.memory_space<vmem>>[vector<16xi32>, vector<16xi32>], vector<16xf32>,
    %add3A_1850 = arith.addf %add3A_1846, %gather3A_1849 : vector<16xf32>
    %broadcast_in_dim3A_1851 = arith.constant 15 : i32
    %broadcast_in_dim3A_1852 = vector.broadcast %broadcast_in_dim3A_1851 : i32 to vector<16xi32>
    %gather3A_1853 = tpu.vector_load_idx %arg21[%add3A_26, %broadcast_in_dim3A_1852] : memref<128x17xf32, #tpu.memory_space<vmem>>[vector<16xi32>, vector<16xi32>], vector<16xf32>,
    %add3A_1854 = arith.addf %add3A_1850, %gather3A_1853 : vector<16xf32>
    %swap3A_1855 = arith.constant 368 : index
    %swap3A_1856 = tpu.vector_load %arg20[%swap3A_1855] {strides = array<i32>} : memref<512xf32, #tpu.memory_space<vmem>>, vector<16xf32>,
    tpu.vector_store %arg20[%swap3A_1855], %add3A_1854 {strides = array<i32>} : memref<512xf32, #tpu.memory_space<vmem>>, vector<16xf32>,
    %dma_wait3A_1857 = arith.constant 384 : i32
    %dma_wait3A_1858 = tpu.memref_slice %arg9[%dma_wait3A_1857] : memref<512xi32, #tpu.memory_space<vmem>> -> memref<128xi32, #tpu.memory_space<vmem>>
    %dma_wait3A_1859 = arith.constant 0 : i32
    %dma_wait3A_1860 = arith.constant 0 : i32
    %dma_wait3A_1861 = tpu.memref_slice %arg6[%dma_wait3A_1859, %dma_wait3A_1860] : memref<100000x128xf32, #tpu.memory_space<hbm>> -> memref<100000x128xf32, #tpu.memory_space<hbm>>
    tpu.wait_indirect_dma semaphore(%arg23 : memref<!tpu.dma_semaphore, #tpu.memory_space<semaphore_mem>>) src(%dma_wait3A_1861 : memref<100000x128xf32, #tpu.memory_space<hbm>>) dst(%arg17 : memref<128x128xf32, #tpu.memory_space<vmem>>)
    %dma_wait3A_1862 = arith.constant 384 : i32
    %dma_wait3A_1863 = tpu.memref_slice %arg10[%dma_wait3A_1862] : memref<512xi32, #tpu.memory_space<vmem>> -> memref<128xi32, #tpu.memory_space<vmem>>
    %dma_wait3A_1864 = arith.constant 0 : i32
    %dma_wait3A_1865 = arith.constant 0 : i32
    %dma_wait3A_1866 = tpu.memref_slice %arg7[%dma_wait3A_1864, %dma_wait3A_1865] : memref<100000x128xf32, #tpu.memory_space<hbm>> -> memref<100000x128xf32, #tpu.memory_space<hbm>>
    tpu.wait_indirect_dma semaphore(%arg23 : memref<!tpu.dma_semaphore, #tpu.memory_space<semaphore_mem>>) src(%dma_wait3A_1866 : memref<100000x128xf32, #tpu.memory_space<hbm>>) dst(%arg18 : memref<128x128xf32, #tpu.memory_space<vmem>>)
    %dma_wait3A_1867 = arith.constant 384 : i32
    %dma_wait3A_1868 = tpu.memref_slice %arg11[%dma_wait3A_1867] : memref<512xi32, #tpu.memory_space<vmem>> -> memref<128xi32, #tpu.memory_space<vmem>>
    %dma_wait3A_1869 = arith.constant 0 : i32
    %dma_wait3A_1870 = arith.constant 0 : i32
    %dma_wait3A_1871 = tpu.memref_slice %arg7[%dma_wait3A_1869, %dma_wait3A_1870] : memref<100000x128xf32, #tpu.memory_space<hbm>> -> memref<100000x128xf32, #tpu.memory_space<hbm>>
    tpu.wait_indirect_dma semaphore(%arg23 : memref<!tpu.dma_semaphore, #tpu.memory_space<semaphore_mem>>) src(%dma_wait3A_1871 : memref<100000x128xf32, #tpu.memory_space<hbm>>) dst(%arg19 : memref<128x128xf32, #tpu.memory_space<vmem>>)
    %parallel_loop3A_1872 = arith.constant 0 : i32
    %parallel_loop3A_1873 = arith.constant 128 : i32
    %parallel_loop3A_1874 = arith.constant 1 : i32
    scf.for %parallel_loop3A_2443 = %parallel_loop3A_1872 to %parallel_loop3A_1873 step %parallel_loop3A_1874  : i32 {
      %parallel_loop3A_2444 = arith.index_cast %parallel_loop3A_2443 : i32 to index
      %parallel_loop3A_2445 = arith.constant 0 : index
      %parallel_loop3A_2446 = tpu.vector_load %arg17[%parallel_loop3A_2444, %parallel_loop3A_2445] {strides = array<i32>} : memref<128x128xf32, #tpu.memory_space<vmem>>, vector<16xf32>,
      %parallel_loop3A_2447 = arith.index_cast %parallel_loop3A_2443 : i32 to index
      %parallel_loop3A_2448 = arith.constant 0 : index
      %parallel_loop3A_2449 = tpu.vector_load %arg18[%parallel_loop3A_2447, %parallel_loop3A_2448] {strides = array<i32>} : memref<128x128xf32, #tpu.memory_space<vmem>>, vector<16xf32>,
      %parallel_loop3A_2450 = arith.index_cast %parallel_loop3A_2443 : i32 to index
      %parallel_loop3A_2451 = arith.constant 0 : index
      %parallel_loop3A_2452 = tpu.vector_load %arg19[%parallel_loop3A_2450, %parallel_loop3A_2451] {strides = array<i32>} : memref<128x128xf32, #tpu.memory_space<vmem>>, vector<16xf32>,
      %parallel_loop3A_2453 = arith.subf %parallel_loop3A_2449, %parallel_loop3A_2452 : vector<16xf32>
      %parallel_loop3A_2454 = arith.mulf %parallel_loop3A_2446, %parallel_loop3A_2453 : vector<16xf32>
      %parallel_loop3A_2455 = arith.index_cast %parallel_loop3A_2443 : i32 to index
      %parallel_loop3A_2456 = arith.constant 16 : index
      %parallel_loop3A_2457 = tpu.vector_load %arg17[%parallel_loop3A_2455, %parallel_loop3A_2456] {strides = array<i32>} : memref<128x128xf32, #tpu.memory_space<vmem>>, vector<16xf32>,
      %parallel_loop3A_2458 = arith.index_cast %parallel_loop3A_2443 : i32 to index
      %parallel_loop3A_2459 = arith.constant 16 : index
      %parallel_loop3A_2460 = tpu.vector_load %arg18[%parallel_loop3A_2458, %parallel_loop3A_2459] {strides = array<i32>} : memref<128x128xf32, #tpu.memory_space<vmem>>, vector<16xf32>,
      %parallel_loop3A_2461 = arith.index_cast %parallel_loop3A_2443 : i32 to index
      %parallel_loop3A_2462 = arith.constant 16 : index
      %parallel_loop3A_2463 = tpu.vector_load %arg19[%parallel_loop3A_2461, %parallel_loop3A_2462] {strides = array<i32>} : memref<128x128xf32, #tpu.memory_space<vmem>>, vector<16xf32>,
      %parallel_loop3A_2464 = arith.subf %parallel_loop3A_2460, %parallel_loop3A_2463 : vector<16xf32>
      %parallel_loop3A_2465 = arith.mulf %parallel_loop3A_2457, %parallel_loop3A_2464 : vector<16xf32>
      %parallel_loop3A_2466 = arith.index_cast %parallel_loop3A_2443 : i32 to index
      %parallel_loop3A_2467 = arith.constant 32 : index
      %parallel_loop3A_2468 = tpu.vector_load %arg17[%parallel_loop3A_2466, %parallel_loop3A_2467] {strides = array<i32>} : memref<128x128xf32, #tpu.memory_space<vmem>>, vector<16xf32>,
      %parallel_loop3A_2469 = arith.index_cast %parallel_loop3A_2443 : i32 to index
      %parallel_loop3A_2470 = arith.constant 32 : index
      %parallel_loop3A_2471 = tpu.vector_load %arg18[%parallel_loop3A_2469, %parallel_loop3A_2470] {strides = array<i32>} : memref<128x128xf32, #tpu.memory_space<vmem>>, vector<16xf32>,
      %parallel_loop3A_2472 = arith.index_cast %parallel_loop3A_2443 : i32 to index
      %parallel_loop3A_2473 = arith.constant 32 : index
      %parallel_loop3A_2474 = tpu.vector_load %arg19[%parallel_loop3A_2472, %parallel_loop3A_2473] {strides = array<i32>} : memref<128x128xf32, #tpu.memory_space<vmem>>, vector<16xf32>,
      %parallel_loop3A_2475 = arith.subf %parallel_loop3A_2471, %parallel_loop3A_2474 : vector<16xf32>
      %parallel_loop3A_2476 = arith.mulf %parallel_loop3A_2468, %parallel_loop3A_2475 : vector<16xf32>
      %parallel_loop3A_2477 = arith.index_cast %parallel_loop3A_2443 : i32 to index
      %parallel_loop3A_2478 = arith.constant 48 : index
      %parallel_loop3A_2479 = tpu.vector_load %arg17[%parallel_loop3A_2477, %parallel_loop3A_2478] {strides = array<i32>} : memref<128x128xf32, #tpu.memory_space<vmem>>, vector<16xf32>,
      %parallel_loop3A_2480 = arith.index_cast %parallel_loop3A_2443 : i32 to index
      %parallel_loop3A_2481 = arith.constant 48 : index
      %parallel_loop3A_2482 = tpu.vector_load %arg18[%parallel_loop3A_2480, %parallel_loop3A_2481] {strides = array<i32>} : memref<128x128xf32, #tpu.memory_space<vmem>>, vector<16xf32>,
      %parallel_loop3A_2483 = arith.index_cast %parallel_loop3A_2443 : i32 to index
      %parallel_loop3A_2484 = arith.constant 48 : index
      %parallel_loop3A_2485 = tpu.vector_load %arg19[%parallel_loop3A_2483, %parallel_loop3A_2484] {strides = array<i32>} : memref<128x128xf32, #tpu.memory_space<vmem>>, vector<16xf32>,
      %parallel_loop3A_2486 = arith.subf %parallel_loop3A_2482, %parallel_loop3A_2485 : vector<16xf32>
      %parallel_loop3A_2487 = arith.mulf %parallel_loop3A_2479, %parallel_loop3A_2486 : vector<16xf32>
      %parallel_loop3A_2488 = arith.index_cast %parallel_loop3A_2443 : i32 to index
      %parallel_loop3A_2489 = arith.constant 64 : index
      %parallel_loop3A_2490 = tpu.vector_load %arg17[%parallel_loop3A_2488, %parallel_loop3A_2489] {strides = array<i32>} : memref<128x128xf32, #tpu.memory_space<vmem>>, vector<16xf32>,
      %parallel_loop3A_2491 = arith.index_cast %parallel_loop3A_2443 : i32 to index
      %parallel_loop3A_2492 = arith.constant 64 : index
      %parallel_loop3A_2493 = tpu.vector_load %arg18[%parallel_loop3A_2491, %parallel_loop3A_2492] {strides = array<i32>} : memref<128x128xf32, #tpu.memory_space<vmem>>, vector<16xf32>,
      %parallel_loop3A_2494 = arith.index_cast %parallel_loop3A_2443 : i32 to index
      %parallel_loop3A_2495 = arith.constant 64 : index
      %parallel_loop3A_2496 = tpu.vector_load %arg19[%parallel_loop3A_2494, %parallel_loop3A_2495] {strides = array<i32>} : memref<128x128xf32, #tpu.memory_space<vmem>>, vector<16xf32>,
      %parallel_loop3A_2497 = arith.subf %parallel_loop3A_2493, %parallel_loop3A_2496 : vector<16xf32>
      %parallel_loop3A_2498 = arith.mulf %parallel_loop3A_2490, %parallel_loop3A_2497 : vector<16xf32>
      %parallel_loop3A_2499 = arith.index_cast %parallel_loop3A_2443 : i32 to index
      %parallel_loop3A_2500 = arith.constant 80 : index
      %parallel_loop3A_2501 = tpu.vector_load %arg17[%parallel_loop3A_2499, %parallel_loop3A_2500] {strides = array<i32>} : memref<128x128xf32, #tpu.memory_space<vmem>>, vector<16xf32>,
      %parallel_loop3A_2502 = arith.index_cast %parallel_loop3A_2443 : i32 to index
      %parallel_loop3A_2503 = arith.constant 80 : index
      %parallel_loop3A_2504 = tpu.vector_load %arg18[%parallel_loop3A_2502, %parallel_loop3A_2503] {strides = array<i32>} : memref<128x128xf32, #tpu.memory_space<vmem>>, vector<16xf32>,
      %parallel_loop3A_2505 = arith.index_cast %parallel_loop3A_2443 : i32 to index
      %parallel_loop3A_2506 = arith.constant 80 : index
      %parallel_loop3A_2507 = tpu.vector_load %arg19[%parallel_loop3A_2505, %parallel_loop3A_2506] {strides = array<i32>} : memref<128x128xf32, #tpu.memory_space<vmem>>, vector<16xf32>,
      %parallel_loop3A_2508 = arith.subf %parallel_loop3A_2504, %parallel_loop3A_2507 : vector<16xf32>
      %parallel_loop3A_2509 = arith.mulf %parallel_loop3A_2501, %parallel_loop3A_2508 : vector<16xf32>
      %parallel_loop3A_2510 = arith.index_cast %parallel_loop3A_2443 : i32 to index
      %parallel_loop3A_2511 = arith.constant 96 : index
      %parallel_loop3A_2512 = tpu.vector_load %arg17[%parallel_loop3A_2510, %parallel_loop3A_2511] {strides = array<i32>} : memref<128x128xf32, #tpu.memory_space<vmem>>, vector<16xf32>,
      %parallel_loop3A_2513 = arith.index_cast %parallel_loop3A_2443 : i32 to index
      %parallel_loop3A_2514 = arith.constant 96 : index
      %parallel_loop3A_2515 = tpu.vector_load %arg18[%parallel_loop3A_2513, %parallel_loop3A_2514] {strides = array<i32>} : memref<128x128xf32, #tpu.memory_space<vmem>>, vector<16xf32>,
      %parallel_loop3A_2516 = arith.index_cast %parallel_loop3A_2443 : i32 to index
      %parallel_loop3A_2517 = arith.constant 96 : index
      %parallel_loop3A_2518 = tpu.vector_load %arg19[%parallel_loop3A_2516, %parallel_loop3A_2517] {strides = array<i32>} : memref<128x128xf32, #tpu.memory_space<vmem>>, vector<16xf32>,
      %parallel_loop3A_2519 = arith.subf %parallel_loop3A_2515, %parallel_loop3A_2518 : vector<16xf32>
      %parallel_loop3A_2520 = arith.mulf %parallel_loop3A_2512, %parallel_loop3A_2519 : vector<16xf32>
      %parallel_loop3A_2521 = arith.index_cast %parallel_loop3A_2443 : i32 to index
      %parallel_loop3A_2522 = arith.constant 112 : index
      %parallel_loop3A_2523 = tpu.vector_load %arg17[%parallel_loop3A_2521, %parallel_loop3A_2522] {strides = array<i32>} : memref<128x128xf32, #tpu.memory_space<vmem>>, vector<16xf32>,
      %parallel_loop3A_2524 = arith.index_cast %parallel_loop3A_2443 : i32 to index
      %parallel_loop3A_2525 = arith.constant 112 : index
      %parallel_loop3A_2526 = tpu.vector_load %arg18[%parallel_loop3A_2524, %parallel_loop3A_2525] {strides = array<i32>} : memref<128x128xf32, #tpu.memory_space<vmem>>, vector<16xf32>,
      %parallel_loop3A_2527 = arith.index_cast %parallel_loop3A_2443 : i32 to index
      %parallel_loop3A_2528 = arith.constant 112 : index
      %parallel_loop3A_2529 = tpu.vector_load %arg19[%parallel_loop3A_2527, %parallel_loop3A_2528] {strides = array<i32>} : memref<128x128xf32, #tpu.memory_space<vmem>>, vector<16xf32>,
      %parallel_loop3A_2530 = arith.subf %parallel_loop3A_2526, %parallel_loop3A_2529 : vector<16xf32>
      %parallel_loop3A_2531 = arith.mulf %parallel_loop3A_2523, %parallel_loop3A_2530 : vector<16xf32>
      %parallel_loop3A_2532 = arith.addf %parallel_loop3A_2454, %parallel_loop3A_2465 : vector<16xf32>
      %parallel_loop3A_2533 = arith.addf %parallel_loop3A_2476, %parallel_loop3A_2487 : vector<16xf32>
      %parallel_loop3A_2534 = arith.addf %parallel_loop3A_2498, %parallel_loop3A_2509 : vector<16xf32>
      %parallel_loop3A_2535 = arith.addf %parallel_loop3A_2520, %parallel_loop3A_2531 : vector<16xf32>
      %parallel_loop3A_2536 = arith.addf %parallel_loop3A_2532, %parallel_loop3A_2533 : vector<16xf32>
      %parallel_loop3A_2537 = arith.addf %parallel_loop3A_2534, %parallel_loop3A_2535 : vector<16xf32>
      %parallel_loop3A_2538 = arith.addf %parallel_loop3A_2536, %parallel_loop3A_2537 : vector<16xf32>
      %parallel_loop3A_2539 = arith.index_cast %parallel_loop3A_2443 : i32 to index
      %parallel_loop3A_2540 = arith.constant 0 : index
      %parallel_loop3A_2541 = tpu.vector_load %arg21[%parallel_loop3A_2539, %parallel_loop3A_2540] {strides = array<i32>} : memref<128x17xf32, #tpu.memory_space<vmem>>, vector<16xf32>,
      tpu.vector_store %arg21[%parallel_loop3A_2539, %parallel_loop3A_2540], %parallel_loop3A_2538 {strides = array<i32>} : memref<128x17xf32, #tpu.memory_space<vmem>>, vector<16xf32>,
    } {sc.loop_unroll_factor = 2 : i64, sc.parallel_access}
    %get3A_1875 = arith.constant 384 : index
    %get3A_1876 = tpu.vector_load %arg12[%get3A_1875] {strides = array<i32>} : memref<512xf32, #tpu.memory_space<vmem>>, vector<16xf32>,
    %get3A_1877 = arith.constant 384 : index
    %get3A_1878 = tpu.vector_load %arg13[%get3A_1877] {strides = array<i32>} : memref<512xf32, #tpu.memory_space<vmem>>, vector<16xf32>,
    %sub3A_1879 = arith.subf %get3A_1876, %get3A_1878 : vector<16xf32>
    %broadcast_in_dim3A_1880 = arith.constant 0 : i32
    %broadcast_in_dim3A_1881 = vector.broadcast %broadcast_in_dim3A_1880 : i32 to vector<16xi32>
    %gather3A_1882 = tpu.vector_load_idx %arg21[%add3A_5, %broadcast_in_dim3A_1881] : memref<128x17xf32, #tpu.memory_space<vmem>>[vector<16xi32>, vector<16xi32>], vector<16xf32>,
    %add3A_1883 = arith.addf %sub3A_1879, %gather3A_1882 : vector<16xf32>
    %broadcast_in_dim3A_1884 = arith.constant 1 : i32
    %broadcast_in_dim3A_1885 = vector.broadcast %broadcast_in_dim3A_1884 : i32 to vector<16xi32>
    %gather3A_1886 = tpu.vector_load_idx %arg21[%add3A_5, %broadcast_in_dim3A_1885] : memref<128x17xf32, #tpu.memory_space<vmem>>[vector<16xi32>, vector<16xi32>], vector<16xf32>,
    %add3A_1887 = arith.addf %add3A_1883, %gather3A_1886 : vector<16xf32>
    %broadcast_in_dim3A_1888 = arith.constant 2 : i32
    %broadcast_in_dim3A_1889 = vector.broadcast %broadcast_in_dim3A_1888 : i32 to vector<16xi32>
    %gather3A_1890 = tpu.vector_load_idx %arg21[%add3A_5, %broadcast_in_dim3A_1889] : memref<128x17xf32, #tpu.memory_space<vmem>>[vector<16xi32>, vector<16xi32>], vector<16xf32>,
    %add3A_1891 = arith.addf %add3A_1887, %gather3A_1890 : vector<16xf32>
    %broadcast_in_dim3A_1892 = arith.constant 3 : i32
    %broadcast_in_dim3A_1893 = vector.broadcast %broadcast_in_dim3A_1892 : i32 to vector<16xi32>
    %gather3A_1894 = tpu.vector_load_idx %arg21[%add3A_5, %broadcast_in_dim3A_1893] : memref<128x17xf32, #tpu.memory_space<vmem>>[vector<16xi32>, vector<16xi32>], vector<16xf32>,
    %add3A_1895 = arith.addf %add3A_1891, %gather3A_1894 : vector<16xf32>
    %broadcast_in_dim3A_1896 = arith.constant 4 : i32
    %broadcast_in_dim3A_1897 = vector.broadcast %broadcast_in_dim3A_1896 : i32 to vector<16xi32>
    %gather3A_1898 = tpu.vector_load_idx %arg21[%add3A_5, %broadcast_in_dim3A_1897] : memref<128x17xf32, #tpu.memory_space<vmem>>[vector<16xi32>, vector<16xi32>], vector<16xf32>,
    %add3A_1899 = arith.addf %add3A_1895, %gather3A_1898 : vector<16xf32>
    %broadcast_in_dim3A_1900 = arith.constant 5 : i32
    %broadcast_in_dim3A_1901 = vector.broadcast %broadcast_in_dim3A_1900 : i32 to vector<16xi32>
    %gather3A_1902 = tpu.vector_load_idx %arg21[%add3A_5, %broadcast_in_dim3A_1901] : memref<128x17xf32, #tpu.memory_space<vmem>>[vector<16xi32>, vector<16xi32>], vector<16xf32>,
    %add3A_1903 = arith.addf %add3A_1899, %gather3A_1902 : vector<16xf32>
    %broadcast_in_dim3A_1904 = arith.constant 6 : i32
    %broadcast_in_dim3A_1905 = vector.broadcast %broadcast_in_dim3A_1904 : i32 to vector<16xi32>
    %gather3A_1906 = tpu.vector_load_idx %arg21[%add3A_5, %broadcast_in_dim3A_1905] : memref<128x17xf32, #tpu.memory_space<vmem>>[vector<16xi32>, vector<16xi32>], vector<16xf32>,
    %add3A_1907 = arith.addf %add3A_1903, %gather3A_1906 : vector<16xf32>
    %broadcast_in_dim3A_1908 = arith.constant 7 : i32
    %broadcast_in_dim3A_1909 = vector.broadcast %broadcast_in_dim3A_1908 : i32 to vector<16xi32>
    %gather3A_1910 = tpu.vector_load_idx %arg21[%add3A_5, %broadcast_in_dim3A_1909] : memref<128x17xf32, #tpu.memory_space<vmem>>[vector<16xi32>, vector<16xi32>], vector<16xf32>,
    %add3A_1911 = arith.addf %add3A_1907, %gather3A_1910 : vector<16xf32>
    %broadcast_in_dim3A_1912 = arith.constant 8 : i32
    %broadcast_in_dim3A_1913 = vector.broadcast %broadcast_in_dim3A_1912 : i32 to vector<16xi32>
    %gather3A_1914 = tpu.vector_load_idx %arg21[%add3A_5, %broadcast_in_dim3A_1913] : memref<128x17xf32, #tpu.memory_space<vmem>>[vector<16xi32>, vector<16xi32>], vector<16xf32>,
    %add3A_1915 = arith.addf %add3A_1911, %gather3A_1914 : vector<16xf32>
    %broadcast_in_dim3A_1916 = arith.constant 9 : i32
    %broadcast_in_dim3A_1917 = vector.broadcast %broadcast_in_dim3A_1916 : i32 to vector<16xi32>
    %gather3A_1918 = tpu.vector_load_idx %arg21[%add3A_5, %broadcast_in_dim3A_1917] : memref<128x17xf32, #tpu.memory_space<vmem>>[vector<16xi32>, vector<16xi32>], vector<16xf32>,
    %add3A_1919 = arith.addf %add3A_1915, %gather3A_1918 : vector<16xf32>
    %broadcast_in_dim3A_1920 = arith.constant 10 : i32
    %broadcast_in_dim3A_1921 = vector.broadcast %broadcast_in_dim3A_1920 : i32 to vector<16xi32>
    %gather3A_1922 = tpu.vector_load_idx %arg21[%add3A_5, %broadcast_in_dim3A_1921] : memref<128x17xf32, #tpu.memory_space<vmem>>[vector<16xi32>, vector<16xi32>], vector<16xf32>,
    %add3A_1923 = arith.addf %add3A_1919, %gather3A_1922 : vector<16xf32>
    %broadcast_in_dim3A_1924 = arith.constant 11 : i32
    %broadcast_in_dim3A_1925 = vector.broadcast %broadcast_in_dim3A_1924 : i32 to vector<16xi32>
    %gather3A_1926 = tpu.vector_load_idx %arg21[%add3A_5, %broadcast_in_dim3A_1925] : memref<128x17xf32, #tpu.memory_space<vmem>>[vector<16xi32>, vector<16xi32>], vector<16xf32>,
    %add3A_1927 = arith.addf %add3A_1923, %gather3A_1926 : vector<16xf32>
    %broadcast_in_dim3A_1928 = arith.constant 12 : i32
    %broadcast_in_dim3A_1929 = vector.broadcast %broadcast_in_dim3A_1928 : i32 to vector<16xi32>
    %gather3A_1930 = tpu.vector_load_idx %arg21[%add3A_5, %broadcast_in_dim3A_1929] : memref<128x17xf32, #tpu.memory_space<vmem>>[vector<16xi32>, vector<16xi32>], vector<16xf32>,
    %add3A_1931 = arith.addf %add3A_1927, %gather3A_1930 : vector<16xf32>
    %broadcast_in_dim3A_1932 = arith.constant 13 : i32
    %broadcast_in_dim3A_1933 = vector.broadcast %broadcast_in_dim3A_1932 : i32 to vector<16xi32>
    %gather3A_1934 = tpu.vector_load_idx %arg21[%add3A_5, %broadcast_in_dim3A_1933] : memref<128x17xf32, #tpu.memory_space<vmem>>[vector<16xi32>, vector<16xi32>], vector<16xf32>,
    %add3A_1935 = arith.addf %add3A_1931, %gather3A_1934 : vector<16xf32>
    %broadcast_in_dim3A_1936 = arith.constant 14 : i32
    %broadcast_in_dim3A_1937 = vector.broadcast %broadcast_in_dim3A_1936 : i32 to vector<16xi32>
    %gather3A_1938 = tpu.vector_load_idx %arg21[%add3A_5, %broadcast_in_dim3A_1937] : memref<128x17xf32, #tpu.memory_space<vmem>>[vector<16xi32>, vector<16xi32>], vector<16xf32>,
    %add3A_1939 = arith.addf %add3A_1935, %gather3A_1938 : vector<16xf32>
    %broadcast_in_dim3A_1940 = arith.constant 15 : i32
    %broadcast_in_dim3A_1941 = vector.broadcast %broadcast_in_dim3A_1940 : i32 to vector<16xi32>
    %gather3A_1942 = tpu.vector_load_idx %arg21[%add3A_5, %broadcast_in_dim3A_1941] : memref<128x17xf32, #tpu.memory_space<vmem>>[vector<16xi32>, vector<16xi32>], vector<16xf32>,
    %add3A_1943 = arith.addf %add3A_1939, %gather3A_1942 : vector<16xf32>
    %swap3A_1944 = arith.constant 384 : index
    %swap3A_1945 = tpu.vector_load %arg20[%swap3A_1944] {strides = array<i32>} : memref<512xf32, #tpu.memory_space<vmem>>, vector<16xf32>,
    tpu.vector_store %arg20[%swap3A_1944], %add3A_1943 {strides = array<i32>} : memref<512xf32, #tpu.memory_space<vmem>>, vector<16xf32>,
    %get3A_1946 = arith.constant 400 : index
    %get3A_1947 = tpu.vector_load %arg12[%get3A_1946] {strides = array<i32>} : memref<512xf32, #tpu.memory_space<vmem>>, vector<16xf32>,
    %get3A_1948 = arith.constant 400 : index
    %get3A_1949 = tpu.vector_load %arg13[%get3A_1948] {strides = array<i32>} : memref<512xf32, #tpu.memory_space<vmem>>, vector<16xf32>,
    %sub3A_1950 = arith.subf %get3A_1947, %get3A_1949 : vector<16xf32>
    %broadcast_in_dim3A_1951 = arith.constant 0 : i32
    %broadcast_in_dim3A_1952 = vector.broadcast %broadcast_in_dim3A_1951 : i32 to vector<16xi32>
    %gather3A_1953 = tpu.vector_load_idx %arg21[%add3A_8, %broadcast_in_dim3A_1952] : memref<128x17xf32, #tpu.memory_space<vmem>>[vector<16xi32>, vector<16xi32>], vector<16xf32>,
    %add3A_1954 = arith.addf %sub3A_1950, %gather3A_1953 : vector<16xf32>
    %broadcast_in_dim3A_1955 = arith.constant 1 : i32
    %broadcast_in_dim3A_1956 = vector.broadcast %broadcast_in_dim3A_1955 : i32 to vector<16xi32>
    %gather3A_1957 = tpu.vector_load_idx %arg21[%add3A_8, %broadcast_in_dim3A_1956] : memref<128x17xf32, #tpu.memory_space<vmem>>[vector<16xi32>, vector<16xi32>], vector<16xf32>,
    %add3A_1958 = arith.addf %add3A_1954, %gather3A_1957 : vector<16xf32>
    %broadcast_in_dim3A_1959 = arith.constant 2 : i32
    %broadcast_in_dim3A_1960 = vector.broadcast %broadcast_in_dim3A_1959 : i32 to vector<16xi32>
    %gather3A_1961 = tpu.vector_load_idx %arg21[%add3A_8, %broadcast_in_dim3A_1960] : memref<128x17xf32, #tpu.memory_space<vmem>>[vector<16xi32>, vector<16xi32>], vector<16xf32>,
    %add3A_1962 = arith.addf %add3A_1958, %gather3A_1961 : vector<16xf32>
    %broadcast_in_dim3A_1963 = arith.constant 3 : i32
    %broadcast_in_dim3A_1964 = vector.broadcast %broadcast_in_dim3A_1963 : i32 to vector<16xi32>
    %gather3A_1965 = tpu.vector_load_idx %arg21[%add3A_8, %broadcast_in_dim3A_1964] : memref<128x17xf32, #tpu.memory_space<vmem>>[vector<16xi32>, vector<16xi32>], vector<16xf32>,
    %add3A_1966 = arith.addf %add3A_1962, %gather3A_1965 : vector<16xf32>
    %broadcast_in_dim3A_1967 = arith.constant 4 : i32
    %broadcast_in_dim3A_1968 = vector.broadcast %broadcast_in_dim3A_1967 : i32 to vector<16xi32>
    %gather3A_1969 = tpu.vector_load_idx %arg21[%add3A_8, %broadcast_in_dim3A_1968] : memref<128x17xf32, #tpu.memory_space<vmem>>[vector<16xi32>, vector<16xi32>], vector<16xf32>,
    %add3A_1970 = arith.addf %add3A_1966, %gather3A_1969 : vector<16xf32>
    %broadcast_in_dim3A_1971 = arith.constant 5 : i32
    %broadcast_in_dim3A_1972 = vector.broadcast %broadcast_in_dim3A_1971 : i32 to vector<16xi32>
    %gather3A_1973 = tpu.vector_load_idx %arg21[%add3A_8, %broadcast_in_dim3A_1972] : memref<128x17xf32, #tpu.memory_space<vmem>>[vector<16xi32>, vector<16xi32>], vector<16xf32>,
    %add3A_1974 = arith.addf %add3A_1970, %gather3A_1973 : vector<16xf32>
    %broadcast_in_dim3A_1975 = arith.constant 6 : i32
    %broadcast_in_dim3A_1976 = vector.broadcast %broadcast_in_dim3A_1975 : i32 to vector<16xi32>
    %gather3A_1977 = tpu.vector_load_idx %arg21[%add3A_8, %broadcast_in_dim3A_1976] : memref<128x17xf32, #tpu.memory_space<vmem>>[vector<16xi32>, vector<16xi32>], vector<16xf32>,
    %add3A_1978 = arith.addf %add3A_1974, %gather3A_1977 : vector<16xf32>
    %broadcast_in_dim3A_1979 = arith.constant 7 : i32
    %broadcast_in_dim3A_1980 = vector.broadcast %broadcast_in_dim3A_1979 : i32 to vector<16xi32>
    %gather3A_1981 = tpu.vector_load_idx %arg21[%add3A_8, %broadcast_in_dim3A_1980] : memref<128x17xf32, #tpu.memory_space<vmem>>[vector<16xi32>, vector<16xi32>], vector<16xf32>,
    %add3A_1982 = arith.addf %add3A_1978, %gather3A_1981 : vector<16xf32>
    %broadcast_in_dim3A_1983 = arith.constant 8 : i32
    %broadcast_in_dim3A_1984 = vector.broadcast %broadcast_in_dim3A_1983 : i32 to vector<16xi32>
    %gather3A_1985 = tpu.vector_load_idx %arg21[%add3A_8, %broadcast_in_dim3A_1984] : memref<128x17xf32, #tpu.memory_space<vmem>>[vector<16xi32>, vector<16xi32>], vector<16xf32>,
    %add3A_1986 = arith.addf %add3A_1982, %gather3A_1985 : vector<16xf32>
    %broadcast_in_dim3A_1987 = arith.constant 9 : i32
    %broadcast_in_dim3A_1988 = vector.broadcast %broadcast_in_dim3A_1987 : i32 to vector<16xi32>
    %gather3A_1989 = tpu.vector_load_idx %arg21[%add3A_8, %broadcast_in_dim3A_1988] : memref<128x17xf32, #tpu.memory_space<vmem>>[vector<16xi32>, vector<16xi32>], vector<16xf32>,
    %add3A_1990 = arith.addf %add3A_1986, %gather3A_1989 : vector<16xf32>
    %broadcast_in_dim3A_1991 = arith.constant 10 : i32
    %broadcast_in_dim3A_1992 = vector.broadcast %broadcast_in_dim3A_1991 : i32 to vector<16xi32>
    %gather3A_1993 = tpu.vector_load_idx %arg21[%add3A_8, %broadcast_in_dim3A_1992] : memref<128x17xf32, #tpu.memory_space<vmem>>[vector<16xi32>, vector<16xi32>], vector<16xf32>,
    %add3A_1994 = arith.addf %add3A_1990, %gather3A_1993 : vector<16xf32>
    %broadcast_in_dim3A_1995 = arith.constant 11 : i32
    %broadcast_in_dim3A_1996 = vector.broadcast %broadcast_in_dim3A_1995 : i32 to vector<16xi32>
    %gather3A_1997 = tpu.vector_load_idx %arg21[%add3A_8, %broadcast_in_dim3A_1996] : memref<128x17xf32, #tpu.memory_space<vmem>>[vector<16xi32>, vector<16xi32>], vector<16xf32>,
    %add3A_1998 = arith.addf %add3A_1994, %gather3A_1997 : vector<16xf32>
    %broadcast_in_dim3A_1999 = arith.constant 12 : i32
    %broadcast_in_dim3A_2000 = vector.broadcast %broadcast_in_dim3A_1999 : i32 to vector<16xi32>
    %gather3A_2001 = tpu.vector_load_idx %arg21[%add3A_8, %broadcast_in_dim3A_2000] : memref<128x17xf32, #tpu.memory_space<vmem>>[vector<16xi32>, vector<16xi32>], vector<16xf32>,
    %add3A_2002 = arith.addf %add3A_1998, %gather3A_2001 : vector<16xf32>
    %broadcast_in_dim3A_2003 = arith.constant 13 : i32
    %broadcast_in_dim3A_2004 = vector.broadcast %broadcast_in_dim3A_2003 : i32 to vector<16xi32>
    %gather3A_2005 = tpu.vector_load_idx %arg21[%add3A_8, %broadcast_in_dim3A_2004] : memref<128x17xf32, #tpu.memory_space<vmem>>[vector<16xi32>, vector<16xi32>], vector<16xf32>,
    %add3A_2006 = arith.addf %add3A_2002, %gather3A_2005 : vector<16xf32>
    %broadcast_in_dim3A_2007 = arith.constant 14 : i32
    %broadcast_in_dim3A_2008 = vector.broadcast %broadcast_in_dim3A_2007 : i32 to vector<16xi32>
    %gather3A_2009 = tpu.vector_load_idx %arg21[%add3A_8, %broadcast_in_dim3A_2008] : memref<128x17xf32, #tpu.memory_space<vmem>>[vector<16xi32>, vector<16xi32>], vector<16xf32>,
    %add3A_2010 = arith.addf %add3A_2006, %gather3A_2009 : vector<16xf32>
    %broadcast_in_dim3A_2011 = arith.constant 15 : i32
    %broadcast_in_dim3A_2012 = vector.broadcast %broadcast_in_dim3A_2011 : i32 to vector<16xi32>
    %gather3A_2013 = tpu.vector_load_idx %arg21[%add3A_8, %broadcast_in_dim3A_2012] : memref<128x17xf32, #tpu.memory_space<vmem>>[vector<16xi32>, vector<16xi32>], vector<16xf32>,
    %add3A_2014 = arith.addf %add3A_2010, %gather3A_2013 : vector<16xf32>
    %swap3A_2015 = arith.constant 400 : index
    %swap3A_2016 = tpu.vector_load %arg20[%swap3A_2015] {strides = array<i32>} : memref<512xf32, #tpu.memory_space<vmem>>, vector<16xf32>,
    tpu.vector_store %arg20[%swap3A_2015], %add3A_2014 {strides = array<i32>} : memref<512xf32, #tpu.memory_space<vmem>>, vector<16xf32>,
    %get3A_2017 = arith.constant 416 : index
    %get3A_2018 = tpu.vector_load %arg12[%get3A_2017] {strides = array<i32>} : memref<512xf32, #tpu.memory_space<vmem>>, vector<16xf32>,
    %get3A_2019 = arith.constant 416 : index
    %get3A_2020 = tpu.vector_load %arg13[%get3A_2019] {strides = array<i32>} : memref<512xf32, #tpu.memory_space<vmem>>, vector<16xf32>,
    %sub3A_2021 = arith.subf %get3A_2018, %get3A_2020 : vector<16xf32>
    %broadcast_in_dim3A_2022 = arith.constant 0 : i32
    %broadcast_in_dim3A_2023 = vector.broadcast %broadcast_in_dim3A_2022 : i32 to vector<16xi32>
    %gather3A_2024 = tpu.vector_load_idx %arg21[%add3A_11, %broadcast_in_dim3A_2023] : memref<128x17xf32, #tpu.memory_space<vmem>>[vector<16xi32>, vector<16xi32>], vector<16xf32>,
    %add3A_2025 = arith.addf %sub3A_2021, %gather3A_2024 : vector<16xf32>
    %broadcast_in_dim3A_2026 = arith.constant 1 : i32
    %broadcast_in_dim3A_2027 = vector.broadcast %broadcast_in_dim3A_2026 : i32 to vector<16xi32>
    %gather3A_2028 = tpu.vector_load_idx %arg21[%add3A_11, %broadcast_in_dim3A_2027] : memref<128x17xf32, #tpu.memory_space<vmem>>[vector<16xi32>, vector<16xi32>], vector<16xf32>,
    %add3A_2029 = arith.addf %add3A_2025, %gather3A_2028 : vector<16xf32>
    %broadcast_in_dim3A_2030 = arith.constant 2 : i32
    %broadcast_in_dim3A_2031 = vector.broadcast %broadcast_in_dim3A_2030 : i32 to vector<16xi32>
    %gather3A_2032 = tpu.vector_load_idx %arg21[%add3A_11, %broadcast_in_dim3A_2031] : memref<128x17xf32, #tpu.memory_space<vmem>>[vector<16xi32>, vector<16xi32>], vector<16xf32>,
    %add3A_2033 = arith.addf %add3A_2029, %gather3A_2032 : vector<16xf32>
    %broadcast_in_dim3A_2034 = arith.constant 3 : i32
    %broadcast_in_dim3A_2035 = vector.broadcast %broadcast_in_dim3A_2034 : i32 to vector<16xi32>
    %gather3A_2036 = tpu.vector_load_idx %arg21[%add3A_11, %broadcast_in_dim3A_2035] : memref<128x17xf32, #tpu.memory_space<vmem>>[vector<16xi32>, vector<16xi32>], vector<16xf32>,
    %add3A_2037 = arith.addf %add3A_2033, %gather3A_2036 : vector<16xf32>
    %broadcast_in_dim3A_2038 = arith.constant 4 : i32
    %broadcast_in_dim3A_2039 = vector.broadcast %broadcast_in_dim3A_2038 : i32 to vector<16xi32>
    %gather3A_2040 = tpu.vector_load_idx %arg21[%add3A_11, %broadcast_in_dim3A_2039] : memref<128x17xf32, #tpu.memory_space<vmem>>[vector<16xi32>, vector<16xi32>], vector<16xf32>,
    %add3A_2041 = arith.addf %add3A_2037, %gather3A_2040 : vector<16xf32>
    %broadcast_in_dim3A_2042 = arith.constant 5 : i32
    %broadcast_in_dim3A_2043 = vector.broadcast %broadcast_in_dim3A_2042 : i32 to vector<16xi32>
    %gather3A_2044 = tpu.vector_load_idx %arg21[%add3A_11, %broadcast_in_dim3A_2043] : memref<128x17xf32, #tpu.memory_space<vmem>>[vector<16xi32>, vector<16xi32>], vector<16xf32>,
    %add3A_2045 = arith.addf %add3A_2041, %gather3A_2044 : vector<16xf32>
    %broadcast_in_dim3A_2046 = arith.constant 6 : i32
    %broadcast_in_dim3A_2047 = vector.broadcast %broadcast_in_dim3A_2046 : i32 to vector<16xi32>
    %gather3A_2048 = tpu.vector_load_idx %arg21[%add3A_11, %broadcast_in_dim3A_2047] : memref<128x17xf32, #tpu.memory_space<vmem>>[vector<16xi32>, vector<16xi32>], vector<16xf32>,
    %add3A_2049 = arith.addf %add3A_2045, %gather3A_2048 : vector<16xf32>
    %broadcast_in_dim3A_2050 = arith.constant 7 : i32
    %broadcast_in_dim3A_2051 = vector.broadcast %broadcast_in_dim3A_2050 : i32 to vector<16xi32>
    %gather3A_2052 = tpu.vector_load_idx %arg21[%add3A_11, %broadcast_in_dim3A_2051] : memref<128x17xf32, #tpu.memory_space<vmem>>[vector<16xi32>, vector<16xi32>], vector<16xf32>,
    %add3A_2053 = arith.addf %add3A_2049, %gather3A_2052 : vector<16xf32>
    %broadcast_in_dim3A_2054 = arith.constant 8 : i32
    %broadcast_in_dim3A_2055 = vector.broadcast %broadcast_in_dim3A_2054 : i32 to vector<16xi32>
    %gather3A_2056 = tpu.vector_load_idx %arg21[%add3A_11, %broadcast_in_dim3A_2055] : memref<128x17xf32, #tpu.memory_space<vmem>>[vector<16xi32>, vector<16xi32>], vector<16xf32>,
    %add3A_2057 = arith.addf %add3A_2053, %gather3A_2056 : vector<16xf32>
    %broadcast_in_dim3A_2058 = arith.constant 9 : i32
    %broadcast_in_dim3A_2059 = vector.broadcast %broadcast_in_dim3A_2058 : i32 to vector<16xi32>
    %gather3A_2060 = tpu.vector_load_idx %arg21[%add3A_11, %broadcast_in_dim3A_2059] : memref<128x17xf32, #tpu.memory_space<vmem>>[vector<16xi32>, vector<16xi32>], vector<16xf32>,
    %add3A_2061 = arith.addf %add3A_2057, %gather3A_2060 : vector<16xf32>
    %broadcast_in_dim3A_2062 = arith.constant 10 : i32
    %broadcast_in_dim3A_2063 = vector.broadcast %broadcast_in_dim3A_2062 : i32 to vector<16xi32>
    %gather3A_2064 = tpu.vector_load_idx %arg21[%add3A_11, %broadcast_in_dim3A_2063] : memref<128x17xf32, #tpu.memory_space<vmem>>[vector<16xi32>, vector<16xi32>], vector<16xf32>,
    %add3A_2065 = arith.addf %add3A_2061, %gather3A_2064 : vector<16xf32>
    %broadcast_in_dim3A_2066 = arith.constant 11 : i32
    %broadcast_in_dim3A_2067 = vector.broadcast %broadcast_in_dim3A_2066 : i32 to vector<16xi32>
    %gather3A_2068 = tpu.vector_load_idx %arg21[%add3A_11, %broadcast_in_dim3A_2067] : memref<128x17xf32, #tpu.memory_space<vmem>>[vector<16xi32>, vector<16xi32>], vector<16xf32>,
    %add3A_2069 = arith.addf %add3A_2065, %gather3A_2068 : vector<16xf32>
    %broadcast_in_dim3A_2070 = arith.constant 12 : i32
    %broadcast_in_dim3A_2071 = vector.broadcast %broadcast_in_dim3A_2070 : i32 to vector<16xi32>
    %gather3A_2072 = tpu.vector_load_idx %arg21[%add3A_11, %broadcast_in_dim3A_2071] : memref<128x17xf32, #tpu.memory_space<vmem>>[vector<16xi32>, vector<16xi32>], vector<16xf32>,
    %add3A_2073 = arith.addf %add3A_2069, %gather3A_2072 : vector<16xf32>
    %broadcast_in_dim3A_2074 = arith.constant 13 : i32
    %broadcast_in_dim3A_2075 = vector.broadcast %broadcast_in_dim3A_2074 : i32 to vector<16xi32>
    %gather3A_2076 = tpu.vector_load_idx %arg21[%add3A_11, %broadcast_in_dim3A_2075] : memref<128x17xf32, #tpu.memory_space<vmem>>[vector<16xi32>, vector<16xi32>], vector<16xf32>,
    %add3A_2077 = arith.addf %add3A_2073, %gather3A_2076 : vector<16xf32>
    %broadcast_in_dim3A_2078 = arith.constant 14 : i32
    %broadcast_in_dim3A_2079 = vector.broadcast %broadcast_in_dim3A_2078 : i32 to vector<16xi32>
    %gather3A_2080 = tpu.vector_load_idx %arg21[%add3A_11, %broadcast_in_dim3A_2079] : memref<128x17xf32, #tpu.memory_space<vmem>>[vector<16xi32>, vector<16xi32>], vector<16xf32>,
    %add3A_2081 = arith.addf %add3A_2077, %gather3A_2080 : vector<16xf32>
    %broadcast_in_dim3A_2082 = arith.constant 15 : i32
    %broadcast_in_dim3A_2083 = vector.broadcast %broadcast_in_dim3A_2082 : i32 to vector<16xi32>
    %gather3A_2084 = tpu.vector_load_idx %arg21[%add3A_11, %broadcast_in_dim3A_2083] : memref<128x17xf32, #tpu.memory_space<vmem>>[vector<16xi32>, vector<16xi32>], vector<16xf32>,
    %add3A_2085 = arith.addf %add3A_2081, %gather3A_2084 : vector<16xf32>
    %swap3A_2086 = arith.constant 416 : index
    %swap3A_2087 = tpu.vector_load %arg20[%swap3A_2086] {strides = array<i32>} : memref<512xf32, #tpu.memory_space<vmem>>, vector<16xf32>,
    tpu.vector_store %arg20[%swap3A_2086], %add3A_2085 {strides = array<i32>} : memref<512xf32, #tpu.memory_space<vmem>>, vector<16xf32>,
    %get3A_2088 = arith.constant 432 : index
    %get3A_2089 = tpu.vector_load %arg12[%get3A_2088] {strides = array<i32>} : memref<512xf32, #tpu.memory_space<vmem>>, vector<16xf32>,
    %get3A_2090 = arith.constant 432 : index
    %get3A_2091 = tpu.vector_load %arg13[%get3A_2090] {strides = array<i32>} : memref<512xf32, #tpu.memory_space<vmem>>, vector<16xf32>,
    %sub3A_2092 = arith.subf %get3A_2089, %get3A_2091 : vector<16xf32>
    %broadcast_in_dim3A_2093 = arith.constant 0 : i32
    %broadcast_in_dim3A_2094 = vector.broadcast %broadcast_in_dim3A_2093 : i32 to vector<16xi32>
    %gather3A_2095 = tpu.vector_load_idx %arg21[%add3A_14, %broadcast_in_dim3A_2094] : memref<128x17xf32, #tpu.memory_space<vmem>>[vector<16xi32>, vector<16xi32>], vector<16xf32>,
    %add3A_2096 = arith.addf %sub3A_2092, %gather3A_2095 : vector<16xf32>
    %broadcast_in_dim3A_2097 = arith.constant 1 : i32
    %broadcast_in_dim3A_2098 = vector.broadcast %broadcast_in_dim3A_2097 : i32 to vector<16xi32>
    %gather3A_2099 = tpu.vector_load_idx %arg21[%add3A_14, %broadcast_in_dim3A_2098] : memref<128x17xf32, #tpu.memory_space<vmem>>[vector<16xi32>, vector<16xi32>], vector<16xf32>,
    %add3A_2100 = arith.addf %add3A_2096, %gather3A_2099 : vector<16xf32>
    %broadcast_in_dim3A_2101 = arith.constant 2 : i32
    %broadcast_in_dim3A_2102 = vector.broadcast %broadcast_in_dim3A_2101 : i32 to vector<16xi32>
    %gather3A_2103 = tpu.vector_load_idx %arg21[%add3A_14, %broadcast_in_dim3A_2102] : memref<128x17xf32, #tpu.memory_space<vmem>>[vector<16xi32>, vector<16xi32>], vector<16xf32>,
    %add3A_2104 = arith.addf %add3A_2100, %gather3A_2103 : vector<16xf32>
    %broadcast_in_dim3A_2105 = arith.constant 3 : i32
    %broadcast_in_dim3A_2106 = vector.broadcast %broadcast_in_dim3A_2105 : i32 to vector<16xi32>
    %gather3A_2107 = tpu.vector_load_idx %arg21[%add3A_14, %broadcast_in_dim3A_2106] : memref<128x17xf32, #tpu.memory_space<vmem>>[vector<16xi32>, vector<16xi32>], vector<16xf32>,
    %add3A_2108 = arith.addf %add3A_2104, %gather3A_2107 : vector<16xf32>
    %broadcast_in_dim3A_2109 = arith.constant 4 : i32
    %broadcast_in_dim3A_2110 = vector.broadcast %broadcast_in_dim3A_2109 : i32 to vector<16xi32>
    %gather3A_2111 = tpu.vector_load_idx %arg21[%add3A_14, %broadcast_in_dim3A_2110] : memref<128x17xf32, #tpu.memory_space<vmem>>[vector<16xi32>, vector<16xi32>], vector<16xf32>,
    %add3A_2112 = arith.addf %add3A_2108, %gather3A_2111 : vector<16xf32>
    %broadcast_in_dim3A_2113 = arith.constant 5 : i32
    %broadcast_in_dim3A_2114 = vector.broadcast %broadcast_in_dim3A_2113 : i32 to vector<16xi32>
    %gather3A_2115 = tpu.vector_load_idx %arg21[%add3A_14, %broadcast_in_dim3A_2114] : memref<128x17xf32, #tpu.memory_space<vmem>>[vector<16xi32>, vector<16xi32>], vector<16xf32>,
    %add3A_2116 = arith.addf %add3A_2112, %gather3A_2115 : vector<16xf32>
    %broadcast_in_dim3A_2117 = arith.constant 6 : i32
    %broadcast_in_dim3A_2118 = vector.broadcast %broadcast_in_dim3A_2117 : i32 to vector<16xi32>
    %gather3A_2119 = tpu.vector_load_idx %arg21[%add3A_14, %broadcast_in_dim3A_2118] : memref<128x17xf32, #tpu.memory_space<vmem>>[vector<16xi32>, vector<16xi32>], vector<16xf32>,
    %add3A_2120 = arith.addf %add3A_2116, %gather3A_2119 : vector<16xf32>
    %broadcast_in_dim3A_2121 = arith.constant 7 : i32
    %broadcast_in_dim3A_2122 = vector.broadcast %broadcast_in_dim3A_2121 : i32 to vector<16xi32>
    %gather3A_2123 = tpu.vector_load_idx %arg21[%add3A_14, %broadcast_in_dim3A_2122] : memref<128x17xf32, #tpu.memory_space<vmem>>[vector<16xi32>, vector<16xi32>], vector<16xf32>,
    %add3A_2124 = arith.addf %add3A_2120, %gather3A_2123 : vector<16xf32>
    %broadcast_in_dim3A_2125 = arith.constant 8 : i32
    %broadcast_in_dim3A_2126 = vector.broadcast %broadcast_in_dim3A_2125 : i32 to vector<16xi32>
    %gather3A_2127 = tpu.vector_load_idx %arg21[%add3A_14, %broadcast_in_dim3A_2126] : memref<128x17xf32, #tpu.memory_space<vmem>>[vector<16xi32>, vector<16xi32>], vector<16xf32>,
    %add3A_2128 = arith.addf %add3A_2124, %gather3A_2127 : vector<16xf32>
    %broadcast_in_dim3A_2129 = arith.constant 9 : i32
    %broadcast_in_dim3A_2130 = vector.broadcast %broadcast_in_dim3A_2129 : i32 to vector<16xi32>
    %gather3A_2131 = tpu.vector_load_idx %arg21[%add3A_14, %broadcast_in_dim3A_2130] : memref<128x17xf32, #tpu.memory_space<vmem>>[vector<16xi32>, vector<16xi32>], vector<16xf32>,
    %add3A_2132 = arith.addf %add3A_2128, %gather3A_2131 : vector<16xf32>
    %broadcast_in_dim3A_2133 = arith.constant 10 : i32
    %broadcast_in_dim3A_2134 = vector.broadcast %broadcast_in_dim3A_2133 : i32 to vector<16xi32>
    %gather3A_2135 = tpu.vector_load_idx %arg21[%add3A_14, %broadcast_in_dim3A_2134] : memref<128x17xf32, #tpu.memory_space<vmem>>[vector<16xi32>, vector<16xi32>], vector<16xf32>,
    %add3A_2136 = arith.addf %add3A_2132, %gather3A_2135 : vector<16xf32>
    %broadcast_in_dim3A_2137 = arith.constant 11 : i32
    %broadcast_in_dim3A_2138 = vector.broadcast %broadcast_in_dim3A_2137 : i32 to vector<16xi32>
    %gather3A_2139 = tpu.vector_load_idx %arg21[%add3A_14, %broadcast_in_dim3A_2138] : memref<128x17xf32, #tpu.memory_space<vmem>>[vector<16xi32>, vector<16xi32>], vector<16xf32>,
    %add3A_2140 = arith.addf %add3A_2136, %gather3A_2139 : vector<16xf32>
    %broadcast_in_dim3A_2141 = arith.constant 12 : i32
    %broadcast_in_dim3A_2142 = vector.broadcast %broadcast_in_dim3A_2141 : i32 to vector<16xi32>
    %gather3A_2143 = tpu.vector_load_idx %arg21[%add3A_14, %broadcast_in_dim3A_2142] : memref<128x17xf32, #tpu.memory_space<vmem>>[vector<16xi32>, vector<16xi32>], vector<16xf32>,
    %add3A_2144 = arith.addf %add3A_2140, %gather3A_2143 : vector<16xf32>
    %broadcast_in_dim3A_2145 = arith.constant 13 : i32
    %broadcast_in_dim3A_2146 = vector.broadcast %broadcast_in_dim3A_2145 : i32 to vector<16xi32>
    %gather3A_2147 = tpu.vector_load_idx %arg21[%add3A_14, %broadcast_in_dim3A_2146] : memref<128x17xf32, #tpu.memory_space<vmem>>[vector<16xi32>, vector<16xi32>], vector<16xf32>,
    %add3A_2148 = arith.addf %add3A_2144, %gather3A_2147 : vector<16xf32>
    %broadcast_in_dim3A_2149 = arith.constant 14 : i32
    %broadcast_in_dim3A_2150 = vector.broadcast %broadcast_in_dim3A_2149 : i32 to vector<16xi32>
    %gather3A_2151 = tpu.vector_load_idx %arg21[%add3A_14, %broadcast_in_dim3A_2150] : memref<128x17xf32, #tpu.memory_space<vmem>>[vector<16xi32>, vector<16xi32>], vector<16xf32>,
    %add3A_2152 = arith.addf %add3A_2148, %gather3A_2151 : vector<16xf32>
    %broadcast_in_dim3A_2153 = arith.constant 15 : i32
    %broadcast_in_dim3A_2154 = vector.broadcast %broadcast_in_dim3A_2153 : i32 to vector<16xi32>
    %gather3A_2155 = tpu.vector_load_idx %arg21[%add3A_14, %broadcast_in_dim3A_2154] : memref<128x17xf32, #tpu.memory_space<vmem>>[vector<16xi32>, vector<16xi32>], vector<16xf32>,
    %add3A_2156 = arith.addf %add3A_2152, %gather3A_2155 : vector<16xf32>
    %swap3A_2157 = arith.constant 432 : index
    %swap3A_2158 = tpu.vector_load %arg20[%swap3A_2157] {strides = array<i32>} : memref<512xf32, #tpu.memory_space<vmem>>, vector<16xf32>,
    tpu.vector_store %arg20[%swap3A_2157], %add3A_2156 {strides = array<i32>} : memref<512xf32, #tpu.memory_space<vmem>>, vector<16xf32>,
    %get3A_2159 = arith.constant 448 : index
    %get3A_2160 = tpu.vector_load %arg12[%get3A_2159] {strides = array<i32>} : memref<512xf32, #tpu.memory_space<vmem>>, vector<16xf32>,
    %get3A_2161 = arith.constant 448 : index
    %get3A_2162 = tpu.vector_load %arg13[%get3A_2161] {strides = array<i32>} : memref<512xf32, #tpu.memory_space<vmem>>, vector<16xf32>,
    %sub3A_2163 = arith.subf %get3A_2160, %get3A_2162 : vector<16xf32>
    %broadcast_in_dim3A_2164 = arith.constant 0 : i32
    %broadcast_in_dim3A_2165 = vector.broadcast %broadcast_in_dim3A_2164 : i32 to vector<16xi32>
    %gather3A_2166 = tpu.vector_load_idx %arg21[%add3A_17, %broadcast_in_dim3A_2165] : memref<128x17xf32, #tpu.memory_space<vmem>>[vector<16xi32>, vector<16xi32>], vector<16xf32>,
    %add3A_2167 = arith.addf %sub3A_2163, %gather3A_2166 : vector<16xf32>
    %broadcast_in_dim3A_2168 = arith.constant 1 : i32
    %broadcast_in_dim3A_2169 = vector.broadcast %broadcast_in_dim3A_2168 : i32 to vector<16xi32>
    %gather3A_2170 = tpu.vector_load_idx %arg21[%add3A_17, %broadcast_in_dim3A_2169] : memref<128x17xf32, #tpu.memory_space<vmem>>[vector<16xi32>, vector<16xi32>], vector<16xf32>,
    %add3A_2171 = arith.addf %add3A_2167, %gather3A_2170 : vector<16xf32>
    %broadcast_in_dim3A_2172 = arith.constant 2 : i32
    %broadcast_in_dim3A_2173 = vector.broadcast %broadcast_in_dim3A_2172 : i32 to vector<16xi32>
    %gather3A_2174 = tpu.vector_load_idx %arg21[%add3A_17, %broadcast_in_dim3A_2173] : memref<128x17xf32, #tpu.memory_space<vmem>>[vector<16xi32>, vector<16xi32>], vector<16xf32>,
    %add3A_2175 = arith.addf %add3A_2171, %gather3A_2174 : vector<16xf32>
    %broadcast_in_dim3A_2176 = arith.constant 3 : i32
    %broadcast_in_dim3A_2177 = vector.broadcast %broadcast_in_dim3A_2176 : i32 to vector<16xi32>
    %gather3A_2178 = tpu.vector_load_idx %arg21[%add3A_17, %broadcast_in_dim3A_2177] : memref<128x17xf32, #tpu.memory_space<vmem>>[vector<16xi32>, vector<16xi32>], vector<16xf32>,
    %add3A_2179 = arith.addf %add3A_2175, %gather3A_2178 : vector<16xf32>
    %broadcast_in_dim3A_2180 = arith.constant 4 : i32
    %broadcast_in_dim3A_2181 = vector.broadcast %broadcast_in_dim3A_2180 : i32 to vector<16xi32>
    %gather3A_2182 = tpu.vector_load_idx %arg21[%add3A_17, %broadcast_in_dim3A_2181] : memref<128x17xf32, #tpu.memory_space<vmem>>[vector<16xi32>, vector<16xi32>], vector<16xf32>,
    %add3A_2183 = arith.addf %add3A_2179, %gather3A_2182 : vector<16xf32>
    %broadcast_in_dim3A_2184 = arith.constant 5 : i32
    %broadcast_in_dim3A_2185 = vector.broadcast %broadcast_in_dim3A_2184 : i32 to vector<16xi32>
    %gather3A_2186 = tpu.vector_load_idx %arg21[%add3A_17, %broadcast_in_dim3A_2185] : memref<128x17xf32, #tpu.memory_space<vmem>>[vector<16xi32>, vector<16xi32>], vector<16xf32>,
    %add3A_2187 = arith.addf %add3A_2183, %gather3A_2186 : vector<16xf32>
    %broadcast_in_dim3A_2188 = arith.constant 6 : i32
    %broadcast_in_dim3A_2189 = vector.broadcast %broadcast_in_dim3A_2188 : i32 to vector<16xi32>
    %gather3A_2190 = tpu.vector_load_idx %arg21[%add3A_17, %broadcast_in_dim3A_2189] : memref<128x17xf32, #tpu.memory_space<vmem>>[vector<16xi32>, vector<16xi32>], vector<16xf32>,
    %add3A_2191 = arith.addf %add3A_2187, %gather3A_2190 : vector<16xf32>
    %broadcast_in_dim3A_2192 = arith.constant 7 : i32
    %broadcast_in_dim3A_2193 = vector.broadcast %broadcast_in_dim3A_2192 : i32 to vector<16xi32>
    %gather3A_2194 = tpu.vector_load_idx %arg21[%add3A_17, %broadcast_in_dim3A_2193] : memref<128x17xf32, #tpu.memory_space<vmem>>[vector<16xi32>, vector<16xi32>], vector<16xf32>,
    %add3A_2195 = arith.addf %add3A_2191, %gather3A_2194 : vector<16xf32>
    %broadcast_in_dim3A_2196 = arith.constant 8 : i32
    %broadcast_in_dim3A_2197 = vector.broadcast %broadcast_in_dim3A_2196 : i32 to vector<16xi32>
    %gather3A_2198 = tpu.vector_load_idx %arg21[%add3A_17, %broadcast_in_dim3A_2197] : memref<128x17xf32, #tpu.memory_space<vmem>>[vector<16xi32>, vector<16xi32>], vector<16xf32>,
    %add3A_2199 = arith.addf %add3A_2195, %gather3A_2198 : vector<16xf32>
    %broadcast_in_dim3A_2200 = arith.constant 9 : i32
    %broadcast_in_dim3A_2201 = vector.broadcast %broadcast_in_dim3A_2200 : i32 to vector<16xi32>
    %gather3A_2202 = tpu.vector_load_idx %arg21[%add3A_17, %broadcast_in_dim3A_2201] : memref<128x17xf32, #tpu.memory_space<vmem>>[vector<16xi32>, vector<16xi32>], vector<16xf32>,
    %add3A_2203 = arith.addf %add3A_2199, %gather3A_2202 : vector<16xf32>
    %broadcast_in_dim3A_2204 = arith.constant 10 : i32
    %broadcast_in_dim3A_2205 = vector.broadcast %broadcast_in_dim3A_2204 : i32 to vector<16xi32>
    %gather3A_2206 = tpu.vector_load_idx %arg21[%add3A_17, %broadcast_in_dim3A_2205] : memref<128x17xf32, #tpu.memory_space<vmem>>[vector<16xi32>, vector<16xi32>], vector<16xf32>,
    %add3A_2207 = arith.addf %add3A_2203, %gather3A_2206 : vector<16xf32>
    %broadcast_in_dim3A_2208 = arith.constant 11 : i32
    %broadcast_in_dim3A_2209 = vector.broadcast %broadcast_in_dim3A_2208 : i32 to vector<16xi32>
    %gather3A_2210 = tpu.vector_load_idx %arg21[%add3A_17, %broadcast_in_dim3A_2209] : memref<128x17xf32, #tpu.memory_space<vmem>>[vector<16xi32>, vector<16xi32>], vector<16xf32>,
    %add3A_2211 = arith.addf %add3A_2207, %gather3A_2210 : vector<16xf32>
    %broadcast_in_dim3A_2212 = arith.constant 12 : i32
    %broadcast_in_dim3A_2213 = vector.broadcast %broadcast_in_dim3A_2212 : i32 to vector<16xi32>
    %gather3A_2214 = tpu.vector_load_idx %arg21[%add3A_17, %broadcast_in_dim3A_2213] : memref<128x17xf32, #tpu.memory_space<vmem>>[vector<16xi32>, vector<16xi32>], vector<16xf32>,
    %add3A_2215 = arith.addf %add3A_2211, %gather3A_2214 : vector<16xf32>
    %broadcast_in_dim3A_2216 = arith.constant 13 : i32
    %broadcast_in_dim3A_2217 = vector.broadcast %broadcast_in_dim3A_2216 : i32 to vector<16xi32>
    %gather3A_2218 = tpu.vector_load_idx %arg21[%add3A_17, %broadcast_in_dim3A_2217] : memref<128x17xf32, #tpu.memory_space<vmem>>[vector<16xi32>, vector<16xi32>], vector<16xf32>,
    %add3A_2219 = arith.addf %add3A_2215, %gather3A_2218 : vector<16xf32>
    %broadcast_in_dim3A_2220 = arith.constant 14 : i32
    %broadcast_in_dim3A_2221 = vector.broadcast %broadcast_in_dim3A_2220 : i32 to vector<16xi32>
    %gather3A_2222 = tpu.vector_load_idx %arg21[%add3A_17, %broadcast_in_dim3A_2221] : memref<128x17xf32, #tpu.memory_space<vmem>>[vector<16xi32>, vector<16xi32>], vector<16xf32>,
    %add3A_2223 = arith.addf %add3A_2219, %gather3A_2222 : vector<16xf32>
    %broadcast_in_dim3A_2224 = arith.constant 15 : i32
    %broadcast_in_dim3A_2225 = vector.broadcast %broadcast_in_dim3A_2224 : i32 to vector<16xi32>
    %gather3A_2226 = tpu.vector_load_idx %arg21[%add3A_17, %broadcast_in_dim3A_2225] : memref<128x17xf32, #tpu.memory_space<vmem>>[vector<16xi32>, vector<16xi32>], vector<16xf32>,
    %add3A_2227 = arith.addf %add3A_2223, %gather3A_2226 : vector<16xf32>
    %swap3A_2228 = arith.constant 448 : index
    %swap3A_2229 = tpu.vector_load %arg20[%swap3A_2228] {strides = array<i32>} : memref<512xf32, #tpu.memory_space<vmem>>, vector<16xf32>,
    tpu.vector_store %arg20[%swap3A_2228], %add3A_2227 {strides = array<i32>} : memref<512xf32, #tpu.memory_space<vmem>>, vector<16xf32>,
    %get3A_2230 = arith.constant 464 : index
    %get3A_2231 = tpu.vector_load %arg12[%get3A_2230] {strides = array<i32>} : memref<512xf32, #tpu.memory_space<vmem>>, vector<16xf32>,
    %get3A_2232 = arith.constant 464 : index
    %get3A_2233 = tpu.vector_load %arg13[%get3A_2232] {strides = array<i32>} : memref<512xf32, #tpu.memory_space<vmem>>, vector<16xf32>,
    %sub3A_2234 = arith.subf %get3A_2231, %get3A_2233 : vector<16xf32>
    %broadcast_in_dim3A_2235 = arith.constant 0 : i32
    %broadcast_in_dim3A_2236 = vector.broadcast %broadcast_in_dim3A_2235 : i32 to vector<16xi32>
    %gather3A_2237 = tpu.vector_load_idx %arg21[%add3A_20, %broadcast_in_dim3A_2236] : memref<128x17xf32, #tpu.memory_space<vmem>>[vector<16xi32>, vector<16xi32>], vector<16xf32>,
    %add3A_2238 = arith.addf %sub3A_2234, %gather3A_2237 : vector<16xf32>
    %broadcast_in_dim3A_2239 = arith.constant 1 : i32
    %broadcast_in_dim3A_2240 = vector.broadcast %broadcast_in_dim3A_2239 : i32 to vector<16xi32>
    %gather3A_2241 = tpu.vector_load_idx %arg21[%add3A_20, %broadcast_in_dim3A_2240] : memref<128x17xf32, #tpu.memory_space<vmem>>[vector<16xi32>, vector<16xi32>], vector<16xf32>,
    %add3A_2242 = arith.addf %add3A_2238, %gather3A_2241 : vector<16xf32>
    %broadcast_in_dim3A_2243 = arith.constant 2 : i32
    %broadcast_in_dim3A_2244 = vector.broadcast %broadcast_in_dim3A_2243 : i32 to vector<16xi32>
    %gather3A_2245 = tpu.vector_load_idx %arg21[%add3A_20, %broadcast_in_dim3A_2244] : memref<128x17xf32, #tpu.memory_space<vmem>>[vector<16xi32>, vector<16xi32>], vector<16xf32>,
    %add3A_2246 = arith.addf %add3A_2242, %gather3A_2245 : vector<16xf32>
    %broadcast_in_dim3A_2247 = arith.constant 3 : i32
    %broadcast_in_dim3A_2248 = vector.broadcast %broadcast_in_dim3A_2247 : i32 to vector<16xi32>
    %gather3A_2249 = tpu.vector_load_idx %arg21[%add3A_20, %broadcast_in_dim3A_2248] : memref<128x17xf32, #tpu.memory_space<vmem>>[vector<16xi32>, vector<16xi32>], vector<16xf32>,
    %add3A_2250 = arith.addf %add3A_2246, %gather3A_2249 : vector<16xf32>
    %broadcast_in_dim3A_2251 = arith.constant 4 : i32
    %broadcast_in_dim3A_2252 = vector.broadcast %broadcast_in_dim3A_2251 : i32 to vector<16xi32>
    %gather3A_2253 = tpu.vector_load_idx %arg21[%add3A_20, %broadcast_in_dim3A_2252] : memref<128x17xf32, #tpu.memory_space<vmem>>[vector<16xi32>, vector<16xi32>], vector<16xf32>,
    %add3A_2254 = arith.addf %add3A_2250, %gather3A_2253 : vector<16xf32>
    %broadcast_in_dim3A_2255 = arith.constant 5 : i32
    %broadcast_in_dim3A_2256 = vector.broadcast %broadcast_in_dim3A_2255 : i32 to vector<16xi32>
    %gather3A_2257 = tpu.vector_load_idx %arg21[%add3A_20, %broadcast_in_dim3A_2256] : memref<128x17xf32, #tpu.memory_space<vmem>>[vector<16xi32>, vector<16xi32>], vector<16xf32>,
    %add3A_2258 = arith.addf %add3A_2254, %gather3A_2257 : vector<16xf32>
    %broadcast_in_dim3A_2259 = arith.constant 6 : i32
    %broadcast_in_dim3A_2260 = vector.broadcast %broadcast_in_dim3A_2259 : i32 to vector<16xi32>
    %gather3A_2261 = tpu.vector_load_idx %arg21[%add3A_20, %broadcast_in_dim3A_2260] : memref<128x17xf32, #tpu.memory_space<vmem>>[vector<16xi32>, vector<16xi32>], vector<16xf32>,
    %add3A_2262 = arith.addf %add3A_2258, %gather3A_2261 : vector<16xf32>
    %broadcast_in_dim3A_2263 = arith.constant 7 : i32
    %broadcast_in_dim3A_2264 = vector.broadcast %broadcast_in_dim3A_2263 : i32 to vector<16xi32>
    %gather3A_2265 = tpu.vector_load_idx %arg21[%add3A_20, %broadcast_in_dim3A_2264] : memref<128x17xf32, #tpu.memory_space<vmem>>[vector<16xi32>, vector<16xi32>], vector<16xf32>,
    %add3A_2266 = arith.addf %add3A_2262, %gather3A_2265 : vector<16xf32>
    %broadcast_in_dim3A_2267 = arith.constant 8 : i32
    %broadcast_in_dim3A_2268 = vector.broadcast %broadcast_in_dim3A_2267 : i32 to vector<16xi32>
    %gather3A_2269 = tpu.vector_load_idx %arg21[%add3A_20, %broadcast_in_dim3A_2268] : memref<128x17xf32, #tpu.memory_space<vmem>>[vector<16xi32>, vector<16xi32>], vector<16xf32>,
    %add3A_2270 = arith.addf %add3A_2266, %gather3A_2269 : vector<16xf32>
    %broadcast_in_dim3A_2271 = arith.constant 9 : i32
    %broadcast_in_dim3A_2272 = vector.broadcast %broadcast_in_dim3A_2271 : i32 to vector<16xi32>
    %gather3A_2273 = tpu.vector_load_idx %arg21[%add3A_20, %broadcast_in_dim3A_2272] : memref<128x17xf32, #tpu.memory_space<vmem>>[vector<16xi32>, vector<16xi32>], vector<16xf32>,
    %add3A_2274 = arith.addf %add3A_2270, %gather3A_2273 : vector<16xf32>
    %broadcast_in_dim3A_2275 = arith.constant 10 : i32
    %broadcast_in_dim3A_2276 = vector.broadcast %broadcast_in_dim3A_2275 : i32 to vector<16xi32>
    %gather3A_2277 = tpu.vector_load_idx %arg21[%add3A_20, %broadcast_in_dim3A_2276] : memref<128x17xf32, #tpu.memory_space<vmem>>[vector<16xi32>, vector<16xi32>], vector<16xf32>,
    %add3A_2278 = arith.addf %add3A_2274, %gather3A_2277 : vector<16xf32>
    %broadcast_in_dim3A_2279 = arith.constant 11 : i32
    %broadcast_in_dim3A_2280 = vector.broadcast %broadcast_in_dim3A_2279 : i32 to vector<16xi32>
    %gather3A_2281 = tpu.vector_load_idx %arg21[%add3A_20, %broadcast_in_dim3A_2280] : memref<128x17xf32, #tpu.memory_space<vmem>>[vector<16xi32>, vector<16xi32>], vector<16xf32>,
    %add3A_2282 = arith.addf %add3A_2278, %gather3A_2281 : vector<16xf32>
    %broadcast_in_dim3A_2283 = arith.constant 12 : i32
    %broadcast_in_dim3A_2284 = vector.broadcast %broadcast_in_dim3A_2283 : i32 to vector<16xi32>
    %gather3A_2285 = tpu.vector_load_idx %arg21[%add3A_20, %broadcast_in_dim3A_2284] : memref<128x17xf32, #tpu.memory_space<vmem>>[vector<16xi32>, vector<16xi32>], vector<16xf32>,
    %add3A_2286 = arith.addf %add3A_2282, %gather3A_2285 : vector<16xf32>
    %broadcast_in_dim3A_2287 = arith.constant 13 : i32
    %broadcast_in_dim3A_2288 = vector.broadcast %broadcast_in_dim3A_2287 : i32 to vector<16xi32>
    %gather3A_2289 = tpu.vector_load_idx %arg21[%add3A_20, %broadcast_in_dim3A_2288] : memref<128x17xf32, #tpu.memory_space<vmem>>[vector<16xi32>, vector<16xi32>], vector<16xf32>,
    %add3A_2290 = arith.addf %add3A_2286, %gather3A_2289 : vector<16xf32>
    %broadcast_in_dim3A_2291 = arith.constant 14 : i32
    %broadcast_in_dim3A_2292 = vector.broadcast %broadcast_in_dim3A_2291 : i32 to vector<16xi32>
    %gather3A_2293 = tpu.vector_load_idx %arg21[%add3A_20, %broadcast_in_dim3A_2292] : memref<128x17xf32, #tpu.memory_space<vmem>>[vector<16xi32>, vector<16xi32>], vector<16xf32>,
    %add3A_2294 = arith.addf %add3A_2290, %gather3A_2293 : vector<16xf32>
    %broadcast_in_dim3A_2295 = arith.constant 15 : i32
    %broadcast_in_dim3A_2296 = vector.broadcast %broadcast_in_dim3A_2295 : i32 to vector<16xi32>
    %gather3A_2297 = tpu.vector_load_idx %arg21[%add3A_20, %broadcast_in_dim3A_2296] : memref<128x17xf32, #tpu.memory_space<vmem>>[vector<16xi32>, vector<16xi32>], vector<16xf32>,
    %add3A_2298 = arith.addf %add3A_2294, %gather3A_2297 : vector<16xf32>
    %swap3A_2299 = arith.constant 464 : index
    %swap3A_2300 = tpu.vector_load %arg20[%swap3A_2299] {strides = array<i32>} : memref<512xf32, #tpu.memory_space<vmem>>, vector<16xf32>,
    tpu.vector_store %arg20[%swap3A_2299], %add3A_2298 {strides = array<i32>} : memref<512xf32, #tpu.memory_space<vmem>>, vector<16xf32>,
    %get3A_2301 = arith.constant 480 : index
    %get3A_2302 = tpu.vector_load %arg12[%get3A_2301] {strides = array<i32>} : memref<512xf32, #tpu.memory_space<vmem>>, vector<16xf32>,
    %get3A_2303 = arith.constant 480 : index
    %get3A_2304 = tpu.vector_load %arg13[%get3A_2303] {strides = array<i32>} : memref<512xf32, #tpu.memory_space<vmem>>, vector<16xf32>,
    %sub3A_2305 = arith.subf %get3A_2302, %get3A_2304 : vector<16xf32>
    %broadcast_in_dim3A_2306 = arith.constant 0 : i32
    %broadcast_in_dim3A_2307 = vector.broadcast %broadcast_in_dim3A_2306 : i32 to vector<16xi32>
    %gather3A_2308 = tpu.vector_load_idx %arg21[%add3A_23, %broadcast_in_dim3A_2307] : memref<128x17xf32, #tpu.memory_space<vmem>>[vector<16xi32>, vector<16xi32>], vector<16xf32>,
    %add3A_2309 = arith.addf %sub3A_2305, %gather3A_2308 : vector<16xf32>
    %broadcast_in_dim3A_2310 = arith.constant 1 : i32
    %broadcast_in_dim3A_2311 = vector.broadcast %broadcast_in_dim3A_2310 : i32 to vector<16xi32>
    %gather3A_2312 = tpu.vector_load_idx %arg21[%add3A_23, %broadcast_in_dim3A_2311] : memref<128x17xf32, #tpu.memory_space<vmem>>[vector<16xi32>, vector<16xi32>], vector<16xf32>,
    %add3A_2313 = arith.addf %add3A_2309, %gather3A_2312 : vector<16xf32>
    %broadcast_in_dim3A_2314 = arith.constant 2 : i32
    %broadcast_in_dim3A_2315 = vector.broadcast %broadcast_in_dim3A_2314 : i32 to vector<16xi32>
    %gather3A_2316 = tpu.vector_load_idx %arg21[%add3A_23, %broadcast_in_dim3A_2315] : memref<128x17xf32, #tpu.memory_space<vmem>>[vector<16xi32>, vector<16xi32>], vector<16xf32>,
    %add3A_2317 = arith.addf %add3A_2313, %gather3A_2316 : vector<16xf32>
    %broadcast_in_dim3A_2318 = arith.constant 3 : i32
    %broadcast_in_dim3A_2319 = vector.broadcast %broadcast_in_dim3A_2318 : i32 to vector<16xi32>
    %gather3A_2320 = tpu.vector_load_idx %arg21[%add3A_23, %broadcast_in_dim3A_2319] : memref<128x17xf32, #tpu.memory_space<vmem>>[vector<16xi32>, vector<16xi32>], vector<16xf32>,
    %add3A_2321 = arith.addf %add3A_2317, %gather3A_2320 : vector<16xf32>
    %broadcast_in_dim3A_2322 = arith.constant 4 : i32
    %broadcast_in_dim3A_2323 = vector.broadcast %broadcast_in_dim3A_2322 : i32 to vector<16xi32>
    %gather3A_2324 = tpu.vector_load_idx %arg21[%add3A_23, %broadcast_in_dim3A_2323] : memref<128x17xf32, #tpu.memory_space<vmem>>[vector<16xi32>, vector<16xi32>], vector<16xf32>,
    %add3A_2325 = arith.addf %add3A_2321, %gather3A_2324 : vector<16xf32>
    %broadcast_in_dim3A_2326 = arith.constant 5 : i32
    %broadcast_in_dim3A_2327 = vector.broadcast %broadcast_in_dim3A_2326 : i32 to vector<16xi32>
    %gather3A_2328 = tpu.vector_load_idx %arg21[%add3A_23, %broadcast_in_dim3A_2327] : memref<128x17xf32, #tpu.memory_space<vmem>>[vector<16xi32>, vector<16xi32>], vector<16xf32>,
    %add3A_2329 = arith.addf %add3A_2325, %gather3A_2328 : vector<16xf32>
    %broadcast_in_dim3A_2330 = arith.constant 6 : i32
    %broadcast_in_dim3A_2331 = vector.broadcast %broadcast_in_dim3A_2330 : i32 to vector<16xi32>
    %gather3A_2332 = tpu.vector_load_idx %arg21[%add3A_23, %broadcast_in_dim3A_2331] : memref<128x17xf32, #tpu.memory_space<vmem>>[vector<16xi32>, vector<16xi32>], vector<16xf32>,
    %add3A_2333 = arith.addf %add3A_2329, %gather3A_2332 : vector<16xf32>
    %broadcast_in_dim3A_2334 = arith.constant 7 : i32
    %broadcast_in_dim3A_2335 = vector.broadcast %broadcast_in_dim3A_2334 : i32 to vector<16xi32>
    %gather3A_2336 = tpu.vector_load_idx %arg21[%add3A_23, %broadcast_in_dim3A_2335] : memref<128x17xf32, #tpu.memory_space<vmem>>[vector<16xi32>, vector<16xi32>], vector<16xf32>,
    %add3A_2337 = arith.addf %add3A_2333, %gather3A_2336 : vector<16xf32>
    %broadcast_in_dim3A_2338 = arith.constant 8 : i32
    %broadcast_in_dim3A_2339 = vector.broadcast %broadcast_in_dim3A_2338 : i32 to vector<16xi32>
    %gather3A_2340 = tpu.vector_load_idx %arg21[%add3A_23, %broadcast_in_dim3A_2339] : memref<128x17xf32, #tpu.memory_space<vmem>>[vector<16xi32>, vector<16xi32>], vector<16xf32>,
    %add3A_2341 = arith.addf %add3A_2337, %gather3A_2340 : vector<16xf32>
    %broadcast_in_dim3A_2342 = arith.constant 9 : i32
    %broadcast_in_dim3A_2343 = vector.broadcast %broadcast_in_dim3A_2342 : i32 to vector<16xi32>
    %gather3A_2344 = tpu.vector_load_idx %arg21[%add3A_23, %broadcast_in_dim3A_2343] : memref<128x17xf32, #tpu.memory_space<vmem>>[vector<16xi32>, vector<16xi32>], vector<16xf32>,
    %add3A_2345 = arith.addf %add3A_2341, %gather3A_2344 : vector<16xf32>
    %broadcast_in_dim3A_2346 = arith.constant 10 : i32
    %broadcast_in_dim3A_2347 = vector.broadcast %broadcast_in_dim3A_2346 : i32 to vector<16xi32>
    %gather3A_2348 = tpu.vector_load_idx %arg21[%add3A_23, %broadcast_in_dim3A_2347] : memref<128x17xf32, #tpu.memory_space<vmem>>[vector<16xi32>, vector<16xi32>], vector<16xf32>,
    %add3A_2349 = arith.addf %add3A_2345, %gather3A_2348 : vector<16xf32>
    %broadcast_in_dim3A_2350 = arith.constant 11 : i32
    %broadcast_in_dim3A_2351 = vector.broadcast %broadcast_in_dim3A_2350 : i32 to vector<16xi32>
    %gather3A_2352 = tpu.vector_load_idx %arg21[%add3A_23, %broadcast_in_dim3A_2351] : memref<128x17xf32, #tpu.memory_space<vmem>>[vector<16xi32>, vector<16xi32>], vector<16xf32>,
    %add3A_2353 = arith.addf %add3A_2349, %gather3A_2352 : vector<16xf32>
    %broadcast_in_dim3A_2354 = arith.constant 12 : i32
    %broadcast_in_dim3A_2355 = vector.broadcast %broadcast_in_dim3A_2354 : i32 to vector<16xi32>
    %gather3A_2356 = tpu.vector_load_idx %arg21[%add3A_23, %broadcast_in_dim3A_2355] : memref<128x17xf32, #tpu.memory_space<vmem>>[vector<16xi32>, vector<16xi32>], vector<16xf32>,
    %add3A_2357 = arith.addf %add3A_2353, %gather3A_2356 : vector<16xf32>
    %broadcast_in_dim3A_2358 = arith.constant 13 : i32
    %broadcast_in_dim3A_2359 = vector.broadcast %broadcast_in_dim3A_2358 : i32 to vector<16xi32>
    %gather3A_2360 = tpu.vector_load_idx %arg21[%add3A_23, %broadcast_in_dim3A_2359] : memref<128x17xf32, #tpu.memory_space<vmem>>[vector<16xi32>, vector<16xi32>], vector<16xf32>,
    %add3A_2361 = arith.addf %add3A_2357, %gather3A_2360 : vector<16xf32>
    %broadcast_in_dim3A_2362 = arith.constant 14 : i32
    %broadcast_in_dim3A_2363 = vector.broadcast %broadcast_in_dim3A_2362 : i32 to vector<16xi32>
    %gather3A_2364 = tpu.vector_load_idx %arg21[%add3A_23, %broadcast_in_dim3A_2363] : memref<128x17xf32, #tpu.memory_space<vmem>>[vector<16xi32>, vector<16xi32>], vector<16xf32>,
    %add3A_2365 = arith.addf %add3A_2361, %gather3A_2364 : vector<16xf32>
    %broadcast_in_dim3A_2366 = arith.constant 15 : i32
    %broadcast_in_dim3A_2367 = vector.broadcast %broadcast_in_dim3A_2366 : i32 to vector<16xi32>
    %gather3A_2368 = tpu.vector_load_idx %arg21[%add3A_23, %broadcast_in_dim3A_2367] : memref<128x17xf32, #tpu.memory_space<vmem>>[vector<16xi32>, vector<16xi32>], vector<16xf32>,
    %add3A_2369 = arith.addf %add3A_2365, %gather3A_2368 : vector<16xf32>
    %swap3A_2370 = arith.constant 480 : index
    %swap3A_2371 = tpu.vector_load %arg20[%swap3A_2370] {strides = array<i32>} : memref<512xf32, #tpu.memory_space<vmem>>, vector<16xf32>,
    tpu.vector_store %arg20[%swap3A_2370], %add3A_2369 {strides = array<i32>} : memref<512xf32, #tpu.memory_space<vmem>>, vector<16xf32>,
    %get3A_2372 = arith.constant 496 : index
    %get3A_2373 = tpu.vector_load %arg12[%get3A_2372] {strides = array<i32>} : memref<512xf32, #tpu.memory_space<vmem>>, vector<16xf32>,
    %get3A_2374 = arith.constant 496 : index
    %get3A_2375 = tpu.vector_load %arg13[%get3A_2374] {strides = array<i32>} : memref<512xf32, #tpu.memory_space<vmem>>, vector<16xf32>,
    %sub3A_2376 = arith.subf %get3A_2373, %get3A_2375 : vector<16xf32>
    %broadcast_in_dim3A_2377 = arith.constant 0 : i32
    %broadcast_in_dim3A_2378 = vector.broadcast %broadcast_in_dim3A_2377 : i32 to vector<16xi32>
    %gather3A_2379 = tpu.vector_load_idx %arg21[%add3A_26, %broadcast_in_dim3A_2378] : memref<128x17xf32, #tpu.memory_space<vmem>>[vector<16xi32>, vector<16xi32>], vector<16xf32>,
    %add3A_2380 = arith.addf %sub3A_2376, %gather3A_2379 : vector<16xf32>
    %broadcast_in_dim3A_2381 = arith.constant 1 : i32
    %broadcast_in_dim3A_2382 = vector.broadcast %broadcast_in_dim3A_2381 : i32 to vector<16xi32>
    %gather3A_2383 = tpu.vector_load_idx %arg21[%add3A_26, %broadcast_in_dim3A_2382] : memref<128x17xf32, #tpu.memory_space<vmem>>[vector<16xi32>, vector<16xi32>], vector<16xf32>,
    %add3A_2384 = arith.addf %add3A_2380, %gather3A_2383 : vector<16xf32>
    %broadcast_in_dim3A_2385 = arith.constant 2 : i32
    %broadcast_in_dim3A_2386 = vector.broadcast %broadcast_in_dim3A_2385 : i32 to vector<16xi32>
    %gather3A_2387 = tpu.vector_load_idx %arg21[%add3A_26, %broadcast_in_dim3A_2386] : memref<128x17xf32, #tpu.memory_space<vmem>>[vector<16xi32>, vector<16xi32>], vector<16xf32>,
    %add3A_2388 = arith.addf %add3A_2384, %gather3A_2387 : vector<16xf32>
    %broadcast_in_dim3A_2389 = arith.constant 3 : i32
    %broadcast_in_dim3A_2390 = vector.broadcast %broadcast_in_dim3A_2389 : i32 to vector<16xi32>
    %gather3A_2391 = tpu.vector_load_idx %arg21[%add3A_26, %broadcast_in_dim3A_2390] : memref<128x17xf32, #tpu.memory_space<vmem>>[vector<16xi32>, vector<16xi32>], vector<16xf32>,
    %add3A_2392 = arith.addf %add3A_2388, %gather3A_2391 : vector<16xf32>
    %broadcast_in_dim3A_2393 = arith.constant 4 : i32
    %broadcast_in_dim3A_2394 = vector.broadcast %broadcast_in_dim3A_2393 : i32 to vector<16xi32>
    %gather3A_2395 = tpu.vector_load_idx %arg21[%add3A_26, %broadcast_in_dim3A_2394] : memref<128x17xf32, #tpu.memory_space<vmem>>[vector<16xi32>, vector<16xi32>], vector<16xf32>,
    %add3A_2396 = arith.addf %add3A_2392, %gather3A_2395 : vector<16xf32>
    %broadcast_in_dim3A_2397 = arith.constant 5 : i32
    %broadcast_in_dim3A_2398 = vector.broadcast %broadcast_in_dim3A_2397 : i32 to vector<16xi32>
    %gather3A_2399 = tpu.vector_load_idx %arg21[%add3A_26, %broadcast_in_dim3A_2398] : memref<128x17xf32, #tpu.memory_space<vmem>>[vector<16xi32>, vector<16xi32>], vector<16xf32>,
    %add3A_2400 = arith.addf %add3A_2396, %gather3A_2399 : vector<16xf32>
    %broadcast_in_dim3A_2401 = arith.constant 6 : i32
    %broadcast_in_dim3A_2402 = vector.broadcast %broadcast_in_dim3A_2401 : i32 to vector<16xi32>
    %gather3A_2403 = tpu.vector_load_idx %arg21[%add3A_26, %broadcast_in_dim3A_2402] : memref<128x17xf32, #tpu.memory_space<vmem>>[vector<16xi32>, vector<16xi32>], vector<16xf32>,
    %add3A_2404 = arith.addf %add3A_2400, %gather3A_2403 : vector<16xf32>
    %broadcast_in_dim3A_2405 = arith.constant 7 : i32
    %broadcast_in_dim3A_2406 = vector.broadcast %broadcast_in_dim3A_2405 : i32 to vector<16xi32>
    %gather3A_2407 = tpu.vector_load_idx %arg21[%add3A_26, %broadcast_in_dim3A_2406] : memref<128x17xf32, #tpu.memory_space<vmem>>[vector<16xi32>, vector<16xi32>], vector<16xf32>,
    %add3A_2408 = arith.addf %add3A_2404, %gather3A_2407 : vector<16xf32>
    %broadcast_in_dim3A_2409 = arith.constant 8 : i32
    %broadcast_in_dim3A_2410 = vector.broadcast %broadcast_in_dim3A_2409 : i32 to vector<16xi32>
    %gather3A_2411 = tpu.vector_load_idx %arg21[%add3A_26, %broadcast_in_dim3A_2410] : memref<128x17xf32, #tpu.memory_space<vmem>>[vector<16xi32>, vector<16xi32>], vector<16xf32>,
    %add3A_2412 = arith.addf %add3A_2408, %gather3A_2411 : vector<16xf32>
    %broadcast_in_dim3A_2413 = arith.constant 9 : i32
    %broadcast_in_dim3A_2414 = vector.broadcast %broadcast_in_dim3A_2413 : i32 to vector<16xi32>
    %gather3A_2415 = tpu.vector_load_idx %arg21[%add3A_26, %broadcast_in_dim3A_2414] : memref<128x17xf32, #tpu.memory_space<vmem>>[vector<16xi32>, vector<16xi32>], vector<16xf32>,
    %add3A_2416 = arith.addf %add3A_2412, %gather3A_2415 : vector<16xf32>
    %broadcast_in_dim3A_2417 = arith.constant 10 : i32
    %broadcast_in_dim3A_2418 = vector.broadcast %broadcast_in_dim3A_2417 : i32 to vector<16xi32>
    %gather3A_2419 = tpu.vector_load_idx %arg21[%add3A_26, %broadcast_in_dim3A_2418] : memref<128x17xf32, #tpu.memory_space<vmem>>[vector<16xi32>, vector<16xi32>], vector<16xf32>,
    %add3A_2420 = arith.addf %add3A_2416, %gather3A_2419 : vector<16xf32>
    %broadcast_in_dim3A_2421 = arith.constant 11 : i32
    %broadcast_in_dim3A_2422 = vector.broadcast %broadcast_in_dim3A_2421 : i32 to vector<16xi32>
    %gather3A_2423 = tpu.vector_load_idx %arg21[%add3A_26, %broadcast_in_dim3A_2422] : memref<128x17xf32, #tpu.memory_space<vmem>>[vector<16xi32>, vector<16xi32>], vector<16xf32>,
    %add3A_2424 = arith.addf %add3A_2420, %gather3A_2423 : vector<16xf32>
    %broadcast_in_dim3A_2425 = arith.constant 12 : i32
    %broadcast_in_dim3A_2426 = vector.broadcast %broadcast_in_dim3A_2425 : i32 to vector<16xi32>
    %gather3A_2427 = tpu.vector_load_idx %arg21[%add3A_26, %broadcast_in_dim3A_2426] : memref<128x17xf32, #tpu.memory_space<vmem>>[vector<16xi32>, vector<16xi32>], vector<16xf32>,
    %add3A_2428 = arith.addf %add3A_2424, %gather3A_2427 : vector<16xf32>
    %broadcast_in_dim3A_2429 = arith.constant 13 : i32
    %broadcast_in_dim3A_2430 = vector.broadcast %broadcast_in_dim3A_2429 : i32 to vector<16xi32>
    %gather3A_2431 = tpu.vector_load_idx %arg21[%add3A_26, %broadcast_in_dim3A_2430] : memref<128x17xf32, #tpu.memory_space<vmem>>[vector<16xi32>, vector<16xi32>], vector<16xf32>,
    %add3A_2432 = arith.addf %add3A_2428, %gather3A_2431 : vector<16xf32>
    %broadcast_in_dim3A_2433 = arith.constant 14 : i32
    %broadcast_in_dim3A_2434 = vector.broadcast %broadcast_in_dim3A_2433 : i32 to vector<16xi32>
    %gather3A_2435 = tpu.vector_load_idx %arg21[%add3A_26, %broadcast_in_dim3A_2434] : memref<128x17xf32, #tpu.memory_space<vmem>>[vector<16xi32>, vector<16xi32>], vector<16xf32>,
    %add3A_2436 = arith.addf %add3A_2432, %gather3A_2435 : vector<16xf32>
    %broadcast_in_dim3A_2437 = arith.constant 15 : i32
    %broadcast_in_dim3A_2438 = vector.broadcast %broadcast_in_dim3A_2437 : i32 to vector<16xi32>
    %gather3A_2439 = tpu.vector_load_idx %arg21[%add3A_26, %broadcast_in_dim3A_2438] : memref<128x17xf32, #tpu.memory_space<vmem>>[vector<16xi32>, vector<16xi32>], vector<16xf32>,
    %add3A_2440 = arith.addf %add3A_2436, %gather3A_2439 : vector<16xf32>
    %swap3A_2441 = arith.constant 496 : index
    %swap3A_2442 = tpu.vector_load %arg20[%swap3A_2441] {strides = array<i32>} : memref<512xf32, #tpu.memory_space<vmem>>, vector<16xf32>,
    tpu.vector_store %arg20[%swap3A_2441], %add3A_2440 {strides = array<i32>} : memref<512xf32, #tpu.memory_space<vmem>>, vector<16xf32>,
    "tpu.region"() ({
      %run_scoped3A = tpu.sem_alloc : memref<!tpu.dma_semaphore, #tpu.memory_space<semaphore_mem>>
      %dma_start3A_2443 = tpu.memref_slice %arg8[%mul3A_2] : memref<16384xf32, #tpu.memory_space<hbm>> -> memref<512xf32, #tpu.memory_space<hbm>>
      %dma_start3A_2444 = tpu.memref_slice %arg8[%mul3A_2] : memref<16384xf32, #tpu.memory_space<hbm>> -> memref<512xf32, #tpu.memory_space<hbm>>
      tpu.enqueue_dma source(%arg20 : memref<512xf32, #tpu.memory_space<vmem>>) target(%dma_start3A_2444 : memref<512xf32, #tpu.memory_space<hbm>>) target_semaphore(%run_scoped3A : memref<!tpu.dma_semaphore, #tpu.memory_space<semaphore_mem>>)
      %dma_wait3A_2445 = tpu.memref_slice %arg8[%mul3A_2] : memref<16384xf32, #tpu.memory_space<hbm>> -> memref<512xf32, #tpu.memory_space<hbm>>
      %dma_wait3A_2446 = tpu.memref_slice %arg8[%mul3A_2] : memref<16384xf32, #tpu.memory_space<hbm>> -> memref<512xf32, #tpu.memory_space<hbm>>
      tpu.wait_dma2 semaphore(%run_scoped3A : memref<!tpu.dma_semaphore, #tpu.memory_space<semaphore_mem>>) src(%arg20 : memref<512xf32, #tpu.memory_space<vmem>>) dst(%dma_wait3A_2446 : memref<512xf32, #tpu.memory_space<hbm>>)
      tpu.yield
    }) : () -> ()
    return
  }
}

</mosaic_0001>

<sc_bundles>
// kernel: _run.3.cloned.1.call-start
scs
__scs_entry_jumppad:
0x0: {  	(pc) =	sbr.rel $0x88, $3  }
0x1: {  	(tag) =	ssettag $0x0;
	lr =	simm.s32 $0x1  }
0x2: {  	[smem:$0x3F9B] =	sst lr;
	_ =	strace $0xD0000000  }
0x3: {  	_ = 	snop  }
0x4: {  	_ = 	snop  }
0x5: {  	_ = 	snop  }
0x6: {  	_ = 	snop  }
0x7: {  	_ = 	snop  }
__scs_overlays_trampoline_lowered:
0x8: {  	[smem:$0x3FAA] =	sst s0  }
0x9: {  	[smem:$0x3FAB] =	sst s1  }
0xa: {  	[smem:$0x3FAC] =	sst s2  }
0xb: {  	[smem:$0x3FAD] =	sst s3  }
0xc: {  	[smem:$0x3FAE] =	sst s4  }
0xd: {  	[smem:$0x3FAF] =	sst s5  }
0xe: {  	[smem:$0x3FB0] =	sst s6  }
0xf: {  	[smem:$0x3FB1] =	sst s7  }
0x10: {  	[smem:$0x3FB2] =	sst s8  }
0x11: {  	[smem:$0x3FB3] =	sst s9;
	s0 =	simm.s32 @!p0 $0x0  }
0x12: {  	s1 =	sld [smem:$0x3F99];
	s0 =	simm.s32 @p0 $0x1  }
0x13: {  	[smem:$0x3FB4] =	sst s0;
	s0 =	simm.s32 @!p1 $0x0  }
0x14: {  	s2 =	sld [smem:$0x3F98];
	s0 =	simm.s32 @p1 $0x1  }
0x15: {  	[smem:$0x3FB5] =	sst s0;
	s0 =	simm.s32 @!p2 $0x0  }
0x16: {  	s3 =	sld [smem:$0x3FDB];
	s0 =	simm.s32 @p2 $0x1  }
0x17: {  	s4 =	simm.s32 $0x1BF5;
	[smem:$0x3FB7] =	sst s0  }
0x18: {  	s0 =	sld [smem:$0x3F9A];
	_ =	swait.ge [sflag:s4], $0x0  }
0x19: {  	s7 =	sld [smem:$0x3F9B]  }
0x1a: {  	s8 =	sadd.s32 $0xFFFFE003, lr  }
0x1b: {  	s9 =	sadd.s32 $0xFFFFFEF7, lr;
	s5 =	simm.s32 $0xFFFFFFFF;
	p2 =	slt.u32 s8, $0xFFFFF086  }
0x1c: {  	p1 =	slt.u32 s9, $0xF7A;
	s5 =	simm.s32 @!p2 $0x0  }
0x1d: {  	s5 =	simm.s32 @p1 $0x1;
	p0 =	seq.s32 s7, s2  }
0x1e: {  	s7 =	smul.u32 @!p0 $0xF7A, s2;
	p2 =	seq.s32 @!p0 s5, $0x0  }
0x1f: {  	s9 =	smul.u32 $0xF7A, s1;
	s8 =	simm.s32 @!p0 $0x1BF5;
	p2 =	por !p2, p0  }
0x20: {  	[sflag:s8] =	ssyncset.s32 @!p0 $0xFFFFF086;
	s6 =	sadd.s32 @!p0 s3, s7;
	s7 =	simm.s32 @!p0 $0x108  }
0x21: {  	s3 =	sadd.s32 s3, s9;
	s6 =	sadd.s32 @!p0 $0x88, s6;
	s7 =	simm.s32 @p2 $0x1082  }
0x22: {  	[simem:s7], [sflag:s8] =	dma.local @!p0 [hbm:s6], $0xF7A  }
0x23: {  	s9 =	sor.u32 $0xD0000000, s2;
	s6 =	simm.s32 $0x108;
	_ =	swait.ge @!p0 [sflag:s8], $0x0  }
0x24: {  	s3 =	sadd.s32 $0x88, s3;
	s6 =	simm.s32 @!p1 $0x1082;
	[sflag:s4] =	ssyncset.s32 $0xFFFFF086  }
0x25: {  	[simem:s6], [sflag:s4] =	dma.local [hbm:s3], $0xF7A  }
0x26: {  	[smem:$0x3F9B] =	sst s1;
	(tag) =	ssettag s2;
	_ =	strace s9  }
0x27: {  	s1 =	sld [smem:$0x3FAB]  }
0x28: {  	s2 =	sld [smem:$0x3FAC]  }
0x29: {  	s4 =	sld [smem:$0x3FAE]  }
0x2a: {  	p0 =	seq.s32 s5, $0x0;
	s5 =	sld [smem:$0x3FAF]  }
0x2b: {  	s6 =	sld [smem:$0x3FB0]  }
0x2c: {  	s7 =	sld [smem:$0x3FB1]  }
0x2d: {  	s3 =	simm.s32 $0x108;
	s8 =	sld [smem:$0x3FB2]  }
0x2e: {  	s3 =	simm.s32 @!p0 $0x1082;
	s9 =	sld [smem:$0x3FB3]  }
0x2f: {  	lr =	sadd.s32 s0, s3;
	s0 =	sld [smem:$0x3FAA]  }
0x30: {  	s3 =	sld [smem:$0x3FAD]  }
0x31: {  	[smem:$0x3FB6] =	sst s10  }
0x32: {  	s10 =	sld [smem:$0x3FB4];
	_ =	sdelay $0x3  }
0x33: {  	p0 =	seq.s32 s10, $0x1;
	s10 =	sld [smem:$0x3FB6];
	_ =	sdelay $0x3  }
0x34: {  	[smem:$0x3FB6] =	sst s10  }
0x35: {  	s10 =	sld [smem:$0x3FB5];
	_ =	sdelay $0x3  }
0x36: {  	p1 =	seq.s32 s10, $0x1;
	s10 =	sld [smem:$0x3FB6];
	_ =	sdelay $0x3  }
0x37: {  	[smem:$0x3FB6] =	sst s10  }
0x38: {  	s10 =	sld [smem:$0x3FB7]  }
0x39: {  	_ = 	snop;
	(pc) =	sbr.ind lr, $3  }
0x3a: {  	_ = 	snop  }
0x3b: {  	_ = 	snop  }
0x3c: {  	p2 =	seq.s32 s10, $0x1;
	s10 =	sld [smem:$0x3FB6]  }
0x3d: {  	_ =	shalt  }
0x3e: {  	_ =	shalt  }
0x3f: {  	_ =	shalt  }
0x40: {  	_ =	shalt  }
0x41: {  	_ =	shalt  }
0x42: {  	_ =	shalt  }
0x43: {  	_ =	shalt  }
0x44: {  	_ =	shalt  }
0x45: {  	_ =	shalt  }
0x46: {  	_ =	shalt  }
0x47: {  	_ =	shalt  }
0x48: {  	_ =	shalt  }
0x49: {  	_ =	shalt  }
0x4a: {  	_ =	shalt  }
0x4b: {  	_ =	shalt  }
0x4c: {  	_ =	shalt  }
0x4d: {  	_ =	shalt  }
0x4e: {  	_ =	shalt  }
0x4f: {  	_ =	shalt  }
0x50: {  	_ =	shalt  }
0x51: {  	_ =	shalt  }
0x52: {  	_ =	shalt  }
0x53: {  	_ =	shalt  }
0x54: {  	_ =	shalt  }
0x55: {  	_ =	shalt  }
0x56: {  	_ =	shalt  }
0x57: {  	_ =	shalt  }
0x58: {  	_ =	shalt  }
0x59: {  	_ =	shalt  }
0x5a: {  	_ =	shalt  }
0x5b: {  	_ =	shalt  }
0x5c: {  	_ =	shalt  }
0x5d: {  	_ =	shalt  }
0x5e: {  	_ =	shalt  }
0x5f: {  	_ =	shalt  }
0x60: {  	_ =	shalt  }
0x61: {  	_ =	shalt  }
0x62: {  	_ =	shalt  }
0x63: {  	_ =	shalt  }
0x64: {  	_ =	shalt  }
0x65: {  	_ =	shalt  }
0x66: {  	_ =	shalt  }
0x67: {  	_ =	shalt  }
0x68: {  	_ =	shalt  }
0x69: {  	_ =	shalt  }
0x6a: {  	_ =	shalt  }
0x6b: {  	_ =	shalt  }
0x6c: {  	_ =	shalt  }
0x6d: {  	_ =	shalt  }
0x6e: {  	_ =	shalt  }
0x6f: {  	_ =	shalt  }
0x70: {  	_ =	shalt  }
0x71: {  	_ =	shalt  }
0x72: {  	_ =	shalt  }
0x73: {  	_ =	shalt  }
0x74: {  	_ =	shalt  }
0x75: {  	_ =	shalt  }
0x76: {  	_ =	shalt  }
0x77: {  	_ =	shalt  }
0x78: {  	_ =	shalt  }
0x79: {  	_ =	shalt  }
0x7a: {  	_ =	shalt  }
0x7b: {  	_ =	shalt  }
0x7c: {  	_ =	shalt  }
0x7d: {  	_ =	shalt  }
0x7e: {  	_ =	shalt  }
0x7f: {  	_ =	shalt  }
0x80: {  	_ =	shalt  }
0x81: {  	_ =	shalt  }
0x82: {  	_ =	shalt  }
0x83: {  	_ =	shalt  }
0x84: {  	_ =	shalt  }
0x85: {  	_ =	shalt  }
0x86: {  	_ =	shalt  }
0x87: {  	_ =	shalt  }
.Lfunc_end0:
.L_simem_size_0:
called_computation_lowered:
.L_overlay_start_0:
0x88: {  	s2 =	sld [smem:$0x3FD9]  }
0x89: {  	s3 =	sld [smem:$0x3FFE];
	_ =	sdelay $0x1  }
0x8a: {  	s1 =	srdreg.scid  }
0x8b: {  	s0 =	sand.u32 $0x1, s1  }
0x8c: {  	s18 =	sshll.u32 s0, $0xA;
	s2 =	sadd.s32 s3, s2  }
0x8d: {  	s2 =	sadd.s32 s2, s18  }
0x8e: {  	[smem:$0x3FC2] =	sst s2  }
0x8f: {  	_ = 	snop  }
0x90: {  	s2 =	sld [smem:$0x3FC9]  }
0x91: {  	s19 =	sld [smem:$0x3FC8]  }
0x92: {  	s4 =	sld [smem:$0x3FC7]  }
0x93: {  	s5 =	sld [smem:$0x3FC6]  }
0x94: {  	s6 =	sld [smem:$0x3FC5]  }
0x95: {  	s7 =	sld [smem:$0x3FC4]  }
0x96: {  	s8 =	sld [smem:$0x3FD0];
	(tm) =	ssettm $0x1  }
0x97: {  	s9 =	sld [smem:$0x3FFB];
	_ =	sdelay $0x3  }
0x98: {  	_ =	strace s9  }
0x99: {  	s9 =	sld [smem:$0x3FFC];
	_ =	sdelay $0x3  }
0x9a: {  	_ =	strace s9  }
0x9b: {  	s9 =	sld [smem:$0x3FFD];
	_ =	sdelay $0x3  }
0x9c: {  	_ =	strace s9  }
0x9d: {  	_ =	strace $0x8FFFFFFF  }
0x9e: {  	s20 =	sld [smem:$0x3FDB];
	_ =	sdelay $0x1  }
0x9f: {  	s10 =	simm.s32 $_scs_section_size  }
0xa0: {  	s11 =	simm.s32 $_size__tile_overlayer_lowered;
	s12 =	simm.s32 $_tile_overlayer_lowered  }
0xa1: {  	s23 =	simm.s32 $0x1BFF;
	s22 =	sshll.u32 s12, $0x1;
	s9 =	sadd.s32 s10, s20  }
0xa2: {  	s13 =	simm.s32 $0x0;
	s21 =	sshll.u32 s11, $0x1;
	s11 =	sadd.s32 s22, s9  }
0xa3: {  	[timem:s13], [sflag:s23] =	dma.local [hbm:s11], s21  }
0xa4: {  	_ =	swait.ge [sflag:s23], s21  }
0xa5: {  	s10 =	ssub.s32 $0x0, s21;
	[sflag:s23] =	ssyncset.done $0x0  }
0xa6: {  	[sflag:s23] =	ssyncadd.s32 s10;
	_ =	sdelay $0x1  }
0xa7: {  	s24 =	simm.s32 $0x1B8B  }
0xa8: {  	_ =	swait.ge [sflag:s24], $0x1  }
0xa9: {  	[sflag:s24] =	ssyncset.done $0x0  }
0xaa: {  	s25 =	simm.s32 $0x1B8E;
	[sflag:s24] =	ssyncadd.s32 $0xFFFFFFFF  }
0xab: {  	s26 =	simm.s32 $execute0_lowered;
	[smem:$0x3FD2] =	sst s25  }
0xac: {  	s10 =	sshll.u32 s26, $0x1;
	_ =	strace $0x80000046;
	[dreg:$0x1] =	wrdreg $0xFFFFFFFF  }
0xad: {  	s28 =	simm.s32 $_size_execute0_lowered;
	s9 =	sadd.s32 s9, s10;
	[dreg:$0x0] =	wrdreg $0x0  }
0xae: {  	s10 =	sshll.u32 s28, $0x1;
	[dreg:$0x2] =	wrdreg s9  }
0xaf: {  	[dreg:$0x3] =	wrdreg s10  }
0xb0: {  	[dreg:$0x4] =	wrdreg $0xC0  }
0xb1: {  	_ =	task [dreg:s13], $0x5FFFF  }
0xb2: {  	[dreg:$0x1] =	wrdreg $0xFFFFFFFF  }
0xb3: {  	[dreg:$0x0] =	wrdreg $0x60  }
0xb4: {  	[dreg:$0x2] =	wrdreg s2  }
0xb5: {  	[dreg:$0x3] =	wrdreg s19  }
0xb6: {  	[dreg:$0x4] =	wrdreg s4  }
0xb7: {  	[dreg:$0x5] =	wrdreg s5  }
0xb8: {  	[dreg:$0x6] =	wrdreg s6  }
0xb9: {  	[dreg:$0x7] =	wrdreg s7  }
0xba: {  	[dreg:$0x8] =	wrdreg s8  }
0xbb: {  	[dreg:$0x9] =	wrdreg $0x9  }
0xbc: {  	_ =	task.clear_ibuf [dreg:s13], $0xAFFFF;
	_ =	strace $0x90000046  }
0xbd: {  	s29 =	simm.s32 $0x9;
	_ =	strace $0x80000048  }
0xbe: {  	_ =	swait.ge [sflag:s29], $0x1  }
0xbf: {  	[sflag:s29] =	ssyncadd.s32 $0xFFFFFFFF  }
0xc0: {  	_ =	strace $0x90000048  }
0xc1: {  	_ =	sfence  }
0xc2: {  	s30 =	sld [smem:$0x0];
	_ =	sdelay $0x2  }
0xc3: {  	s31 =	sshll.u32 s1, $0xD;
	s1 =	sshrl.u32 s1, $0x2  }
0xc4: {  	s3 =	sand.u32 $0x4000, s31;
	s1 =	sadd.s32 s1, s30  }
0xc5: {  	s0 =	sor.u32 s3, s0;
	s1 =	sshll.u32 s1, $0x11  }
0xc6: {  	s0 =	sor.u32 s1, s0  }
0xc7: {  	s0 =	sadd.s32 $0x8F2B, s0  }
0xc8: {  	[sflag:s0] =	ssyncadd.remote.s32 $0x1  }
0xc9: {  	_ =	sfence.sel $0xFFFF  }
0xca: {  	[dreg:$0x0] =	wrdreg $0xFFFFFFFF;
	(pc) =	sbr.abs _section_cstart, $3  }
0xcb: {  	[dreg:$0x1] =	wrdreg $0xFFFFFFFF  }
0xcc: {  	_ =	task.clear_ibuf [dreg:s13], $0x2FFFF;
	_ =	strace $0x9FFFFFFF  }
0xcd: {  	(tm) =	ssettm $0x7FFFFFFF  }
tec
execute0_lowered:
.L_overlay_start_1:
0x0: {  	(tag) =	ssettag $0x1  }
0x1: {  	v0 =	vlaneseq.u32  }
0x2: {  	v0 =	vmul.u32 $0x80, v0;
	_ =	sdelay $0x1  }
0x3: {  	v1 =	vor.u32 $0x1, v0  }
0x4: {  	[tilespmem:$0x1FC10] =	vst v1;
	v1 =	vor.u32 $0x2, v0  }
0x5: {  	[tilespmem:$0x1FC20] =	vst v1;
	v1 =	vor.u32 $0x3, v0  }
0x6: {  	[tilespmem:$0x1FC30] =	vst v1;
	v1 =	vor.u32 $0x4, v0  }
0x7: {  	[tilespmem:$0x1FC40] =	vst v1;
	v1 =	vor.u32 $0x5, v0  }
0x8: {  	[tilespmem:$0x1FC50] =	vst v1;
	v1 =	vor.u32 $0x6, v0  }
0x9: {  	[tilespmem:$0x1FC60] =	vst v1;
	v1 =	vor.u32 $0x7, v0  }
0xa: {  	[tilespmem:$0x1FC70] =	vst v1;
	v1 =	vor.u32 $0x8, v0  }
0xb: {  	[tilespmem:$0x1FC80] =	vst v1;
	v1 =	vor.u32 $0x9, v0  }
0xc: {  	[tilespmem:$0x1FC90] =	vst v1;
	v1 =	vor.u32 $0xA, v0  }
0xd: {  	[tilespmem:$0x1FCA0] =	vst v1;
	v1 =	vor.u32 $0xB, v0  }
0xe: {  	[tilespmem:$0x1FCB0] =	vst v1;
	v1 =	vor.u32 $0xC, v0  }
0xf: {  	[tilespmem:$0x1FCC0] =	vst v1;
	v1 =	vor.u32 $0xD, v0  }
0x10: {  	[tilespmem:$0x1FCD0] =	vst v1;
	v1 =	vor.u32 $0xE, v0  }
0x11: {  	[tilespmem:$0x1FCE0] =	vst v1;
	v1 =	vor.u32 $0xF, v0  }
0x12: {  	[tilespmem:$0x1FCF0] =	vst v1;
	v1 =	vor.u32 $0x800, v0  }
0x13: {  	[tilespmem:$0x1FD00] =	vst v1;
	v1 =	vor.u32 $0x801, v0  }
0x14: {  	[tilespmem:$0x1FD10] =	vst v1;
	v1 =	vor.u32 $0x802, v0  }
0x15: {  	[tilespmem:$0x1FD20] =	vst v1;
	v1 =	vor.u32 $0x803, v0  }
0x16: {  	[tilespmem:$0x1FD30] =	vst v1;
	v1 =	vor.u32 $0x804, v0  }
0x17: {  	[tilespmem:$0x1FD40] =	vst v1;
	v1 =	vor.u32 $0x805, v0  }
0x18: {  	[tilespmem:$0x1FD50] =	vst v1;
	v1 =	vor.u32 $0x806, v0  }
0x19: {  	[tilespmem:$0x1FD60] =	vst v1;
	v1 =	vor.u32 $0x807, v0  }
0x1a: {  	[tilespmem:$0x1FD70] =	vst v1;
	v1 =	vor.u32 $0x808, v0  }
0x1b: {  	s3 =	rddreg [dreg:$0x0];
	[tilespmem:$0x1FD80] =	vst v1;
	v1 =	vor.u32 $0x809, v0  }
0x1c: {  	s4 =	rddreg [dreg:$0x1];
	[tilespmem:$0x1FD90] =	vst v1;
	v1 =	vor.u32 $0x80A, v0  }
0x1d: {  	s8 =	rddreg [dreg:$0x2];
	[tilespmem:$0x1FDA0] =	vst v1;
	v1 =	vor.u32 $0x80B, v0  }
0x1e: {  	s0 =	rddreg [dreg:$0x3];
	[tilespmem:$0x1FDB0] =	vst v1;
	v1 =	vor.u32 $0x80C, v0  }
0x1f: {  	s1 =	rddreg [dreg:$0x4];
	[tilespmem:$0x1FDC0] =	vst v1;
	v1 =	vor.u32 $0x80D, v0  }
0x20: {  	s2 =	rddreg [dreg:$0x5];
	s5 =	simm.s32 $0x0;
	[tilespmem:$0x1FDD0] =	vst v1;
	v1 =	vor.u32 $0x80E, v0  }
0x21: {  	[smem:$0x7FF] =	sst s5;
	[tilespmem:$0x1FDE0] =	vst v1;
	v1 =	vor.u32 $0x80F, v0  }
0x22: {  	s9 =	rddreg [dreg:$0x6];
	_ =	strace $0x80000047;
	[tilespmem:$0x1FDF0] =	vst v1;
	v1 =	vor.u32 $0x1000, v0  }
0x23: {  	[tilespmem:$0x1FE00] =	vst v1;
	v1 =	vor.u32 $0x1001, v0  }
0x24: {  	[tilespmem:$0x1FE10] =	vst v1;
	v1 =	vor.u32 $0x1002, v0  }
0x25: {  	[tilespmem:$0x1FE20] =	vst v1;
	v1 =	vor.u32 $0x1003, v0  }
0x26: {  	[tilespmem:$0x1FE30] =	vst v1;
	v1 =	vor.u32 $0x1004, v0  }
0x27: {  	[tilespmem:$0x1FE40] =	vst v1;
	v1 =	vor.u32 $0x1005, v0  }
0x28: {  	[tilespmem:$0x1FE50] =	vst v1;
	v1 =	vor.u32 $0x1006, v0  }
0x29: {  	[tilespmem:$0x1FE60] =	vst v1;
	v1 =	vor.u32 $0x1007, v0  }
0x2a: {  	[tilespmem:$0x1FE70] =	vst v1;
	v1 =	vor.u32 $0x1008, v0  }
0x2b: {  	[tilespmem:$0x1FE80] =	vst v1;
	v1 =	vor.u32 $0x1009, v0  }
0x2c: {  	[tilespmem:$0x1FE90] =	vst v1;
	v1 =	vor.u32 $0x100A, v0  }
0x2d: {  	[tilespmem:$0x1FEA0] =	vst v1;
	v1 =	vor.u32 $0x100B, v0  }
0x2e: {  	[tilespmem:$0x1FEB0] =	vst v1;
	v1 =	vor.u32 $0x100C, v0  }
0x2f: {  	[tilespmem:$0x1FEC0] =	vst v1;
	v1 =	vor.u32 $0x100D, v0  }
0x30: {  	[tilespmem:$0x1FED0] =	vst v1;
	v1 =	vor.u32 $0x100E, v0  }
0x31: {  	[tilespmem:$0x1FEE0] =	vst v1;
	v1 =	vor.u32 $0x100F, v0  }
0x32: {  	[tilespmem:$0x1FEF0] =	vst v1;
	v1 =	vor.u32 $0x1800, v0  }
0x33: {  	[tilespmem:$0x1FF00] =	vst v1;
	v1 =	vor.u32 $0x1801, v0  }
0x34: {  	[tilespmem:$0x1FF10] =	vst v1;
	v1 =	vor.u32 $0x1802, v0  }
0x35: {  	[tilespmem:$0x1FF20] =	vst v1;
	v1 =	vor.u32 $0x1803, v0  }
0x36: {  	[tilespmem:$0x1FF30] =	vst v1;
	v1 =	vor.u32 $0x1804, v0  }
0x37: {  	[tilespmem:$0x1FF40] =	vst v1;
	v1 =	vor.u32 $0x1805, v0  }
0x38: {  	s6 =	srdreg.scid;
	[tilespmem:$0x1FF50] =	vst v1;
	v1 =	vor.u32 $0x1806, v0  }
0x39: {  	s10 =	stileid.u32;
	s12 =	simm.s32 $0x400;
	s13 =	simm.s32 $0x1;
	[tilespmem:$0x1FF60] =	vst v1;
	v1 =	vor.u32 $0x1807, v0  }
0x3a: {  	s16 =	simm.s32 $0x80;
	s17 =	simm.s32 $0xA00;
	s18 =	simm.s32 $0x4A00;
	[tilespmem:$0x1FF70] =	vst v1;
	v1 =	vor.u32 $0x1808, v0  }
0x3b: {  	s19 =	simm.s32 $0x8A00;
	s20 =	simm.s32 $0xCA00;
	s22 =	simm.s32 $0x10A00;
	[tilespmem:$0x1FF80] =	vst v1;
	v1 =	vor.u32 $0x1809, v0  }
0x3c: {  	s24 =	simm.s32 $0x14A00;
	s25 =	simm.s32 $0x3;
	s26 =	simm.s32 $0x18C00;
	[tilespmem:$0x1FF90] =	vst v1;
	v1 =	vor.u32 $0x180A, v0  }
0x3d: {  	s31 =	simm.s32 $0x2;
	s15 =	simm.s32 $0x18A00;
	s6 =	sand.u32 $0x1, s6;
	[tilespmem:$0x1FFA0] =	vst v1;
	v1 =	vor.u32 $0x180B, v0  }
0x3e: {  	s21 =	simm.s32 $0x4;
	s23 =	simm.s32 $0x0;
	s7 =	ssub.s32 $0x2, s6;
	[tilespmem:$0x1FFB0] =	vst v1;
	v1 =	vor.u32 $0x180C, v0  }
0x3f: {  	s10 =	sshll.u32 s10, $0x7;
	s6 =	sshll.u32 s6, $0x6;
	s11 =	sshrl.u32 s7, $0x1;
	[tilespmem:$0x1FFC0] =	vst v1;
	v1 =	vor.u32 $0x180D, v0  }
0x40: {  	s14 =	simm.s32 $0xCA80;
	s10 =	sor.u32 s6, s10;
	s11 =	ssub.s32 s7, s11;
	[tilespmem:$0x1FFD0] =	vst v1;
	v1 =	vor.u32 $0x180E, v0  }
0x41: {  	s6 =	sadd.s32 s3, s10;
	s7 =	sadd.s32 s4, s10;
	s8 =	sadd.s32 s8, s10;
	[tilespmem:$0x1FFE0] =	vst v1;
	v1 =	vor.u32 $0x180F, v0  }
0x42: {  	s9 =	sadd.s32 s9, s10;
	s10 =	smax.u32 s11, $0x1;
	s11 =	simm.s32 $0x200;
	[tilespmem:$0x1FFF0] =	vst v1  }
.LBB2_1:
0x43: {  	[tilespmem:s5], [sflag:$0x1] =	stream.linear.gather [hbm4b:s6+s5], $0x200, $0x38;
	[tilespmem:$0x1CC00] =	vst v63  }
0x44: {  	_ = 	snop  }
0x45: {  	[tilespmem:s11], [sflag:$0x1] =	stream.linear.gather [hbm4b:s7+s5], $0x200, $0x38;
	[tilespmem:$0x1CC00] =	vst v63  }
0x46: {  	_ = 	snop  }
0x47: {  	[tilespmem:s12], [sflag:$0x1] =	stream.linear.gather [hbm4b:s8+s5], $0x200, $0x38;
	[tilespmem:$0x1CC00] =	vst v63  }
0x48: {  	_ =	swait.ge [sflag:s13], $0x200  }
0x49: {  	[sflag:s13] =	ssyncset.done $0x0  }
0x4a: {  	[sflag:s13] =	ssyncadd.s32 $0xFFFFFE00  }
0x4b: {  	_ =	swait.ge [sflag:s13], $0x200  }
0x4c: {  	[sflag:s13] =	ssyncset.done $0x0  }
0x4d: {  	[sflag:s13] =	ssyncadd.s32 $0xFFFFFE00  }
0x4e: {  	_ =	swait.ge [sflag:s13], $0x200  }
0x4f: {  	[sflag:s13] =	ssyncset.done $0x0  }
0x50: {  	s3 =	simm.s32 $0x600;
	[sflag:s13] =	ssyncadd.s32 $0xFFFFFE00  }
0x51: {  	[tilespmem:s3], [sflag:$0x3] =	stream.indirect.gather [hbm4b:s0+s11], $0x1, s11, s11, $0xb8;
	[tilespmem:$0x1CC00] =	vst v63  }
0x52: {  	s4 =	simm.s32 $0x800  }
0x53: {  	[tilespmem:s4], [sflag:$0x3] =	stream.indirect.gather [hbm4b:s0+s11], $0x1, s12, s11, $0xb8;
	[tilespmem:$0x1CC00] =	vst v63  }
0x54: {  	_ = 	snop  }
0x55: {  	[tilespmem:s17], [sflag:$0x1] =	stream.indirect.gather [hbm4b:s1+s16], $0x80, s5, s16, $0xb8;
	[tilespmem:$0x1CC00] =	vst v63  }
0x56: {  	_ = 	snop  }
0x57: {  	[tilespmem:s18], [sflag:$0x1] =	stream.indirect.gather [hbm4b:s2+s16], $0x80, s11, s16, $0xb8;
	[tilespmem:$0x1CC00] =	vst v63  }
0x58: {  	_ = 	snop  }
0x59: {  	[tilespmem:s19], [sflag:$0x1] =	stream.indirect.gather [hbm4b:s2+s16], $0x80, s12, s16, $0xb8;
	[tilespmem:$0x1CC00] =	vst v63  }
0x5a: {  	_ = 	snop  }
0x5b: {  	[tilespmem:s20], [sflag:$0x2] =	stream.indirect.gather [hbm4b:s1+s16], $0x80, s16, s16, $0xb8;
	[tilespmem:$0x1CC00] =	vst v63  }
0x5c: {  	s4 =	simm.s32 $0x280  }
0x5d: {  	[tilespmem:s22], [sflag:$0x2] =	stream.indirect.gather [hbm4b:s2+s16], $0x80, s4, s16, $0xb8;
	[tilespmem:$0x1CC00] =	vst v63  }
0x5e: {  	s4 =	simm.s32 $0x480  }
0x5f: {  	[tilespmem:s24], [sflag:$0x2] =	stream.indirect.gather [hbm4b:s2+s16], $0x80, s4, s16, $0xb8;
	[tilespmem:$0x1CC00] =	vst v63  }
0x60: {  	_ =	swait.ge [sflag:s13], $0x4000  }
0x61: {  	[sflag:s13] =	ssyncset.done $0x0  }
0x62: {  	[sflag:s13] =	ssyncadd.s32 $0xFFFFC000  }
0x63: {  	_ =	swait.ge [sflag:s13], $0x4000  }
0x64: {  	[sflag:s13] =	ssyncset.done $0x0  }
0x65: {  	[sflag:s13] =	ssyncadd.s32 $0xFFFFC000  }
0x66: {  	_ =	swait.ge [sflag:s13], $0x4000  }
0x67: {  	[sflag:s13] =	ssyncset.done $0x0  }
0x68: {  	[sflag:s13] =	ssyncadd.s32 $0xFFFFC000  }
0x69: {  	_ =	swait.ge [sflag:s25], $0x200  }
0x6a: {  	[sflag:s25] =	ssyncset.done $0x0  }
0x6b: {  	[sflag:s25] =	ssyncadd.s32 $0xFFFFFE00  }
0x6c: {  	_ =	swait.ge [sflag:s25], $0x200  }
0x6d: {  	[sflag:s25] =	ssyncset.done $0x0  }
0x6e: {  	s4 =	simm.s32 $0xA80;
	[sflag:s25] =	ssyncadd.s32 $0xFFFFFE00  }
0x6f: {  	v1 =	vld [tilespmem:s4+$0x0]  }
0x70: {  	v2 =	vld [tilespmem:s4+$0x10]  }
0x71: {  	v3 =	vld [tilespmem:s4+$0x20]  }
0x72: {  	v4 =	vld [tilespmem:s4+$0x30]  }
0x73: {  	v5 =	vld [tilespmem:s4+$0x40]  }
0x74: {  	s28 =	simm.s32 $0x4A80;
	v6 =	vld [tilespmem:s4+$0x50]  }
0x75: {  	s29 =	simm.s32 $0x8A80;
	v7 =	vld [tilespmem:s28+$0x0]  }
0x76: {  	v8 =	vld [tilespmem:s29+$0x0]  }
0x77: {  	v9 =	vld [tilespmem:s28+$0x10]  }
0x78: {  	v10 =	vld [tilespmem:s29+$0x10]  }
0x79: {  	v11 =	vld [tilespmem:s28+$0x20]  }
0x7a: {  	v12 =	vld [tilespmem:s29+$0x20]  }
0x7b: {  	v13 =	vld [tilespmem:s28+$0x30]  }
0x7c: {  	v14 =	vld [tilespmem:s29+$0x30]  }
0x7d: {  	v15 =	vld [tilespmem:s28+$0x40]  }
0x7e: {  	v16 =	vld [tilespmem:s29+$0x40]  }
0x7f: {  	v17 =	vld [tilespmem:s28+$0x50]  }
0x80: {  	v18 =	vld [tilespmem:s29+$0x50]  }
0x81: {  	v19 =	vld [tilespmem:s28+$0x60]  }
0x82: {  	v20 =	vld [tilespmem:s29+$0x60]  }
0x83: {  	v21 =	vld [tilespmem:s28+$0x70]  }
0x84: {  	v22 =	vld [tilespmem:s29+$0x70]  }
0x85: {  	v23 =	vld [tilespmem:s4+$0x60]  }
0x86: {  	v24 =	vld [tilespmem:s4+$0x70]  }
0x87: {  	v25 =	vld [tilespmem:s28+$0xFFFFFF80]  }
0x88: {  	v26 =	vld [tilespmem:s29+$0xFFFFFF80]  }
0x89: {  	v27 =	vld [tilespmem:s28+$0xFFFFFF90]  }
0x8a: {  	v28 =	vld [tilespmem:s29+$0xFFFFFF90]  }
0x8b: {  	v29 =	vld [tilespmem:s28+$0xFFFFFFA0]  }
0x8c: {  	v30 =	vld [tilespmem:s29+$0xFFFFFFA0]  }
0x8d: {  	v31 =	vld [tilespmem:s28+$0xFFFFFFB0]  }
0x8e: {  	v32 =	vld [tilespmem:s29+$0xFFFFFFB0]  }
0x8f: {  	v56 =	vld [tilespmem:s29+$0xFFFFFFD0]  }
0x90: {  	v57 =	vld [tilespmem:s4+$0xFFFFFF90];
	v7 =	vsub.f32 v7, v8;
	v8 =	vsub.f32 v9, v10  }
0x91: {  	v58 =	vld [tilespmem:s4+$0xFFFFFFA0];
	v10 =	vsub.f32 v11, v12;
	v11 =	vsub.f32 v13, v14  }
0x92: {  	v59 =	vld [tilespmem:s4+$0xFFFFFFB0];
	v13 =	vsub.f32 v15, v16;
	v14 =	vsub.f32 v17, v18  }
0x93: {  	v9 =	vld [tilespmem:s28+$0xFFFFFFC0];
	v1 =	vmul.f32 v7, v1;
	v2 =	vmul.f32 v8, v2;
	v7 =	vsub.f32 v19, v20  }
0x94: {  	v12 =	vld [tilespmem:s29+$0xFFFFFFC0];
	v3 =	vmul.f32 v10, v3;
	v4 =	vmul.f32 v11, v4;
	v8 =	vsub.f32 v21, v22  }
0x95: {  	v15 =	vld [tilespmem:s28+$0xFFFFFFD0];
	v5 =	vmul.f32 v13, v5;
	v6 =	vmul.f32 v14, v6  }
0x96: {  	v10 =	vld [tilespmem:s28+$0xFFFFFFE0];
	v7 =	vmul.f32 v7, v23;
	v8 =	vmul.f32 v8, v24  }
0x97: {  	v11 =	vld [tilespmem:s29+$0xFFFFFFE0];
	v1 =	vadd.f32 v2, v1;
	v2 =	vadd.f32 v4, v3  }
0x98: {  	v13 =	vld [tilespmem:s28+$0xFFFFFFF0];
	v3 =	vadd.f32 v6, v5;
	v4 =	vadd.f32 v8, v7  }
0x99: {  	v60 =	vsub.f32 v27, v28;
	v61 =	vsub.f32 v29, v30;
	v14 =	vld [tilespmem:s29+$0xFFFFFFF0]  }
0x9a: {  	v6 =	vld [tilespmem:s4+$0xFFFFFFC0];
	v2 =	vadd.f32 v2, v1;
	v3 =	vadd.f32 v4, v3  }
0x9b: {  	v63 =	vsub.f32 v31, v32;
	v1 =	vsub.f32 v25, v26;
	v7 =	vld [tilespmem:s4+$0xFFFFFFD0]  }
0x9c: {  	v8 =	vld [tilespmem:s4+$0xFFFFFFE0];
	v5 =	vsub.f32 v10, v11;
	v62 =	vadd.f32 v3, v2  }
0x9d: {  	s30 =	simm.s32 $0x18C80;
	v10 =	vld [tilespmem:s4+$0xFFFFFFF0];
	v4 =	vsub.f32 v15, v56;
	v3 =	vsub.f32 v9, v12;
	v2 =	vmul.f32 v60, v57  }
0x9e: {  	s3 =	simm.s32 $0x0;
	v11 =	vld [tilespmem:s4+$0xFFFFFF80];
	s4 =	simm.s32 $0xB80;
	v9 =	vsub.f32 v13, v14;
	v12 =	vmul.f32 v61, v58;
	v13 =	vmul.f32 v63, v59;
	[tilespmem:s30+$0x0] =	vst v62  }
.LBB2_2:
0x9f: {  	v14 =	vld [tilespmem:s4+$0x0];
	v3 =	vmul.f32 v3, v6  }
0xa0: {  	v6 =	vld [tilespmem:s4+$0x10];
	v4 =	vmul.f32 v4, v7;
	v7 =	vadd.f32 v13, v12  }
0xa1: {  	v12 =	vld [tilespmem:s4+$0x20];
	v5 =	vmul.f32 v5, v8  }
0xa2: {  	v8 =	vld [tilespmem:s4+$0x30];
	v9 =	vmul.f32 v9, v10;
	v3 =	vadd.f32 v4, v3  }
0xa3: {  	v4 =	vld [tilespmem:s4+$0x40];
	v1 =	vmul.f32 v1, v11  }
0xa4: {  	s28 =	sadd.s32 $0x100, s28;
	v10 =	vld [tilespmem:s4+$0x50];
	v5 =	vadd.f32 v9, v5  }
0xa5: {  	s29 =	sadd.s32 $0x100, s29;
	v9 =	vld [tilespmem:s28+$0x0];
	v1 =	vadd.f32 v2, v1  }
0xa6: {  	v2 =	vld [tilespmem:s29+$0x0];
	v3 =	vadd.f32 v5, v3  }
0xa7: {  	v5 =	vld [tilespmem:s28+$0x10];
	v1 =	vadd.f32 v7, v1  }
0xa8: {  	v7 =	vld [tilespmem:s29+$0x10]  }
0xa9: {  	v11 =	vld [tilespmem:s28+$0x20];
	v1 =	vadd.f32 v3, v1  }
0xaa: {  	v3 =	vld [tilespmem:s29+$0x20]  }
0xab: {  	v13 =	vld [tilespmem:s28+$0x30];
	[tilespmem:s30+$0xFFFFFF80] =	vst v1  }
0xac: {  	v1 =	vld [tilespmem:s29+$0x30]  }
0xad: {  	v15 =	vld [tilespmem:s28+$0x40]  }
0xae: {  	v16 =	vld [tilespmem:s29+$0x40]  }
0xaf: {  	v17 =	vld [tilespmem:s28+$0x50]  }
0xb0: {  	v18 =	vld [tilespmem:s29+$0x50]  }
0xb1: {  	v19 =	vld [tilespmem:s28+$0x60]  }
0xb2: {  	v20 =	vld [tilespmem:s29+$0x60]  }
0xb3: {  	v21 =	vld [tilespmem:s28+$0x70]  }
0xb4: {  	s3 =	sadd.s32 $0x2, s3;
	v22 =	vld [tilespmem:s29+$0x70]  }
0xb5: {  	p0 =	slt.u32 s3, $0x7E;
	v2 =	vsub.f32 v9, v2;
	v5 =	vsub.f32 v5, v7;
	v7 =	vld [tilespmem:s4+$0x60]  }
0xb6: {  	v3 =	vsub.f32 v11, v3;
	v1 =	vsub.f32 v13, v1;
	v9 =	vld [tilespmem:s4+$0x70]  }
0xb7: {  	v13 =	vsub.f32 v15, v16;
	v15 =	vsub.f32 v17, v18;
	v11 =	vld [tilespmem:s28+$0xFFFFFF80]  }
0xb8: {  	v2 =	vmul.f32 v2, v14;
	v5 =	vmul.f32 v5, v6;
	v6 =	vsub.f32 v19, v20;
	v16 =	vld [tilespmem:s29+$0xFFFFFF80]  }
0xb9: {  	v3 =	vmul.f32 v3, v12;
	v1 =	vmul.f32 v1, v8;
	v14 =	vld [tilespmem:s28+$0xFFFFFF90];
	v8 =	vsub.f32 v21, v22  }
0xba: {  	v4 =	vmul.f32 v13, v4;
	v10 =	vmul.f32 v15, v10;
	v12 =	vld [tilespmem:s29+$0xFFFFFF90]  }
0xbb: {  	v6 =	vmul.f32 v6, v7;
	v13 =	vld [tilespmem:s28+$0xFFFFFFA0];
	v7 =	vmul.f32 v8, v9  }
0xbc: {  	v2 =	vadd.f32 v5, v2;
	v3 =	vadd.f32 v1, v3;
	v8 =	vld [tilespmem:s29+$0xFFFFFFA0]  }
0xbd: {  	v4 =	vadd.f32 v10, v4;
	v5 =	vld [tilespmem:s28+$0xFFFFFFB0];
	v6 =	vadd.f32 v7, v6  }
0xbe: {  	v1 =	vsub.f32 v11, v16;
	v7 =	vld [tilespmem:s29+$0xFFFFFFB0]  }
0xbf: {  	v2 =	vadd.f32 v3, v2;
	v9 =	vld [tilespmem:s28+$0xFFFFFFC0];
	v3 =	vadd.f32 v6, v4  }
0xc0: {  	v10 =	vsub.f32 v14, v12;
	v4 =	vld [tilespmem:s29+$0xFFFFFFC0]  }
0xc1: {  	v11 =	vsub.f32 v13, v8;
	v6 =	vld [tilespmem:s28+$0xFFFFFFD0];
	v2 =	vadd.f32 v3, v2  }
0xc2: {  	s30 =	sadd.s32 $0x100, s30;
	v8 =	vld [tilespmem:s29+$0xFFFFFFD0]  }
0xc3: {  	v13 =	vsub.f32 v5, v7;
	v5 =	vld [tilespmem:s28+$0xFFFFFFE0];
	[tilespmem:s30+$0x0] =	vst v2  }
0xc4: {  	v2 =	vld [tilespmem:s29+$0xFFFFFFE0]  }
0xc5: {  	v3 =	vsub.f32 v9, v4;
	v9 =	vld [tilespmem:s28+$0xFFFFFFF0]  }
0xc6: {  	v12 =	vld [tilespmem:s29+$0xFFFFFFF0]  }
0xc7: {  	v14 =	vld [tilespmem:s4+$0xFFFFFF90];
	v4 =	vsub.f32 v6, v8  }
0xc8: {  	v15 =	vld [tilespmem:s4+$0xFFFFFFA0]  }
0xc9: {  	v16 =	vld [tilespmem:s4+$0xFFFFFFB0];
	v5 =	vsub.f32 v5, v2  }
.Ltmp0:
0xca: {  	v6 =	vld [tilespmem:s4+$0xFFFFFFC0];
	(pc) =	sbr.rel @p0 .LBB2_2-.Ltmp0, $4  }
0xcb: {  	v7 =	vld [tilespmem:s4+$0xFFFFFFD0];
	v9 =	vsub.f32 v9, v12  }
0xcc: {  	v2 =	vmul.f32 v10, v14;
	v8 =	vld [tilespmem:s4+$0xFFFFFFE0]  }
0xcd: {  	v12 =	vmul.f32 v11, v15;
	v10 =	vld [tilespmem:s4+$0xFFFFFFF0]  }
0xce: {  	v11 =	vld [tilespmem:s4+$0xFFFFFF80];
	v13 =	vmul.f32 v13, v16;
	s4 =	sadd.s32 $0x100, s4  }
0xcf: {  	_ =	sdelay $0x1  }
0xd0: {  	v3 =	vmul.f32 v3, v6  }
0xd1: {  	v4 =	vmul.f32 v4, v7;
	v5 =	vmul.f32 v5, v8  }
0xd2: {  	v6 =	vmul.f32 v9, v10;
	v1 =	vmul.f32 v1, v11  }
0xd3: {  	v7 =	vadd.f32 v13, v12;
	v3 =	vadd.f32 v4, v3  }
0xd4: {  	v4 =	vadd.f32 v6, v5;
	v1 =	vadd.f32 v2, v1;
	_ =	sdelay $0x1  }
0xd5: {  	v2 =	vadd.f32 v4, v3;
	v1 =	vadd.f32 v7, v1;
	_ =	sdelay $0x1  }
0xd6: {  	v1 =	vadd.f32 v2, v1;
	_ =	sdelay $0x1  }
0xd7: {  	[tilespmem:s30+$0xFFFFFF80] =	vst v1  }
0xd8: {  	v1 =	vld [tilespmem:$0x600]  }
0xd9: {  	v2 =	vld [tilespmem:$0x800];
	_ =	sdelay $0x1  }
0xda: {  	v3 =	vld.idx.msk [tilespmem:v0+s26+$0x0], $0xffff  }
0xdb: {  	v4 =	vld [tilespmem:$0x1FC10];
	_ =	sdelay $0x1  }
0xdc: {  	v1 =	vsub.f32 v1, v2;
	v2 =	vld [tilespmem:$0x1FC20];
	_ =	sdelay $0x1  }
0xdd: {  	v1 =	vadd.f32 v3, v1;
	v3 =	vld [tilespmem:$0x1FC30];
	_ =	sdelay $0x3  }
0xde: {  	v4 =	vld.idx.msk [tilespmem:v4+s26+$0x0], $0xffff;
	_ =	sdelay $0x1  }
0xdf: {  	v2 =	vld.idx.msk [tilespmem:v2+s26+$0x0], $0xffff;
	_ =	sdelay $0x1  }
0xe0: {  	v3 =	vld.idx.msk [tilespmem:v3+s26+$0x0], $0xffff  }
0xe1: {  	v1 =	vadd.f32 v4, v1;
	v4 =	vld [tilespmem:$0x1FC40];
	_ =	sdelay $0x1  }
0xe2: {  	v1 =	vadd.f32 v2, v1;
	v2 =	vld [tilespmem:$0x1FC50];
	_ =	sdelay $0x1  }
0xe3: {  	v1 =	vadd.f32 v3, v1;
	v3 =	vld [tilespmem:$0x1FC60];
	_ =	sdelay $0x3  }
0xe4: {  	v4 =	vld.idx.msk [tilespmem:v4+s26+$0x0], $0xffff;
	_ =	sdelay $0x1  }
0xe5: {  	v2 =	vld.idx.msk [tilespmem:v2+s26+$0x0], $0xffff;
	_ =	sdelay $0x1  }
0xe6: {  	v3 =	vld.idx.msk [tilespmem:v3+s26+$0x0], $0xffff  }
0xe7: {  	v1 =	vadd.f32 v4, v1;
	v4 =	vld [tilespmem:$0x1FC70];
	_ =	sdelay $0x1  }
0xe8: {  	v1 =	vadd.f32 v2, v1;
	v2 =	vld [tilespmem:$0x1FC80];
	_ =	sdelay $0x1  }
0xe9: {  	v1 =	vadd.f32 v3, v1;
	v3 =	vld [tilespmem:$0x1FC90];
	_ =	sdelay $0x3  }
0xea: {  	v4 =	vld.idx.msk [tilespmem:v4+s26+$0x0], $0xffff;
	_ =	sdelay $0x1  }
0xeb: {  	v2 =	vld.idx.msk [tilespmem:v2+s26+$0x0], $0xffff;
	_ =	sdelay $0x1  }
0xec: {  	v3 =	vld.idx.msk [tilespmem:v3+s26+$0x0], $0xffff  }
0xed: {  	v1 =	vadd.f32 v4, v1;
	v4 =	vld [tilespmem:$0x1FCA0];
	_ =	sdelay $0x1  }
0xee: {  	v1 =	vadd.f32 v2, v1;
	v2 =	vld [tilespmem:$0x1FCB0];
	_ =	sdelay $0x1  }
0xef: {  	v1 =	vadd.f32 v3, v1;
	v3 =	vld [tilespmem:$0x1FCC0];
	_ =	sdelay $0x3  }
0xf0: {  	v4 =	vld.idx.msk [tilespmem:v4+s26+$0x0], $0xffff;
	_ =	sdelay $0x1  }
0xf1: {  	v2 =	vld.idx.msk [tilespmem:v2+s26+$0x0], $0xffff;
	_ =	sdelay $0x1  }
0xf2: {  	v3 =	vld.idx.msk [tilespmem:v3+s26+$0x0], $0xffff  }
0xf3: {  	v1 =	vadd.f32 v4, v1;
	v4 =	vld [tilespmem:$0x1FCD0];
	_ =	sdelay $0x1  }
0xf4: {  	v1 =	vadd.f32 v2, v1;
	v2 =	vld [tilespmem:$0x1FCE0];
	_ =	sdelay $0x1  }
0xf5: {  	v1 =	vadd.f32 v3, v1;
	v3 =	vld [tilespmem:$0x1FCF0];
	_ =	sdelay $0x3  }
0xf6: {  	v4 =	vld.idx.msk [tilespmem:v4+s26+$0x0], $0xffff;
	_ =	sdelay $0x1  }
0xf7: {  	v2 =	vld.idx.msk [tilespmem:v2+s26+$0x0], $0xffff;
	_ =	sdelay $0x1  }
0xf8: {  	v3 =	vld.idx.msk [tilespmem:v3+s26+$0x0], $0xffff  }
0xf9: {  	v1 =	vadd.f32 v4, v1;
	_ =	sdelay $0x1  }
0xfa: {  	v1 =	vadd.f32 v2, v1;
	_ =	sdelay $0x1  }
0xfb: {  	v1 =	vadd.f32 v3, v1;
	_ =	sdelay $0x1  }
0xfc: {  	[tilespmem:$0x18A00] =	vst v1;
	v1 =	vld [tilespmem:$0x1FD00];
	_ =	sdelay $0x4  }
0xfd: {  	v2 =	vld [tilespmem:$0x610]  }
0xfe: {  	v3 =	vld [tilespmem:$0x810];
	_ =	sdelay $0x1  }
0xff: {  	v1 =	vld.idx.msk [tilespmem:v1+s26+$0x0], $0xffff  }
0x100: {  	v4 =	vld [tilespmem:$0x1FD10];
	_ =	sdelay $0x1  }
0x101: {  	v2 =	vsub.f32 v2, v3;
	v3 =	vld [tilespmem:$0x1FD20];
	_ =	sdelay $0x1  }
0x102: {  	v1 =	vadd.f32 v1, v2;
	v2 =	vld [tilespmem:$0x1FD30];
	_ =	sdelay $0x3  }
0x103: {  	v4 =	vld.idx.msk [tilespmem:v4+s26+$0x0], $0xffff;
	_ =	sdelay $0x1  }
0x104: {  	v3 =	vld.idx.msk [tilespmem:v3+s26+$0x0], $0xffff;
	_ =	sdelay $0x1  }
0x105: {  	v2 =	vld.idx.msk [tilespmem:v2+s26+$0x0], $0xffff  }
0x106: {  	v1 =	vadd.f32 v4, v1;
	v4 =	vld [tilespmem:$0x1FD40];
	_ =	sdelay $0x1  }
0x107: {  	v1 =	vadd.f32 v3, v1;
	v3 =	vld [tilespmem:$0x1FD50];
	_ =	sdelay $0x1  }
0x108: {  	v1 =	vadd.f32 v2, v1;
	v2 =	vld [tilespmem:$0x1FD60];
	_ =	sdelay $0x3  }
0x109: {  	v4 =	vld.idx.msk [tilespmem:v4+s26+$0x0], $0xffff;
	_ =	sdelay $0x1  }
0x10a: {  	v3 =	vld.idx.msk [tilespmem:v3+s26+$0x0], $0xffff;
	_ =	sdelay $0x1  }
0x10b: {  	v2 =	vld.idx.msk [tilespmem:v2+s26+$0x0], $0xffff  }
0x10c: {  	v1 =	vadd.f32 v4, v1;
	v4 =	vld [tilespmem:$0x1FD70];
	_ =	sdelay $0x1  }
0x10d: {  	v1 =	vadd.f32 v3, v1;
	v3 =	vld [tilespmem:$0x1FD80];
	_ =	sdelay $0x1  }
0x10e: {  	v1 =	vadd.f32 v2, v1;
	v2 =	vld [tilespmem:$0x1FD90];
	_ =	sdelay $0x3  }
0x10f: {  	v4 =	vld.idx.msk [tilespmem:v4+s26+$0x0], $0xffff;
	_ =	sdelay $0x1  }
0x110: {  	v3 =	vld.idx.msk [tilespmem:v3+s26+$0x0], $0xffff;
	_ =	sdelay $0x1  }
0x111: {  	v2 =	vld.idx.msk [tilespmem:v2+s26+$0x0], $0xffff  }
0x112: {  	v1 =	vadd.f32 v4, v1;
	v4 =	vld [tilespmem:$0x1FDA0];
	_ =	sdelay $0x1  }
0x113: {  	v1 =	vadd.f32 v3, v1;
	v3 =	vld [tilespmem:$0x1FDB0];
	_ =	sdelay $0x1  }
0x114: {  	v1 =	vadd.f32 v2, v1;
	v2 =	vld [tilespmem:$0x1FDC0];
	_ =	sdelay $0x3  }
0x115: {  	v4 =	vld.idx.msk [tilespmem:v4+s26+$0x0], $0xffff;
	_ =	sdelay $0x1  }
0x116: {  	v3 =	vld.idx.msk [tilespmem:v3+s26+$0x0], $0xffff;
	_ =	sdelay $0x1  }
0x117: {  	v2 =	vld.idx.msk [tilespmem:v2+s26+$0x0], $0xffff  }
0x118: {  	v1 =	vadd.f32 v4, v1;
	v4 =	vld [tilespmem:$0x1FDD0];
	_ =	sdelay $0x1  }
0x119: {  	v1 =	vadd.f32 v3, v1;
	v3 =	vld [tilespmem:$0x1FDE0];
	_ =	sdelay $0x1  }
0x11a: {  	v1 =	vadd.f32 v2, v1;
	v2 =	vld [tilespmem:$0x1FDF0];
	_ =	sdelay $0x3  }
0x11b: {  	v4 =	vld.idx.msk [tilespmem:v4+s26+$0x0], $0xffff;
	_ =	sdelay $0x1  }
0x11c: {  	v3 =	vld.idx.msk [tilespmem:v3+s26+$0x0], $0xffff;
	_ =	sdelay $0x1  }
0x11d: {  	v2 =	vld.idx.msk [tilespmem:v2+s26+$0x0], $0xffff  }
0x11e: {  	v1 =	vadd.f32 v4, v1;
	_ =	sdelay $0x1  }
0x11f: {  	v1 =	vadd.f32 v3, v1;
	_ =	sdelay $0x1  }
0x120: {  	v1 =	vadd.f32 v2, v1;
	_ =	sdelay $0x1  }
0x121: {  	[tilespmem:$0x18A10] =	vst v1;
	v1 =	vld [tilespmem:$0x1FE00];
	_ =	sdelay $0x4  }
0x122: {  	v3 =	vld [tilespmem:$0x820]  }
0x123: {  	v2 =	vld [tilespmem:$0x620];
	_ =	sdelay $0x1  }
0x124: {  	v1 =	vld.idx.msk [tilespmem:v1+s26+$0x0], $0xffff  }
0x125: {  	v4 =	vld [tilespmem:$0x1FE10];
	_ =	sdelay $0x1  }
0x126: {  	v2 =	vsub.f32 v2, v3;
	v3 =	vld [tilespmem:$0x1FE20];
	_ =	sdelay $0x1  }
0x127: {  	v1 =	vadd.f32 v1, v2;
	v2 =	vld [tilespmem:$0x1FE30];
	_ =	sdelay $0x3  }
0x128: {  	v4 =	vld.idx.msk [tilespmem:v4+s26+$0x0], $0xffff;
	_ =	sdelay $0x1  }
0x129: {  	v3 =	vld.idx.msk [tilespmem:v3+s26+$0x0], $0xffff;
	_ =	sdelay $0x1  }
0x12a: {  	v2 =	vld.idx.msk [tilespmem:v2+s26+$0x0], $0xffff  }
0x12b: {  	v1 =	vadd.f32 v4, v1;
	v4 =	vld [tilespmem:$0x1FE40];
	_ =	sdelay $0x1  }
0x12c: {  	v1 =	vadd.f32 v3, v1;
	v3 =	vld [tilespmem:$0x1FE50];
	_ =	sdelay $0x1  }
0x12d: {  	v1 =	vadd.f32 v2, v1;
	v2 =	vld [tilespmem:$0x1FE60];
	_ =	sdelay $0x3  }
0x12e: {  	v4 =	vld.idx.msk [tilespmem:v4+s26+$0x0], $0xffff;
	_ =	sdelay $0x1  }
0x12f: {  	v3 =	vld.idx.msk [tilespmem:v3+s26+$0x0], $0xffff;
	_ =	sdelay $0x1  }
0x130: {  	v2 =	vld.idx.msk [tilespmem:v2+s26+$0x0], $0xffff  }
0x131: {  	v1 =	vadd.f32 v4, v1;
	v4 =	vld [tilespmem:$0x1FE70];
	_ =	sdelay $0x1  }
0x132: {  	v1 =	vadd.f32 v3, v1;
	v3 =	vld [tilespmem:$0x1FE80];
	_ =	sdelay $0x1  }
0x133: {  	v1 =	vadd.f32 v2, v1;
	v2 =	vld [tilespmem:$0x1FE90];
	_ =	sdelay $0x3  }
0x134: {  	v4 =	vld.idx.msk [tilespmem:v4+s26+$0x0], $0xffff;
	_ =	sdelay $0x1  }
0x135: {  	v3 =	vld.idx.msk [tilespmem:v3+s26+$0x0], $0xffff;
	_ =	sdelay $0x1  }
0x136: {  	v2 =	vld.idx.msk [tilespmem:v2+s26+$0x0], $0xffff  }
0x137: {  	v1 =	vadd.f32 v4, v1;
	v4 =	vld [tilespmem:$0x1FEA0];
	_ =	sdelay $0x1  }
0x138: {  	v1 =	vadd.f32 v3, v1;
	v3 =	vld [tilespmem:$0x1FEB0];
	_ =	sdelay $0x1  }
0x139: {  	v1 =	vadd.f32 v2, v1;
	v2 =	vld [tilespmem:$0x1FEC0];
	_ =	sdelay $0x3  }
0x13a: {  	v4 =	vld.idx.msk [tilespmem:v4+s26+$0x0], $0xffff;
	_ =	sdelay $0x1  }
0x13b: {  	v3 =	vld.idx.msk [tilespmem:v3+s26+$0x0], $0xffff;
	_ =	sdelay $0x1  }
0x13c: {  	v2 =	vld.idx.msk [tilespmem:v2+s26+$0x0], $0xffff  }
0x13d: {  	v1 =	vadd.f32 v4, v1;
	v4 =	vld [tilespmem:$0x1FED0];
	_ =	sdelay $0x1  }
0x13e: {  	v1 =	vadd.f32 v3, v1;
	v3 =	vld [tilespmem:$0x1FEE0];
	_ =	sdelay $0x1  }
0x13f: {  	v1 =	vadd.f32 v2, v1;
	v2 =	vld [tilespmem:$0x1FEF0];
	_ =	sdelay $0x3  }
0x140: {  	v4 =	vld.idx.msk [tilespmem:v4+s26+$0x0], $0xffff;
	_ =	sdelay $0x1  }
0x141: {  	v3 =	vld.idx.msk [tilespmem:v3+s26+$0x0], $0xffff;
	_ =	sdelay $0x1  }
0x142: {  	v2 =	vld.idx.msk [tilespmem:v2+s26+$0x0], $0xffff  }
0x143: {  	v1 =	vadd.f32 v4, v1;
	_ =	sdelay $0x1  }
0x144: {  	v1 =	vadd.f32 v3, v1;
	_ =	sdelay $0x1  }
0x145: {  	v1 =	vadd.f32 v2, v1;
	_ =	sdelay $0x1  }
0x146: {  	[tilespmem:$0x18A20] =	vst v1;
	v1 =	vld [tilespmem:$0x1FF00];
	_ =	sdelay $0x4  }
0x147: {  	v3 =	vld [tilespmem:$0x830]  }
0x148: {  	v2 =	vld [tilespmem:$0x630];
	_ =	sdelay $0x1  }
0x149: {  	v1 =	vld.idx.msk [tilespmem:v1+s26+$0x0], $0xffff  }
0x14a: {  	v4 =	vld [tilespmem:$0x1FF10];
	_ =	sdelay $0x1  }
0x14b: {  	v2 =	vsub.f32 v2, v3;
	v3 =	vld [tilespmem:$0x1FF20];
	_ =	sdelay $0x1  }
0x14c: {  	v1 =	vadd.f32 v1, v2;
	v2 =	vld [tilespmem:$0x1FF30];
	_ =	sdelay $0x3  }
0x14d: {  	v4 =	vld.idx.msk [tilespmem:v4+s26+$0x0], $0xffff;
	_ =	sdelay $0x1  }
0x14e: {  	v3 =	vld.idx.msk [tilespmem:v3+s26+$0x0], $0xffff;
	_ =	sdelay $0x1  }
0x14f: {  	v2 =	vld.idx.msk [tilespmem:v2+s26+$0x0], $0xffff  }
0x150: {  	v1 =	vadd.f32 v4, v1;
	v4 =	vld [tilespmem:$0x1FF40];
	_ =	sdelay $0x1  }
0x151: {  	v1 =	vadd.f32 v3, v1;
	v3 =	vld [tilespmem:$0x1FF50];
	_ =	sdelay $0x1  }
0x152: {  	v1 =	vadd.f32 v2, v1;
	v2 =	vld [tilespmem:$0x1FF60];
	_ =	sdelay $0x3  }
0x153: {  	v4 =	vld.idx.msk [tilespmem:v4+s26+$0x0], $0xffff;
	_ =	sdelay $0x1  }
0x154: {  	v3 =	vld.idx.msk [tilespmem:v3+s26+$0x0], $0xffff;
	_ =	sdelay $0x1  }
0x155: {  	v2 =	vld.idx.msk [tilespmem:v2+s26+$0x0], $0xffff  }
0x156: {  	v1 =	vadd.f32 v4, v1;
	v4 =	vld [tilespmem:$0x1FF70];
	_ =	sdelay $0x1  }
0x157: {  	v1 =	vadd.f32 v3, v1;
	v3 =	vld [tilespmem:$0x1FF80];
	_ =	sdelay $0x1  }
0x158: {  	v1 =	vadd.f32 v2, v1;
	v2 =	vld [tilespmem:$0x1FF90];
	_ =	sdelay $0x3  }
0x159: {  	v4 =	vld.idx.msk [tilespmem:v4+s26+$0x0], $0xffff;
	_ =	sdelay $0x1  }
0x15a: {  	v3 =	vld.idx.msk [tilespmem:v3+s26+$0x0], $0xffff;
	_ =	sdelay $0x1  }
0x15b: {  	v2 =	vld.idx.msk [tilespmem:v2+s26+$0x0], $0xffff  }
0x15c: {  	v1 =	vadd.f32 v4, v1;
	v4 =	vld [tilespmem:$0x1FFA0];
	_ =	sdelay $0x1  }
0x15d: {  	v1 =	vadd.f32 v3, v1;
	v3 =	vld [tilespmem:$0x1FFB0];
	_ =	sdelay $0x1  }
0x15e: {  	v1 =	vadd.f32 v2, v1;
	v2 =	vld [tilespmem:$0x1FFC0];
	_ =	sdelay $0x3  }
0x15f: {  	v4 =	vld.idx.msk [tilespmem:v4+s26+$0x0], $0xffff;
	_ =	sdelay $0x1  }
0x160: {  	v3 =	vld.idx.msk [tilespmem:v3+s26+$0x0], $0xffff;
	_ =	sdelay $0x1  }
0x161: {  	v2 =	vld.idx.msk [tilespmem:v2+s26+$0x0], $0xffff  }
0x162: {  	v1 =	vadd.f32 v4, v1;
	v4 =	vld [tilespmem:$0x1FFD0];
	_ =	sdelay $0x1  }
0x163: {  	v1 =	vadd.f32 v3, v1;
	v3 =	vld [tilespmem:$0x1FFE0];
	_ =	sdelay $0x1  }
0x164: {  	v1 =	vadd.f32 v2, v1;
	v2 =	vld [tilespmem:$0x1FFF0];
	_ =	sdelay $0x3  }
0x165: {  	v4 =	vld.idx.msk [tilespmem:v4+s26+$0x0], $0xffff;
	_ =	sdelay $0x1  }
0x166: {  	v3 =	vld.idx.msk [tilespmem:v3+s26+$0x0], $0xffff;
	_ =	sdelay $0x1  }
0x167: {  	v2 =	vld.idx.msk [tilespmem:v2+s26+$0x0], $0xffff  }
0x168: {  	v1 =	vadd.f32 v4, v1;
	_ =	sdelay $0x1  }
0x169: {  	v4 =	vor.u32 $0x2000, v0;
	v1 =	vadd.f32 v3, v1;
	_ =	sdelay $0x1  }
0x16a: {  	v5 =	vor.u32 $0x2001, v0;
	v3 =	vld [tilespmem:$0x840];
	v1 =	vadd.f32 v2, v1  }
0x16b: {  	v2 =	vld [tilespmem:$0x640]  }
0x16c: {  	v6 =	vor.u32 $0x2002, v0;
	[tilespmem:$0x18A30] =	vst v1  }
0x16d: {  	v1 =	vld.idx.msk [tilespmem:v4+s26+$0x0], $0xffff  }
0x16e: {  	v7 =	vor.u32 $0x2003, v0  }
0x16f: {  	[tilespmem:$0x1FA00] =	vst v4;
	v4 =	vld.idx.msk [tilespmem:v5+s26+$0x0], $0xffff  }
0x170: {  	[tilespmem:$0x1FA10] =	vst v5;
	v5 =	vor.u32 $0x2004, v0;
	v2 =	vsub.f32 v2, v3  }
0x171: {  	v3 =	vld.idx.msk [tilespmem:v6+s26+$0x0], $0xffff  }
0x172: {  	[tilespmem:$0x1FA20] =	vst v6;
	v6 =	vor.u32 $0x2005, v0;
	v1 =	vadd.f32 v1, v2  }
0x173: {  	v2 =	vld.idx.msk [tilespmem:v7+s26+$0x0], $0xffff  }
0x174: {  	[tilespmem:$0x1FA30] =	vst v7;
	v7 =	vor.u32 $0x2006, v0;
	v1 =	vadd.f32 v4, v1  }
0x175: {  	v4 =	vld.idx.msk [tilespmem:v5+s26+$0x0], $0xffff  }
0x176: {  	[tilespmem:$0x1FA40] =	vst v5;
	v5 =	vor.u32 $0x2007, v0;
	v1 =	vadd.f32 v3, v1  }
0x177: {  	v3 =	vld.idx.msk [tilespmem:v6+s26+$0x0], $0xffff  }
0x178: {  	[tilespmem:$0x1FA50] =	vst v6;
	v6 =	vor.u32 $0x2008, v0;
	v1 =	vadd.f32 v2, v1  }
0x179: {  	v2 =	vld.idx.msk [tilespmem:v7+s26+$0x0], $0xffff  }
0x17a: {  	[tilespmem:$0x1FA60] =	vst v7;
	v7 =	vor.u32 $0x2009, v0;
	v1 =	vadd.f32 v4, v1  }
0x17b: {  	v4 =	vld.idx.msk [tilespmem:v5+s26+$0x0], $0xffff  }
0x17c: {  	[tilespmem:$0x1FA70] =	vst v5;
	v5 =	vor.u32 $0x200A, v0;
	v1 =	vadd.f32 v3, v1  }
0x17d: {  	v3 =	vld.idx.msk [tilespmem:v6+s26+$0x0], $0xffff  }
0x17e: {  	[tilespmem:$0x1FA80] =	vst v6;
	v6 =	vor.u32 $0x200B, v0;
	v1 =	vadd.f32 v2, v1  }
0x17f: {  	v2 =	vld.idx.msk [tilespmem:v7+s26+$0x0], $0xffff  }
0x180: {  	[tilespmem:$0x1FA90] =	vst v7;
	v7 =	vor.u32 $0x200C, v0;
	v1 =	vadd.f32 v4, v1  }
0x181: {  	v4 =	vld.idx.msk [tilespmem:v5+s26+$0x0], $0xffff  }
0x182: {  	[tilespmem:$0x1FAA0] =	vst v5;
	v5 =	vor.u32 $0x200D, v0;
	v1 =	vadd.f32 v3, v1  }
0x183: {  	v3 =	vld.idx.msk [tilespmem:v6+s26+$0x0], $0xffff  }
0x184: {  	[tilespmem:$0x1FAB0] =	vst v6;
	v6 =	vor.u32 $0x200E, v0;
	v1 =	vadd.f32 v2, v1  }
0x185: {  	v2 =	vld.idx.msk [tilespmem:v7+s26+$0x0], $0xffff  }
0x186: {  	[tilespmem:$0x1FAC0] =	vst v7;
	v7 =	vor.u32 $0x200F, v0;
	v1 =	vadd.f32 v4, v1  }
0x187: {  	v4 =	vld.idx.msk [tilespmem:v5+s26+$0x0], $0xffff  }
0x188: {  	v1 =	vadd.f32 v3, v1  }
0x189: {  	v3 =	vld.idx.msk [tilespmem:v6+s26+$0x0], $0xffff  }
0x18a: {  	v1 =	vadd.f32 v2, v1  }
0x18b: {  	v2 =	vld.idx.msk [tilespmem:v7+s26+$0x0], $0xffff  }
0x18c: {  	v1 =	vadd.f32 v4, v1;
	_ =	sdelay $0x1  }
0x18d: {  	v4 =	vor.u32 $0x2800, v0;
	v1 =	vadd.f32 v3, v1;
	_ =	sdelay $0x1  }
0x18e: {  	[tilespmem:$0x1FAD0] =	vst v5;
	v5 =	vor.u32 $0x2801, v0;
	v3 =	vld [tilespmem:$0x850];
	v1 =	vadd.f32 v2, v1  }
0x18f: {  	[tilespmem:$0x1FAE0] =	vst v6;
	v2 =	vld [tilespmem:$0x650]  }
0x190: {  	v6 =	vor.u32 $0x2802, v0;
	[tilespmem:$0x18A40] =	vst v1  }
0x191: {  	v1 =	vld.idx.msk [tilespmem:v4+s26+$0x0], $0xffff  }
0x192: {  	[tilespmem:$0x1FAF0] =	vst v7;
	v7 =	vor.u32 $0x2803, v0  }
0x193: {  	[tilespmem:$0x1FB00] =	vst v4;
	v4 =	vld.idx.msk [tilespmem:v5+s26+$0x0], $0xffff  }
0x194: {  	[tilespmem:$0x1FB10] =	vst v5;
	v5 =	vor.u32 $0x2804, v0;
	v2 =	vsub.f32 v2, v3  }
0x195: {  	v3 =	vld.idx.msk [tilespmem:v6+s26+$0x0], $0xffff  }
0x196: {  	[tilespmem:$0x1FB20] =	vst v6;
	v6 =	vor.u32 $0x2805, v0;
	v1 =	vadd.f32 v1, v2  }
0x197: {  	v2 =	vld.idx.msk [tilespmem:v7+s26+$0x0], $0xffff  }
0x198: {  	[tilespmem:$0x1FB30] =	vst v7;
	v7 =	vor.u32 $0x2806, v0;
	v1 =	vadd.f32 v4, v1  }
0x199: {  	v4 =	vld.idx.msk [tilespmem:v5+s26+$0x0], $0xffff  }
0x19a: {  	[tilespmem:$0x1FB40] =	vst v5;
	v5 =	vor.u32 $0x2807, v0;
	v1 =	vadd.f32 v3, v1  }
0x19b: {  	v3 =	vld.idx.msk [tilespmem:v6+s26+$0x0], $0xffff  }
0x19c: {  	[tilespmem:$0x1FB50] =	vst v6;
	v6 =	vor.u32 $0x2808, v0;
	v1 =	vadd.f32 v2, v1  }
0x19d: {  	v2 =	vld.idx.msk [tilespmem:v7+s26+$0x0], $0xffff  }
0x19e: {  	[tilespmem:$0x1FB60] =	vst v7;
	v7 =	vor.u32 $0x2809, v0;
	v1 =	vadd.f32 v4, v1  }
0x19f: {  	v4 =	vld.idx.msk [tilespmem:v5+s26+$0x0], $0xffff  }
0x1a0: {  	[tilespmem:$0x1FB70] =	vst v5;
	v5 =	vor.u32 $0x280A, v0;
	v1 =	vadd.f32 v3, v1  }
0x1a1: {  	v3 =	vld.idx.msk [tilespmem:v6+s26+$0x0], $0xffff  }
0x1a2: {  	[tilespmem:$0x1FB80] =	vst v6;
	v6 =	vor.u32 $0x280B, v0;
	v1 =	vadd.f32 v2, v1  }
0x1a3: {  	v2 =	vld.idx.msk [tilespmem:v7+s26+$0x0], $0xffff  }
0x1a4: {  	[tilespmem:$0x1FB90] =	vst v7;
	v7 =	vor.u32 $0x280C, v0;
	v1 =	vadd.f32 v4, v1  }
0x1a5: {  	v4 =	vld.idx.msk [tilespmem:v5+s26+$0x0], $0xffff  }
0x1a6: {  	[tilespmem:$0x1FBA0] =	vst v5;
	v5 =	vor.u32 $0x280D, v0;
	v1 =	vadd.f32 v3, v1  }
0x1a7: {  	v3 =	vld.idx.msk [tilespmem:v6+s26+$0x0], $0xffff  }
0x1a8: {  	[tilespmem:$0x1FBB0] =	vst v6;
	v6 =	vor.u32 $0x280E, v0;
	v1 =	vadd.f32 v2, v1  }
0x1a9: {  	v2 =	vld.idx.msk [tilespmem:v7+s26+$0x0], $0xffff  }
0x1aa: {  	[tilespmem:$0x1FBC0] =	vst v7;
	v7 =	vor.u32 $0x280F, v0;
	v1 =	vadd.f32 v4, v1  }
0x1ab: {  	v4 =	vld.idx.msk [tilespmem:v5+s26+$0x0], $0xffff  }
0x1ac: {  	v1 =	vadd.f32 v3, v1  }
0x1ad: {  	v3 =	vld.idx.msk [tilespmem:v6+s26+$0x0], $0xffff  }
0x1ae: {  	v1 =	vadd.f32 v2, v1  }
0x1af: {  	v2 =	vld.idx.msk [tilespmem:v7+s26+$0x0], $0xffff  }
0x1b0: {  	v1 =	vadd.f32 v4, v1;
	_ =	sdelay $0x1  }
0x1b1: {  	v4 =	vor.u32 $0x3000, v0;
	v1 =	vadd.f32 v3, v1;
	_ =	sdelay $0x1  }
0x1b2: {  	v34 =	vor.u32 $0x3001, v0;
	v3 =	vld [tilespmem:$0x860];
	v1 =	vadd.f32 v2, v1  }
0x1b3: {  	v2 =	vld [tilespmem:$0x660]  }
0x1b4: {  	v35 =	vor.u32 $0x3002, v0;
	[tilespmem:$0x18A50] =	vst v1  }
0x1b5: {  	v1 =	vld.idx.msk [tilespmem:v4+s26+$0x0], $0xffff  }
0x1b6: {  	v36 =	vor.u32 $0x3003, v0  }
0x1b7: {  	[tilespmem:$0x1FC00] =	vst v4;
	v4 =	vld.idx.msk [tilespmem:v34+s26+$0x0], $0xffff  }
0x1b8: {  	v37 =	vor.u32 $0x3004, v0;
	v2 =	vsub.f32 v2, v3  }
0x1b9: {  	v3 =	vld.idx.msk [tilespmem:v35+s26+$0x0], $0xffff  }
0x1ba: {  	v38 =	vor.u32 $0x3005, v0;
	v1 =	vadd.f32 v1, v2  }
0x1bb: {  	v2 =	vld.idx.msk [tilespmem:v36+s26+$0x0], $0xffff  }
0x1bc: {  	v39 =	vor.u32 $0x3006, v0;
	v1 =	vadd.f32 v4, v1  }
0x1bd: {  	v4 =	vld.idx.msk [tilespmem:v37+s26+$0x0], $0xffff  }
0x1be: {  	v40 =	vor.u32 $0x3007, v0;
	v1 =	vadd.f32 v3, v1  }
0x1bf: {  	v3 =	vld.idx.msk [tilespmem:v38+s26+$0x0], $0xffff  }
0x1c0: {  	v41 =	vor.u32 $0x3008, v0;
	v1 =	vadd.f32 v2, v1  }
0x1c1: {  	v2 =	vld.idx.msk [tilespmem:v39+s26+$0x0], $0xffff  }
0x1c2: {  	v42 =	vor.u32 $0x3009, v0;
	v1 =	vadd.f32 v4, v1  }
0x1c3: {  	v4 =	vld.idx.msk [tilespmem:v40+s26+$0x0], $0xffff  }
0x1c4: {  	v43 =	vor.u32 $0x300A, v0;
	v1 =	vadd.f32 v3, v1  }
0x1c5: {  	v3 =	vld.idx.msk [tilespmem:v41+s26+$0x0], $0xffff  }
0x1c6: {  	v44 =	vor.u32 $0x300B, v0;
	v1 =	vadd.f32 v2, v1  }
0x1c7: {  	v2 =	vld.idx.msk [tilespmem:v42+s26+$0x0], $0xffff  }
0x1c8: {  	v45 =	vor.u32 $0x300C, v0;
	v1 =	vadd.f32 v4, v1  }
0x1c9: {  	v4 =	vld.idx.msk [tilespmem:v43+s26+$0x0], $0xffff  }
0x1ca: {  	v46 =	vor.u32 $0x300D, v0;
	v1 =	vadd.f32 v3, v1  }
0x1cb: {  	v3 =	vld.idx.msk [tilespmem:v44+s26+$0x0], $0xffff  }
0x1cc: {  	v47 =	vor.u32 $0x300E, v0;
	v1 =	vadd.f32 v2, v1  }
0x1cd: {  	v2 =	vld.idx.msk [tilespmem:v45+s26+$0x0], $0xffff  }
0x1ce: {  	v48 =	vor.u32 $0x300F, v0;
	v1 =	vadd.f32 v4, v1  }
0x1cf: {  	v4 =	vld.idx.msk [tilespmem:v46+s26+$0x0], $0xffff  }
0x1d0: {  	v1 =	vadd.f32 v3, v1  }
0x1d1: {  	v3 =	vld.idx.msk [tilespmem:v47+s26+$0x0], $0xffff  }
0x1d2: {  	v1 =	vadd.f32 v2, v1  }
0x1d3: {  	v2 =	vld.idx.msk [tilespmem:v48+s26+$0x0], $0xffff  }
0x1d4: {  	v1 =	vadd.f32 v4, v1;
	_ =	sdelay $0x1  }
0x1d5: {  	v49 =	vor.u32 $0x3800, v0;
	v1 =	vadd.f32 v3, v1;
	_ =	sdelay $0x1  }
0x1d6: {  	v50 =	vor.u32 $0x3801, v0;
	v3 =	vld [tilespmem:$0x870];
	v1 =	vadd.f32 v2, v1  }
0x1d7: {  	v2 =	vld [tilespmem:$0x670]  }
0x1d8: {  	v51 =	vor.u32 $0x3802, v0;
	[tilespmem:$0x18A60] =	vst v1  }
0x1d9: {  	v1 =	vld.idx.msk [tilespmem:v49+s26+$0x0], $0xffff  }
0x1da: {  	v52 =	vor.u32 $0x3803, v0  }
0x1db: {  	v4 =	vld.idx.msk [tilespmem:v50+s26+$0x0], $0xffff  }
0x1dc: {  	v53 =	vor.u32 $0x3804, v0;
	v2 =	vsub.f32 v2, v3  }
0x1dd: {  	v3 =	vld.idx.msk [tilespmem:v51+s26+$0x0], $0xffff  }
0x1de: {  	v54 =	vor.u32 $0x3805, v0;
	v1 =	vadd.f32 v1, v2  }
0x1df: {  	v2 =	vld.idx.msk [tilespmem:v52+s26+$0x0], $0xffff  }
0x1e0: {  	v55 =	vor.u32 $0x3806, v0;
	v1 =	vadd.f32 v4, v1  }
0x1e1: {  	v4 =	vld.idx.msk [tilespmem:v53+s26+$0x0], $0xffff  }
0x1e2: {  	v56 =	vor.u32 $0x3807, v0;
	v1 =	vadd.f32 v3, v1  }
0x1e3: {  	v3 =	vld.idx.msk [tilespmem:v54+s26+$0x0], $0xffff  }
0x1e4: {  	v57 =	vor.u32 $0x3808, v0;
	v1 =	vadd.f32 v2, v1  }
0x1e5: {  	v2 =	vld.idx.msk [tilespmem:v55+s26+$0x0], $0xffff  }
0x1e6: {  	v58 =	vor.u32 $0x3809, v0;
	v1 =	vadd.f32 v4, v1  }
0x1e7: {  	v4 =	vld.idx.msk [tilespmem:v56+s26+$0x0], $0xffff  }
0x1e8: {  	v59 =	vor.u32 $0x380A, v0;
	v1 =	vadd.f32 v3, v1  }
0x1e9: {  	v3 =	vld.idx.msk [tilespmem:v57+s26+$0x0], $0xffff  }
0x1ea: {  	v60 =	vor.u32 $0x380B, v0;
	v1 =	vadd.f32 v2, v1  }
0x1eb: {  	v2 =	vld.idx.msk [tilespmem:v58+s26+$0x0], $0xffff  }
0x1ec: {  	v61 =	vor.u32 $0x380C, v0;
	v1 =	vadd.f32 v4, v1  }
0x1ed: {  	v4 =	vld.idx.msk [tilespmem:v59+s26+$0x0], $0xffff  }
0x1ee: {  	v62 =	vor.u32 $0x380D, v0;
	v1 =	vadd.f32 v3, v1  }
0x1ef: {  	v3 =	vld.idx.msk [tilespmem:v60+s26+$0x0], $0xffff  }
0x1f0: {  	v63 =	vor.u32 $0x380E, v0;
	v1 =	vadd.f32 v2, v1  }
0x1f1: {  	v2 =	vld.idx.msk [tilespmem:v61+s26+$0x0], $0xffff  }
0x1f2: {  	v4 =	vadd.f32 v4, v1;
	v1 =	vor.u32 $0x380F, v0  }
0x1f3: {  	[tilespmem:$0x1FBD0] =	vst v5;
	v5 =	vld.idx.msk [tilespmem:v62+s26+$0x0], $0xffff  }
0x1f4: {  	v3 =	vadd.f32 v3, v4  }
0x1f5: {  	v4 =	vld.idx.msk [tilespmem:v63+s26+$0x0], $0xffff  }
0x1f6: {  	v2 =	vadd.f32 v2, v3  }
0x1f7: {  	v3 =	vld.idx.msk [tilespmem:v1+s26+$0x0], $0xffff  }
0x1f8: {  	v2 =	vadd.f32 v5, v2;
	_ =	sdelay $0x1  }
0x1f9: {  	v2 =	vadd.f32 v4, v2;
	_ =	sdelay $0x1  }
0x1fa: {  	v2 =	vadd.f32 v3, v2;
	_ =	sdelay $0x1  }
0x1fb: {  	s3 =	simm.s32 $0x100;
	[tilespmem:$0x18A70] =	vst v2  }
0x1fc: {  	[tilespmem:s17], [sflag:$0x1] =	stream.indirect.gather [hbm4b:s1+s16], $0x80, s3, s16, $0xb8;
	[tilespmem:$0x1CC00] =	vst v63  }
0x1fd: {  	s4 =	simm.s32 $0x300;
	[tilespmem:$0x1FBE0] =	vst v6  }
0x1fe: {  	[tilespmem:s18], [sflag:$0x1] =	stream.indirect.gather [hbm4b:s2+s16], $0x80, s4, s16, $0xb8;
	[tilespmem:$0x1CC00] =	vst v63  }
0x1ff: {  	[tilespmem:$0x1FBF0] =	vst v7;
	s4 =	simm.s32 $0x500  }
0x200: {  	[tilespmem:s19], [sflag:$0x1] =	stream.indirect.gather [hbm4b:s2+s16], $0x80, s4, s16, $0xb8;
	[tilespmem:$0x1CC00] =	vst v63  }
0x201: {  	_ =	swait.ge [sflag:s31], $0x4000  }
0x202: {  	[sflag:s31] =	ssyncset.done $0x0  }
0x203: {  	[sflag:s31] =	ssyncadd.s32 $0xFFFFC000  }
0x204: {  	_ =	swait.ge [sflag:s31], $0x4000  }
0x205: {  	[sflag:s31] =	ssyncset.done $0x0  }
0x206: {  	[sflag:s31] =	ssyncadd.s32 $0xFFFFC000  }
0x207: {  	_ =	swait.ge [sflag:s31], $0x4000  }
0x208: {  	[sflag:s31] =	ssyncset.done $0x0  }
0x209: {  	[sflag:s31] =	ssyncadd.s32 $0xFFFFC000  }
0x20a: {  	v2 =	vld [tilespmem:s14+$0x0]  }
0x20b: {  	v3 =	vld [tilespmem:s14+$0x10]  }
0x20c: {  	v4 =	vld [tilespmem:s14+$0x20]  }
0x20d: {  	v5 =	vld [tilespmem:s14+$0x30]  }
0x20e: {  	v6 =	vld [tilespmem:s14+$0x40]  }
0x20f: {  	s28 =	simm.s32 $0x10A80;
	v7 =	vld [tilespmem:s14+$0x50]  }
0x210: {  	s29 =	simm.s32 $0x14A80;
	v8 =	vld [tilespmem:s28+$0x0]  }
0x211: {  	v9 =	vld [tilespmem:s29+$0x0]  }
0x212: {  	v10 =	vld [tilespmem:s28+$0x10]  }
0x213: {  	v11 =	vld [tilespmem:s29+$0x10]  }
0x214: {  	v12 =	vld [tilespmem:s28+$0x20]  }
0x215: {  	v13 =	vld [tilespmem:s29+$0x20]  }
0x216: {  	v14 =	vld [tilespmem:s28+$0x30]  }
0x217: {  	v15 =	vld [tilespmem:s29+$0x30]  }
0x218: {  	v16 =	vld [tilespmem:s28+$0x40]  }
0x219: {  	v17 =	vld [tilespmem:s29+$0x40]  }
0x21a: {  	v18 =	vld [tilespmem:s28+$0x50]  }
0x21b: {  	v19 =	vld [tilespmem:s29+$0x50]  }
0x21c: {  	v20 =	vld [tilespmem:s28+$0x60]  }
0x21d: {  	v21 =	vld [tilespmem:s29+$0x60]  }
0x21e: {  	v22 =	vld [tilespmem:s28+$0x70]  }
0x21f: {  	v23 =	vld [tilespmem:s29+$0x70]  }
0x220: {  	v24 =	vld [tilespmem:s14+$0x60]  }
0x221: {  	v25 =	vld [tilespmem:s14+$0x70]  }
0x222: {  	v26 =	vld [tilespmem:s28+$0xFFFFFF80]  }
0x223: {  	v27 =	vld [tilespmem:s29+$0xFFFFFF80]  }
0x224: {  	v28 =	vld [tilespmem:s28+$0xFFFFFF90]  }
0x225: {  	v29 =	vld [tilespmem:s29+$0xFFFFFF90]  }
0x226: {  	v30 =	vld [tilespmem:s28+$0xFFFFFFA0]  }
0x227: {  	v31 =	vld [tilespmem:s29+$0xFFFFFFA0]  }
0x228: {  	v32 =	vld [tilespmem:s28+$0xFFFFFFB0]  }
0x229: {  	v33 =	vld [tilespmem:s29+$0xFFFFFFB0]  }
0x22a: {  	v8 =	vsub.f32 v8, v9;
	v9 =	vsub.f32 v10, v11;
	v10 =	vld [tilespmem:s28+$0xFFFFFFC0]  }
0x22b: {  	v11 =	vsub.f32 v12, v13;
	v13 =	vld [tilespmem:s29+$0xFFFFFFC0]  }
0x22c: {  	v12 =	vsub.f32 v14, v15;
	v14 =	vsub.f32 v16, v17;
	v16 =	vld [tilespmem:s28+$0xFFFFFFD0]  }
0x22d: {  	v15 =	vsub.f32 v18, v19;
	v17 =	vld [tilespmem:s29+$0xFFFFFFD0]  }
0x22e: {  	v18 =	vld [tilespmem:s14+$0xFFFFFF90];
	v2 =	vmul.f32 v8, v2;
	v3 =	vmul.f32 v9, v3;
	v8 =	vsub.f32 v20, v21  }
0x22f: {  	v19 =	vld [tilespmem:s14+$0xFFFFFFA0];
	v4 =	vmul.f32 v11, v4;
	v5 =	vmul.f32 v12, v5;
	v9 =	vsub.f32 v22, v23  }
0x230: {  	v11 =	vld [tilespmem:s28+$0xFFFFFFE0];
	v6 =	vmul.f32 v14, v6;
	v7 =	vmul.f32 v15, v7  }
0x231: {  	v12 =	vld [tilespmem:s29+$0xFFFFFFE0];
	v8 =	vmul.f32 v8, v24;
	v9 =	vmul.f32 v9, v25  }
0x232: {  	v14 =	vld [tilespmem:s28+$0xFFFFFFF0];
	v2 =	vadd.f32 v3, v2;
	v3 =	vadd.f32 v5, v4  }
0x233: {  	v15 =	vld [tilespmem:s29+$0xFFFFFFF0];
	v4 =	vadd.f32 v7, v6;
	v5 =	vadd.f32 v9, v8  }
0x234: {  	v29 =	vsub.f32 v28, v29;
	v30 =	vsub.f32 v30, v31;
	v20 =	vld [tilespmem:s14+$0xFFFFFFB0]  }
0x235: {  	v7 =	vld [tilespmem:s14+$0xFFFFFFC0];
	v3 =	vadd.f32 v3, v2;
	v4 =	vadd.f32 v5, v4  }
0x236: {  	v33 =	vsub.f32 v32, v33;
	v2 =	vsub.f32 v26, v27;
	v8 =	vld [tilespmem:s14+$0xFFFFFFD0]  }
0x237: {  	v9 =	vld [tilespmem:s14+$0xFFFFFFE0];
	v6 =	vsub.f32 v11, v12;
	v31 =	vadd.f32 v4, v3  }
0x238: {  	s30 =	simm.s32 $0x18C80;
	v11 =	vld [tilespmem:s14+$0xFFFFFFF0];
	v5 =	vsub.f32 v16, v17;
	v4 =	vsub.f32 v10, v13;
	v3 =	vmul.f32 v29, v18  }
0x239: {  	s3 =	simm.s32 $0x0;
	s4 =	simm.s32 $0xCB80;
	v12 =	vld [tilespmem:s14+$0xFFFFFF80];
	v10 =	vsub.f32 v14, v15;
	v13 =	vmul.f32 v30, v19;
	v14 =	vmul.f32 v33, v20;
	[tilespmem:s30+$0x0] =	vst v31  }
.LBB2_4:
0x23a: {  	v15 =	vld [tilespmem:s4+$0x0];
	v4 =	vmul.f32 v4, v7  }
0x23b: {  	v7 =	vld [tilespmem:s4+$0x10];
	v5 =	vmul.f32 v5, v8;
	v8 =	vadd.f32 v14, v13  }
0x23c: {  	v13 =	vld [tilespmem:s4+$0x20];
	v6 =	vmul.f32 v6, v9  }
0x23d: {  	v9 =	vld [tilespmem:s4+$0x30];
	v10 =	vmul.f32 v10, v11;
	v4 =	vadd.f32 v5, v4  }
0x23e: {  	v5 =	vld [tilespmem:s4+$0x40];
	v2 =	vmul.f32 v2, v12  }
0x23f: {  	s28 =	sadd.s32 $0x100, s28;
	v11 =	vld [tilespmem:s4+$0x50];
	v6 =	vadd.f32 v10, v6  }
0x240: {  	s29 =	sadd.s32 $0x100, s29;
	v10 =	vld [tilespmem:s28+$0x0];
	v2 =	vadd.f32 v3, v2  }
0x241: {  	v3 =	vld [tilespmem:s29+$0x0];
	v4 =	vadd.f32 v6, v4  }
0x242: {  	v6 =	vld [tilespmem:s28+$0x10];
	v2 =	vadd.f32 v8, v2  }
0x243: {  	v8 =	vld [tilespmem:s29+$0x10]  }
0x244: {  	v12 =	vld [tilespmem:s28+$0x20];
	v2 =	vadd.f32 v4, v2  }
0x245: {  	v4 =	vld [tilespmem:s29+$0x20]  }
0x246: {  	v14 =	vld [tilespmem:s28+$0x30];
	[tilespmem:s30+$0xFFFFFF80] =	vst v2  }
0x247: {  	v2 =	vld [tilespmem:s29+$0x30]  }
0x248: {  	v16 =	vld [tilespmem:s28+$0x40]  }
0x249: {  	v17 =	vld [tilespmem:s29+$0x40]  }
0x24a: {  	v18 =	vld [tilespmem:s28+$0x50]  }
0x24b: {  	v19 =	vld [tilespmem:s29+$0x50]  }
0x24c: {  	v20 =	vld [tilespmem:s28+$0x60]  }
0x24d: {  	v21 =	vld [tilespmem:s29+$0x60]  }
0x24e: {  	v22 =	vld [tilespmem:s28+$0x70]  }
0x24f: {  	s3 =	sadd.s32 $0x2, s3;
	v23 =	vld [tilespmem:s29+$0x70]  }
0x250: {  	p0 =	slt.u32 s3, $0x7E;
	v3 =	vsub.f32 v10, v3;
	v6 =	vsub.f32 v6, v8;
	v8 =	vld [tilespmem:s4+$0x60]  }
0x251: {  	v4 =	vsub.f32 v12, v4;
	v2 =	vsub.f32 v14, v2;
	v10 =	vld [tilespmem:s4+$0x70]  }
0x252: {  	v14 =	vsub.f32 v16, v17;
	v16 =	vsub.f32 v18, v19;
	v12 =	vld [tilespmem:s28+$0xFFFFFF80]  }
0x253: {  	v3 =	vmul.f32 v3, v15;
	v6 =	vmul.f32 v6, v7;
	v7 =	vsub.f32 v20, v21;
	v17 =	vld [tilespmem:s29+$0xFFFFFF80]  }
0x254: {  	v4 =	vmul.f32 v4, v13;
	v2 =	vmul.f32 v2, v9;
	v15 =	vld [tilespmem:s28+$0xFFFFFF90];
	v9 =	vsub.f32 v22, v23  }
0x255: {  	v5 =	vmul.f32 v14, v5;
	v11 =	vmul.f32 v16, v11;
	v13 =	vld [tilespmem:s29+$0xFFFFFF90]  }
0x256: {  	v7 =	vmul.f32 v7, v8;
	v14 =	vld [tilespmem:s28+$0xFFFFFFA0];
	v8 =	vmul.f32 v9, v10  }
0x257: {  	v3 =	vadd.f32 v6, v3;
	v4 =	vadd.f32 v2, v4;
	v9 =	vld [tilespmem:s29+$0xFFFFFFA0]  }
0x258: {  	v5 =	vadd.f32 v11, v5;
	v6 =	vld [tilespmem:s28+$0xFFFFFFB0];
	v7 =	vadd.f32 v8, v7  }
0x259: {  	v2 =	vsub.f32 v12, v17;
	v8 =	vld [tilespmem:s29+$0xFFFFFFB0]  }
0x25a: {  	v3 =	vadd.f32 v4, v3;
	v10 =	vld [tilespmem:s28+$0xFFFFFFC0];
	v4 =	vadd.f32 v7, v5  }
0x25b: {  	v11 =	vsub.f32 v15, v13;
	v5 =	vld [tilespmem:s29+$0xFFFFFFC0]  }
0x25c: {  	v12 =	vsub.f32 v14, v9;
	v7 =	vld [tilespmem:s28+$0xFFFFFFD0];
	v3 =	vadd.f32 v4, v3  }
0x25d: {  	s30 =	sadd.s32 $0x100, s30;
	v9 =	vld [tilespmem:s29+$0xFFFFFFD0]  }
0x25e: {  	v14 =	vsub.f32 v6, v8;
	v6 =	vld [tilespmem:s28+$0xFFFFFFE0];
	[tilespmem:s30+$0x0] =	vst v3  }
0x25f: {  	v3 =	vld [tilespmem:s29+$0xFFFFFFE0]  }
0x260: {  	v4 =	vsub.f32 v10, v5;
	v10 =	vld [tilespmem:s28+$0xFFFFFFF0]  }
0x261: {  	v13 =	vld [tilespmem:s29+$0xFFFFFFF0]  }
0x262: {  	v15 =	vld [tilespmem:s4+$0xFFFFFF90];
	v5 =	vsub.f32 v7, v9  }
0x263: {  	v16 =	vld [tilespmem:s4+$0xFFFFFFA0]  }
0x264: {  	v17 =	vld [tilespmem:s4+$0xFFFFFFB0];
	v6 =	vsub.f32 v6, v3  }
.Ltmp1:
0x265: {  	v7 =	vld [tilespmem:s4+$0xFFFFFFC0];
	(pc) =	sbr.rel @p0 .LBB2_4-.Ltmp1, $4  }
0x266: {  	v8 =	vld [tilespmem:s4+$0xFFFFFFD0];
	v10 =	vsub.f32 v10, v13  }
0x267: {  	v3 =	vmul.f32 v11, v15;
	v9 =	vld [tilespmem:s4+$0xFFFFFFE0]  }
0x268: {  	v13 =	vmul.f32 v12, v16;
	v11 =	vld [tilespmem:s4+$0xFFFFFFF0]  }
0x269: {  	v12 =	vld [tilespmem:s4+$0xFFFFFF80];
	v14 =	vmul.f32 v14, v17;
	s4 =	sadd.s32 $0x100, s4  }
0x26a: {  	_ =	sdelay $0x1  }
0x26b: {  	v4 =	vmul.f32 v4, v7  }
0x26c: {  	v5 =	vmul.f32 v5, v8;
	v6 =	vmul.f32 v6, v9  }
0x26d: {  	v7 =	vmul.f32 v10, v11;
	v2 =	vmul.f32 v2, v12  }
0x26e: {  	v8 =	vadd.f32 v14, v13;
	v4 =	vadd.f32 v5, v4  }
0x26f: {  	v5 =	vadd.f32 v7, v6;
	v2 =	vadd.f32 v3, v2;
	_ =	sdelay $0x1  }
0x270: {  	v3 =	vadd.f32 v5, v4;
	v2 =	vadd.f32 v8, v2;
	_ =	sdelay $0x1  }
0x271: {  	v2 =	vadd.f32 v3, v2;
	_ =	sdelay $0x1  }
0x272: {  	[tilespmem:s30+$0xFFFFFF80] =	vst v2  }
0x273: {  	v2 =	vld [tilespmem:$0x680]  }
0x274: {  	v3 =	vld [tilespmem:$0x880];
	_ =	sdelay $0x1  }
0x275: {  	v4 =	vld.idx.msk [tilespmem:v0+s26+$0x0], $0xffff  }
0x276: {  	v5 =	vld [tilespmem:$0x1FC10];
	_ =	sdelay $0x1  }
0x277: {  	v2 =	vsub.f32 v2, v3;
	v3 =	vld [tilespmem:$0x1FC20];
	_ =	sdelay $0x1  }
0x278: {  	v2 =	vadd.f32 v4, v2;
	v4 =	vld [tilespmem:$0x1FC30];
	_ =	sdelay $0x3  }
0x279: {  	v5 =	vld.idx.msk [tilespmem:v5+s26+$0x0], $0xffff;
	_ =	sdelay $0x1  }
0x27a: {  	v3 =	vld.idx.msk [tilespmem:v3+s26+$0x0], $0xffff;
	_ =	sdelay $0x1  }
0x27b: {  	v4 =	vld.idx.msk [tilespmem:v4+s26+$0x0], $0xffff  }
0x27c: {  	v2 =	vadd.f32 v5, v2;
	v5 =	vld [tilespmem:$0x1FC40];
	_ =	sdelay $0x1  }
0x27d: {  	v2 =	vadd.f32 v3, v2;
	v3 =	vld [tilespmem:$0x1FC50];
	_ =	sdelay $0x1  }
0x27e: {  	v2 =	vadd.f32 v4, v2;
	v4 =	vld [tilespmem:$0x1FC60];
	_ =	sdelay $0x3  }
0x27f: {  	v5 =	vld.idx.msk [tilespmem:v5+s26+$0x0], $0xffff;
	_ =	sdelay $0x1  }
0x280: {  	v3 =	vld.idx.msk [tilespmem:v3+s26+$0x0], $0xffff;
	_ =	sdelay $0x1  }
0x281: {  	v4 =	vld.idx.msk [tilespmem:v4+s26+$0x0], $0xffff  }
0x282: {  	v2 =	vadd.f32 v5, v2;
	v5 =	vld [tilespmem:$0x1FC70];
	_ =	sdelay $0x1  }
0x283: {  	v2 =	vadd.f32 v3, v2;
	v3 =	vld [tilespmem:$0x1FC80];
	_ =	sdelay $0x1  }
0x284: {  	v2 =	vadd.f32 v4, v2;
	v4 =	vld [tilespmem:$0x1FC90];
	_ =	sdelay $0x3  }
0x285: {  	v5 =	vld.idx.msk [tilespmem:v5+s26+$0x0], $0xffff;
	_ =	sdelay $0x1  }
0x286: {  	v3 =	vld.idx.msk [tilespmem:v3+s26+$0x0], $0xffff;
	_ =	sdelay $0x1  }
0x287: {  	v4 =	vld.idx.msk [tilespmem:v4+s26+$0x0], $0xffff  }
0x288: {  	v2 =	vadd.f32 v5, v2;
	v5 =	vld [tilespmem:$0x1FCA0];
	_ =	sdelay $0x1  }
0x289: {  	v2 =	vadd.f32 v3, v2;
	v3 =	vld [tilespmem:$0x1FCB0];
	_ =	sdelay $0x1  }
0x28a: {  	v2 =	vadd.f32 v4, v2;
	v4 =	vld [tilespmem:$0x1FCC0];
	_ =	sdelay $0x3  }
0x28b: {  	v5 =	vld.idx.msk [tilespmem:v5+s26+$0x0], $0xffff;
	_ =	sdelay $0x1  }
0x28c: {  	v3 =	vld.idx.msk [tilespmem:v3+s26+$0x0], $0xffff;
	_ =	sdelay $0x1  }
0x28d: {  	v4 =	vld.idx.msk [tilespmem:v4+s26+$0x0], $0xffff  }
0x28e: {  	v2 =	vadd.f32 v5, v2;
	v5 =	vld [tilespmem:$0x1FCD0];
	_ =	sdelay $0x1  }
0x28f: {  	v2 =	vadd.f32 v3, v2;
	v3 =	vld [tilespmem:$0x1FCE0];
	_ =	sdelay $0x1  }
0x290: {  	v2 =	vadd.f32 v4, v2;
	v4 =	vld [tilespmem:$0x1FCF0];
	_ =	sdelay $0x3  }
0x291: {  	v5 =	vld.idx.msk [tilespmem:v5+s26+$0x0], $0xffff;
	_ =	sdelay $0x1  }
0x292: {  	v3 =	vld.idx.msk [tilespmem:v3+s26+$0x0], $0xffff;
	_ =	sdelay $0x1  }
0x293: {  	v4 =	vld.idx.msk [tilespmem:v4+s26+$0x0], $0xffff  }
0x294: {  	v2 =	vadd.f32 v5, v2;
	_ =	sdelay $0x1  }
0x295: {  	v2 =	vadd.f32 v3, v2;
	_ =	sdelay $0x1  }
0x296: {  	v2 =	vadd.f32 v4, v2;
	_ =	sdelay $0x1  }
0x297: {  	[tilespmem:$0x18A80] =	vst v2;
	v2 =	vld [tilespmem:$0x1FD00];
	_ =	sdelay $0x4  }
0x298: {  	v3 =	vld [tilespmem:$0x690]  }
0x299: {  	v4 =	vld [tilespmem:$0x890];
	_ =	sdelay $0x1  }
0x29a: {  	v2 =	vld.idx.msk [tilespmem:v2+s26+$0x0], $0xffff  }
0x29b: {  	v5 =	vld [tilespmem:$0x1FD10];
	_ =	sdelay $0x1  }
0x29c: {  	v3 =	vsub.f32 v3, v4;
	v4 =	vld [tilespmem:$0x1FD20];
	_ =	sdelay $0x1  }
0x29d: {  	v2 =	vadd.f32 v2, v3;
	v3 =	vld [tilespmem:$0x1FD30];
	_ =	sdelay $0x3  }
0x29e: {  	v5 =	vld.idx.msk [tilespmem:v5+s26+$0x0], $0xffff;
	_ =	sdelay $0x1  }
0x29f: {  	v4 =	vld.idx.msk [tilespmem:v4+s26+$0x0], $0xffff;
	_ =	sdelay $0x1  }
0x2a0: {  	v3 =	vld.idx.msk [tilespmem:v3+s26+$0x0], $0xffff  }
0x2a1: {  	v2 =	vadd.f32 v5, v2;
	v5 =	vld [tilespmem:$0x1FD40];
	_ =	sdelay $0x1  }
0x2a2: {  	v2 =	vadd.f32 v4, v2;
	v4 =	vld [tilespmem:$0x1FD50];
	_ =	sdelay $0x1  }
0x2a3: {  	v2 =	vadd.f32 v3, v2;
	v3 =	vld [tilespmem:$0x1FD60];
	_ =	sdelay $0x3  }
0x2a4: {  	v5 =	vld.idx.msk [tilespmem:v5+s26+$0x0], $0xffff;
	_ =	sdelay $0x1  }
0x2a5: {  	v4 =	vld.idx.msk [tilespmem:v4+s26+$0x0], $0xffff;
	_ =	sdelay $0x1  }
0x2a6: {  	v3 =	vld.idx.msk [tilespmem:v3+s26+$0x0], $0xffff  }
0x2a7: {  	v2 =	vadd.f32 v5, v2;
	v5 =	vld [tilespmem:$0x1FD70];
	_ =	sdelay $0x1  }
0x2a8: {  	v2 =	vadd.f32 v4, v2;
	v4 =	vld [tilespmem:$0x1FD80];
	_ =	sdelay $0x1  }
0x2a9: {  	v2 =	vadd.f32 v3, v2;
	v3 =	vld [tilespmem:$0x1FD90];
	_ =	sdelay $0x3  }
0x2aa: {  	v5 =	vld.idx.msk [tilespmem:v5+s26+$0x0], $0xffff;
	_ =	sdelay $0x1  }
0x2ab: {  	v4 =	vld.idx.msk [tilespmem:v4+s26+$0x0], $0xffff;
	_ =	sdelay $0x1  }
0x2ac: {  	v3 =	vld.idx.msk [tilespmem:v3+s26+$0x0], $0xffff  }
0x2ad: {  	v2 =	vadd.f32 v5, v2;
	v5 =	vld [tilespmem:$0x1FDA0];
	_ =	sdelay $0x1  }
0x2ae: {  	v2 =	vadd.f32 v4, v2;
	v4 =	vld [tilespmem:$0x1FDB0];
	_ =	sdelay $0x1  }
0x2af: {  	v2 =	vadd.f32 v3, v2;
	v3 =	vld [tilespmem:$0x1FDC0];
	_ =	sdelay $0x3  }
0x2b0: {  	v5 =	vld.idx.msk [tilespmem:v5+s26+$0x0], $0xffff;
	_ =	sdelay $0x1  }
0x2b1: {  	v4 =	vld.idx.msk [tilespmem:v4+s26+$0x0], $0xffff;
	_ =	sdelay $0x1  }
0x2b2: {  	v3 =	vld.idx.msk [tilespmem:v3+s26+$0x0], $0xffff  }
0x2b3: {  	v2 =	vadd.f32 v5, v2;
	v5 =	vld [tilespmem:$0x1FDD0];
	_ =	sdelay $0x1  }
0x2b4: {  	v2 =	vadd.f32 v4, v2;
	v4 =	vld [tilespmem:$0x1FDE0];
	_ =	sdelay $0x1  }
0x2b5: {  	v2 =	vadd.f32 v3, v2;
	v3 =	vld [tilespmem:$0x1FDF0];
	_ =	sdelay $0x3  }
0x2b6: {  	v5 =	vld.idx.msk [tilespmem:v5+s26+$0x0], $0xffff;
	_ =	sdelay $0x1  }
0x2b7: {  	v4 =	vld.idx.msk [tilespmem:v4+s26+$0x0], $0xffff;
	_ =	sdelay $0x1  }
0x2b8: {  	v3 =	vld.idx.msk [tilespmem:v3+s26+$0x0], $0xffff  }
0x2b9: {  	v2 =	vadd.f32 v5, v2;
	_ =	sdelay $0x1  }
0x2ba: {  	v2 =	vadd.f32 v4, v2;
	_ =	sdelay $0x1  }
0x2bb: {  	v2 =	vadd.f32 v3, v2;
	_ =	sdelay $0x1  }
0x2bc: {  	[tilespmem:$0x18A90] =	vst v2;
	v2 =	vld [tilespmem:$0x1FE00];
	_ =	sdelay $0x4  }
0x2bd: {  	v4 =	vld [tilespmem:$0x8A0]  }
0x2be: {  	v3 =	vld [tilespmem:$0x6A0];
	_ =	sdelay $0x1  }
0x2bf: {  	v2 =	vld.idx.msk [tilespmem:v2+s26+$0x0], $0xffff  }
0x2c0: {  	v5 =	vld [tilespmem:$0x1FE10];
	_ =	sdelay $0x1  }
0x2c1: {  	v3 =	vsub.f32 v3, v4;
	v4 =	vld [tilespmem:$0x1FE20];
	_ =	sdelay $0x1  }
0x2c2: {  	v2 =	vadd.f32 v2, v3;
	v3 =	vld [tilespmem:$0x1FE30];
	_ =	sdelay $0x3  }
0x2c3: {  	v5 =	vld.idx.msk [tilespmem:v5+s26+$0x0], $0xffff;
	_ =	sdelay $0x1  }
0x2c4: {  	v4 =	vld.idx.msk [tilespmem:v4+s26+$0x0], $0xffff;
	_ =	sdelay $0x1  }
0x2c5: {  	v3 =	vld.idx.msk [tilespmem:v3+s26+$0x0], $0xffff  }
0x2c6: {  	v2 =	vadd.f32 v5, v2;
	v5 =	vld [tilespmem:$0x1FE40];
	_ =	sdelay $0x1  }
0x2c7: {  	v2 =	vadd.f32 v4, v2;
	v4 =	vld [tilespmem:$0x1FE50];
	_ =	sdelay $0x1  }
0x2c8: {  	v2 =	vadd.f32 v3, v2;
	v3 =	vld [tilespmem:$0x1FE60];
	_ =	sdelay $0x3  }
0x2c9: {  	v5 =	vld.idx.msk [tilespmem:v5+s26+$0x0], $0xffff;
	_ =	sdelay $0x1  }
0x2ca: {  	v4 =	vld.idx.msk [tilespmem:v4+s26+$0x0], $0xffff;
	_ =	sdelay $0x1  }
0x2cb: {  	v3 =	vld.idx.msk [tilespmem:v3+s26+$0x0], $0xffff  }
0x2cc: {  	v2 =	vadd.f32 v5, v2;
	v5 =	vld [tilespmem:$0x1FE70];
	_ =	sdelay $0x1  }
0x2cd: {  	v2 =	vadd.f32 v4, v2;
	v4 =	vld [tilespmem:$0x1FE80];
	_ =	sdelay $0x1  }
0x2ce: {  	v2 =	vadd.f32 v3, v2;
	v3 =	vld [tilespmem:$0x1FE90];
	_ =	sdelay $0x3  }
0x2cf: {  	v5 =	vld.idx.msk [tilespmem:v5+s26+$0x0], $0xffff;
	_ =	sdelay $0x1  }
0x2d0: {  	v4 =	vld.idx.msk [tilespmem:v4+s26+$0x0], $0xffff;
	_ =	sdelay $0x1  }
0x2d1: {  	v3 =	vld.idx.msk [tilespmem:v3+s26+$0x0], $0xffff  }
0x2d2: {  	v2 =	vadd.f32 v5, v2;
	v5 =	vld [tilespmem:$0x1FEA0];
	_ =	sdelay $0x1  }
0x2d3: {  	v2 =	vadd.f32 v4, v2;
	v4 =	vld [tilespmem:$0x1FEB0];
	_ =	sdelay $0x1  }
0x2d4: {  	v2 =	vadd.f32 v3, v2;
	v3 =	vld [tilespmem:$0x1FEC0];
	_ =	sdelay $0x3  }
0x2d5: {  	v5 =	vld.idx.msk [tilespmem:v5+s26+$0x0], $0xffff;
	_ =	sdelay $0x1  }
0x2d6: {  	v4 =	vld.idx.msk [tilespmem:v4+s26+$0x0], $0xffff;
	_ =	sdelay $0x1  }
0x2d7: {  	v3 =	vld.idx.msk [tilespmem:v3+s26+$0x0], $0xffff  }
0x2d8: {  	v2 =	vadd.f32 v5, v2;
	v5 =	vld [tilespmem:$0x1FED0];
	_ =	sdelay $0x1  }
0x2d9: {  	v2 =	vadd.f32 v4, v2;
	v4 =	vld [tilespmem:$0x1FEE0];
	_ =	sdelay $0x1  }
0x2da: {  	v2 =	vadd.f32 v3, v2;
	v3 =	vld [tilespmem:$0x1FEF0];
	_ =	sdelay $0x3  }
0x2db: {  	v5 =	vld.idx.msk [tilespmem:v5+s26+$0x0], $0xffff;
	_ =	sdelay $0x1  }
0x2dc: {  	v4 =	vld.idx.msk [tilespmem:v4+s26+$0x0], $0xffff;
	_ =	sdelay $0x1  }
0x2dd: {  	v3 =	vld.idx.msk [tilespmem:v3+s26+$0x0], $0xffff  }
0x2de: {  	v2 =	vadd.f32 v5, v2;
	_ =	sdelay $0x1  }
0x2df: {  	v2 =	vadd.f32 v4, v2;
	_ =	sdelay $0x1  }
0x2e0: {  	v2 =	vadd.f32 v3, v2;
	_ =	sdelay $0x1  }
0x2e1: {  	[tilespmem:$0x18AA0] =	vst v2;
	v2 =	vld [tilespmem:$0x1FF00];
	_ =	sdelay $0x4  }
0x2e2: {  	v4 =	vld [tilespmem:$0x8B0]  }
0x2e3: {  	v3 =	vld [tilespmem:$0x6B0];
	_ =	sdelay $0x1  }
0x2e4: {  	v2 =	vld.idx.msk [tilespmem:v2+s26+$0x0], $0xffff  }
0x2e5: {  	v5 =	vld [tilespmem:$0x1FF10];
	_ =	sdelay $0x1  }
0x2e6: {  	v3 =	vsub.f32 v3, v4;
	v4 =	vld [tilespmem:$0x1FF20];
	_ =	sdelay $0x1  }
0x2e7: {  	v2 =	vadd.f32 v2, v3;
	v3 =	vld [tilespmem:$0x1FF30];
	_ =	sdelay $0x3  }
0x2e8: {  	v5 =	vld.idx.msk [tilespmem:v5+s26+$0x0], $0xffff;
	_ =	sdelay $0x1  }
0x2e9: {  	v4 =	vld.idx.msk [tilespmem:v4+s26+$0x0], $0xffff;
	_ =	sdelay $0x1  }
0x2ea: {  	v3 =	vld.idx.msk [tilespmem:v3+s26+$0x0], $0xffff  }
0x2eb: {  	v2 =	vadd.f32 v5, v2;
	v5 =	vld [tilespmem:$0x1FF40];
	_ =	sdelay $0x1  }
0x2ec: {  	v2 =	vadd.f32 v4, v2;
	v4 =	vld [tilespmem:$0x1FF50];
	_ =	sdelay $0x1  }
0x2ed: {  	v2 =	vadd.f32 v3, v2;
	v3 =	vld [tilespmem:$0x1FF60];
	_ =	sdelay $0x3  }
0x2ee: {  	v5 =	vld.idx.msk [tilespmem:v5+s26+$0x0], $0xffff;
	_ =	sdelay $0x1  }
0x2ef: {  	v4 =	vld.idx.msk [tilespmem:v4+s26+$0x0], $0xffff;
	_ =	sdelay $0x1  }
0x2f0: {  	v3 =	vld.idx.msk [tilespmem:v3+s26+$0x0], $0xffff  }
0x2f1: {  	v2 =	vadd.f32 v5, v2;
	v5 =	vld [tilespmem:$0x1FF70];
	_ =	sdelay $0x1  }
0x2f2: {  	v2 =	vadd.f32 v4, v2;
	v4 =	vld [tilespmem:$0x1FF80];
	_ =	sdelay $0x1  }
0x2f3: {  	v2 =	vadd.f32 v3, v2;
	v3 =	vld [tilespmem:$0x1FF90];
	_ =	sdelay $0x3  }
0x2f4: {  	v5 =	vld.idx.msk [tilespmem:v5+s26+$0x0], $0xffff;
	_ =	sdelay $0x1  }
0x2f5: {  	v4 =	vld.idx.msk [tilespmem:v4+s26+$0x0], $0xffff;
	_ =	sdelay $0x1  }
0x2f6: {  	v3 =	vld.idx.msk [tilespmem:v3+s26+$0x0], $0xffff  }
0x2f7: {  	v2 =	vadd.f32 v5, v2;
	v5 =	vld [tilespmem:$0x1FFA0];
	_ =	sdelay $0x1  }
0x2f8: {  	v2 =	vadd.f32 v4, v2;
	v4 =	vld [tilespmem:$0x1FFB0];
	_ =	sdelay $0x1  }
0x2f9: {  	v2 =	vadd.f32 v3, v2;
	v3 =	vld [tilespmem:$0x1FFC0];
	_ =	sdelay $0x3  }
0x2fa: {  	v5 =	vld.idx.msk [tilespmem:v5+s26+$0x0], $0xffff;
	_ =	sdelay $0x1  }
0x2fb: {  	v4 =	vld.idx.msk [tilespmem:v4+s26+$0x0], $0xffff;
	_ =	sdelay $0x1  }
0x2fc: {  	v3 =	vld.idx.msk [tilespmem:v3+s26+$0x0], $0xffff  }
0x2fd: {  	v2 =	vadd.f32 v5, v2;
	v5 =	vld [tilespmem:$0x1FFD0];
	_ =	sdelay $0x1  }
0x2fe: {  	v2 =	vadd.f32 v4, v2;
	v4 =	vld [tilespmem:$0x1FFE0];
	_ =	sdelay $0x1  }
0x2ff: {  	v2 =	vadd.f32 v3, v2;
	v3 =	vld [tilespmem:$0x1FFF0];
	_ =	sdelay $0x3  }
0x300: {  	v5 =	vld.idx.msk [tilespmem:v5+s26+$0x0], $0xffff;
	_ =	sdelay $0x1  }
0x301: {  	v4 =	vld.idx.msk [tilespmem:v4+s26+$0x0], $0xffff;
	_ =	sdelay $0x1  }
0x302: {  	v3 =	vld.idx.msk [tilespmem:v3+s26+$0x0], $0xffff  }
0x303: {  	v2 =	vadd.f32 v5, v2;
	_ =	sdelay $0x1  }
0x304: {  	v2 =	vadd.f32 v4, v2;
	_ =	sdelay $0x1  }
0x305: {  	v2 =	vadd.f32 v3, v2;
	_ =	sdelay $0x1  }
0x306: {  	[tilespmem:$0x18AB0] =	vst v2;
	v2 =	vld [tilespmem:$0x1FA00];
	_ =	sdelay $0x4  }
0x307: {  	v4 =	vld [tilespmem:$0x8C0]  }
0x308: {  	v3 =	vld [tilespmem:$0x6C0];
	_ =	sdelay $0x1  }
0x309: {  	v2 =	vld.idx.msk [tilespmem:v2+s26+$0x0], $0xffff  }
0x30a: {  	v5 =	vld [tilespmem:$0x1FA10];
	_ =	sdelay $0x1  }
0x30b: {  	v3 =	vsub.f32 v3, v4;
	v4 =	vld [tilespmem:$0x1FA20];
	_ =	sdelay $0x1  }
0x30c: {  	v2 =	vadd.f32 v2, v3;
	v3 =	vld [tilespmem:$0x1FA30];
	_ =	sdelay $0x3  }
0x30d: {  	v5 =	vld.idx.msk [tilespmem:v5+s26+$0x0], $0xffff;
	_ =	sdelay $0x1  }
0x30e: {  	v4 =	vld.idx.msk [tilespmem:v4+s26+$0x0], $0xffff;
	_ =	sdelay $0x1  }
0x30f: {  	v3 =	vld.idx.msk [tilespmem:v3+s26+$0x0], $0xffff  }
0x310: {  	v2 =	vadd.f32 v5, v2;
	v5 =	vld [tilespmem:$0x1FA40];
	_ =	sdelay $0x1  }
0x311: {  	v2 =	vadd.f32 v4, v2;
	v4 =	vld [tilespmem:$0x1FA50];
	_ =	sdelay $0x1  }
0x312: {  	v2 =	vadd.f32 v3, v2;
	v3 =	vld [tilespmem:$0x1FA60];
	_ =	sdelay $0x3  }
0x313: {  	v5 =	vld.idx.msk [tilespmem:v5+s26+$0x0], $0xffff;
	_ =	sdelay $0x1  }
0x314: {  	v4 =	vld.idx.msk [tilespmem:v4+s26+$0x0], $0xffff;
	_ =	sdelay $0x1  }
0x315: {  	v3 =	vld.idx.msk [tilespmem:v3+s26+$0x0], $0xffff  }
0x316: {  	v2 =	vadd.f32 v5, v2;
	v5 =	vld [tilespmem:$0x1FA70];
	_ =	sdelay $0x1  }
0x317: {  	v2 =	vadd.f32 v4, v2;
	v4 =	vld [tilespmem:$0x1FA80];
	_ =	sdelay $0x1  }
0x318: {  	v2 =	vadd.f32 v3, v2;
	v3 =	vld [tilespmem:$0x1FA90];
	_ =	sdelay $0x3  }
0x319: {  	v5 =	vld.idx.msk [tilespmem:v5+s26+$0x0], $0xffff;
	_ =	sdelay $0x1  }
0x31a: {  	v4 =	vld.idx.msk [tilespmem:v4+s26+$0x0], $0xffff;
	_ =	sdelay $0x1  }
0x31b: {  	v3 =	vld.idx.msk [tilespmem:v3+s26+$0x0], $0xffff  }
0x31c: {  	v2 =	vadd.f32 v5, v2;
	v5 =	vld [tilespmem:$0x1FAA0];
	_ =	sdelay $0x1  }
0x31d: {  	v2 =	vadd.f32 v4, v2;
	v4 =	vld [tilespmem:$0x1FAB0];
	_ =	sdelay $0x1  }
0x31e: {  	v2 =	vadd.f32 v3, v2;
	v3 =	vld [tilespmem:$0x1FAC0];
	_ =	sdelay $0x3  }
0x31f: {  	v5 =	vld.idx.msk [tilespmem:v5+s26+$0x0], $0xffff;
	_ =	sdelay $0x1  }
0x320: {  	v4 =	vld.idx.msk [tilespmem:v4+s26+$0x0], $0xffff;
	_ =	sdelay $0x1  }
0x321: {  	v3 =	vld.idx.msk [tilespmem:v3+s26+$0x0], $0xffff  }
0x322: {  	v2 =	vadd.f32 v5, v2;
	v5 =	vld [tilespmem:$0x1FAD0];
	_ =	sdelay $0x1  }
0x323: {  	v2 =	vadd.f32 v4, v2;
	v4 =	vld [tilespmem:$0x1FAE0];
	_ =	sdelay $0x1  }
0x324: {  	v2 =	vadd.f32 v3, v2;
	v3 =	vld [tilespmem:$0x1FAF0];
	_ =	sdelay $0x3  }
0x325: {  	v5 =	vld.idx.msk [tilespmem:v5+s26+$0x0], $0xffff;
	_ =	sdelay $0x1  }
0x326: {  	v4 =	vld.idx.msk [tilespmem:v4+s26+$0x0], $0xffff;
	_ =	sdelay $0x1  }
0x327: {  	v3 =	vld.idx.msk [tilespmem:v3+s26+$0x0], $0xffff  }
0x328: {  	v2 =	vadd.f32 v5, v2;
	_ =	sdelay $0x1  }
0x329: {  	v2 =	vadd.f32 v4, v2;
	_ =	sdelay $0x1  }
0x32a: {  	v2 =	vadd.f32 v3, v2;
	_ =	sdelay $0x1  }
0x32b: {  	[tilespmem:$0x18AC0] =	vst v2;
	v2 =	vld [tilespmem:$0x1FB00];
	_ =	sdelay $0x4  }
0x32c: {  	v4 =	vld [tilespmem:$0x8D0]  }
0x32d: {  	v3 =	vld [tilespmem:$0x6D0];
	_ =	sdelay $0x1  }
0x32e: {  	v2 =	vld.idx.msk [tilespmem:v2+s26+$0x0], $0xffff  }
0x32f: {  	v5 =	vld [tilespmem:$0x1FB10];
	_ =	sdelay $0x1  }
0x330: {  	v3 =	vsub.f32 v3, v4;
	v4 =	vld [tilespmem:$0x1FB20];
	_ =	sdelay $0x1  }
0x331: {  	v2 =	vadd.f32 v2, v3;
	v3 =	vld [tilespmem:$0x1FB30];
	_ =	sdelay $0x3  }
0x332: {  	v5 =	vld.idx.msk [tilespmem:v5+s26+$0x0], $0xffff;
	_ =	sdelay $0x1  }
0x333: {  	v4 =	vld.idx.msk [tilespmem:v4+s26+$0x0], $0xffff;
	_ =	sdelay $0x1  }
0x334: {  	v3 =	vld.idx.msk [tilespmem:v3+s26+$0x0], $0xffff  }
0x335: {  	v2 =	vadd.f32 v5, v2;
	v5 =	vld [tilespmem:$0x1FB40];
	_ =	sdelay $0x1  }
0x336: {  	v2 =	vadd.f32 v4, v2;
	v4 =	vld [tilespmem:$0x1FB50];
	_ =	sdelay $0x1  }
0x337: {  	v2 =	vadd.f32 v3, v2;
	v3 =	vld [tilespmem:$0x1FB60];
	_ =	sdelay $0x3  }
0x338: {  	v5 =	vld.idx.msk [tilespmem:v5+s26+$0x0], $0xffff;
	_ =	sdelay $0x1  }
0x339: {  	v4 =	vld.idx.msk [tilespmem:v4+s26+$0x0], $0xffff;
	_ =	sdelay $0x1  }
0x33a: {  	v3 =	vld.idx.msk [tilespmem:v3+s26+$0x0], $0xffff  }
0x33b: {  	v2 =	vadd.f32 v5, v2;
	v5 =	vld [tilespmem:$0x1FB70];
	_ =	sdelay $0x1  }
0x33c: {  	v2 =	vadd.f32 v4, v2;
	v4 =	vld [tilespmem:$0x1FB80];
	_ =	sdelay $0x1  }
0x33d: {  	v2 =	vadd.f32 v3, v2;
	v3 =	vld [tilespmem:$0x1FB90];
	_ =	sdelay $0x3  }
0x33e: {  	v5 =	vld.idx.msk [tilespmem:v5+s26+$0x0], $0xffff;
	_ =	sdelay $0x1  }
0x33f: {  	v4 =	vld.idx.msk [tilespmem:v4+s26+$0x0], $0xffff;
	_ =	sdelay $0x1  }
0x340: {  	v3 =	vld.idx.msk [tilespmem:v3+s26+$0x0], $0xffff  }
0x341: {  	v2 =	vadd.f32 v5, v2;
	v5 =	vld [tilespmem:$0x1FBA0];
	_ =	sdelay $0x1  }
0x342: {  	v2 =	vadd.f32 v4, v2;
	v4 =	vld [tilespmem:$0x1FBB0];
	_ =	sdelay $0x1  }
0x343: {  	v2 =	vadd.f32 v3, v2;
	v3 =	vld [tilespmem:$0x1FBC0];
	_ =	sdelay $0x3  }
0x344: {  	v5 =	vld.idx.msk [tilespmem:v5+s26+$0x0], $0xffff;
	_ =	sdelay $0x1  }
0x345: {  	v4 =	vld.idx.msk [tilespmem:v4+s26+$0x0], $0xffff;
	_ =	sdelay $0x1  }
0x346: {  	v3 =	vld.idx.msk [tilespmem:v3+s26+$0x0], $0xffff  }
0x347: {  	v2 =	vadd.f32 v5, v2;
	v5 =	vld [tilespmem:$0x1FBD0];
	_ =	sdelay $0x1  }
0x348: {  	v2 =	vadd.f32 v4, v2;
	v4 =	vld [tilespmem:$0x1FBE0];
	_ =	sdelay $0x1  }
0x349: {  	v2 =	vadd.f32 v3, v2;
	v3 =	vld [tilespmem:$0x1FBF0];
	_ =	sdelay $0x3  }
0x34a: {  	v5 =	vld.idx.msk [tilespmem:v5+s26+$0x0], $0xffff;
	_ =	sdelay $0x1  }
0x34b: {  	v4 =	vld.idx.msk [tilespmem:v4+s26+$0x0], $0xffff;
	_ =	sdelay $0x1  }
0x34c: {  	v3 =	vld.idx.msk [tilespmem:v3+s26+$0x0], $0xffff  }
0x34d: {  	v2 =	vadd.f32 v5, v2;
	_ =	sdelay $0x1  }
0x34e: {  	v2 =	vadd.f32 v4, v2;
	_ =	sdelay $0x1  }
0x34f: {  	v2 =	vadd.f32 v3, v2;
	_ =	sdelay $0x1  }
0x350: {  	[tilespmem:$0x18AD0] =	vst v2;
	v2 =	vld [tilespmem:$0x1FC00];
	_ =	sdelay $0x4  }
0x351: {  	v4 =	vld [tilespmem:$0x8E0]  }
0x352: {  	v3 =	vld [tilespmem:$0x6E0];
	_ =	sdelay $0x1  }
0x353: {  	v2 =	vld.idx.msk [tilespmem:v2+s26+$0x0], $0xffff;
	_ =	sdelay $0x1  }
0x354: {  	v5 =	vld.idx.msk [tilespmem:v34+s26+$0x0], $0xffff  }
0x355: {  	v3 =	vsub.f32 v3, v4  }
0x356: {  	v4 =	vld.idx.msk [tilespmem:v35+s26+$0x0], $0xffff  }
0x357: {  	v2 =	vadd.f32 v2, v3  }
0x358: {  	v3 =	vld.idx.msk [tilespmem:v36+s26+$0x0], $0xffff  }
0x359: {  	v2 =	vadd.f32 v5, v2  }
0x35a: {  	v5 =	vld.idx.msk [tilespmem:v37+s26+$0x0], $0xffff  }
0x35b: {  	v2 =	vadd.f32 v4, v2  }
0x35c: {  	v4 =	vld.idx.msk [tilespmem:v38+s26+$0x0], $0xffff  }
0x35d: {  	v2 =	vadd.f32 v3, v2  }
0x35e: {  	v3 =	vld.idx.msk [tilespmem:v39+s26+$0x0], $0xffff  }
0x35f: {  	v2 =	vadd.f32 v5, v2  }
0x360: {  	v5 =	vld.idx.msk [tilespmem:v40+s26+$0x0], $0xffff  }
0x361: {  	v2 =	vadd.f32 v4, v2  }
0x362: {  	v4 =	vld.idx.msk [tilespmem:v41+s26+$0x0], $0xffff  }
0x363: {  	v2 =	vadd.f32 v3, v2  }
0x364: {  	v3 =	vld.idx.msk [tilespmem:v42+s26+$0x0], $0xffff  }
0x365: {  	v2 =	vadd.f32 v5, v2  }
0x366: {  	v5 =	vld.idx.msk [tilespmem:v43+s26+$0x0], $0xffff  }
0x367: {  	v2 =	vadd.f32 v4, v2  }
0x368: {  	v4 =	vld.idx.msk [tilespmem:v44+s26+$0x0], $0xffff  }
0x369: {  	v2 =	vadd.f32 v3, v2  }
0x36a: {  	v3 =	vld.idx.msk [tilespmem:v45+s26+$0x0], $0xffff  }
0x36b: {  	v2 =	vadd.f32 v5, v2  }
0x36c: {  	v5 =	vld.idx.msk [tilespmem:v46+s26+$0x0], $0xffff  }
0x36d: {  	v2 =	vadd.f32 v4, v2  }
0x36e: {  	v4 =	vld.idx.msk [tilespmem:v47+s26+$0x0], $0xffff  }
0x36f: {  	v2 =	vadd.f32 v3, v2  }
0x370: {  	v3 =	vld.idx.msk [tilespmem:v48+s26+$0x0], $0xffff  }
0x371: {  	v2 =	vadd.f32 v5, v2;
	_ =	sdelay $0x1  }
0x372: {  	v2 =	vadd.f32 v4, v2;
	_ =	sdelay $0x1  }
0x373: {  	v4 =	vld [tilespmem:$0x8F0];
	v2 =	vadd.f32 v3, v2  }
0x374: {  	v3 =	vld [tilespmem:$0x6F0]  }
0x375: {  	[tilespmem:$0x18AE0] =	vst v2  }
0x376: {  	v2 =	vld.idx.msk [tilespmem:v49+s26+$0x0], $0xffff;
	_ =	sdelay $0x1  }
0x377: {  	v5 =	vld.idx.msk [tilespmem:v50+s26+$0x0], $0xffff  }
0x378: {  	v3 =	vsub.f32 v3, v4  }
0x379: {  	v4 =	vld.idx.msk [tilespmem:v51+s26+$0x0], $0xffff  }
0x37a: {  	v2 =	vadd.f32 v2, v3  }
0x37b: {  	v3 =	vld.idx.msk [tilespmem:v52+s26+$0x0], $0xffff  }
0x37c: {  	v2 =	vadd.f32 v5, v2  }
0x37d: {  	v5 =	vld.idx.msk [tilespmem:v53+s26+$0x0], $0xffff  }
0x37e: {  	v2 =	vadd.f32 v4, v2  }
0x37f: {  	v4 =	vld.idx.msk [tilespmem:v54+s26+$0x0], $0xffff  }
0x380: {  	v2 =	vadd.f32 v3, v2  }
0x381: {  	v3 =	vld.idx.msk [tilespmem:v55+s26+$0x0], $0xffff  }
0x382: {  	v2 =	vadd.f32 v5, v2  }
0x383: {  	v5 =	vld.idx.msk [tilespmem:v56+s26+$0x0], $0xffff  }
0x384: {  	v2 =	vadd.f32 v4, v2  }
0x385: {  	v4 =	vld.idx.msk [tilespmem:v57+s26+$0x0], $0xffff  }
0x386: {  	v2 =	vadd.f32 v3, v2  }
0x387: {  	v3 =	vld.idx.msk [tilespmem:v58+s26+$0x0], $0xffff  }
0x388: {  	v2 =	vadd.f32 v5, v2  }
0x389: {  	v5 =	vld.idx.msk [tilespmem:v59+s26+$0x0], $0xffff  }
0x38a: {  	v2 =	vadd.f32 v4, v2  }
0x38b: {  	v4 =	vld.idx.msk [tilespmem:v60+s26+$0x0], $0xffff  }
0x38c: {  	v2 =	vadd.f32 v3, v2  }
0x38d: {  	v3 =	vld.idx.msk [tilespmem:v61+s26+$0x0], $0xffff  }
0x38e: {  	v2 =	vadd.f32 v5, v2  }
0x38f: {  	v5 =	vld.idx.msk [tilespmem:v62+s26+$0x0], $0xffff  }
0x390: {  	v2 =	vadd.f32 v4, v2  }
0x391: {  	v4 =	vld.idx.msk [tilespmem:v63+s26+$0x0], $0xffff  }
0x392: {  	v2 =	vadd.f32 v3, v2  }
0x393: {  	v3 =	vld.idx.msk [tilespmem:v1+s26+$0x0], $0xffff  }
0x394: {  	v2 =	vadd.f32 v5, v2;
	_ =	sdelay $0x1  }
0x395: {  	v2 =	vadd.f32 v4, v2;
	_ =	sdelay $0x1  }
0x396: {  	v2 =	vadd.f32 v3, v2;
	_ =	sdelay $0x1  }
0x397: {  	s3 =	simm.s32 $0x180;
	[tilespmem:$0x18AF0] =	vst v2  }
0x398: {  	[tilespmem:s20], [sflag:$0x2] =	stream.indirect.gather [hbm4b:s1+s16], $0x80, s3, s16, $0xb8;
	[tilespmem:$0x1CC00] =	vst v63  }
0x399: {  	s4 =	simm.s32 $0x380  }
0x39a: {  	[tilespmem:s22], [sflag:$0x2] =	stream.indirect.gather [hbm4b:s2+s16], $0x80, s4, s16, $0xb8;
	[tilespmem:$0x1CC00] =	vst v63  }
0x39b: {  	s4 =	simm.s32 $0x580  }
0x39c: {  	[tilespmem:s24], [sflag:$0x2] =	stream.indirect.gather [hbm4b:s2+s16], $0x80, s4, s16, $0xb8;
	[tilespmem:$0x1CC00] =	vst v63  }
0x39d: {  	_ =	swait.ge [sflag:s13], $0x4000  }
0x39e: {  	[sflag:s13] =	ssyncset.done $0x0  }
0x39f: {  	[sflag:s13] =	ssyncadd.s32 $0xFFFFC000  }
0x3a0: {  	_ =	swait.ge [sflag:s13], $0x4000  }
0x3a1: {  	[sflag:s13] =	ssyncset.done $0x0  }
0x3a2: {  	[sflag:s13] =	ssyncadd.s32 $0xFFFFC000  }
0x3a3: {  	_ =	swait.ge [sflag:s13], $0x4000  }
0x3a4: {  	[sflag:s13] =	ssyncset.done $0x0  }
0x3a5: {  	s4 =	simm.s32 $0xA80;
	[sflag:s13] =	ssyncadd.s32 $0xFFFFC000  }
0x3a6: {  	v2 =	vld [tilespmem:s4+$0x0]  }
0x3a7: {  	v3 =	vld [tilespmem:s4+$0x10]  }
0x3a8: {  	v4 =	vld [tilespmem:s4+$0x20]  }
0x3a9: {  	v5 =	vld [tilespmem:s4+$0x30]  }
0x3aa: {  	v6 =	vld [tilespmem:s4+$0x40]  }
0x3ab: {  	s28 =	simm.s32 $0x4A80;
	v7 =	vld [tilespmem:s4+$0x50]  }
0x3ac: {  	s29 =	simm.s32 $0x8A80;
	v8 =	vld [tilespmem:s28+$0x0]  }
0x3ad: {  	v9 =	vld [tilespmem:s29+$0x0]  }
0x3ae: {  	v10 =	vld [tilespmem:s28+$0x10]  }
0x3af: {  	v11 =	vld [tilespmem:s29+$0x10]  }
0x3b0: {  	v12 =	vld [tilespmem:s28+$0x20]  }
0x3b1: {  	v13 =	vld [tilespmem:s29+$0x20]  }
0x3b2: {  	v14 =	vld [tilespmem:s28+$0x30]  }
0x3b3: {  	v15 =	vld [tilespmem:s29+$0x30]  }
0x3b4: {  	v16 =	vld [tilespmem:s28+$0x40]  }
0x3b5: {  	v17 =	vld [tilespmem:s29+$0x40]  }
0x3b6: {  	v18 =	vld [tilespmem:s28+$0x50]  }
0x3b7: {  	v19 =	vld [tilespmem:s29+$0x50]  }
0x3b8: {  	v20 =	vld [tilespmem:s28+$0x60]  }
0x3b9: {  	v21 =	vld [tilespmem:s29+$0x60]  }
0x3ba: {  	v22 =	vld [tilespmem:s28+$0x70]  }
0x3bb: {  	v23 =	vld [tilespmem:s29+$0x70]  }
0x3bc: {  	v24 =	vld [tilespmem:s4+$0x60]  }
0x3bd: {  	v25 =	vld [tilespmem:s4+$0x70]  }
0x3be: {  	v26 =	vld [tilespmem:s28+$0xFFFFFF80]  }
0x3bf: {  	v27 =	vld [tilespmem:s29+$0xFFFFFF80]  }
0x3c0: {  	v28 =	vld [tilespmem:s28+$0xFFFFFF90]  }
0x3c1: {  	v29 =	vld [tilespmem:s29+$0xFFFFFF90]  }
0x3c2: {  	v30 =	vld [tilespmem:s28+$0xFFFFFFA0]  }
0x3c3: {  	v31 =	vld [tilespmem:s29+$0xFFFFFFA0]  }
0x3c4: {  	v32 =	vld [tilespmem:s28+$0xFFFFFFB0]  }
0x3c5: {  	v33 =	vld [tilespmem:s29+$0xFFFFFFB0]  }
0x3c6: {  	v8 =	vsub.f32 v8, v9;
	v9 =	vsub.f32 v10, v11;
	v10 =	vld [tilespmem:s28+$0xFFFFFFC0]  }
0x3c7: {  	v11 =	vsub.f32 v12, v13;
	v13 =	vld [tilespmem:s29+$0xFFFFFFC0]  }
0x3c8: {  	v12 =	vsub.f32 v14, v15;
	v14 =	vsub.f32 v16, v17;
	v16 =	vld [tilespmem:s28+$0xFFFFFFD0]  }
0x3c9: {  	v15 =	vsub.f32 v18, v19;
	v17 =	vld [tilespmem:s29+$0xFFFFFFD0]  }
0x3ca: {  	v18 =	vld [tilespmem:s4+$0xFFFFFF90];
	v2 =	vmul.f32 v8, v2;
	v3 =	vmul.f32 v9, v3;
	v8 =	vsub.f32 v20, v21  }
0x3cb: {  	v19 =	vld [tilespmem:s4+$0xFFFFFFA0];
	v4 =	vmul.f32 v11, v4;
	v5 =	vmul.f32 v12, v5;
	v9 =	vsub.f32 v22, v23  }
0x3cc: {  	v11 =	vld [tilespmem:s28+$0xFFFFFFE0];
	v6 =	vmul.f32 v14, v6;
	v7 =	vmul.f32 v15, v7  }
0x3cd: {  	v12 =	vld [tilespmem:s29+$0xFFFFFFE0];
	v8 =	vmul.f32 v8, v24;
	v9 =	vmul.f32 v9, v25  }
0x3ce: {  	v14 =	vld [tilespmem:s28+$0xFFFFFFF0];
	v2 =	vadd.f32 v3, v2;
	v3 =	vadd.f32 v5, v4  }
0x3cf: {  	v15 =	vld [tilespmem:s29+$0xFFFFFFF0];
	v4 =	vadd.f32 v7, v6;
	v5 =	vadd.f32 v9, v8  }
0x3d0: {  	v29 =	vsub.f32 v28, v29;
	v30 =	vsub.f32 v30, v31;
	v20 =	vld [tilespmem:s4+$0xFFFFFFB0]  }
0x3d1: {  	v7 =	vld [tilespmem:s4+$0xFFFFFFC0];
	v3 =	vadd.f32 v3, v2;
	v4 =	vadd.f32 v5, v4  }
0x3d2: {  	v33 =	vsub.f32 v32, v33;
	v2 =	vsub.f32 v26, v27;
	v8 =	vld [tilespmem:s4+$0xFFFFFFD0]  }
0x3d3: {  	v9 =	vld [tilespmem:s4+$0xFFFFFFE0];
	v6 =	vsub.f32 v11, v12;
	v31 =	vadd.f32 v4, v3  }
0x3d4: {  	s30 =	simm.s32 $0x18C80;
	v11 =	vld [tilespmem:s4+$0xFFFFFFF0];
	v5 =	vsub.f32 v16, v17;
	v4 =	vsub.f32 v10, v13;
	v3 =	vmul.f32 v29, v18  }
0x3d5: {  	s3 =	simm.s32 $0x0;
	v12 =	vld [tilespmem:s4+$0xFFFFFF80];
	s4 =	simm.s32 $0xB80;
	v10 =	vsub.f32 v14, v15;
	v13 =	vmul.f32 v30, v19;
	v14 =	vmul.f32 v33, v20;
	[tilespmem:s30+$0x0] =	vst v31  }
.LBB2_6:
0x3d6: {  	v15 =	vld [tilespmem:s4+$0x0];
	v4 =	vmul.f32 v4, v7  }
0x3d7: {  	v7 =	vld [tilespmem:s4+$0x10];
	v5 =	vmul.f32 v5, v8;
	v8 =	vadd.f32 v14, v13  }
0x3d8: {  	v13 =	vld [tilespmem:s4+$0x20];
	v6 =	vmul.f32 v6, v9  }
0x3d9: {  	v9 =	vld [tilespmem:s4+$0x30];
	v10 =	vmul.f32 v10, v11;
	v4 =	vadd.f32 v5, v4  }
0x3da: {  	v5 =	vld [tilespmem:s4+$0x40];
	v2 =	vmul.f32 v2, v12  }
0x3db: {  	s28 =	sadd.s32 $0x100, s28;
	v11 =	vld [tilespmem:s4+$0x50];
	v6 =	vadd.f32 v10, v6  }
0x3dc: {  	s29 =	sadd.s32 $0x100, s29;
	v10 =	vld [tilespmem:s28+$0x0];
	v2 =	vadd.f32 v3, v2  }
0x3dd: {  	v3 =	vld [tilespmem:s29+$0x0];
	v4 =	vadd.f32 v6, v4  }
0x3de: {  	v6 =	vld [tilespmem:s28+$0x10];
	v2 =	vadd.f32 v8, v2  }
0x3df: {  	v8 =	vld [tilespmem:s29+$0x10]  }
0x3e0: {  	v12 =	vld [tilespmem:s28+$0x20];
	v2 =	vadd.f32 v4, v2  }
0x3e1: {  	v4 =	vld [tilespmem:s29+$0x20]  }
0x3e2: {  	v14 =	vld [tilespmem:s28+$0x30];
	[tilespmem:s30+$0xFFFFFF80] =	vst v2  }
0x3e3: {  	v2 =	vld [tilespmem:s29+$0x30]  }
0x3e4: {  	v16 =	vld [tilespmem:s28+$0x40]  }
0x3e5: {  	v17 =	vld [tilespmem:s29+$0x40]  }
0x3e6: {  	v18 =	vld [tilespmem:s28+$0x50]  }
0x3e7: {  	v19 =	vld [tilespmem:s29+$0x50]  }
0x3e8: {  	v20 =	vld [tilespmem:s28+$0x60]  }
0x3e9: {  	v21 =	vld [tilespmem:s29+$0x60]  }
0x3ea: {  	v22 =	vld [tilespmem:s28+$0x70]  }
0x3eb: {  	s3 =	sadd.s32 $0x2, s3;
	v23 =	vld [tilespmem:s29+$0x70]  }
0x3ec: {  	p0 =	slt.u32 s3, $0x7E;
	v3 =	vsub.f32 v10, v3;
	v6 =	vsub.f32 v6, v8;
	v8 =	vld [tilespmem:s4+$0x60]  }
0x3ed: {  	v4 =	vsub.f32 v12, v4;
	v2 =	vsub.f32 v14, v2;
	v10 =	vld [tilespmem:s4+$0x70]  }
0x3ee: {  	v14 =	vsub.f32 v16, v17;
	v16 =	vsub.f32 v18, v19;
	v12 =	vld [tilespmem:s28+$0xFFFFFF80]  }
0x3ef: {  	v3 =	vmul.f32 v3, v15;
	v6 =	vmul.f32 v6, v7;
	v7 =	vsub.f32 v20, v21;
	v17 =	vld [tilespmem:s29+$0xFFFFFF80]  }
0x3f0: {  	v4 =	vmul.f32 v4, v13;
	v2 =	vmul.f32 v2, v9;
	v15 =	vld [tilespmem:s28+$0xFFFFFF90];
	v9 =	vsub.f32 v22, v23  }
0x3f1: {  	v5 =	vmul.f32 v14, v5;
	v11 =	vmul.f32 v16, v11;
	v13 =	vld [tilespmem:s29+$0xFFFFFF90]  }
0x3f2: {  	v7 =	vmul.f32 v7, v8;
	v14 =	vld [tilespmem:s28+$0xFFFFFFA0];
	v8 =	vmul.f32 v9, v10  }
0x3f3: {  	v3 =	vadd.f32 v6, v3;
	v4 =	vadd.f32 v2, v4;
	v9 =	vld [tilespmem:s29+$0xFFFFFFA0]  }
0x3f4: {  	v5 =	vadd.f32 v11, v5;
	v6 =	vld [tilespmem:s28+$0xFFFFFFB0];
	v7 =	vadd.f32 v8, v7  }
0x3f5: {  	v2 =	vsub.f32 v12, v17;
	v8 =	vld [tilespmem:s29+$0xFFFFFFB0]  }
0x3f6: {  	v3 =	vadd.f32 v4, v3;
	v10 =	vld [tilespmem:s28+$0xFFFFFFC0];
	v4 =	vadd.f32 v7, v5  }
0x3f7: {  	v11 =	vsub.f32 v15, v13;
	v5 =	vld [tilespmem:s29+$0xFFFFFFC0]  }
0x3f8: {  	v12 =	vsub.f32 v14, v9;
	v7 =	vld [tilespmem:s28+$0xFFFFFFD0];
	v3 =	vadd.f32 v4, v3  }
0x3f9: {  	s30 =	sadd.s32 $0x100, s30;
	v9 =	vld [tilespmem:s29+$0xFFFFFFD0]  }
0x3fa: {  	v14 =	vsub.f32 v6, v8;
	v6 =	vld [tilespmem:s28+$0xFFFFFFE0];
	[tilespmem:s30+$0x0] =	vst v3  }
0x3fb: {  	v3 =	vld [tilespmem:s29+$0xFFFFFFE0]  }
0x3fc: {  	v4 =	vsub.f32 v10, v5;
	v10 =	vld [tilespmem:s28+$0xFFFFFFF0]  }
0x3fd: {  	v13 =	vld [tilespmem:s29+$0xFFFFFFF0]  }
0x3fe: {  	v15 =	vld [tilespmem:s4+$0xFFFFFF90];
	v5 =	vsub.f32 v7, v9  }
0x3ff: {  	v16 =	vld [tilespmem:s4+$0xFFFFFFA0]  }
0x400: {  	v17 =	vld [tilespmem:s4+$0xFFFFFFB0];
	v6 =	vsub.f32 v6, v3  }
.Ltmp2:
0x401: {  	v7 =	vld [tilespmem:s4+$0xFFFFFFC0];
	(pc) =	sbr.rel @p0 .LBB2_6-.Ltmp2, $4  }
0x402: {  	v8 =	vld [tilespmem:s4+$0xFFFFFFD0];
	v10 =	vsub.f32 v10, v13  }
0x403: {  	v3 =	vmul.f32 v11, v15;
	v9 =	vld [tilespmem:s4+$0xFFFFFFE0]  }
0x404: {  	v13 =	vmul.f32 v12, v16;
	v11 =	vld [tilespmem:s4+$0xFFFFFFF0]  }
0x405: {  	v12 =	vld [tilespmem:s4+$0xFFFFFF80];
	v14 =	vmul.f32 v14, v17;
	s4 =	sadd.s32 $0x100, s4  }
0x406: {  	_ =	sdelay $0x1  }
0x407: {  	v4 =	vmul.f32 v4, v7  }
0x408: {  	v5 =	vmul.f32 v5, v8;
	v6 =	vmul.f32 v6, v9  }
0x409: {  	v7 =	vmul.f32 v10, v11;
	v2 =	vmul.f32 v2, v12  }
0x40a: {  	v8 =	vadd.f32 v14, v13;
	v4 =	vadd.f32 v5, v4  }
0x40b: {  	v5 =	vadd.f32 v7, v6;
	v2 =	vadd.f32 v3, v2;
	_ =	sdelay $0x1  }
0x40c: {  	v3 =	vadd.f32 v5, v4;
	v2 =	vadd.f32 v8, v2;
	_ =	sdelay $0x1  }
0x40d: {  	v2 =	vadd.f32 v3, v2;
	_ =	sdelay $0x1  }
0x40e: {  	[tilespmem:s30+$0xFFFFFF80] =	vst v2  }
0x40f: {  	v2 =	vld [tilespmem:$0x700]  }
0x410: {  	v3 =	vld [tilespmem:$0x900];
	_ =	sdelay $0x1  }
0x411: {  	v4 =	vld.idx.msk [tilespmem:v0+s26+$0x0], $0xffff  }
0x412: {  	v5 =	vld [tilespmem:$0x1FC10];
	_ =	sdelay $0x1  }
0x413: {  	v2 =	vsub.f32 v2, v3;
	v3 =	vld [tilespmem:$0x1FC20];
	_ =	sdelay $0x1  }
0x414: {  	v2 =	vadd.f32 v4, v2;
	v4 =	vld [tilespmem:$0x1FC30];
	_ =	sdelay $0x3  }
0x415: {  	v5 =	vld.idx.msk [tilespmem:v5+s26+$0x0], $0xffff;
	_ =	sdelay $0x1  }
0x416: {  	v3 =	vld.idx.msk [tilespmem:v3+s26+$0x0], $0xffff;
	_ =	sdelay $0x1  }
0x417: {  	v4 =	vld.idx.msk [tilespmem:v4+s26+$0x0], $0xffff  }
0x418: {  	v2 =	vadd.f32 v5, v2;
	v5 =	vld [tilespmem:$0x1FC40];
	_ =	sdelay $0x1  }
0x419: {  	v2 =	vadd.f32 v3, v2;
	v3 =	vld [tilespmem:$0x1FC50];
	_ =	sdelay $0x1  }
0x41a: {  	v2 =	vadd.f32 v4, v2;
	v4 =	vld [tilespmem:$0x1FC60];
	_ =	sdelay $0x3  }
0x41b: {  	v5 =	vld.idx.msk [tilespmem:v5+s26+$0x0], $0xffff;
	_ =	sdelay $0x1  }
0x41c: {  	v3 =	vld.idx.msk [tilespmem:v3+s26+$0x0], $0xffff;
	_ =	sdelay $0x1  }
0x41d: {  	v4 =	vld.idx.msk [tilespmem:v4+s26+$0x0], $0xffff  }
0x41e: {  	v2 =	vadd.f32 v5, v2;
	v5 =	vld [tilespmem:$0x1FC70];
	_ =	sdelay $0x1  }
0x41f: {  	v2 =	vadd.f32 v3, v2;
	v3 =	vld [tilespmem:$0x1FC80];
	_ =	sdelay $0x1  }
0x420: {  	v2 =	vadd.f32 v4, v2;
	v4 =	vld [tilespmem:$0x1FC90];
	_ =	sdelay $0x3  }
0x421: {  	v5 =	vld.idx.msk [tilespmem:v5+s26+$0x0], $0xffff;
	_ =	sdelay $0x1  }
0x422: {  	v3 =	vld.idx.msk [tilespmem:v3+s26+$0x0], $0xffff;
	_ =	sdelay $0x1  }
0x423: {  	v4 =	vld.idx.msk [tilespmem:v4+s26+$0x0], $0xffff  }
0x424: {  	v2 =	vadd.f32 v5, v2;
	v5 =	vld [tilespmem:$0x1FCA0];
	_ =	sdelay $0x1  }
0x425: {  	v2 =	vadd.f32 v3, v2;
	v3 =	vld [tilespmem:$0x1FCB0];
	_ =	sdelay $0x1  }
0x426: {  	v2 =	vadd.f32 v4, v2;
	v4 =	vld [tilespmem:$0x1FCC0];
	_ =	sdelay $0x3  }
0x427: {  	v5 =	vld.idx.msk [tilespmem:v5+s26+$0x0], $0xffff;
	_ =	sdelay $0x1  }
0x428: {  	v3 =	vld.idx.msk [tilespmem:v3+s26+$0x0], $0xffff;
	_ =	sdelay $0x1  }
0x429: {  	v4 =	vld.idx.msk [tilespmem:v4+s26+$0x0], $0xffff  }
0x42a: {  	v2 =	vadd.f32 v5, v2;
	v5 =	vld [tilespmem:$0x1FCD0];
	_ =	sdelay $0x1  }
0x42b: {  	v2 =	vadd.f32 v3, v2;
	v3 =	vld [tilespmem:$0x1FCE0];
	_ =	sdelay $0x1  }
0x42c: {  	v2 =	vadd.f32 v4, v2;
	v4 =	vld [tilespmem:$0x1FCF0];
	_ =	sdelay $0x3  }
0x42d: {  	v5 =	vld.idx.msk [tilespmem:v5+s26+$0x0], $0xffff;
	_ =	sdelay $0x1  }
0x42e: {  	v3 =	vld.idx.msk [tilespmem:v3+s26+$0x0], $0xffff;
	_ =	sdelay $0x1  }
0x42f: {  	v4 =	vld.idx.msk [tilespmem:v4+s26+$0x0], $0xffff  }
0x430: {  	v2 =	vadd.f32 v5, v2;
	_ =	sdelay $0x1  }
0x431: {  	v2 =	vadd.f32 v3, v2;
	_ =	sdelay $0x1  }
0x432: {  	v2 =	vadd.f32 v4, v2;
	_ =	sdelay $0x1  }
0x433: {  	[tilespmem:$0x18B00] =	vst v2;
	v2 =	vld [tilespmem:$0x1FD00];
	_ =	sdelay $0x4  }
0x434: {  	v3 =	vld [tilespmem:$0x710]  }
0x435: {  	v4 =	vld [tilespmem:$0x910];
	_ =	sdelay $0x1  }
0x436: {  	v2 =	vld.idx.msk [tilespmem:v2+s26+$0x0], $0xffff  }
0x437: {  	v5 =	vld [tilespmem:$0x1FD10];
	_ =	sdelay $0x1  }
0x438: {  	v3 =	vsub.f32 v3, v4;
	v4 =	vld [tilespmem:$0x1FD20];
	_ =	sdelay $0x1  }
0x439: {  	v2 =	vadd.f32 v2, v3;
	v3 =	vld [tilespmem:$0x1FD30];
	_ =	sdelay $0x3  }
0x43a: {  	v5 =	vld.idx.msk [tilespmem:v5+s26+$0x0], $0xffff;
	_ =	sdelay $0x1  }
0x43b: {  	v4 =	vld.idx.msk [tilespmem:v4+s26+$0x0], $0xffff;
	_ =	sdelay $0x1  }
0x43c: {  	v3 =	vld.idx.msk [tilespmem:v3+s26+$0x0], $0xffff  }
0x43d: {  	v2 =	vadd.f32 v5, v2;
	v5 =	vld [tilespmem:$0x1FD40];
	_ =	sdelay $0x1  }
0x43e: {  	v2 =	vadd.f32 v4, v2;
	v4 =	vld [tilespmem:$0x1FD50];
	_ =	sdelay $0x1  }
0x43f: {  	v2 =	vadd.f32 v3, v2;
	v3 =	vld [tilespmem:$0x1FD60];
	_ =	sdelay $0x3  }
0x440: {  	v5 =	vld.idx.msk [tilespmem:v5+s26+$0x0], $0xffff;
	_ =	sdelay $0x1  }
0x441: {  	v4 =	vld.idx.msk [tilespmem:v4+s26+$0x0], $0xffff;
	_ =	sdelay $0x1  }
0x442: {  	v3 =	vld.idx.msk [tilespmem:v3+s26+$0x0], $0xffff  }
0x443: {  	v2 =	vadd.f32 v5, v2;
	v5 =	vld [tilespmem:$0x1FD70];
	_ =	sdelay $0x1  }
0x444: {  	v2 =	vadd.f32 v4, v2;
	v4 =	vld [tilespmem:$0x1FD80];
	_ =	sdelay $0x1  }
0x445: {  	v2 =	vadd.f32 v3, v2;
	v3 =	vld [tilespmem:$0x1FD90];
	_ =	sdelay $0x3  }
0x446: {  	v5 =	vld.idx.msk [tilespmem:v5+s26+$0x0], $0xffff;
	_ =	sdelay $0x1  }
0x447: {  	v4 =	vld.idx.msk [tilespmem:v4+s26+$0x0], $0xffff;
	_ =	sdelay $0x1  }
0x448: {  	v3 =	vld.idx.msk [tilespmem:v3+s26+$0x0], $0xffff  }
0x449: {  	v2 =	vadd.f32 v5, v2;
	v5 =	vld [tilespmem:$0x1FDA0];
	_ =	sdelay $0x1  }
0x44a: {  	v2 =	vadd.f32 v4, v2;
	v4 =	vld [tilespmem:$0x1FDB0];
	_ =	sdelay $0x1  }
0x44b: {  	v2 =	vadd.f32 v3, v2;
	v3 =	vld [tilespmem:$0x1FDC0];
	_ =	sdelay $0x3  }
0x44c: {  	v5 =	vld.idx.msk [tilespmem:v5+s26+$0x0], $0xffff;
	_ =	sdelay $0x1  }
0x44d: {  	v4 =	vld.idx.msk [tilespmem:v4+s26+$0x0], $0xffff;
	_ =	sdelay $0x1  }
0x44e: {  	v3 =	vld.idx.msk [tilespmem:v3+s26+$0x0], $0xffff  }
0x44f: {  	v2 =	vadd.f32 v5, v2;
	v5 =	vld [tilespmem:$0x1FDD0];
	_ =	sdelay $0x1  }
0x450: {  	v2 =	vadd.f32 v4, v2;
	v4 =	vld [tilespmem:$0x1FDE0];
	_ =	sdelay $0x1  }
0x451: {  	v2 =	vadd.f32 v3, v2;
	v3 =	vld [tilespmem:$0x1FDF0];
	_ =	sdelay $0x3  }
0x452: {  	v5 =	vld.idx.msk [tilespmem:v5+s26+$0x0], $0xffff;
	_ =	sdelay $0x1  }
0x453: {  	v4 =	vld.idx.msk [tilespmem:v4+s26+$0x0], $0xffff;
	_ =	sdelay $0x1  }
0x454: {  	v3 =	vld.idx.msk [tilespmem:v3+s26+$0x0], $0xffff  }
0x455: {  	v2 =	vadd.f32 v5, v2;
	_ =	sdelay $0x1  }
0x456: {  	v2 =	vadd.f32 v4, v2;
	_ =	sdelay $0x1  }
0x457: {  	v2 =	vadd.f32 v3, v2;
	_ =	sdelay $0x1  }
0x458: {  	[tilespmem:$0x18B10] =	vst v2;
	v2 =	vld [tilespmem:$0x1FE00];
	_ =	sdelay $0x4  }
0x459: {  	v4 =	vld [tilespmem:$0x920]  }
0x45a: {  	v3 =	vld [tilespmem:$0x720];
	_ =	sdelay $0x1  }
0x45b: {  	v2 =	vld.idx.msk [tilespmem:v2+s26+$0x0], $0xffff  }
0x45c: {  	v5 =	vld [tilespmem:$0x1FE10];
	_ =	sdelay $0x1  }
0x45d: {  	v3 =	vsub.f32 v3, v4;
	v4 =	vld [tilespmem:$0x1FE20];
	_ =	sdelay $0x1  }
0x45e: {  	v2 =	vadd.f32 v2, v3;
	v3 =	vld [tilespmem:$0x1FE30];
	_ =	sdelay $0x3  }
0x45f: {  	v5 =	vld.idx.msk [tilespmem:v5+s26+$0x0], $0xffff;
	_ =	sdelay $0x1  }
0x460: {  	v4 =	vld.idx.msk [tilespmem:v4+s26+$0x0], $0xffff;
	_ =	sdelay $0x1  }
0x461: {  	v3 =	vld.idx.msk [tilespmem:v3+s26+$0x0], $0xffff  }
0x462: {  	v2 =	vadd.f32 v5, v2;
	v5 =	vld [tilespmem:$0x1FE40];
	_ =	sdelay $0x1  }
0x463: {  	v2 =	vadd.f32 v4, v2;
	v4 =	vld [tilespmem:$0x1FE50];
	_ =	sdelay $0x1  }
0x464: {  	v2 =	vadd.f32 v3, v2;
	v3 =	vld [tilespmem:$0x1FE60];
	_ =	sdelay $0x3  }
0x465: {  	v5 =	vld.idx.msk [tilespmem:v5+s26+$0x0], $0xffff;
	_ =	sdelay $0x1  }
0x466: {  	v4 =	vld.idx.msk [tilespmem:v4+s26+$0x0], $0xffff;
	_ =	sdelay $0x1  }
0x467: {  	v3 =	vld.idx.msk [tilespmem:v3+s26+$0x0], $0xffff  }
0x468: {  	v2 =	vadd.f32 v5, v2;
	v5 =	vld [tilespmem:$0x1FE70];
	_ =	sdelay $0x1  }
0x469: {  	v2 =	vadd.f32 v4, v2;
	v4 =	vld [tilespmem:$0x1FE80];
	_ =	sdelay $0x1  }
0x46a: {  	v2 =	vadd.f32 v3, v2;
	v3 =	vld [tilespmem:$0x1FE90];
	_ =	sdelay $0x3  }
0x46b: {  	v5 =	vld.idx.msk [tilespmem:v5+s26+$0x0], $0xffff;
	_ =	sdelay $0x1  }
0x46c: {  	v4 =	vld.idx.msk [tilespmem:v4+s26+$0x0], $0xffff;
	_ =	sdelay $0x1  }
0x46d: {  	v3 =	vld.idx.msk [tilespmem:v3+s26+$0x0], $0xffff  }
0x46e: {  	v2 =	vadd.f32 v5, v2;
	v5 =	vld [tilespmem:$0x1FEA0];
	_ =	sdelay $0x1  }
0x46f: {  	v2 =	vadd.f32 v4, v2;
	v4 =	vld [tilespmem:$0x1FEB0];
	_ =	sdelay $0x1  }
0x470: {  	v2 =	vadd.f32 v3, v2;
	v3 =	vld [tilespmem:$0x1FEC0];
	_ =	sdelay $0x3  }
0x471: {  	v5 =	vld.idx.msk [tilespmem:v5+s26+$0x0], $0xffff;
	_ =	sdelay $0x1  }
0x472: {  	v4 =	vld.idx.msk [tilespmem:v4+s26+$0x0], $0xffff;
	_ =	sdelay $0x1  }
0x473: {  	v3 =	vld.idx.msk [tilespmem:v3+s26+$0x0], $0xffff  }
0x474: {  	v2 =	vadd.f32 v5, v2;
	v5 =	vld [tilespmem:$0x1FED0];
	_ =	sdelay $0x1  }
0x475: {  	v2 =	vadd.f32 v4, v2;
	v4 =	vld [tilespmem:$0x1FEE0];
	_ =	sdelay $0x1  }
0x476: {  	v2 =	vadd.f32 v3, v2;
	v3 =	vld [tilespmem:$0x1FEF0];
	_ =	sdelay $0x3  }
0x477: {  	v5 =	vld.idx.msk [tilespmem:v5+s26+$0x0], $0xffff;
	_ =	sdelay $0x1  }
0x478: {  	v4 =	vld.idx.msk [tilespmem:v4+s26+$0x0], $0xffff;
	_ =	sdelay $0x1  }
0x479: {  	v3 =	vld.idx.msk [tilespmem:v3+s26+$0x0], $0xffff  }
0x47a: {  	v2 =	vadd.f32 v5, v2;
	_ =	sdelay $0x1  }
0x47b: {  	v2 =	vadd.f32 v4, v2;
	_ =	sdelay $0x1  }
0x47c: {  	v2 =	vadd.f32 v3, v2;
	_ =	sdelay $0x1  }
0x47d: {  	[tilespmem:$0x18B20] =	vst v2;
	v2 =	vld [tilespmem:$0x1FF00];
	_ =	sdelay $0x4  }
0x47e: {  	v4 =	vld [tilespmem:$0x930]  }
0x47f: {  	v3 =	vld [tilespmem:$0x730];
	_ =	sdelay $0x1  }
0x480: {  	v2 =	vld.idx.msk [tilespmem:v2+s26+$0x0], $0xffff  }
0x481: {  	v5 =	vld [tilespmem:$0x1FF10];
	_ =	sdelay $0x1  }
0x482: {  	v3 =	vsub.f32 v3, v4;
	v4 =	vld [tilespmem:$0x1FF20];
	_ =	sdelay $0x1  }
0x483: {  	v2 =	vadd.f32 v2, v3;
	v3 =	vld [tilespmem:$0x1FF30];
	_ =	sdelay $0x3  }
0x484: {  	v5 =	vld.idx.msk [tilespmem:v5+s26+$0x0], $0xffff;
	_ =	sdelay $0x1  }
0x485: {  	v4 =	vld.idx.msk [tilespmem:v4+s26+$0x0], $0xffff;
	_ =	sdelay $0x1  }
0x486: {  	v3 =	vld.idx.msk [tilespmem:v3+s26+$0x0], $0xffff  }
0x487: {  	v2 =	vadd.f32 v5, v2;
	v5 =	vld [tilespmem:$0x1FF40];
	_ =	sdelay $0x1  }
0x488: {  	v2 =	vadd.f32 v4, v2;
	v4 =	vld [tilespmem:$0x1FF50];
	_ =	sdelay $0x1  }
0x489: {  	v2 =	vadd.f32 v3, v2;
	v3 =	vld [tilespmem:$0x1FF60];
	_ =	sdelay $0x3  }
0x48a: {  	v5 =	vld.idx.msk [tilespmem:v5+s26+$0x0], $0xffff;
	_ =	sdelay $0x1  }
0x48b: {  	v4 =	vld.idx.msk [tilespmem:v4+s26+$0x0], $0xffff;
	_ =	sdelay $0x1  }
0x48c: {  	v3 =	vld.idx.msk [tilespmem:v3+s26+$0x0], $0xffff  }
0x48d: {  	v2 =	vadd.f32 v5, v2;
	v5 =	vld [tilespmem:$0x1FF70];
	_ =	sdelay $0x1  }
0x48e: {  	v2 =	vadd.f32 v4, v2;
	v4 =	vld [tilespmem:$0x1FF80];
	_ =	sdelay $0x1  }
0x48f: {  	v2 =	vadd.f32 v3, v2;
	v3 =	vld [tilespmem:$0x1FF90];
	_ =	sdelay $0x3  }
0x490: {  	v5 =	vld.idx.msk [tilespmem:v5+s26+$0x0], $0xffff;
	_ =	sdelay $0x1  }
0x491: {  	v4 =	vld.idx.msk [tilespmem:v4+s26+$0x0], $0xffff;
	_ =	sdelay $0x1  }
0x492: {  	v3 =	vld.idx.msk [tilespmem:v3+s26+$0x0], $0xffff  }
0x493: {  	v2 =	vadd.f32 v5, v2;
	v5 =	vld [tilespmem:$0x1FFA0];
	_ =	sdelay $0x1  }
0x494: {  	v2 =	vadd.f32 v4, v2;
	v4 =	vld [tilespmem:$0x1FFB0];
	_ =	sdelay $0x1  }
0x495: {  	v2 =	vadd.f32 v3, v2;
	v3 =	vld [tilespmem:$0x1FFC0];
	_ =	sdelay $0x3  }
0x496: {  	v5 =	vld.idx.msk [tilespmem:v5+s26+$0x0], $0xffff;
	_ =	sdelay $0x1  }
0x497: {  	v4 =	vld.idx.msk [tilespmem:v4+s26+$0x0], $0xffff;
	_ =	sdelay $0x1  }
0x498: {  	v3 =	vld.idx.msk [tilespmem:v3+s26+$0x0], $0xffff  }
0x499: {  	v2 =	vadd.f32 v5, v2;
	v5 =	vld [tilespmem:$0x1FFD0];
	_ =	sdelay $0x1  }
0x49a: {  	v2 =	vadd.f32 v4, v2;
	v4 =	vld [tilespmem:$0x1FFE0];
	_ =	sdelay $0x1  }
0x49b: {  	v2 =	vadd.f32 v3, v2;
	v3 =	vld [tilespmem:$0x1FFF0];
	_ =	sdelay $0x3  }
0x49c: {  	v5 =	vld.idx.msk [tilespmem:v5+s26+$0x0], $0xffff;
	_ =	sdelay $0x1  }
0x49d: {  	v4 =	vld.idx.msk [tilespmem:v4+s26+$0x0], $0xffff;
	_ =	sdelay $0x1  }
0x49e: {  	v3 =	vld.idx.msk [tilespmem:v3+s26+$0x0], $0xffff  }
0x49f: {  	v2 =	vadd.f32 v5, v2;
	_ =	sdelay $0x1  }
0x4a0: {  	v2 =	vadd.f32 v4, v2;
	_ =	sdelay $0x1  }
0x4a1: {  	v2 =	vadd.f32 v3, v2;
	_ =	sdelay $0x1  }
0x4a2: {  	[tilespmem:$0x18B30] =	vst v2;
	v2 =	vld [tilespmem:$0x1FA00];
	_ =	sdelay $0x4  }
0x4a3: {  	v4 =	vld [tilespmem:$0x940]  }
0x4a4: {  	v3 =	vld [tilespmem:$0x740];
	_ =	sdelay $0x1  }
0x4a5: {  	v2 =	vld.idx.msk [tilespmem:v2+s26+$0x0], $0xffff  }
0x4a6: {  	v5 =	vld [tilespmem:$0x1FA10];
	_ =	sdelay $0x1  }
0x4a7: {  	v3 =	vsub.f32 v3, v4;
	v4 =	vld [tilespmem:$0x1FA20];
	_ =	sdelay $0x1  }
0x4a8: {  	v2 =	vadd.f32 v2, v3;
	v3 =	vld [tilespmem:$0x1FA30];
	_ =	sdelay $0x3  }
0x4a9: {  	v5 =	vld.idx.msk [tilespmem:v5+s26+$0x0], $0xffff;
	_ =	sdelay $0x1  }
0x4aa: {  	v4 =	vld.idx.msk [tilespmem:v4+s26+$0x0], $0xffff;
	_ =	sdelay $0x1  }
0x4ab: {  	v3 =	vld.idx.msk [tilespmem:v3+s26+$0x0], $0xffff  }
0x4ac: {  	v2 =	vadd.f32 v5, v2;
	v5 =	vld [tilespmem:$0x1FA40];
	_ =	sdelay $0x1  }
0x4ad: {  	v2 =	vadd.f32 v4, v2;
	v4 =	vld [tilespmem:$0x1FA50];
	_ =	sdelay $0x1  }
0x4ae: {  	v2 =	vadd.f32 v3, v2;
	v3 =	vld [tilespmem:$0x1FA60];
	_ =	sdelay $0x3  }
0x4af: {  	v5 =	vld.idx.msk [tilespmem:v5+s26+$0x0], $0xffff;
	_ =	sdelay $0x1  }
0x4b0: {  	v4 =	vld.idx.msk [tilespmem:v4+s26+$0x0], $0xffff;
	_ =	sdelay $0x1  }
0x4b1: {  	v3 =	vld.idx.msk [tilespmem:v3+s26+$0x0], $0xffff  }
0x4b2: {  	v2 =	vadd.f32 v5, v2;
	v5 =	vld [tilespmem:$0x1FA70];
	_ =	sdelay $0x1  }
0x4b3: {  	v2 =	vadd.f32 v4, v2;
	v4 =	vld [tilespmem:$0x1FA80];
	_ =	sdelay $0x1  }
0x4b4: {  	v2 =	vadd.f32 v3, v2;
	v3 =	vld [tilespmem:$0x1FA90];
	_ =	sdelay $0x3  }
0x4b5: {  	v5 =	vld.idx.msk [tilespmem:v5+s26+$0x0], $0xffff;
	_ =	sdelay $0x1  }
0x4b6: {  	v4 =	vld.idx.msk [tilespmem:v4+s26+$0x0], $0xffff;
	_ =	sdelay $0x1  }
0x4b7: {  	v3 =	vld.idx.msk [tilespmem:v3+s26+$0x0], $0xffff  }
0x4b8: {  	v2 =	vadd.f32 v5, v2;
	v5 =	vld [tilespmem:$0x1FAA0];
	_ =	sdelay $0x1  }
0x4b9: {  	v2 =	vadd.f32 v4, v2;
	v4 =	vld [tilespmem:$0x1FAB0];
	_ =	sdelay $0x1  }
0x4ba: {  	v2 =	vadd.f32 v3, v2;
	v3 =	vld [tilespmem:$0x1FAC0];
	_ =	sdelay $0x3  }
0x4bb: {  	v5 =	vld.idx.msk [tilespmem:v5+s26+$0x0], $0xffff;
	_ =	sdelay $0x1  }
0x4bc: {  	v4 =	vld.idx.msk [tilespmem:v4+s26+$0x0], $0xffff;
	_ =	sdelay $0x1  }
0x4bd: {  	v3 =	vld.idx.msk [tilespmem:v3+s26+$0x0], $0xffff  }
0x4be: {  	v2 =	vadd.f32 v5, v2;
	v5 =	vld [tilespmem:$0x1FAD0];
	_ =	sdelay $0x1  }
0x4bf: {  	v2 =	vadd.f32 v4, v2;
	v4 =	vld [tilespmem:$0x1FAE0];
	_ =	sdelay $0x1  }
0x4c0: {  	v2 =	vadd.f32 v3, v2;
	v3 =	vld [tilespmem:$0x1FAF0];
	_ =	sdelay $0x3  }
0x4c1: {  	v5 =	vld.idx.msk [tilespmem:v5+s26+$0x0], $0xffff;
	_ =	sdelay $0x1  }
0x4c2: {  	v4 =	vld.idx.msk [tilespmem:v4+s26+$0x0], $0xffff;
	_ =	sdelay $0x1  }
0x4c3: {  	v3 =	vld.idx.msk [tilespmem:v3+s26+$0x0], $0xffff  }
0x4c4: {  	v2 =	vadd.f32 v5, v2;
	_ =	sdelay $0x1  }
0x4c5: {  	v2 =	vadd.f32 v4, v2;
	_ =	sdelay $0x1  }
0x4c6: {  	v2 =	vadd.f32 v3, v2;
	_ =	sdelay $0x1  }
0x4c7: {  	[tilespmem:$0x18B40] =	vst v2;
	v2 =	vld [tilespmem:$0x1FB00];
	_ =	sdelay $0x4  }
0x4c8: {  	v4 =	vld [tilespmem:$0x950]  }
0x4c9: {  	v3 =	vld [tilespmem:$0x750];
	_ =	sdelay $0x1  }
0x4ca: {  	v2 =	vld.idx.msk [tilespmem:v2+s26+$0x0], $0xffff  }
0x4cb: {  	v5 =	vld [tilespmem:$0x1FB10];
	_ =	sdelay $0x1  }
0x4cc: {  	v3 =	vsub.f32 v3, v4;
	v4 =	vld [tilespmem:$0x1FB20];
	_ =	sdelay $0x1  }
0x4cd: {  	v2 =	vadd.f32 v2, v3;
	v3 =	vld [tilespmem:$0x1FB30];
	_ =	sdelay $0x3  }
0x4ce: {  	v5 =	vld.idx.msk [tilespmem:v5+s26+$0x0], $0xffff;
	_ =	sdelay $0x1  }
0x4cf: {  	v4 =	vld.idx.msk [tilespmem:v4+s26+$0x0], $0xffff;
	_ =	sdelay $0x1  }
0x4d0: {  	v3 =	vld.idx.msk [tilespmem:v3+s26+$0x0], $0xffff  }
0x4d1: {  	v2 =	vadd.f32 v5, v2;
	v5 =	vld [tilespmem:$0x1FB40];
	_ =	sdelay $0x1  }
0x4d2: {  	v2 =	vadd.f32 v4, v2;
	v4 =	vld [tilespmem:$0x1FB50];
	_ =	sdelay $0x1  }
0x4d3: {  	v2 =	vadd.f32 v3, v2;
	v3 =	vld [tilespmem:$0x1FB60];
	_ =	sdelay $0x3  }
0x4d4: {  	v5 =	vld.idx.msk [tilespmem:v5+s26+$0x0], $0xffff;
	_ =	sdelay $0x1  }
0x4d5: {  	v4 =	vld.idx.msk [tilespmem:v4+s26+$0x0], $0xffff;
	_ =	sdelay $0x1  }
0x4d6: {  	v3 =	vld.idx.msk [tilespmem:v3+s26+$0x0], $0xffff  }
0x4d7: {  	v2 =	vadd.f32 v5, v2;
	v5 =	vld [tilespmem:$0x1FB70];
	_ =	sdelay $0x1  }
0x4d8: {  	v2 =	vadd.f32 v4, v2;
	v4 =	vld [tilespmem:$0x1FB80];
	_ =	sdelay $0x1  }
0x4d9: {  	v2 =	vadd.f32 v3, v2;
	v3 =	vld [tilespmem:$0x1FB90];
	_ =	sdelay $0x3  }
0x4da: {  	v5 =	vld.idx.msk [tilespmem:v5+s26+$0x0], $0xffff;
	_ =	sdelay $0x1  }
0x4db: {  	v4 =	vld.idx.msk [tilespmem:v4+s26+$0x0], $0xffff;
	_ =	sdelay $0x1  }
0x4dc: {  	v3 =	vld.idx.msk [tilespmem:v3+s26+$0x0], $0xffff  }
0x4dd: {  	v2 =	vadd.f32 v5, v2;
	v5 =	vld [tilespmem:$0x1FBA0];
	_ =	sdelay $0x1  }
0x4de: {  	v2 =	vadd.f32 v4, v2;
	v4 =	vld [tilespmem:$0x1FBB0];
	_ =	sdelay $0x1  }
0x4df: {  	v2 =	vadd.f32 v3, v2;
	v3 =	vld [tilespmem:$0x1FBC0];
	_ =	sdelay $0x3  }
0x4e0: {  	v5 =	vld.idx.msk [tilespmem:v5+s26+$0x0], $0xffff;
	_ =	sdelay $0x1  }
0x4e1: {  	v4 =	vld.idx.msk [tilespmem:v4+s26+$0x0], $0xffff;
	_ =	sdelay $0x1  }
0x4e2: {  	v3 =	vld.idx.msk [tilespmem:v3+s26+$0x0], $0xffff  }
0x4e3: {  	v2 =	vadd.f32 v5, v2;
	v5 =	vld [tilespmem:$0x1FBD0];
	_ =	sdelay $0x1  }
0x4e4: {  	v2 =	vadd.f32 v4, v2;
	v4 =	vld [tilespmem:$0x1FBE0];
	_ =	sdelay $0x1  }
0x4e5: {  	v2 =	vadd.f32 v3, v2;
	v3 =	vld [tilespmem:$0x1FBF0];
	_ =	sdelay $0x3  }
0x4e6: {  	v5 =	vld.idx.msk [tilespmem:v5+s26+$0x0], $0xffff;
	_ =	sdelay $0x1  }
0x4e7: {  	v4 =	vld.idx.msk [tilespmem:v4+s26+$0x0], $0xffff;
	_ =	sdelay $0x1  }
0x4e8: {  	v3 =	vld.idx.msk [tilespmem:v3+s26+$0x0], $0xffff  }
0x4e9: {  	v2 =	vadd.f32 v5, v2;
	_ =	sdelay $0x1  }
0x4ea: {  	v2 =	vadd.f32 v4, v2;
	_ =	sdelay $0x1  }
0x4eb: {  	v2 =	vadd.f32 v3, v2;
	_ =	sdelay $0x1  }
0x4ec: {  	[tilespmem:$0x18B50] =	vst v2;
	v2 =	vld [tilespmem:$0x1FC00];
	_ =	sdelay $0x4  }
0x4ed: {  	v4 =	vld [tilespmem:$0x960]  }
0x4ee: {  	v3 =	vld [tilespmem:$0x760];
	_ =	sdelay $0x1  }
0x4ef: {  	v2 =	vld.idx.msk [tilespmem:v2+s26+$0x0], $0xffff;
	_ =	sdelay $0x1  }
0x4f0: {  	v5 =	vld.idx.msk [tilespmem:v34+s26+$0x0], $0xffff  }
0x4f1: {  	v3 =	vsub.f32 v3, v4  }
0x4f2: {  	v4 =	vld.idx.msk [tilespmem:v35+s26+$0x0], $0xffff  }
0x4f3: {  	v2 =	vadd.f32 v2, v3  }
0x4f4: {  	v3 =	vld.idx.msk [tilespmem:v36+s26+$0x0], $0xffff  }
0x4f5: {  	v2 =	vadd.f32 v5, v2  }
0x4f6: {  	v5 =	vld.idx.msk [tilespmem:v37+s26+$0x0], $0xffff  }
0x4f7: {  	v2 =	vadd.f32 v4, v2  }
0x4f8: {  	v4 =	vld.idx.msk [tilespmem:v38+s26+$0x0], $0xffff  }
0x4f9: {  	v2 =	vadd.f32 v3, v2  }
0x4fa: {  	v3 =	vld.idx.msk [tilespmem:v39+s26+$0x0], $0xffff  }
0x4fb: {  	v2 =	vadd.f32 v5, v2  }
0x4fc: {  	v5 =	vld.idx.msk [tilespmem:v40+s26+$0x0], $0xffff  }
0x4fd: {  	v2 =	vadd.f32 v4, v2  }
0x4fe: {  	v4 =	vld.idx.msk [tilespmem:v41+s26+$0x0], $0xffff  }
0x4ff: {  	v2 =	vadd.f32 v3, v2  }
0x500: {  	v3 =	vld.idx.msk [tilespmem:v42+s26+$0x0], $0xffff  }
0x501: {  	v2 =	vadd.f32 v5, v2  }
0x502: {  	v5 =	vld.idx.msk [tilespmem:v43+s26+$0x0], $0xffff  }
0x503: {  	v2 =	vadd.f32 v4, v2  }
0x504: {  	v4 =	vld.idx.msk [tilespmem:v44+s26+$0x0], $0xffff  }
0x505: {  	v2 =	vadd.f32 v3, v2  }
0x506: {  	v3 =	vld.idx.msk [tilespmem:v45+s26+$0x0], $0xffff  }
0x507: {  	v2 =	vadd.f32 v5, v2  }
0x508: {  	v5 =	vld.idx.msk [tilespmem:v46+s26+$0x0], $0xffff  }
0x509: {  	v2 =	vadd.f32 v4, v2  }
0x50a: {  	v4 =	vld.idx.msk [tilespmem:v47+s26+$0x0], $0xffff  }
0x50b: {  	v2 =	vadd.f32 v3, v2  }
0x50c: {  	v3 =	vld.idx.msk [tilespmem:v48+s26+$0x0], $0xffff  }
0x50d: {  	v2 =	vadd.f32 v5, v2;
	_ =	sdelay $0x1  }
0x50e: {  	v2 =	vadd.f32 v4, v2;
	_ =	sdelay $0x1  }
0x50f: {  	v4 =	vld [tilespmem:$0x970];
	v2 =	vadd.f32 v3, v2  }
0x510: {  	v3 =	vld [tilespmem:$0x770]  }
0x511: {  	[tilespmem:$0x18B60] =	vst v2  }
0x512: {  	v2 =	vld.idx.msk [tilespmem:v49+s26+$0x0], $0xffff;
	_ =	sdelay $0x1  }
0x513: {  	v5 =	vld.idx.msk [tilespmem:v50+s26+$0x0], $0xffff  }
0x514: {  	v3 =	vsub.f32 v3, v4  }
0x515: {  	v4 =	vld.idx.msk [tilespmem:v51+s26+$0x0], $0xffff  }
0x516: {  	v2 =	vadd.f32 v2, v3  }
0x517: {  	v3 =	vld.idx.msk [tilespmem:v52+s26+$0x0], $0xffff  }
0x518: {  	v2 =	vadd.f32 v5, v2  }
0x519: {  	v5 =	vld.idx.msk [tilespmem:v53+s26+$0x0], $0xffff  }
0x51a: {  	v2 =	vadd.f32 v4, v2  }
0x51b: {  	v4 =	vld.idx.msk [tilespmem:v54+s26+$0x0], $0xffff  }
0x51c: {  	v2 =	vadd.f32 v3, v2  }
0x51d: {  	v3 =	vld.idx.msk [tilespmem:v55+s26+$0x0], $0xffff  }
0x51e: {  	v2 =	vadd.f32 v5, v2  }
0x51f: {  	v5 =	vld.idx.msk [tilespmem:v56+s26+$0x0], $0xffff  }
0x520: {  	v2 =	vadd.f32 v4, v2  }
0x521: {  	v4 =	vld.idx.msk [tilespmem:v57+s26+$0x0], $0xffff  }
0x522: {  	v2 =	vadd.f32 v3, v2  }
0x523: {  	v3 =	vld.idx.msk [tilespmem:v58+s26+$0x0], $0xffff  }
0x524: {  	v2 =	vadd.f32 v5, v2  }
0x525: {  	v5 =	vld.idx.msk [tilespmem:v59+s26+$0x0], $0xffff  }
0x526: {  	v2 =	vadd.f32 v4, v2  }
0x527: {  	v4 =	vld.idx.msk [tilespmem:v60+s26+$0x0], $0xffff  }
0x528: {  	v2 =	vadd.f32 v3, v2  }
0x529: {  	v3 =	vld.idx.msk [tilespmem:v61+s26+$0x0], $0xffff  }
0x52a: {  	v2 =	vadd.f32 v5, v2  }
0x52b: {  	v5 =	vld.idx.msk [tilespmem:v62+s26+$0x0], $0xffff  }
0x52c: {  	v2 =	vadd.f32 v4, v2  }
0x52d: {  	v4 =	vld.idx.msk [tilespmem:v63+s26+$0x0], $0xffff  }
0x52e: {  	v2 =	vadd.f32 v3, v2  }
0x52f: {  	v3 =	vld.idx.msk [tilespmem:v1+s26+$0x0], $0xffff  }
0x530: {  	v2 =	vadd.f32 v5, v2;
	_ =	sdelay $0x1  }
0x531: {  	v2 =	vadd.f32 v4, v2;
	_ =	sdelay $0x1  }
0x532: {  	v2 =	vadd.f32 v3, v2;
	_ =	sdelay $0x1  }
0x533: {  	[tilespmem:$0x18B70] =	vst v2  }
0x534: {  	_ =	swait.ge [sflag:s31], $0x4000  }
0x535: {  	[sflag:s31] =	ssyncset.done $0x0  }
0x536: {  	[sflag:s31] =	ssyncadd.s32 $0xFFFFC000  }
0x537: {  	_ =	swait.ge [sflag:s31], $0x4000  }
0x538: {  	[sflag:s31] =	ssyncset.done $0x0  }
0x539: {  	[sflag:s31] =	ssyncadd.s32 $0xFFFFC000  }
0x53a: {  	_ =	swait.ge [sflag:s31], $0x4000  }
0x53b: {  	[sflag:s31] =	ssyncset.done $0x0  }
0x53c: {  	s4 =	simm.s32 $0xCA80;
	[sflag:s31] =	ssyncadd.s32 $0xFFFFC000  }
0x53d: {  	v2 =	vld [tilespmem:s4+$0x0]  }
0x53e: {  	v3 =	vld [tilespmem:s4+$0x10]  }
0x53f: {  	v4 =	vld [tilespmem:s4+$0x20]  }
0x540: {  	v5 =	vld [tilespmem:s4+$0x30]  }
0x541: {  	v6 =	vld [tilespmem:s4+$0x40]  }
0x542: {  	s28 =	simm.s32 $0x10A80;
	v7 =	vld [tilespmem:s4+$0x50]  }
0x543: {  	s29 =	simm.s32 $0x14A80;
	v8 =	vld [tilespmem:s28+$0x0]  }
0x544: {  	v9 =	vld [tilespmem:s29+$0x0]  }
0x545: {  	v10 =	vld [tilespmem:s28+$0x10]  }
0x546: {  	v11 =	vld [tilespmem:s29+$0x10]  }
0x547: {  	v12 =	vld [tilespmem:s28+$0x20]  }
0x548: {  	v13 =	vld [tilespmem:s29+$0x20]  }
0x549: {  	v14 =	vld [tilespmem:s28+$0x30]  }
0x54a: {  	v15 =	vld [tilespmem:s29+$0x30]  }
0x54b: {  	v16 =	vld [tilespmem:s28+$0x40]  }
0x54c: {  	v17 =	vld [tilespmem:s29+$0x40]  }
0x54d: {  	v18 =	vld [tilespmem:s28+$0x50]  }
0x54e: {  	v19 =	vld [tilespmem:s29+$0x50]  }
0x54f: {  	v20 =	vld [tilespmem:s28+$0x60]  }
0x550: {  	v21 =	vld [tilespmem:s29+$0x60]  }
0x551: {  	v22 =	vld [tilespmem:s28+$0x70]  }
0x552: {  	v23 =	vld [tilespmem:s29+$0x70]  }
0x553: {  	v24 =	vld [tilespmem:s4+$0x60]  }
0x554: {  	v25 =	vld [tilespmem:s4+$0x70]  }
0x555: {  	v26 =	vld [tilespmem:s28+$0xFFFFFF80]  }
0x556: {  	v27 =	vld [tilespmem:s29+$0xFFFFFF80]  }
0x557: {  	v28 =	vld [tilespmem:s28+$0xFFFFFF90]  }
0x558: {  	v29 =	vld [tilespmem:s29+$0xFFFFFF90]  }
0x559: {  	v30 =	vld [tilespmem:s28+$0xFFFFFFA0]  }
0x55a: {  	v31 =	vld [tilespmem:s29+$0xFFFFFFA0]  }
0x55b: {  	v32 =	vld [tilespmem:s28+$0xFFFFFFB0]  }
0x55c: {  	v33 =	vld [tilespmem:s29+$0xFFFFFFB0]  }
0x55d: {  	v8 =	vsub.f32 v8, v9;
	v9 =	vsub.f32 v10, v11;
	v10 =	vld [tilespmem:s28+$0xFFFFFFC0]  }
0x55e: {  	v11 =	vsub.f32 v12, v13;
	v13 =	vld [tilespmem:s29+$0xFFFFFFC0]  }
0x55f: {  	v12 =	vsub.f32 v14, v15;
	v14 =	vsub.f32 v16, v17;
	v16 =	vld [tilespmem:s28+$0xFFFFFFD0]  }
0x560: {  	v15 =	vsub.f32 v18, v19;
	v17 =	vld [tilespmem:s29+$0xFFFFFFD0]  }
0x561: {  	v18 =	vld [tilespmem:s4+$0xFFFFFF90];
	v2 =	vmul.f32 v8, v2;
	v3 =	vmul.f32 v9, v3;
	v8 =	vsub.f32 v20, v21  }
0x562: {  	v19 =	vld [tilespmem:s4+$0xFFFFFFA0];
	v4 =	vmul.f32 v11, v4;
	v5 =	vmul.f32 v12, v5;
	v9 =	vsub.f32 v22, v23  }
0x563: {  	v11 =	vld [tilespmem:s28+$0xFFFFFFE0];
	v6 =	vmul.f32 v14, v6;
	v7 =	vmul.f32 v15, v7  }
0x564: {  	v12 =	vld [tilespmem:s29+$0xFFFFFFE0];
	v8 =	vmul.f32 v8, v24;
	v9 =	vmul.f32 v9, v25  }
0x565: {  	v14 =	vld [tilespmem:s28+$0xFFFFFFF0];
	v2 =	vadd.f32 v3, v2;
	v3 =	vadd.f32 v5, v4  }
0x566: {  	v15 =	vld [tilespmem:s29+$0xFFFFFFF0];
	v4 =	vadd.f32 v7, v6;
	v5 =	vadd.f32 v9, v8  }
0x567: {  	v29 =	vsub.f32 v28, v29;
	v30 =	vsub.f32 v30, v31;
	v20 =	vld [tilespmem:s4+$0xFFFFFFB0]  }
0x568: {  	v7 =	vld [tilespmem:s4+$0xFFFFFFC0];
	v3 =	vadd.f32 v3, v2;
	v4 =	vadd.f32 v5, v4  }
0x569: {  	v33 =	vsub.f32 v32, v33;
	v2 =	vsub.f32 v26, v27;
	v8 =	vld [tilespmem:s4+$0xFFFFFFD0]  }
0x56a: {  	v9 =	vld [tilespmem:s4+$0xFFFFFFE0];
	v6 =	vsub.f32 v11, v12;
	v31 =	vadd.f32 v4, v3  }
0x56b: {  	s30 =	simm.s32 $0x18C80;
	v11 =	vld [tilespmem:s4+$0xFFFFFFF0];
	v5 =	vsub.f32 v16, v17;
	v4 =	vsub.f32 v10, v13;
	v3 =	vmul.f32 v29, v18  }
0x56c: {  	s3 =	simm.s32 $0x0;
	v12 =	vld [tilespmem:s4+$0xFFFFFF80];
	s4 =	simm.s32 $0xCB80;
	v10 =	vsub.f32 v14, v15;
	v13 =	vmul.f32 v30, v19;
	v14 =	vmul.f32 v33, v20;
	[tilespmem:s30+$0x0] =	vst v31  }
.LBB2_8:
0x56d: {  	v15 =	vld [tilespmem:s4+$0x0];
	v4 =	vmul.f32 v4, v7  }
0x56e: {  	v7 =	vld [tilespmem:s4+$0x10];
	v5 =	vmul.f32 v5, v8;
	v8 =	vadd.f32 v14, v13  }
0x56f: {  	v13 =	vld [tilespmem:s4+$0x20];
	v6 =	vmul.f32 v6, v9  }
0x570: {  	v9 =	vld [tilespmem:s4+$0x30];
	v10 =	vmul.f32 v10, v11;
	v4 =	vadd.f32 v5, v4  }
0x571: {  	v5 =	vld [tilespmem:s4+$0x40];
	v2 =	vmul.f32 v2, v12  }
0x572: {  	s28 =	sadd.s32 $0x100, s28;
	v11 =	vld [tilespmem:s4+$0x50];
	v6 =	vadd.f32 v10, v6  }
0x573: {  	s29 =	sadd.s32 $0x100, s29;
	v10 =	vld [tilespmem:s28+$0x0];
	v2 =	vadd.f32 v3, v2  }
0x574: {  	v3 =	vld [tilespmem:s29+$0x0];
	v4 =	vadd.f32 v6, v4  }
0x575: {  	v6 =	vld [tilespmem:s28+$0x10];
	v2 =	vadd.f32 v8, v2  }
0x576: {  	v8 =	vld [tilespmem:s29+$0x10]  }
0x577: {  	v12 =	vld [tilespmem:s28+$0x20];
	v2 =	vadd.f32 v4, v2  }
0x578: {  	v4 =	vld [tilespmem:s29+$0x20]  }
0x579: {  	v14 =	vld [tilespmem:s28+$0x30];
	[tilespmem:s30+$0xFFFFFF80] =	vst v2  }
0x57a: {  	v2 =	vld [tilespmem:s29+$0x30]  }
0x57b: {  	v16 =	vld [tilespmem:s28+$0x40]  }
0x57c: {  	v17 =	vld [tilespmem:s29+$0x40]  }
0x57d: {  	v18 =	vld [tilespmem:s28+$0x50]  }
0x57e: {  	v19 =	vld [tilespmem:s29+$0x50]  }
0x57f: {  	v20 =	vld [tilespmem:s28+$0x60]  }
0x580: {  	v21 =	vld [tilespmem:s29+$0x60]  }
0x581: {  	v22 =	vld [tilespmem:s28+$0x70]  }
0x582: {  	s3 =	sadd.s32 $0x2, s3;
	v23 =	vld [tilespmem:s29+$0x70]  }
0x583: {  	p0 =	slt.u32 s3, $0x7E;
	v3 =	vsub.f32 v10, v3;
	v6 =	vsub.f32 v6, v8;
	v8 =	vld [tilespmem:s4+$0x60]  }
0x584: {  	v4 =	vsub.f32 v12, v4;
	v2 =	vsub.f32 v14, v2;
	v10 =	vld [tilespmem:s4+$0x70]  }
0x585: {  	v14 =	vsub.f32 v16, v17;
	v16 =	vsub.f32 v18, v19;
	v12 =	vld [tilespmem:s28+$0xFFFFFF80]  }
0x586: {  	v3 =	vmul.f32 v3, v15;
	v6 =	vmul.f32 v6, v7;
	v7 =	vsub.f32 v20, v21;
	v17 =	vld [tilespmem:s29+$0xFFFFFF80]  }
0x587: {  	v4 =	vmul.f32 v4, v13;
	v2 =	vmul.f32 v2, v9;
	v15 =	vld [tilespmem:s28+$0xFFFFFF90];
	v9 =	vsub.f32 v22, v23  }
0x588: {  	v5 =	vmul.f32 v14, v5;
	v11 =	vmul.f32 v16, v11;
	v13 =	vld [tilespmem:s29+$0xFFFFFF90]  }
0x589: {  	v7 =	vmul.f32 v7, v8;
	v14 =	vld [tilespmem:s28+$0xFFFFFFA0];
	v8 =	vmul.f32 v9, v10  }
0x58a: {  	v3 =	vadd.f32 v6, v3;
	v4 =	vadd.f32 v2, v4;
	v9 =	vld [tilespmem:s29+$0xFFFFFFA0]  }
0x58b: {  	v5 =	vadd.f32 v11, v5;
	v6 =	vld [tilespmem:s28+$0xFFFFFFB0];
	v7 =	vadd.f32 v8, v7  }
0x58c: {  	v2 =	vsub.f32 v12, v17;
	v8 =	vld [tilespmem:s29+$0xFFFFFFB0]  }
0x58d: {  	v3 =	vadd.f32 v4, v3;
	v10 =	vld [tilespmem:s28+$0xFFFFFFC0];
	v4 =	vadd.f32 v7, v5  }
0x58e: {  	v11 =	vsub.f32 v15, v13;
	v5 =	vld [tilespmem:s29+$0xFFFFFFC0]  }
0x58f: {  	v12 =	vsub.f32 v14, v9;
	v7 =	vld [tilespmem:s28+$0xFFFFFFD0];
	v3 =	vadd.f32 v4, v3  }
0x590: {  	s30 =	sadd.s32 $0x100, s30;
	v9 =	vld [tilespmem:s29+$0xFFFFFFD0]  }
0x591: {  	v14 =	vsub.f32 v6, v8;
	v6 =	vld [tilespmem:s28+$0xFFFFFFE0];
	[tilespmem:s30+$0x0] =	vst v3  }
0x592: {  	v3 =	vld [tilespmem:s29+$0xFFFFFFE0]  }
0x593: {  	v4 =	vsub.f32 v10, v5;
	v10 =	vld [tilespmem:s28+$0xFFFFFFF0]  }
0x594: {  	v13 =	vld [tilespmem:s29+$0xFFFFFFF0]  }
0x595: {  	v15 =	vld [tilespmem:s4+$0xFFFFFF90];
	v5 =	vsub.f32 v7, v9  }
0x596: {  	v16 =	vld [tilespmem:s4+$0xFFFFFFA0]  }
0x597: {  	v17 =	vld [tilespmem:s4+$0xFFFFFFB0];
	v6 =	vsub.f32 v6, v3  }
.Ltmp3:
0x598: {  	v7 =	vld [tilespmem:s4+$0xFFFFFFC0];
	(pc) =	sbr.rel @p0 .LBB2_8-.Ltmp3, $4  }
0x599: {  	v8 =	vld [tilespmem:s4+$0xFFFFFFD0];
	v10 =	vsub.f32 v10, v13  }
0x59a: {  	v3 =	vmul.f32 v11, v15;
	v9 =	vld [tilespmem:s4+$0xFFFFFFE0]  }
0x59b: {  	v13 =	vmul.f32 v12, v16;
	v11 =	vld [tilespmem:s4+$0xFFFFFFF0]  }
0x59c: {  	v12 =	vld [tilespmem:s4+$0xFFFFFF80];
	v14 =	vmul.f32 v14, v17;
	s4 =	sadd.s32 $0x100, s4  }
0x59d: {  	_ =	sdelay $0x1  }
0x59e: {  	v4 =	vmul.f32 v4, v7  }
0x59f: {  	v5 =	vmul.f32 v5, v8;
	v6 =	vmul.f32 v6, v9  }
0x5a0: {  	v16 =	vmul.f32 v10, v11;
	v2 =	vmul.f32 v2, v12  }
0x5a1: {  	v17 =	vadd.f32 v14, v13;
	v4 =	vadd.f32 v5, v4  }
0x5a2: {  	v18 =	vadd.f32 v16, v6;
	v2 =	vadd.f32 v3, v2;
	_ =	sdelay $0x1  }
0x5a3: {  	v3 =	vadd.f32 v18, v4;
	v2 =	vadd.f32 v17, v2;
	_ =	sdelay $0x1  }
0x5a4: {  	v2 =	vadd.f32 v3, v2;
	_ =	sdelay $0x1  }
0x5a5: {  	[tilespmem:s30+$0xFFFFFF80] =	vst v2  }
0x5a6: {  	v2 =	vld [tilespmem:$0x780]  }
0x5a7: {  	v3 =	vld [tilespmem:$0x980];
	_ =	sdelay $0x2  }
0x5a8: {  	v20 =	vld [tilespmem:$0x1FC10];
	_ =	sdelay $0x1  }
0x5a9: {  	v2 =	vsub.f32 v2, v3;
	v3 =	vld [tilespmem:$0x1FC20];
	_ =	sdelay $0x3  }
0x5aa: {  	v19 =	vld.idx.msk [tilespmem:v0+s26+$0x0], $0xffff;
	_ =	sdelay $0x1  }
0x5ab: {  	v5 =	vld.idx.msk [tilespmem:v20+s26+$0x0], $0xffff;
	_ =	sdelay $0x1  }
0x5ac: {  	v3 =	vld.idx.msk [tilespmem:v3+s26+$0x0], $0xffff  }
0x5ad: {  	v21 =	vld [tilespmem:$0x1FC30];
	v2 =	vadd.f32 v19, v2;
	_ =	sdelay $0x1  }
0x5ae: {  	v22 =	vld [tilespmem:$0x1FC40];
	v2 =	vadd.f32 v5, v2;
	_ =	sdelay $0x1  }
0x5af: {  	v2 =	vadd.f32 v3, v2;
	v3 =	vld [tilespmem:$0x1FC50];
	_ =	sdelay $0x3  }
0x5b0: {  	v4 =	vld.idx.msk [tilespmem:v21+s26+$0x0], $0xffff;
	_ =	sdelay $0x1  }
0x5b1: {  	v5 =	vld.idx.msk [tilespmem:v22+s26+$0x0], $0xffff;
	_ =	sdelay $0x1  }
0x5b2: {  	v3 =	vld.idx.msk [tilespmem:v3+s26+$0x0], $0xffff  }
0x5b3: {  	v23 =	vld [tilespmem:$0x1FC60];
	v2 =	vadd.f32 v4, v2;
	_ =	sdelay $0x1  }
0x5b4: {  	v24 =	vld [tilespmem:$0x1FC70];
	v2 =	vadd.f32 v5, v2;
	_ =	sdelay $0x1  }
0x5b5: {  	v2 =	vadd.f32 v3, v2;
	v3 =	vld [tilespmem:$0x1FC80];
	_ =	sdelay $0x3  }
0x5b6: {  	v4 =	vld.idx.msk [tilespmem:v23+s26+$0x0], $0xffff;
	_ =	sdelay $0x1  }
0x5b7: {  	v5 =	vld.idx.msk [tilespmem:v24+s26+$0x0], $0xffff;
	_ =	sdelay $0x1  }
0x5b8: {  	v3 =	vld.idx.msk [tilespmem:v3+s26+$0x0], $0xffff  }
0x5b9: {  	v25 =	vld [tilespmem:$0x1FC90];
	v2 =	vadd.f32 v4, v2;
	_ =	sdelay $0x1  }
0x5ba: {  	v26 =	vld [tilespmem:$0x1FCA0];
	v2 =	vadd.f32 v5, v2;
	_ =	sdelay $0x1  }
0x5bb: {  	v2 =	vadd.f32 v3, v2;
	v3 =	vld [tilespmem:$0x1FCB0];
	_ =	sdelay $0x3  }
0x5bc: {  	v4 =	vld.idx.msk [tilespmem:v25+s26+$0x0], $0xffff;
	_ =	sdelay $0x1  }
0x5bd: {  	v5 =	vld.idx.msk [tilespmem:v26+s26+$0x0], $0xffff;
	_ =	sdelay $0x1  }
0x5be: {  	v3 =	vld.idx.msk [tilespmem:v3+s26+$0x0], $0xffff  }
0x5bf: {  	v27 =	vld [tilespmem:$0x1FCC0];
	v2 =	vadd.f32 v4, v2;
	_ =	sdelay $0x1  }
0x5c0: {  	v28 =	vld [tilespmem:$0x1FCD0];
	v2 =	vadd.f32 v5, v2;
	_ =	sdelay $0x1  }
0x5c1: {  	v2 =	vadd.f32 v3, v2;
	v3 =	vld [tilespmem:$0x1FCE0];
	_ =	sdelay $0x1  }
0x5c2: {  	v29 =	vld [tilespmem:$0x1FCF0];
	_ =	sdelay $0x1  }
0x5c3: {  	v4 =	vld.idx.msk [tilespmem:v27+s26+$0x0], $0xffff;
	_ =	sdelay $0x1  }
0x5c4: {  	v5 =	vld.idx.msk [tilespmem:v28+s26+$0x0], $0xffff;
	_ =	sdelay $0x1  }
0x5c5: {  	v3 =	vld.idx.msk [tilespmem:v3+s26+$0x0], $0xffff  }
0x5c6: {  	v2 =	vadd.f32 v4, v2  }
0x5c7: {  	v4 =	vld.idx.msk [tilespmem:v29+s26+$0x0], $0xffff  }
0x5c8: {  	v2 =	vadd.f32 v5, v2;
	_ =	sdelay $0x1  }
0x5c9: {  	v2 =	vadd.f32 v3, v2;
	_ =	sdelay $0x1  }
0x5ca: {  	v2 =	vadd.f32 v4, v2;
	_ =	sdelay $0x1  }
0x5cb: {  	[tilespmem:$0x18B80] =	vst v2;
	v2 =	vld [tilespmem:$0x1FD00];
	_ =	sdelay $0x4  }
0x5cc: {  	v30 =	vld [tilespmem:$0x990]  }
0x5cd: {  	v3 =	vld [tilespmem:$0x790];
	_ =	sdelay $0x1  }
0x5ce: {  	v2 =	vld.idx.msk [tilespmem:v2+s26+$0x0], $0xffff  }
0x5cf: {  	v31 =	vld [tilespmem:$0x1FD10];
	_ =	sdelay $0x1  }
0x5d0: {  	v32 =	vld [tilespmem:$0x1FD20];
	v3 =	vsub.f32 v3, v30;
	_ =	sdelay $0x1  }
0x5d1: {  	v2 =	vadd.f32 v2, v3;
	v3 =	vld [tilespmem:$0x1FD30];
	_ =	sdelay $0x3  }
0x5d2: {  	v5 =	vld.idx.msk [tilespmem:v31+s26+$0x0], $0xffff;
	_ =	sdelay $0x1  }
0x5d3: {  	v4 =	vld.idx.msk [tilespmem:v32+s26+$0x0], $0xffff;
	_ =	sdelay $0x1  }
0x5d4: {  	v3 =	vld.idx.msk [tilespmem:v3+s26+$0x0], $0xffff  }
0x5d5: {  	v33 =	vld [tilespmem:$0x1FD40];
	v2 =	vadd.f32 v5, v2;
	_ =	sdelay $0x1  }
0x5d6: {  	v8 =	vld [tilespmem:$0x1FD50];
	v2 =	vadd.f32 v4, v2;
	_ =	sdelay $0x1  }
0x5d7: {  	v2 =	vadd.f32 v3, v2;
	v3 =	vld [tilespmem:$0x1FD60];
	_ =	sdelay $0x3  }
0x5d8: {  	v5 =	vld.idx.msk [tilespmem:v33+s26+$0x0], $0xffff;
	_ =	sdelay $0x1  }
0x5d9: {  	v4 =	vld.idx.msk [tilespmem:v8+s26+$0x0], $0xffff;
	_ =	sdelay $0x1  }
0x5da: {  	v3 =	vld.idx.msk [tilespmem:v3+s26+$0x0], $0xffff  }
0x5db: {  	v9 =	vld [tilespmem:$0x1FD70];
	v2 =	vadd.f32 v5, v2;
	_ =	sdelay $0x1  }
0x5dc: {  	v10 =	vld [tilespmem:$0x1FD80];
	v2 =	vadd.f32 v4, v2;
	_ =	sdelay $0x1  }
0x5dd: {  	v2 =	vadd.f32 v3, v2;
	v3 =	vld [tilespmem:$0x1FD90];
	_ =	sdelay $0x3  }
0x5de: {  	v5 =	vld.idx.msk [tilespmem:v9+s26+$0x0], $0xffff;
	_ =	sdelay $0x1  }
0x5df: {  	v4 =	vld.idx.msk [tilespmem:v10+s26+$0x0], $0xffff;
	_ =	sdelay $0x1  }
0x5e0: {  	v3 =	vld.idx.msk [tilespmem:v3+s26+$0x0], $0xffff  }
0x5e1: {  	v11 =	vld [tilespmem:$0x1FDA0];
	v2 =	vadd.f32 v5, v2;
	_ =	sdelay $0x1  }
0x5e2: {  	v12 =	vld [tilespmem:$0x1FDB0];
	v2 =	vadd.f32 v4, v2;
	_ =	sdelay $0x1  }
0x5e3: {  	v2 =	vadd.f32 v3, v2;
	v3 =	vld [tilespmem:$0x1FDC0];
	_ =	sdelay $0x3  }
0x5e4: {  	v5 =	vld.idx.msk [tilespmem:v11+s26+$0x0], $0xffff;
	_ =	sdelay $0x1  }
0x5e5: {  	v4 =	vld.idx.msk [tilespmem:v12+s26+$0x0], $0xffff;
	_ =	sdelay $0x1  }
0x5e6: {  	v3 =	vld.idx.msk [tilespmem:v3+s26+$0x0], $0xffff  }
0x5e7: {  	v13 =	vld [tilespmem:$0x1FDD0];
	v2 =	vadd.f32 v5, v2;
	_ =	sdelay $0x1  }
0x5e8: {  	v14 =	vld [tilespmem:$0x1FDE0];
	v2 =	vadd.f32 v4, v2;
	_ =	sdelay $0x1  }
0x5e9: {  	v2 =	vadd.f32 v3, v2;
	v3 =	vld [tilespmem:$0x1FDF0];
	_ =	sdelay $0x3  }
0x5ea: {  	v5 =	vld.idx.msk [tilespmem:v13+s26+$0x0], $0xffff;
	_ =	sdelay $0x1  }
0x5eb: {  	v4 =	vld.idx.msk [tilespmem:v14+s26+$0x0], $0xffff;
	_ =	sdelay $0x1  }
0x5ec: {  	v3 =	vld.idx.msk [tilespmem:v3+s26+$0x0], $0xffff  }
0x5ed: {  	v2 =	vadd.f32 v5, v2;
	_ =	sdelay $0x1  }
0x5ee: {  	v2 =	vadd.f32 v4, v2;
	_ =	sdelay $0x1  }
0x5ef: {  	v2 =	vadd.f32 v3, v2;
	_ =	sdelay $0x1  }
0x5f0: {  	[tilespmem:$0x18B90] =	vst v2;
	v2 =	vld [tilespmem:$0x1FE00];
	_ =	sdelay $0x4  }
0x5f1: {  	v15 =	vld [tilespmem:$0x9A0]  }
0x5f2: {  	v3 =	vld [tilespmem:$0x7A0];
	_ =	sdelay $0x1  }
0x5f3: {  	v2 =	vld.idx.msk [tilespmem:v2+s26+$0x0], $0xffff  }
0x5f4: {  	v16 =	vld [tilespmem:$0x1FE10];
	_ =	sdelay $0x1  }
0x5f5: {  	v17 =	vld [tilespmem:$0x1FE20];
	v3 =	vsub.f32 v3, v15;
	_ =	sdelay $0x1  }
0x5f6: {  	v2 =	vadd.f32 v2, v3;
	v3 =	vld [tilespmem:$0x1FE30];
	_ =	sdelay $0x3  }
0x5f7: {  	v5 =	vld.idx.msk [tilespmem:v16+s26+$0x0], $0xffff;
	_ =	sdelay $0x1  }
0x5f8: {  	v4 =	vld.idx.msk [tilespmem:v17+s26+$0x0], $0xffff;
	_ =	sdelay $0x1  }
0x5f9: {  	v3 =	vld.idx.msk [tilespmem:v3+s26+$0x0], $0xffff  }
0x5fa: {  	v18 =	vld [tilespmem:$0x1FE40];
	v2 =	vadd.f32 v5, v2;
	_ =	sdelay $0x1  }
0x5fb: {  	v19 =	vld [tilespmem:$0x1FE50];
	v2 =	vadd.f32 v4, v2;
	_ =	sdelay $0x1  }
0x5fc: {  	v2 =	vadd.f32 v3, v2;
	v3 =	vld [tilespmem:$0x1FE60];
	_ =	sdelay $0x3  }
0x5fd: {  	v5 =	vld.idx.msk [tilespmem:v18+s26+$0x0], $0xffff;
	_ =	sdelay $0x1  }
0x5fe: {  	v4 =	vld.idx.msk [tilespmem:v19+s26+$0x0], $0xffff;
	_ =	sdelay $0x1  }
0x5ff: {  	v3 =	vld.idx.msk [tilespmem:v3+s26+$0x0], $0xffff  }
0x600: {  	v20 =	vld [tilespmem:$0x1FE70];
	v2 =	vadd.f32 v5, v2;
	_ =	sdelay $0x1  }
0x601: {  	v21 =	vld [tilespmem:$0x1FE80];
	v2 =	vadd.f32 v4, v2;
	_ =	sdelay $0x1  }
0x602: {  	v2 =	vadd.f32 v3, v2;
	v3 =	vld [tilespmem:$0x1FE90];
	_ =	sdelay $0x3  }
0x603: {  	v5 =	vld.idx.msk [tilespmem:v20+s26+$0x0], $0xffff;
	_ =	sdelay $0x1  }
0x604: {  	v4 =	vld.idx.msk [tilespmem:v21+s26+$0x0], $0xffff;
	_ =	sdelay $0x1  }
0x605: {  	v3 =	vld.idx.msk [tilespmem:v3+s26+$0x0], $0xffff  }
0x606: {  	v22 =	vld [tilespmem:$0x1FEA0];
	v2 =	vadd.f32 v5, v2;
	_ =	sdelay $0x1  }
0x607: {  	v23 =	vld [tilespmem:$0x1FEB0];
	v2 =	vadd.f32 v4, v2;
	_ =	sdelay $0x1  }
0x608: {  	v2 =	vadd.f32 v3, v2;
	v3 =	vld [tilespmem:$0x1FEC0];
	_ =	sdelay $0x3  }
0x609: {  	v5 =	vld.idx.msk [tilespmem:v22+s26+$0x0], $0xffff;
	_ =	sdelay $0x1  }
0x60a: {  	v4 =	vld.idx.msk [tilespmem:v23+s26+$0x0], $0xffff;
	_ =	sdelay $0x1  }
0x60b: {  	v3 =	vld.idx.msk [tilespmem:v3+s26+$0x0], $0xffff  }
0x60c: {  	v24 =	vld [tilespmem:$0x1FED0];
	v2 =	vadd.f32 v5, v2;
	_ =	sdelay $0x1  }
0x60d: {  	v25 =	vld [tilespmem:$0x1FEE0];
	v2 =	vadd.f32 v4, v2;
	_ =	sdelay $0x1  }
0x60e: {  	v2 =	vadd.f32 v3, v2;
	v3 =	vld [tilespmem:$0x1FEF0];
	_ =	sdelay $0x3  }
0x60f: {  	v5 =	vld.idx.msk [tilespmem:v24+s26+$0x0], $0xffff;
	_ =	sdelay $0x1  }
0x610: {  	v4 =	vld.idx.msk [tilespmem:v25+s26+$0x0], $0xffff;
	_ =	sdelay $0x1  }
0x611: {  	v3 =	vld.idx.msk [tilespmem:v3+s26+$0x0], $0xffff  }
0x612: {  	v2 =	vadd.f32 v5, v2;
	_ =	sdelay $0x1  }
0x613: {  	v2 =	vadd.f32 v4, v2;
	_ =	sdelay $0x1  }
0x614: {  	v2 =	vadd.f32 v3, v2;
	_ =	sdelay $0x1  }
0x615: {  	[tilespmem:$0x18BA0] =	vst v2;
	v2 =	vld [tilespmem:$0x1FF00];
	_ =	sdelay $0x4  }
0x616: {  	v26 =	vld [tilespmem:$0x9B0]  }
0x617: {  	v3 =	vld [tilespmem:$0x7B0];
	_ =	sdelay $0x1  }
0x618: {  	v2 =	vld.idx.msk [tilespmem:v2+s26+$0x0], $0xffff  }
0x619: {  	v27 =	vld [tilespmem:$0x1FF10];
	_ =	sdelay $0x1  }
0x61a: {  	v28 =	vld [tilespmem:$0x1FF20];
	v3 =	vsub.f32 v3, v26;
	_ =	sdelay $0x1  }
0x61b: {  	v2 =	vadd.f32 v2, v3;
	v3 =	vld [tilespmem:$0x1FF30];
	_ =	sdelay $0x3  }
0x61c: {  	v5 =	vld.idx.msk [tilespmem:v27+s26+$0x0], $0xffff;
	_ =	sdelay $0x1  }
0x61d: {  	v4 =	vld.idx.msk [tilespmem:v28+s26+$0x0], $0xffff;
	_ =	sdelay $0x1  }
0x61e: {  	v3 =	vld.idx.msk [tilespmem:v3+s26+$0x0], $0xffff  }
0x61f: {  	v29 =	vld [tilespmem:$0x1FF40];
	v2 =	vadd.f32 v5, v2;
	_ =	sdelay $0x1  }
0x620: {  	v30 =	vld [tilespmem:$0x1FF50];
	v2 =	vadd.f32 v4, v2;
	_ =	sdelay $0x1  }
0x621: {  	v2 =	vadd.f32 v3, v2;
	v3 =	vld [tilespmem:$0x1FF60];
	_ =	sdelay $0x3  }
0x622: {  	v5 =	vld.idx.msk [tilespmem:v29+s26+$0x0], $0xffff;
	_ =	sdelay $0x1  }
0x623: {  	v4 =	vld.idx.msk [tilespmem:v30+s26+$0x0], $0xffff;
	_ =	sdelay $0x1  }
0x624: {  	v3 =	vld.idx.msk [tilespmem:v3+s26+$0x0], $0xffff  }
0x625: {  	v31 =	vld [tilespmem:$0x1FF70];
	v2 =	vadd.f32 v5, v2;
	_ =	sdelay $0x1  }
0x626: {  	v32 =	vld [tilespmem:$0x1FF80];
	v2 =	vadd.f32 v4, v2;
	_ =	sdelay $0x1  }
0x627: {  	v2 =	vadd.f32 v3, v2;
	v3 =	vld [tilespmem:$0x1FF90];
	_ =	sdelay $0x3  }
0x628: {  	v5 =	vld.idx.msk [tilespmem:v31+s26+$0x0], $0xffff;
	_ =	sdelay $0x1  }
0x629: {  	v4 =	vld.idx.msk [tilespmem:v32+s26+$0x0], $0xffff;
	_ =	sdelay $0x1  }
0x62a: {  	v3 =	vld.idx.msk [tilespmem:v3+s26+$0x0], $0xffff  }
0x62b: {  	v33 =	vld [tilespmem:$0x1FFA0];
	v2 =	vadd.f32 v5, v2;
	_ =	sdelay $0x1  }
0x62c: {  	v8 =	vld [tilespmem:$0x1FFB0];
	v2 =	vadd.f32 v4, v2;
	_ =	sdelay $0x1  }
0x62d: {  	v2 =	vadd.f32 v3, v2;
	v3 =	vld [tilespmem:$0x1FFC0];
	_ =	sdelay $0x3  }
0x62e: {  	v5 =	vld.idx.msk [tilespmem:v33+s26+$0x0], $0xffff;
	_ =	sdelay $0x1  }
0x62f: {  	v4 =	vld.idx.msk [tilespmem:v8+s26+$0x0], $0xffff;
	_ =	sdelay $0x1  }
0x630: {  	v3 =	vld.idx.msk [tilespmem:v3+s26+$0x0], $0xffff  }
0x631: {  	v9 =	vld [tilespmem:$0x1FFD0];
	v2 =	vadd.f32 v5, v2;
	_ =	sdelay $0x1  }
0x632: {  	v10 =	vld [tilespmem:$0x1FFE0];
	v2 =	vadd.f32 v4, v2;
	_ =	sdelay $0x1  }
0x633: {  	v2 =	vadd.f32 v3, v2;
	v3 =	vld [tilespmem:$0x1FFF0];
	_ =	sdelay $0x3  }
0x634: {  	v5 =	vld.idx.msk [tilespmem:v9+s26+$0x0], $0xffff;
	_ =	sdelay $0x1  }
0x635: {  	v4 =	vld.idx.msk [tilespmem:v10+s26+$0x0], $0xffff;
	_ =	sdelay $0x1  }
0x636: {  	v3 =	vld.idx.msk [tilespmem:v3+s26+$0x0], $0xffff  }
0x637: {  	v2 =	vadd.f32 v5, v2;
	_ =	sdelay $0x1  }
0x638: {  	v2 =	vadd.f32 v4, v2;
	_ =	sdelay $0x1  }
0x639: {  	v2 =	vadd.f32 v3, v2;
	_ =	sdelay $0x1  }
0x63a: {  	[tilespmem:$0x18BB0] =	vst v2;
	v2 =	vld [tilespmem:$0x1FA00];
	_ =	sdelay $0x4  }
0x63b: {  	v11 =	vld [tilespmem:$0x9C0]  }
0x63c: {  	v3 =	vld [tilespmem:$0x7C0];
	_ =	sdelay $0x1  }
0x63d: {  	v2 =	vld.idx.msk [tilespmem:v2+s26+$0x0], $0xffff  }
0x63e: {  	v12 =	vld [tilespmem:$0x1FA10];
	_ =	sdelay $0x1  }
0x63f: {  	v13 =	vld [tilespmem:$0x1FA20];
	v3 =	vsub.f32 v3, v11;
	_ =	sdelay $0x1  }
0x640: {  	v2 =	vadd.f32 v2, v3;
	v3 =	vld [tilespmem:$0x1FA30];
	_ =	sdelay $0x3  }
0x641: {  	v5 =	vld.idx.msk [tilespmem:v12+s26+$0x0], $0xffff;
	_ =	sdelay $0x1  }
0x642: {  	v4 =	vld.idx.msk [tilespmem:v13+s26+$0x0], $0xffff;
	_ =	sdelay $0x1  }
0x643: {  	v3 =	vld.idx.msk [tilespmem:v3+s26+$0x0], $0xffff  }
0x644: {  	v14 =	vld [tilespmem:$0x1FA40];
	v2 =	vadd.f32 v5, v2;
	_ =	sdelay $0x1  }
0x645: {  	v15 =	vld [tilespmem:$0x1FA50];
	v2 =	vadd.f32 v4, v2;
	_ =	sdelay $0x1  }
0x646: {  	v2 =	vadd.f32 v3, v2;
	v3 =	vld [tilespmem:$0x1FA60];
	_ =	sdelay $0x3  }
0x647: {  	v5 =	vld.idx.msk [tilespmem:v14+s26+$0x0], $0xffff;
	_ =	sdelay $0x1  }
0x648: {  	v4 =	vld.idx.msk [tilespmem:v15+s26+$0x0], $0xffff;
	_ =	sdelay $0x1  }
0x649: {  	v3 =	vld.idx.msk [tilespmem:v3+s26+$0x0], $0xffff  }
0x64a: {  	v16 =	vld [tilespmem:$0x1FA70];
	v2 =	vadd.f32 v5, v2;
	_ =	sdelay $0x1  }
0x64b: {  	v17 =	vld [tilespmem:$0x1FA80];
	v2 =	vadd.f32 v4, v2;
	_ =	sdelay $0x1  }
0x64c: {  	v2 =	vadd.f32 v3, v2;
	v3 =	vld [tilespmem:$0x1FA90];
	_ =	sdelay $0x3  }
0x64d: {  	v5 =	vld.idx.msk [tilespmem:v16+s26+$0x0], $0xffff;
	_ =	sdelay $0x1  }
0x64e: {  	v4 =	vld.idx.msk [tilespmem:v17+s26+$0x0], $0xffff;
	_ =	sdelay $0x1  }
0x64f: {  	v3 =	vld.idx.msk [tilespmem:v3+s26+$0x0], $0xffff  }
0x650: {  	v18 =	vld [tilespmem:$0x1FAA0];
	v2 =	vadd.f32 v5, v2;
	_ =	sdelay $0x1  }
0x651: {  	v19 =	vld [tilespmem:$0x1FAB0];
	v2 =	vadd.f32 v4, v2;
	_ =	sdelay $0x1  }
0x652: {  	v2 =	vadd.f32 v3, v2;
	v3 =	vld [tilespmem:$0x1FAC0];
	_ =	sdelay $0x3  }
0x653: {  	v5 =	vld.idx.msk [tilespmem:v18+s26+$0x0], $0xffff;
	_ =	sdelay $0x1  }
0x654: {  	v4 =	vld.idx.msk [tilespmem:v19+s26+$0x0], $0xffff;
	_ =	sdelay $0x1  }
0x655: {  	v3 =	vld.idx.msk [tilespmem:v3+s26+$0x0], $0xffff  }
0x656: {  	v20 =	vld [tilespmem:$0x1FAD0];
	v2 =	vadd.f32 v5, v2;
	_ =	sdelay $0x1  }
0x657: {  	v21 =	vld [tilespmem:$0x1FAE0];
	v2 =	vadd.f32 v4, v2;
	_ =	sdelay $0x1  }
0x658: {  	v2 =	vadd.f32 v3, v2;
	v3 =	vld [tilespmem:$0x1FAF0];
	_ =	sdelay $0x3  }
0x659: {  	v5 =	vld.idx.msk [tilespmem:v20+s26+$0x0], $0xffff;
	_ =	sdelay $0x1  }
0x65a: {  	v4 =	vld.idx.msk [tilespmem:v21+s26+$0x0], $0xffff;
	_ =	sdelay $0x1  }
0x65b: {  	v3 =	vld.idx.msk [tilespmem:v3+s26+$0x0], $0xffff  }
0x65c: {  	v2 =	vadd.f32 v5, v2;
	_ =	sdelay $0x1  }
0x65d: {  	v2 =	vadd.f32 v4, v2;
	_ =	sdelay $0x1  }
0x65e: {  	v2 =	vadd.f32 v3, v2;
	_ =	sdelay $0x1  }
0x65f: {  	[tilespmem:$0x18BC0] =	vst v2;
	v2 =	vld [tilespmem:$0x1FB00];
	_ =	sdelay $0x4  }
0x660: {  	v22 =	vld [tilespmem:$0x9D0]  }
0x661: {  	v3 =	vld [tilespmem:$0x7D0];
	_ =	sdelay $0x1  }
0x662: {  	v2 =	vld.idx.msk [tilespmem:v2+s26+$0x0], $0xffff  }
0x663: {  	v23 =	vld [tilespmem:$0x1FB10];
	_ =	sdelay $0x1  }
0x664: {  	v24 =	vld [tilespmem:$0x1FB20];
	v3 =	vsub.f32 v3, v22;
	_ =	sdelay $0x1  }
0x665: {  	v2 =	vadd.f32 v2, v3;
	v3 =	vld [tilespmem:$0x1FB30];
	_ =	sdelay $0x3  }
0x666: {  	v5 =	vld.idx.msk [tilespmem:v23+s26+$0x0], $0xffff;
	_ =	sdelay $0x1  }
0x667: {  	v4 =	vld.idx.msk [tilespmem:v24+s26+$0x0], $0xffff;
	_ =	sdelay $0x1  }
0x668: {  	v3 =	vld.idx.msk [tilespmem:v3+s26+$0x0], $0xffff  }
0x669: {  	v25 =	vld [tilespmem:$0x1FB40];
	v2 =	vadd.f32 v5, v2;
	_ =	sdelay $0x1  }
0x66a: {  	v26 =	vld [tilespmem:$0x1FB50];
	v2 =	vadd.f32 v4, v2;
	_ =	sdelay $0x1  }
0x66b: {  	v2 =	vadd.f32 v3, v2;
	v3 =	vld [tilespmem:$0x1FB60];
	_ =	sdelay $0x3  }
0x66c: {  	v5 =	vld.idx.msk [tilespmem:v25+s26+$0x0], $0xffff;
	_ =	sdelay $0x1  }
0x66d: {  	v4 =	vld.idx.msk [tilespmem:v26+s26+$0x0], $0xffff;
	_ =	sdelay $0x1  }
0x66e: {  	v3 =	vld.idx.msk [tilespmem:v3+s26+$0x0], $0xffff  }
0x66f: {  	v27 =	vld [tilespmem:$0x1FB70];
	v2 =	vadd.f32 v5, v2;
	_ =	sdelay $0x1  }
0x670: {  	v28 =	vld [tilespmem:$0x1FB80];
	v2 =	vadd.f32 v4, v2;
	_ =	sdelay $0x1  }
0x671: {  	v2 =	vadd.f32 v3, v2;
	v3 =	vld [tilespmem:$0x1FB90];
	_ =	sdelay $0x3  }
0x672: {  	v5 =	vld.idx.msk [tilespmem:v27+s26+$0x0], $0xffff;
	_ =	sdelay $0x1  }
0x673: {  	v4 =	vld.idx.msk [tilespmem:v28+s26+$0x0], $0xffff;
	_ =	sdelay $0x1  }
0x674: {  	v3 =	vld.idx.msk [tilespmem:v3+s26+$0x0], $0xffff  }
0x675: {  	v29 =	vld [tilespmem:$0x1FBA0];
	v2 =	vadd.f32 v5, v2;
	_ =	sdelay $0x1  }
0x676: {  	v30 =	vld [tilespmem:$0x1FBB0];
	v2 =	vadd.f32 v4, v2;
	_ =	sdelay $0x1  }
0x677: {  	v2 =	vadd.f32 v3, v2;
	v3 =	vld [tilespmem:$0x1FBC0];
	_ =	sdelay $0x3  }
0x678: {  	v5 =	vld.idx.msk [tilespmem:v29+s26+$0x0], $0xffff;
	_ =	sdelay $0x1  }
0x679: {  	v4 =	vld.idx.msk [tilespmem:v30+s26+$0x0], $0xffff;
	_ =	sdelay $0x1  }
0x67a: {  	v3 =	vld.idx.msk [tilespmem:v3+s26+$0x0], $0xffff  }
0x67b: {  	v31 =	vld [tilespmem:$0x1FBD0];
	v2 =	vadd.f32 v5, v2;
	_ =	sdelay $0x1  }
0x67c: {  	v32 =	vld [tilespmem:$0x1FBE0];
	v2 =	vadd.f32 v4, v2;
	_ =	sdelay $0x1  }
0x67d: {  	v2 =	vadd.f32 v3, v2;
	v3 =	vld [tilespmem:$0x1FBF0];
	_ =	sdelay $0x3  }
0x67e: {  	v5 =	vld.idx.msk [tilespmem:v31+s26+$0x0], $0xffff;
	_ =	sdelay $0x1  }
0x67f: {  	v4 =	vld.idx.msk [tilespmem:v32+s26+$0x0], $0xffff;
	_ =	sdelay $0x1  }
0x680: {  	v3 =	vld.idx.msk [tilespmem:v3+s26+$0x0], $0xffff  }
0x681: {  	v2 =	vadd.f32 v5, v2;
	_ =	sdelay $0x1  }
0x682: {  	v2 =	vadd.f32 v4, v2;
	_ =	sdelay $0x1  }
0x683: {  	v2 =	vadd.f32 v3, v2;
	_ =	sdelay $0x1  }
0x684: {  	[tilespmem:$0x18BD0] =	vst v2;
	v2 =	vld [tilespmem:$0x1FC00];
	_ =	sdelay $0x4  }
0x685: {  	v33 =	vld [tilespmem:$0x9E0]  }
0x686: {  	v3 =	vld [tilespmem:$0x7E0];
	_ =	sdelay $0x1  }
0x687: {  	v2 =	vld.idx.msk [tilespmem:v2+s26+$0x0], $0xffff;
	_ =	sdelay $0x1  }
0x688: {  	v34 =	vld.idx.msk [tilespmem:v34+s26+$0x0], $0xffff  }
0x689: {  	v3 =	vsub.f32 v3, v33  }
0x68a: {  	v35 =	vld.idx.msk [tilespmem:v35+s26+$0x0], $0xffff  }
0x68b: {  	v2 =	vadd.f32 v2, v3  }
0x68c: {  	v3 =	vld.idx.msk [tilespmem:v36+s26+$0x0], $0xffff  }
0x68d: {  	v2 =	vadd.f32 v34, v2  }
0x68e: {  	v37 =	vld.idx.msk [tilespmem:v37+s26+$0x0], $0xffff  }
0x68f: {  	v2 =	vadd.f32 v35, v2  }
0x690: {  	v38 =	vld.idx.msk [tilespmem:v38+s26+$0x0], $0xffff  }
0x691: {  	v2 =	vadd.f32 v3, v2  }
0x692: {  	v3 =	vld.idx.msk [tilespmem:v39+s26+$0x0], $0xffff  }
0x693: {  	v2 =	vadd.f32 v37, v2  }
0x694: {  	v40 =	vld.idx.msk [tilespmem:v40+s26+$0x0], $0xffff  }
0x695: {  	v2 =	vadd.f32 v38, v2  }
0x696: {  	v41 =	vld.idx.msk [tilespmem:v41+s26+$0x0], $0xffff  }
0x697: {  	v2 =	vadd.f32 v3, v2  }
0x698: {  	v3 =	vld.idx.msk [tilespmem:v42+s26+$0x0], $0xffff  }
0x699: {  	v2 =	vadd.f32 v40, v2  }
0x69a: {  	v43 =	vld.idx.msk [tilespmem:v43+s26+$0x0], $0xffff  }
0x69b: {  	v2 =	vadd.f32 v41, v2  }
0x69c: {  	v44 =	vld.idx.msk [tilespmem:v44+s26+$0x0], $0xffff  }
0x69d: {  	v2 =	vadd.f32 v3, v2  }
0x69e: {  	v3 =	vld.idx.msk [tilespmem:v45+s26+$0x0], $0xffff  }
0x69f: {  	v2 =	vadd.f32 v43, v2  }
0x6a0: {  	v46 =	vld.idx.msk [tilespmem:v46+s26+$0x0], $0xffff  }
0x6a1: {  	v2 =	vadd.f32 v44, v2  }
0x6a2: {  	v47 =	vld.idx.msk [tilespmem:v47+s26+$0x0], $0xffff  }
0x6a3: {  	v2 =	vadd.f32 v3, v2  }
0x6a4: {  	v3 =	vld.idx.msk [tilespmem:v48+s26+$0x0], $0xffff  }
0x6a5: {  	v2 =	vadd.f32 v46, v2;
	_ =	sdelay $0x1  }
0x6a6: {  	v2 =	vadd.f32 v47, v2;
	_ =	sdelay $0x1  }
0x6a7: {  	v48 =	vld [tilespmem:$0x9F0];
	v2 =	vadd.f32 v3, v2  }
0x6a8: {  	v3 =	vld [tilespmem:$0x7F0]  }
0x6a9: {  	[tilespmem:$0x18BE0] =	vst v2  }
0x6aa: {  	v2 =	vld.idx.msk [tilespmem:v49+s26+$0x0], $0xffff;
	_ =	sdelay $0x1  }
0x6ab: {  	v50 =	vld.idx.msk [tilespmem:v50+s26+$0x0], $0xffff  }
0x6ac: {  	v3 =	vsub.f32 v3, v48  }
0x6ad: {  	v51 =	vld.idx.msk [tilespmem:v51+s26+$0x0], $0xffff  }
0x6ae: {  	v2 =	vadd.f32 v2, v3  }
0x6af: {  	v3 =	vld.idx.msk [tilespmem:v52+s26+$0x0], $0xffff  }
0x6b0: {  	v2 =	vadd.f32 v50, v2  }
0x6b1: {  	v53 =	vld.idx.msk [tilespmem:v53+s26+$0x0], $0xffff  }
0x6b2: {  	v2 =	vadd.f32 v51, v2  }
0x6b3: {  	v54 =	vld.idx.msk [tilespmem:v54+s26+$0x0], $0xffff  }
0x6b4: {  	v2 =	vadd.f32 v3, v2  }
0x6b5: {  	v3 =	vld.idx.msk [tilespmem:v55+s26+$0x0], $0xffff  }
0x6b6: {  	v2 =	vadd.f32 v53, v2  }
0x6b7: {  	v56 =	vld.idx.msk [tilespmem:v56+s26+$0x0], $0xffff  }
0x6b8: {  	v2 =	vadd.f32 v54, v2  }
0x6b9: {  	v57 =	vld.idx.msk [tilespmem:v57+s26+$0x0], $0xffff  }
0x6ba: {  	v2 =	vadd.f32 v3, v2  }
0x6bb: {  	v3 =	vld.idx.msk [tilespmem:v58+s26+$0x0], $0xffff  }
0x6bc: {  	v2 =	vadd.f32 v56, v2  }
0x6bd: {  	v59 =	vld.idx.msk [tilespmem:v59+s26+$0x0], $0xffff  }
0x6be: {  	v2 =	vadd.f32 v57, v2  }
0x6bf: {  	v60 =	vld.idx.msk [tilespmem:v60+s26+$0x0], $0xffff  }
0x6c0: {  	v2 =	vadd.f32 v3, v2  }
0x6c1: {  	v3 =	vld.idx.msk [tilespmem:v61+s26+$0x0], $0xffff  }
0x6c2: {  	v2 =	vadd.f32 v59, v2  }
0x6c3: {  	v62 =	vld.idx.msk [tilespmem:v62+s26+$0x0], $0xffff  }
0x6c4: {  	v2 =	vadd.f32 v60, v2  }
0x6c5: {  	v63 =	vld.idx.msk [tilespmem:v63+s26+$0x0], $0xffff  }
0x6c6: {  	v2 =	vadd.f32 v3, v2  }
0x6c7: {  	v1 =	vld.idx.msk [tilespmem:v1+s26+$0x0], $0xffff  }
0x6c8: {  	v2 =	vadd.f32 v62, v2;
	_ =	sdelay $0x1  }
0x6c9: {  	v2 =	vadd.f32 v63, v2;
	_ =	sdelay $0x1  }
0x6ca: {  	s23 =	sadd.s32 $0x1, s23;
	v1 =	vadd.f32 v1, v2  }
0x6cb: {  	p0 =	sne.s32 s23, s10  }
.Ltmp4:
0x6cc: {  	[tilespmem:$0x18BF0] =	vst v1;
	(pc) =	sbr.rel @p0 .LBB2_1-.Ltmp4, $4  }
0x6cd: {  	[hbm4b:s9+s5] =	stream.linear.scatter [tilespmem:s15], [sflag:$0x4], $0x200, $0x38;
	[tilespmem:$0x1CC00] =	vst v63  }
0x6ce: {  	_ =	swait.ge [sflag:s21], $0x200  }
0x6cf: {  	[sflag:s21] =	ssyncset.done $0x0  }
0x6d0: {  	[sflag:s21] =	ssyncadd.s32 $0xFFFFFE00  }
0x6d1: {  	_ =	sfence.sel $0x180000  }
0x6d2: {  	[bflag:$0x0] =	sbarrier.arrive $0xFFFF  }
0x6d3: {  	_ =	strace $0x90000047  }
0x6d4: {  	s0 =	stileid.u32;
	[bflag:$0x2] =	sbarrier.arrive $0xFFFF  }
0x6d5: {  	p0 =	sne.s32 s0, $0x0;
	s0 =	rddreg [dreg:$0x7]  }
0x6d6: {  	s0 =	sadd.s32 @!p0 $0x100000, s0  }
0x6d7: {  	[sflag:s0] =	ssyncadd.tile.s32 @!p0 $0x1;
	_ =	shalt  }
.Lfunc_end2:
_tile_overlayer_lowered:
.L_overlay_start_2:
0x6d8: {  	(tag) =	ssettag $0x2  }
0x6d9: {  	s0 =	rddreg [dreg:$0x0];
	s2 =	stileid.u32  }
0x6da: {  	s1 =	rddreg [dreg:$0x1];
	p0 =	sne.s32 s2, $0x0  }
0x6db: {  	s3 =	rddreg [dreg:$0x2];
	[bflag:$0x3] =	sbarrier.arrive $0xFFFF;
	s2 =	simm.s32 @!p0 $0x1C04  }
0x6dc: {  	[timem:s3], [sflag:s2] =	dma.local @!p0 [hbm:s0], s1  }
0x6dd: {  	s0 =	simm.s32 @!p0 $0x4  }
0x6de: {  	_ =	swait.ge @!p0 [sflag:s0], s1  }
0x6df: {  	s1 =	ssub.s32 @!p0 $0x0, s1;
	[sflag:s0] =	ssyncset.done @!p0 $0x0  }
0x6e0: {  	[sflag:s0] =	ssyncadd.s32 @!p0 s1  }
0x6e1: {  	[bflag:$0x3] =	sbarrier.arrive $0xFFFF  }
0x6e2: {  	_ =	shalt  }

</sc_bundles>
